<compile_context>
chip_gen: v7x
topology: tpu7x:2x2x1
jax: 0.10.2.dev20260603
libtpu: 0.0.44.dev20260713+nightly
codegen_flags: <defaults>
</compile_context>

<pallas_src>
import functools

import jax
import jax.numpy as jnp
from jax import lax
from jax.experimental import pallas as pl
from jax.experimental.pallas import tpu as pltpu
from jax.experimental.pallas import tpu_sc as plsc

_B, _T, _EMB = 4096, 200, 64
_BB = 128
_EG = _EMB // 8
_NBUF = 4
_LOOK = 2


def _sc_embed(xT, table, pos):
    info = plsc.get_sparse_core_info()
    nw = info.num_cores * info.num_subcores
    nb = _B // _BB
    assert nb == nw

    mesh = plsc.VectorSubcoreMesh(core_axis_name="c", subcore_axis_name="s")

    @functools.partial(
        pl.kernel,
        out_type=jax.ShapeDtypeStruct((_T, _EG, nb, 8, _BB), jnp.float32),
        mesh=mesh,
        scratch_types=[
            pltpu.VMEM((_T, _BB), jnp.int32),
            pltpu.VMEM((_T, _EMB), jnp.float32),
            pltpu.VMEM((_NBUF, _BB, _EMB), jnp.float32),
            pltpu.VMEM((_NBUF, _EMB, _BB + 4), jnp.float32),
        ]
        + [pltpu.SemaphoreType.DMA] * (2 * _NBUF),
        compiler_params=pltpu.CompilerParams(
            use_tc_tiling_on_sc=False,
            needs_layout_passes=False,
            disable_bounds_checks=True
        ),
    )
    def k(xT_hbm, table_hbm, pos_hbm, out_hbm, idx_v, pos_v, rows_v, tb_v, *sems):
        sem_g = sems[:_NBUF]
        sem_o = sems[_NBUF:]
        wid = lax.axis_index("s") * info.num_cores + lax.axis_index("c")

        pltpu.sync_copy(xT_hbm.at[:, pl.ds(wid * _BB, _BB)], idx_v)
        pltpu.sync_copy(pos_hbm, pos_v)

        iota = lax.iota(jnp.int32, 16)

        def gather_start(t, b):
            pltpu.async_copy(table_hbm.at[idx_v.at[t]], rows_v.at[b], sem_g[b])

        def gather_wait(t, b):
            pltpu.make_async_copy(
                table_hbm.at[idx_v.at[t]], rows_v.at[b], sem_g[b]
            ).wait()

        def out_start(t, b):
            for e in range(_EG):
                pltpu.async_copy(
                    tb_v.at[b, pl.ds(e * 8, 8), pl.ds(0, _BB)],
                    out_hbm.at[t, e, wid],
                    sem_o[b],
                )

        def out_wait(t, b):
            for e in range(_EG):
                pltpu.make_async_copy(
                    tb_v.at[b, pl.ds(e * 8, 8), pl.ds(0, _BB)],
                    out_hbm.at[t, e, wid],
                    sem_o[b],
                ).wait()

        for t in range(_LOOK):
            gather_start(t, t % _NBUF)

        @pl.loop(0, _T // _NBUF)
        def _grp(g):
            for b in range(_NBUF):
                t = g * _NBUF + b
                tt = t + _LOOK
                b2 = (b + _LOOK) % _NBUF

                @pl.when(tt < _T)
                def _issue():
                    @pl.when(tt >= _NBUF)
                    def _drain():
                        out_wait(tt - _NBUF, b2)

                    gather_start(tt, b2)

                gather_wait(t, b)

                rb = rows_v.at[b]
                tbb = tb_v.at[b]
                pss = []
                elanes = []
                for s in range(_EMB // 16):
                    pss.append(pos_v[t, pl.ds(s * 16, 16)])
                    elanes.append(iota + (s * 16))

                @plsc.parallel_loop(0, _BB, unroll=4)
                def _row(i):
                    i_splat = jnp.full((16,), i, jnp.int32)
                    for s in range(_EMB // 16):
                        v = rb[i, pl.ds(s * 16, 16)] + pss[s]
                        plsc.store_scatter(tbb, [elanes[s], i_splat], v)

                out_start(t, b)

        for t in range(_T - _NBUF, _T):
            out_wait(t, t % _NBUF)

    return k(xT, table, pos)


def kernel(x, input_table, pos_table, positions):
    pos = jnp.take(pos_table, positions, axis=0)
    out5 = _sc_embed(x.T.astype(jnp.int32), input_table, pos)
    return out5.transpose(2, 4, 0, 1, 3).reshape(_B, _T, _EMB)

# --- scband reference (transcript-rebuilt; emitter-appended) ---
"""Pipeline reference for scband-embedding-24481313587330 (READ-ONLY COPY).

The authoritative reference and input builder live on the scoring server;
editing this copy changes nothing except your own understanding.
"""

import jax, jax.numpy as jnp
import numpy as np

VOCAB = 1000000
EMB = 64
TIME = 200
BATCH = 4096

def setup_inputs(seed: int = 0) -> dict:
    key = jax.random.key(seed)
    k_x, k_it, k_pt = jax.random.split(key, 3)
    x = jax.random.randint(k_x, (BATCH, TIME), 0, VOCAB, dtype=jnp.int64 if jax.config.jax_enable_x64 else jnp.int32)
    input_table = jax.random.normal(k_it, (VOCAB, EMB), dtype=jnp.float32) * 0.02
    pos_table = jax.random.normal(k_pt, (TIME, EMB), dtype=jnp.float32) * 0.02
    positions = jnp.arange(TIME)
    return {"x": x, "input_table": input_table, "pos_table": pos_table, "positions": positions}

def reference(x, input_table, pos_table, positions):
    # input_embedding(x) -> gather rows from input_table
    tok = jnp.take(input_table, x, axis=0)            # [B, T, EMB]
    # positional_embedding(positions) -> gather rows from pos_table
    pos = jnp.take(pos_table, positions, axis=0)      # [T, EMB]
    return tok + pos[None, :, :]

if __name__ == "__main__":
    import jax
    _d = setup_inputs()
    print(jax.jit(kernel)(*tuple(_d.values())))

</pallas_src>

<mosaic_0001>
#map = affine_map<(d0, d1) -> (0, 0)>
#map1 = affine_map<(d0, d1) -> (0, 0, 0, 0, 0)>
module attributes {stable_mosaic.version = 14 : i64} {
  func.func @k(%arg0: i32, %arg1: i32, %arg2: memref<200x4096xi32, #tpu.memory_space<hbm>>, %arg3: memref<1000000x64xf32, #tpu.memory_space<hbm>>, %arg4: memref<200x64xf32, #tpu.memory_space<hbm>>, %arg5: memref<200x8x32x8x128xf32, #tpu.memory_space<hbm>>, %arg6: memref<200x128xi32, #tpu.memory_space<vmem>>, %arg7: memref<200x64xf32, #tpu.memory_space<vmem>>, %arg8: memref<4x128x64xf32, #tpu.memory_space<vmem>>, %arg9: memref<4x64x132xf32, #tpu.memory_space<vmem>>, %arg10: memref<!tpu.dma_semaphore, #tpu.memory_space<semaphore_mem>>, %arg11: memref<!tpu.dma_semaphore, #tpu.memory_space<semaphore_mem>>, %arg12: memref<!tpu.dma_semaphore, #tpu.memory_space<semaphore_mem>>, %arg13: memref<!tpu.dma_semaphore, #tpu.memory_space<semaphore_mem>>, %arg14: memref<!tpu.dma_semaphore, #tpu.memory_space<semaphore_mem>>, %arg15: memref<!tpu.dma_semaphore, #tpu.memory_space<semaphore_mem>>, %arg16: memref<!tpu.dma_semaphore, #tpu.memory_space<semaphore_mem>>, %arg17: memref<!tpu.dma_semaphore, #tpu.memory_space<semaphore_mem>>) attributes {dimension_semantics = [#tpu.dimension_semantics<core_parallel>, #tpu.dimension_semantics<subcore_parallel>], iteration_bounds = array<i64: 2, 16>, scalar_prefetch = 0 : i64, scratch_operands = 12 : i64, tpu.core_type = #tpu.core_type<sc_vector_subcore>, window_params = [{transform_indices = #map}, {transform_indices = #map}, {transform_indices = #map}, {transform_indices = #map1}]} {
    %mul3A = arith.constant 2 : i32
    %mul3A_0 = arith.muli %arg1, %mul3A : i32
    %add3A = arith.addi %mul3A_0, %arg0 : i32
    %mul3A_1 = arith.constant 128 : i32
    %mul3A_2 = arith.muli %add3A, %mul3A_1 : i32
    "tpu.region"() ({
      %run_scoped3A = tpu.sem_alloc : memref<!tpu.dma_semaphore, #tpu.memory_space<semaphore_mem>>
      %dma_start3A_637 = arith.constant 0 : i32
      %dma_start3A_638 = tpu.memref_slice %arg2[%dma_start3A_637, %mul3A_2] : memref<200x4096xi32, #tpu.memory_space<hbm>> -> memref<200x128xi32, #tpu.memory_space<hbm>>
      %dma_start3A_639 = arith.constant 0 : i32
      %dma_start3A_640 = tpu.memref_slice %arg2[%dma_start3A_639, %mul3A_2] : memref<200x4096xi32, #tpu.memory_space<hbm>> -> memref<200x128xi32, #tpu.memory_space<hbm>>
      tpu.enqueue_dma source(%dma_start3A_640 : memref<200x128xi32, #tpu.memory_space<hbm>>) target(%arg6 : memref<200x128xi32, #tpu.memory_space<vmem>>) target_semaphore(%run_scoped3A : memref<!tpu.dma_semaphore, #tpu.memory_space<semaphore_mem>>)
      %dma_wait3A_641 = arith.constant 0 : i32
      %dma_wait3A_642 = tpu.memref_slice %arg2[%dma_wait3A_641, %mul3A_2] : memref<200x4096xi32, #tpu.memory_space<hbm>> -> memref<200x128xi32, #tpu.memory_space<hbm>>
      %dma_wait3A_643 = arith.constant 0 : i32
      %dma_wait3A_644 = tpu.memref_slice %arg2[%dma_wait3A_643, %mul3A_2] : memref<200x4096xi32, #tpu.memory_space<hbm>> -> memref<200x128xi32, #tpu.memory_space<hbm>>
      tpu.wait_dma2 semaphore(%run_scoped3A : memref<!tpu.dma_semaphore, #tpu.memory_space<semaphore_mem>>) src(%dma_wait3A_644 : memref<200x128xi32, #tpu.memory_space<hbm>>) dst(%arg6 : memref<200x128xi32, #tpu.memory_space<vmem>>)
      tpu.yield
    }) : () -> ()
    "tpu.region"() ({
      %run_scoped3A = tpu.sem_alloc : memref<!tpu.dma_semaphore, #tpu.memory_space<semaphore_mem>>
      tpu.enqueue_dma source(%arg4 : memref<200x64xf32, #tpu.memory_space<hbm>>) target(%arg7 : memref<200x64xf32, #tpu.memory_space<vmem>>) target_semaphore(%run_scoped3A : memref<!tpu.dma_semaphore, #tpu.memory_space<semaphore_mem>>)
      tpu.wait_dma2 semaphore(%run_scoped3A : memref<!tpu.dma_semaphore, #tpu.memory_space<semaphore_mem>>) src(%arg4 : memref<200x64xf32, #tpu.memory_space<hbm>>) dst(%arg7 : memref<200x64xf32, #tpu.memory_space<vmem>>)
      tpu.yield
    }) : () -> ()
    %iota3A = tpu.iota {dimensions = array<i32: 0>} : vector<16xi32>
    %dma_start3A = arith.constant 0 : i32
    %dma_start3A_3 = arith.constant 0 : i32
    %dma_start3A_4 = arith.constant 0 : i32
    %dma_start3A_5 = arith.constant 0 : i32
    %dma_start3A_6 = tpu.memref_slice %arg8[%dma_start3A_3, %dma_start3A_4, %dma_start3A_5] : memref<4x128x64xf32, #tpu.memory_space<vmem>> -> memref<1x128x64xf32, #tpu.memory_space<vmem>>
    %dma_start3A_7 = tpu.memref_squeeze %dma_start3A_6 : memref<1x128x64xf32, #tpu.memory_space<vmem>> -> memref<128x64xf32, #tpu.memory_space<vmem>>
    %dma_start3A_8 = arith.constant 0 : i32
    %dma_start3A_9 = tpu.memref_slice %arg6[%dma_start3A, %dma_start3A_8] : memref<200x128xi32, #tpu.memory_space<vmem>> -> memref<1x128xi32, #tpu.memory_space<vmem>>
    %dma_start3A_10 = tpu.memref_squeeze %dma_start3A_9 : memref<1x128xi32, #tpu.memory_space<vmem>> -> memref<128xi32, #tpu.memory_space<vmem>>
    %dma_start3A_11 = arith.constant 0 : i32
    %dma_start3A_12 = arith.constant 0 : i32
    %dma_start3A_13 = tpu.memref_slice %arg3[%dma_start3A_11, %dma_start3A_12] : memref<1000000x64xf32, #tpu.memory_space<hbm>> -> memref<1000000x64xf32, #tpu.memory_space<hbm>>
    tpu.enqueue_indirect_dma source(%dma_start3A_13 : memref<1000000x64xf32, #tpu.memory_space<hbm>>) target(%dma_start3A_7 : memref<128x64xf32, #tpu.memory_space<vmem>>) offsets(%dma_start3A_10 : memref<128xi32, #tpu.memory_space<vmem>>) semaphore(%arg10 : memref<!tpu.dma_semaphore, #tpu.memory_space<semaphore_mem>>)
    %dma_start3A_14 = arith.constant 1 : i32
    %dma_start3A_15 = arith.constant 1 : i32
    %dma_start3A_16 = arith.constant 0 : i32
    %dma_start3A_17 = arith.constant 0 : i32
    %dma_start3A_18 = tpu.memref_slice %arg8[%dma_start3A_15, %dma_start3A_16, %dma_start3A_17] : memref<4x128x64xf32, #tpu.memory_space<vmem>> -> memref<1x128x64xf32, #tpu.memory_space<vmem>>
    %dma_start3A_19 = tpu.memref_squeeze %dma_start3A_18 : memref<1x128x64xf32, #tpu.memory_space<vmem>> -> memref<128x64xf32, #tpu.memory_space<vmem>>
    %dma_start3A_20 = arith.constant 0 : i32
    %dma_start3A_21 = tpu.memref_slice %arg6[%dma_start3A_14, %dma_start3A_20] : memref<200x128xi32, #tpu.memory_space<vmem>> -> memref<1x128xi32, #tpu.memory_space<vmem>>
    %dma_start3A_22 = tpu.memref_squeeze %dma_start3A_21 : memref<1x128xi32, #tpu.memory_space<vmem>> -> memref<128xi32, #tpu.memory_space<vmem>>
    %dma_start3A_23 = arith.constant 0 : i32
    %dma_start3A_24 = arith.constant 0 : i32
    %dma_start3A_25 = tpu.memref_slice %arg3[%dma_start3A_23, %dma_start3A_24] : memref<1000000x64xf32, #tpu.memory_space<hbm>> -> memref<1000000x64xf32, #tpu.memory_space<hbm>>
    tpu.enqueue_indirect_dma source(%dma_start3A_25 : memref<1000000x64xf32, #tpu.memory_space<hbm>>) target(%dma_start3A_19 : memref<128x64xf32, #tpu.memory_space<vmem>>) offsets(%dma_start3A_22 : memref<128xi32, #tpu.memory_space<vmem>>) semaphore(%arg11 : memref<!tpu.dma_semaphore, #tpu.memory_space<semaphore_mem>>)
    %scan3A = arith.constant 0 : i32
    %scan3A_26 = arith.constant 50 : i32
    %scan3A_27 = arith.addi %scan3A, %scan3A_26 : i32
    %scan3A_28 = arith.constant 1 : i32
    scf.for %scan3A_637 = %scan3A to %scan3A_27 step %scan3A_28  : i32 {
      %mul3A_638 = arith.constant 1 : i32
      %mul3A_639 = arith.muli %scan3A_637, %mul3A_638 : i32
      %add3A_640 = arith.constant 0 : i32
      %add3A_641 = arith.addi %add3A_640, %mul3A_639 : i32
      %mul3A_642 = arith.constant 4 : i32
      %mul3A_643 = arith.muli %add3A_641, %mul3A_642 : i32
      %add3A_644 = arith.constant 0 : i32
      %add3A_645 = arith.addi %mul3A_643, %add3A_644 : i32
      %add3A_646 = arith.constant 2 : i32
      %add3A_647 = arith.addi %add3A_645, %add3A_646 : i32
      %lt3A = arith.constant 200 : i32
      %lt3A_648 = arith.cmpi slt, %add3A_647, %lt3A : i32
      %convert_element_type3A = arith.extui %lt3A_648 : i1 to i32
      %cond3A = arith.constant 0 : i32
      %cond3A_649 = arith.cmpi ne, %convert_element_type3A, %cond3A : i32
      scf.if %cond3A_649 {
        %ge3A = arith.constant 4 : i32
        %ge3A_1417 = arith.cmpi sge, %add3A_647, %ge3A : i32
        %convert_element_type3A_1418 = arith.extui %ge3A_1417 : i1 to i32
        %cond3A_1419 = arith.constant 0 : i32
        %cond3A_1420 = arith.cmpi ne, %convert_element_type3A_1418, %cond3A_1419 : i32
        scf.if %cond3A_1420 {
          %sub3A = arith.constant 4 : i32
          %sub3A_1432 = arith.subi %add3A_647, %sub3A : i32
          %dma_wait3A_1433 = arith.constant 2 : i32
          %dma_wait3A_1434 = arith.constant 0 : i32
          %dma_wait3A_1435 = arith.constant 0 : i32
          %dma_wait3A_1436 = arith.constant 0 : i32
          %dma_wait3A_1437 = tpu.memref_slice %arg9[%dma_wait3A_1433, %dma_wait3A_1435, %dma_wait3A_1436] : memref<4x64x132xf32, #tpu.memory_space<vmem>> -> memref<1x8x128xf32, #tpu.memory_space<vmem>>
          %dma_wait3A_1438 = tpu.memref_squeeze %dma_wait3A_1437 : memref<1x8x128xf32, #tpu.memory_space<vmem>> -> memref<8x128xf32, #tpu.memory_space<vmem>>
          %dma_wait3A_1439 = arith.constant 0 : i32
          %dma_wait3A_1440 = arith.constant 0 : i32
          %dma_wait3A_1441 = tpu.memref_slice %arg5[%sub3A_1432, %dma_wait3A_1434, %add3A, %dma_wait3A_1439, %dma_wait3A_1440] : memref<200x8x32x8x128xf32, #tpu.memory_space<hbm>> -> memref<1x1x1x8x128xf32, #tpu.memory_space<hbm>>
          %dma_wait3A_1442 = tpu.memref_squeeze %dma_wait3A_1441 : memref<1x1x1x8x128xf32, #tpu.memory_space<hbm>> -> memref<8x128xf32, #tpu.memory_space<hbm>>
          %dma_wait3A_1443 = arith.constant 0 : i32
          %dma_wait3A_1444 = arith.constant 0 : i32
          %dma_wait3A_1445 = tpu.memref_slice %arg5[%sub3A_1432, %dma_wait3A_1434, %add3A, %dma_wait3A_1443, %dma_wait3A_1444] : memref<200x8x32x8x128xf32, #tpu.memory_space<hbm>> -> memref<1x1x1x8x128xf32, #tpu.memory_space<hbm>>
          %dma_wait3A_1446 = tpu.memref_squeeze %dma_wait3A_1445 : memref<1x1x1x8x128xf32, #tpu.memory_space<hbm>> -> memref<8x128xf32, #tpu.memory_space<hbm>>
          %dma_wait3A_1447 = arith.constant 0 : i32
          %dma_wait3A_1448 = arith.constant 0 : i32
          %dma_wait3A_1449 = tpu.memref_slice %arg9[%dma_wait3A_1433, %dma_wait3A_1447, %dma_wait3A_1448] : memref<4x64x132xf32, #tpu.memory_space<vmem>> -> memref<1x8x128xf32, #tpu.memory_space<vmem>>
          %dma_wait3A_1450 = tpu.memref_squeeze %dma_wait3A_1449 : memref<1x8x128xf32, #tpu.memory_space<vmem>> -> memref<8x128xf32, #tpu.memory_space<vmem>>
          tpu.wait_dma2 semaphore(%arg16 : memref<!tpu.dma_semaphore, #tpu.memory_space<semaphore_mem>>) src(%dma_wait3A_1450 : memref<8x128xf32, #tpu.memory_space<vmem>>) dst(%dma_wait3A_1446 : memref<8x128xf32, #tpu.memory_space<hbm>>)
          %dma_wait3A_1451 = arith.constant 2 : i32
          %dma_wait3A_1452 = arith.constant 1 : i32
          %dma_wait3A_1453 = arith.constant 8 : i32
          %dma_wait3A_1454 = arith.constant 0 : i32
          %dma_wait3A_1455 = tpu.memref_slice %arg9[%dma_wait3A_1451, %dma_wait3A_1453, %dma_wait3A_1454] : memref<4x64x132xf32, #tpu.memory_space<vmem>> -> memref<1x8x128xf32, #tpu.memory_space<vmem>>
          %dma_wait3A_1456 = tpu.memref_squeeze %dma_wait3A_1455 : memref<1x8x128xf32, #tpu.memory_space<vmem>> -> memref<8x128xf32, #tpu.memory_space<vmem>>
          %dma_wait3A_1457 = arith.constant 0 : i32
          %dma_wait3A_1458 = arith.constant 0 : i32
          %dma_wait3A_1459 = tpu.memref_slice %arg5[%sub3A_1432, %dma_wait3A_1452, %add3A, %dma_wait3A_1457, %dma_wait3A_1458] : memref<200x8x32x8x128xf32, #tpu.memory_space<hbm>> -> memref<1x1x1x8x128xf32, #tpu.memory_space<hbm>>
          %dma_wait3A_1460 = tpu.memref_squeeze %dma_wait3A_1459 : memref<1x1x1x8x128xf32, #tpu.memory_space<hbm>> -> memref<8x128xf32, #tpu.memory_space<hbm>>
          %dma_wait3A_1461 = arith.constant 0 : i32
          %dma_wait3A_1462 = arith.constant 0 : i32
          %dma_wait3A_1463 = tpu.memref_slice %arg5[%sub3A_1432, %dma_wait3A_1452, %add3A, %dma_wait3A_1461, %dma_wait3A_1462] : memref<200x8x32x8x128xf32, #tpu.memory_space<hbm>> -> memref<1x1x1x8x128xf32, #tpu.memory_space<hbm>>
          %dma_wait3A_1464 = tpu.memref_squeeze %dma_wait3A_1463 : memref<1x1x1x8x128xf32, #tpu.memory_space<hbm>> -> memref<8x128xf32, #tpu.memory_space<hbm>>
          %dma_wait3A_1465 = arith.constant 8 : i32
          %dma_wait3A_1466 = arith.constant 0 : i32
          %dma_wait3A_1467 = tpu.memref_slice %arg9[%dma_wait3A_1451, %dma_wait3A_1465, %dma_wait3A_1466] : memref<4x64x132xf32, #tpu.memory_space<vmem>> -> memref<1x8x128xf32, #tpu.memory_space<vmem>>
          %dma_wait3A_1468 = tpu.memref_squeeze %dma_wait3A_1467 : memref<1x8x128xf32, #tpu.memory_space<vmem>> -> memref<8x128xf32, #tpu.memory_space<vmem>>
          tpu.wait_dma2 semaphore(%arg16 : memref<!tpu.dma_semaphore, #tpu.memory_space<semaphore_mem>>) src(%dma_wait3A_1468 : memref<8x128xf32, #tpu.memory_space<vmem>>) dst(%dma_wait3A_1464 : memref<8x128xf32, #tpu.memory_space<hbm>>)
          %dma_wait3A_1469 = arith.constant 2 : i32
          %dma_wait3A_1470 = arith.constant 2 : i32
          %dma_wait3A_1471 = arith.constant 16 : i32
          %dma_wait3A_1472 = arith.constant 0 : i32
          %dma_wait3A_1473 = tpu.memref_slice %arg9[%dma_wait3A_1469, %dma_wait3A_1471, %dma_wait3A_1472] : memref<4x64x132xf32, #tpu.memory_space<vmem>> -> memref<1x8x128xf32, #tpu.memory_space<vmem>>
          %dma_wait3A_1474 = tpu.memref_squeeze %dma_wait3A_1473 : memref<1x8x128xf32, #tpu.memory_space<vmem>> -> memref<8x128xf32, #tpu.memory_space<vmem>>
          %dma_wait3A_1475 = arith.constant 0 : i32
          %dma_wait3A_1476 = arith.constant 0 : i32
          %dma_wait3A_1477 = tpu.memref_slice %arg5[%sub3A_1432, %dma_wait3A_1470, %add3A, %dma_wait3A_1475, %dma_wait3A_1476] : memref<200x8x32x8x128xf32, #tpu.memory_space<hbm>> -> memref<1x1x1x8x128xf32, #tpu.memory_space<hbm>>
          %dma_wait3A_1478 = tpu.memref_squeeze %dma_wait3A_1477 : memref<1x1x1x8x128xf32, #tpu.memory_space<hbm>> -> memref<8x128xf32, #tpu.memory_space<hbm>>
          %dma_wait3A_1479 = arith.constant 0 : i32
          %dma_wait3A_1480 = arith.constant 0 : i32
          %dma_wait3A_1481 = tpu.memref_slice %arg5[%sub3A_1432, %dma_wait3A_1470, %add3A, %dma_wait3A_1479, %dma_wait3A_1480] : memref<200x8x32x8x128xf32, #tpu.memory_space<hbm>> -> memref<1x1x1x8x128xf32, #tpu.memory_space<hbm>>
          %dma_wait3A_1482 = tpu.memref_squeeze %dma_wait3A_1481 : memref<1x1x1x8x128xf32, #tpu.memory_space<hbm>> -> memref<8x128xf32, #tpu.memory_space<hbm>>
          %dma_wait3A_1483 = arith.constant 16 : i32
          %dma_wait3A_1484 = arith.constant 0 : i32
          %dma_wait3A_1485 = tpu.memref_slice %arg9[%dma_wait3A_1469, %dma_wait3A_1483, %dma_wait3A_1484] : memref<4x64x132xf32, #tpu.memory_space<vmem>> -> memref<1x8x128xf32, #tpu.memory_space<vmem>>
          %dma_wait3A_1486 = tpu.memref_squeeze %dma_wait3A_1485 : memref<1x8x128xf32, #tpu.memory_space<vmem>> -> memref<8x128xf32, #tpu.memory_space<vmem>>
          tpu.wait_dma2 semaphore(%arg16 : memref<!tpu.dma_semaphore, #tpu.memory_space<semaphore_mem>>) src(%dma_wait3A_1486 : memref<8x128xf32, #tpu.memory_space<vmem>>) dst(%dma_wait3A_1482 : memref<8x128xf32, #tpu.memory_space<hbm>>)
          %dma_wait3A_1487 = arith.constant 2 : i32
          %dma_wait3A_1488 = arith.constant 3 : i32
          %dma_wait3A_1489 = arith.constant 24 : i32
          %dma_wait3A_1490 = arith.constant 0 : i32
          %dma_wait3A_1491 = tpu.memref_slice %arg9[%dma_wait3A_1487, %dma_wait3A_1489, %dma_wait3A_1490] : memref<4x64x132xf32, #tpu.memory_space<vmem>> -> memref<1x8x128xf32, #tpu.memory_space<vmem>>
          %dma_wait3A_1492 = tpu.memref_squeeze %dma_wait3A_1491 : memref<1x8x128xf32, #tpu.memory_space<vmem>> -> memref<8x128xf32, #tpu.memory_space<vmem>>
          %dma_wait3A_1493 = arith.constant 0 : i32
          %dma_wait3A_1494 = arith.constant 0 : i32
          %dma_wait3A_1495 = tpu.memref_slice %arg5[%sub3A_1432, %dma_wait3A_1488, %add3A, %dma_wait3A_1493, %dma_wait3A_1494] : memref<200x8x32x8x128xf32, #tpu.memory_space<hbm>> -> memref<1x1x1x8x128xf32, #tpu.memory_space<hbm>>
          %dma_wait3A_1496 = tpu.memref_squeeze %dma_wait3A_1495 : memref<1x1x1x8x128xf32, #tpu.memory_space<hbm>> -> memref<8x128xf32, #tpu.memory_space<hbm>>
          %dma_wait3A_1497 = arith.constant 0 : i32
          %dma_wait3A_1498 = arith.constant 0 : i32
          %dma_wait3A_1499 = tpu.memref_slice %arg5[%sub3A_1432, %dma_wait3A_1488, %add3A, %dma_wait3A_1497, %dma_wait3A_1498] : memref<200x8x32x8x128xf32, #tpu.memory_space<hbm>> -> memref<1x1x1x8x128xf32, #tpu.memory_space<hbm>>
          %dma_wait3A_1500 = tpu.memref_squeeze %dma_wait3A_1499 : memref<1x1x1x8x128xf32, #tpu.memory_space<hbm>> -> memref<8x128xf32, #tpu.memory_space<hbm>>
          %dma_wait3A_1501 = arith.constant 24 : i32
          %dma_wait3A_1502 = arith.constant 0 : i32
          %dma_wait3A_1503 = tpu.memref_slice %arg9[%dma_wait3A_1487, %dma_wait3A_1501, %dma_wait3A_1502] : memref<4x64x132xf32, #tpu.memory_space<vmem>> -> memref<1x8x128xf32, #tpu.memory_space<vmem>>
          %dma_wait3A_1504 = tpu.memref_squeeze %dma_wait3A_1503 : memref<1x8x128xf32, #tpu.memory_space<vmem>> -> memref<8x128xf32, #tpu.memory_space<vmem>>
          tpu.wait_dma2 semaphore(%arg16 : memref<!tpu.dma_semaphore, #tpu.memory_space<semaphore_mem>>) src(%dma_wait3A_1504 : memref<8x128xf32, #tpu.memory_space<vmem>>) dst(%dma_wait3A_1500 : memref<8x128xf32, #tpu.memory_space<hbm>>)
          %dma_wait3A_1505 = arith.constant 2 : i32
          %dma_wait3A_1506 = arith.constant 4 : i32
          %dma_wait3A_1507 = arith.constant 32 : i32
          %dma_wait3A_1508 = arith.constant 0 : i32
          %dma_wait3A_1509 = tpu.memref_slice %arg9[%dma_wait3A_1505, %dma_wait3A_1507, %dma_wait3A_1508] : memref<4x64x132xf32, #tpu.memory_space<vmem>> -> memref<1x8x128xf32, #tpu.memory_space<vmem>>
          %dma_wait3A_1510 = tpu.memref_squeeze %dma_wait3A_1509 : memref<1x8x128xf32, #tpu.memory_space<vmem>> -> memref<8x128xf32, #tpu.memory_space<vmem>>
          %dma_wait3A_1511 = arith.constant 0 : i32
          %dma_wait3A_1512 = arith.constant 0 : i32
          %dma_wait3A_1513 = tpu.memref_slice %arg5[%sub3A_1432, %dma_wait3A_1506, %add3A, %dma_wait3A_1511, %dma_wait3A_1512] : memref<200x8x32x8x128xf32, #tpu.memory_space<hbm>> -> memref<1x1x1x8x128xf32, #tpu.memory_space<hbm>>
          %dma_wait3A_1514 = tpu.memref_squeeze %dma_wait3A_1513 : memref<1x1x1x8x128xf32, #tpu.memory_space<hbm>> -> memref<8x128xf32, #tpu.memory_space<hbm>>
          %dma_wait3A_1515 = arith.constant 0 : i32
          %dma_wait3A_1516 = arith.constant 0 : i32
          %dma_wait3A_1517 = tpu.memref_slice %arg5[%sub3A_1432, %dma_wait3A_1506, %add3A, %dma_wait3A_1515, %dma_wait3A_1516] : memref<200x8x32x8x128xf32, #tpu.memory_space<hbm>> -> memref<1x1x1x8x128xf32, #tpu.memory_space<hbm>>
          %dma_wait3A_1518 = tpu.memref_squeeze %dma_wait3A_1517 : memref<1x1x1x8x128xf32, #tpu.memory_space<hbm>> -> memref<8x128xf32, #tpu.memory_space<hbm>>
          %dma_wait3A_1519 = arith.constant 32 : i32
          %dma_wait3A_1520 = arith.constant 0 : i32
          %dma_wait3A_1521 = tpu.memref_slice %arg9[%dma_wait3A_1505, %dma_wait3A_1519, %dma_wait3A_1520] : memref<4x64x132xf32, #tpu.memory_space<vmem>> -> memref<1x8x128xf32, #tpu.memory_space<vmem>>
          %dma_wait3A_1522 = tpu.memref_squeeze %dma_wait3A_1521 : memref<1x8x128xf32, #tpu.memory_space<vmem>> -> memref<8x128xf32, #tpu.memory_space<vmem>>
          tpu.wait_dma2 semaphore(%arg16 : memref<!tpu.dma_semaphore, #tpu.memory_space<semaphore_mem>>) src(%dma_wait3A_1522 : memref<8x128xf32, #tpu.memory_space<vmem>>) dst(%dma_wait3A_1518 : memref<8x128xf32, #tpu.memory_space<hbm>>)
          %dma_wait3A_1523 = arith.constant 2 : i32
          %dma_wait3A_1524 = arith.constant 5 : i32
          %dma_wait3A_1525 = arith.constant 40 : i32
          %dma_wait3A_1526 = arith.constant 0 : i32
          %dma_wait3A_1527 = tpu.memref_slice %arg9[%dma_wait3A_1523, %dma_wait3A_1525, %dma_wait3A_1526] : memref<4x64x132xf32, #tpu.memory_space<vmem>> -> memref<1x8x128xf32, #tpu.memory_space<vmem>>
          %dma_wait3A_1528 = tpu.memref_squeeze %dma_wait3A_1527 : memref<1x8x128xf32, #tpu.memory_space<vmem>> -> memref<8x128xf32, #tpu.memory_space<vmem>>
          %dma_wait3A_1529 = arith.constant 0 : i32
          %dma_wait3A_1530 = arith.constant 0 : i32
          %dma_wait3A_1531 = tpu.memref_slice %arg5[%sub3A_1432, %dma_wait3A_1524, %add3A, %dma_wait3A_1529, %dma_wait3A_1530] : memref<200x8x32x8x128xf32, #tpu.memory_space<hbm>> -> memref<1x1x1x8x128xf32, #tpu.memory_space<hbm>>
          %dma_wait3A_1532 = tpu.memref_squeeze %dma_wait3A_1531 : memref<1x1x1x8x128xf32, #tpu.memory_space<hbm>> -> memref<8x128xf32, #tpu.memory_space<hbm>>
          %dma_wait3A_1533 = arith.constant 0 : i32
          %dma_wait3A_1534 = arith.constant 0 : i32
          %dma_wait3A_1535 = tpu.memref_slice %arg5[%sub3A_1432, %dma_wait3A_1524, %add3A, %dma_wait3A_1533, %dma_wait3A_1534] : memref<200x8x32x8x128xf32, #tpu.memory_space<hbm>> -> memref<1x1x1x8x128xf32, #tpu.memory_space<hbm>>
          %dma_wait3A_1536 = tpu.memref_squeeze %dma_wait3A_1535 : memref<1x1x1x8x128xf32, #tpu.memory_space<hbm>> -> memref<8x128xf32, #tpu.memory_space<hbm>>
          %dma_wait3A_1537 = arith.constant 40 : i32
          %dma_wait3A_1538 = arith.constant 0 : i32
          %dma_wait3A_1539 = tpu.memref_slice %arg9[%dma_wait3A_1523, %dma_wait3A_1537, %dma_wait3A_1538] : memref<4x64x132xf32, #tpu.memory_space<vmem>> -> memref<1x8x128xf32, #tpu.memory_space<vmem>>
          %dma_wait3A_1540 = tpu.memref_squeeze %dma_wait3A_1539 : memref<1x8x128xf32, #tpu.memory_space<vmem>> -> memref<8x128xf32, #tpu.memory_space<vmem>>
          tpu.wait_dma2 semaphore(%arg16 : memref<!tpu.dma_semaphore, #tpu.memory_space<semaphore_mem>>) src(%dma_wait3A_1540 : memref<8x128xf32, #tpu.memory_space<vmem>>) dst(%dma_wait3A_1536 : memref<8x128xf32, #tpu.memory_space<hbm>>)
          %dma_wait3A_1541 = arith.constant 2 : i32
          %dma_wait3A_1542 = arith.constant 6 : i32
          %dma_wait3A_1543 = arith.constant 48 : i32
          %dma_wait3A_1544 = arith.constant 0 : i32
          %dma_wait3A_1545 = tpu.memref_slice %arg9[%dma_wait3A_1541, %dma_wait3A_1543, %dma_wait3A_1544] : memref<4x64x132xf32, #tpu.memory_space<vmem>> -> memref<1x8x128xf32, #tpu.memory_space<vmem>>
          %dma_wait3A_1546 = tpu.memref_squeeze %dma_wait3A_1545 : memref<1x8x128xf32, #tpu.memory_space<vmem>> -> memref<8x128xf32, #tpu.memory_space<vmem>>
          %dma_wait3A_1547 = arith.constant 0 : i32
          %dma_wait3A_1548 = arith.constant 0 : i32
          %dma_wait3A_1549 = tpu.memref_slice %arg5[%sub3A_1432, %dma_wait3A_1542, %add3A, %dma_wait3A_1547, %dma_wait3A_1548] : memref<200x8x32x8x128xf32, #tpu.memory_space<hbm>> -> memref<1x1x1x8x128xf32, #tpu.memory_space<hbm>>
          %dma_wait3A_1550 = tpu.memref_squeeze %dma_wait3A_1549 : memref<1x1x1x8x128xf32, #tpu.memory_space<hbm>> -> memref<8x128xf32, #tpu.memory_space<hbm>>
          %dma_wait3A_1551 = arith.constant 0 : i32
          %dma_wait3A_1552 = arith.constant 0 : i32
          %dma_wait3A_1553 = tpu.memref_slice %arg5[%sub3A_1432, %dma_wait3A_1542, %add3A, %dma_wait3A_1551, %dma_wait3A_1552] : memref<200x8x32x8x128xf32, #tpu.memory_space<hbm>> -> memref<1x1x1x8x128xf32, #tpu.memory_space<hbm>>
          %dma_wait3A_1554 = tpu.memref_squeeze %dma_wait3A_1553 : memref<1x1x1x8x128xf32, #tpu.memory_space<hbm>> -> memref<8x128xf32, #tpu.memory_space<hbm>>
          %dma_wait3A_1555 = arith.constant 48 : i32
          %dma_wait3A_1556 = arith.constant 0 : i32
          %dma_wait3A_1557 = tpu.memref_slice %arg9[%dma_wait3A_1541, %dma_wait3A_1555, %dma_wait3A_1556] : memref<4x64x132xf32, #tpu.memory_space<vmem>> -> memref<1x8x128xf32, #tpu.memory_space<vmem>>
          %dma_wait3A_1558 = tpu.memref_squeeze %dma_wait3A_1557 : memref<1x8x128xf32, #tpu.memory_space<vmem>> -> memref<8x128xf32, #tpu.memory_space<vmem>>
          tpu.wait_dma2 semaphore(%arg16 : memref<!tpu.dma_semaphore, #tpu.memory_space<semaphore_mem>>) src(%dma_wait3A_1558 : memref<8x128xf32, #tpu.memory_space<vmem>>) dst(%dma_wait3A_1554 : memref<8x128xf32, #tpu.memory_space<hbm>>)
          %dma_wait3A_1559 = arith.constant 2 : i32
          %dma_wait3A_1560 = arith.constant 7 : i32
          %dma_wait3A_1561 = arith.constant 56 : i32
          %dma_wait3A_1562 = arith.constant 0 : i32
          %dma_wait3A_1563 = tpu.memref_slice %arg9[%dma_wait3A_1559, %dma_wait3A_1561, %dma_wait3A_1562] : memref<4x64x132xf32, #tpu.memory_space<vmem>> -> memref<1x8x128xf32, #tpu.memory_space<vmem>>
          %dma_wait3A_1564 = tpu.memref_squeeze %dma_wait3A_1563 : memref<1x8x128xf32, #tpu.memory_space<vmem>> -> memref<8x128xf32, #tpu.memory_space<vmem>>
          %dma_wait3A_1565 = arith.constant 0 : i32
          %dma_wait3A_1566 = arith.constant 0 : i32
          %dma_wait3A_1567 = tpu.memref_slice %arg5[%sub3A_1432, %dma_wait3A_1560, %add3A, %dma_wait3A_1565, %dma_wait3A_1566] : memref<200x8x32x8x128xf32, #tpu.memory_space<hbm>> -> memref<1x1x1x8x128xf32, #tpu.memory_space<hbm>>
          %dma_wait3A_1568 = tpu.memref_squeeze %dma_wait3A_1567 : memref<1x1x1x8x128xf32, #tpu.memory_space<hbm>> -> memref<8x128xf32, #tpu.memory_space<hbm>>
          %dma_wait3A_1569 = arith.constant 0 : i32
          %dma_wait3A_1570 = arith.constant 0 : i32
          %dma_wait3A_1571 = tpu.memref_slice %arg5[%sub3A_1432, %dma_wait3A_1560, %add3A, %dma_wait3A_1569, %dma_wait3A_1570] : memref<200x8x32x8x128xf32, #tpu.memory_space<hbm>> -> memref<1x1x1x8x128xf32, #tpu.memory_space<hbm>>
          %dma_wait3A_1572 = tpu.memref_squeeze %dma_wait3A_1571 : memref<1x1x1x8x128xf32, #tpu.memory_space<hbm>> -> memref<8x128xf32, #tpu.memory_space<hbm>>
          %dma_wait3A_1573 = arith.constant 56 : i32
          %dma_wait3A_1574 = arith.constant 0 : i32
          %dma_wait3A_1575 = tpu.memref_slice %arg9[%dma_wait3A_1559, %dma_wait3A_1573, %dma_wait3A_1574] : memref<4x64x132xf32, #tpu.memory_space<vmem>> -> memref<1x8x128xf32, #tpu.memory_space<vmem>>
          %dma_wait3A_1576 = tpu.memref_squeeze %dma_wait3A_1575 : memref<1x8x128xf32, #tpu.memory_space<vmem>> -> memref<8x128xf32, #tpu.memory_space<vmem>>
          tpu.wait_dma2 semaphore(%arg16 : memref<!tpu.dma_semaphore, #tpu.memory_space<semaphore_mem>>) src(%dma_wait3A_1576 : memref<8x128xf32, #tpu.memory_space<vmem>>) dst(%dma_wait3A_1572 : memref<8x128xf32, #tpu.memory_space<hbm>>)
        } else {
        }
        %dma_start3A_1421 = arith.constant 2 : i32
        %dma_start3A_1422 = arith.constant 0 : i32
        %dma_start3A_1423 = arith.constant 0 : i32
        %dma_start3A_1424 = tpu.memref_slice %arg8[%dma_start3A_1421, %dma_start3A_1422, %dma_start3A_1423] : memref<4x128x64xf32, #tpu.memory_space<vmem>> -> memref<1x128x64xf32, #tpu.memory_space<vmem>>
        %dma_start3A_1425 = tpu.memref_squeeze %dma_start3A_1424 : memref<1x128x64xf32, #tpu.memory_space<vmem>> -> memref<128x64xf32, #tpu.memory_space<vmem>>
        %dma_start3A_1426 = arith.constant 0 : i32
        %dma_start3A_1427 = tpu.memref_slice %arg6[%add3A_647, %dma_start3A_1426] : memref<200x128xi32, #tpu.memory_space<vmem>> -> memref<1x128xi32, #tpu.memory_space<vmem>>
        %dma_start3A_1428 = tpu.memref_squeeze %dma_start3A_1427 : memref<1x128xi32, #tpu.memory_space<vmem>> -> memref<128xi32, #tpu.memory_space<vmem>>
        %dma_start3A_1429 = arith.constant 0 : i32
        %dma_start3A_1430 = arith.constant 0 : i32
        %dma_start3A_1431 = tpu.memref_slice %arg3[%dma_start3A_1429, %dma_start3A_1430] : memref<1000000x64xf32, #tpu.memory_space<hbm>> -> memref<1000000x64xf32, #tpu.memory_space<hbm>>
        tpu.enqueue_indirect_dma source(%dma_start3A_1431 : memref<1000000x64xf32, #tpu.memory_space<hbm>>) target(%dma_start3A_1425 : memref<128x64xf32, #tpu.memory_space<vmem>>) offsets(%dma_start3A_1428 : memref<128xi32, #tpu.memory_space<vmem>>) semaphore(%arg12 : memref<!tpu.dma_semaphore, #tpu.memory_space<semaphore_mem>>)
      } else {
      }
      %dma_wait3A_650 = arith.constant 0 : i32
      %dma_wait3A_651 = arith.constant 0 : i32
      %dma_wait3A_652 = arith.constant 0 : i32
      %dma_wait3A_653 = tpu.memref_slice %arg8[%dma_wait3A_650, %dma_wait3A_651, %dma_wait3A_652] : memref<4x128x64xf32, #tpu.memory_space<vmem>> -> memref<1x128x64xf32, #tpu.memory_space<vmem>>
      %dma_wait3A_654 = tpu.memref_squeeze %dma_wait3A_653 : memref<1x128x64xf32, #tpu.memory_space<vmem>> -> memref<128x64xf32, #tpu.memory_space<vmem>>
      %dma_wait3A_655 = arith.constant 0 : i32
      %dma_wait3A_656 = tpu.memref_slice %arg6[%add3A_645, %dma_wait3A_655] : memref<200x128xi32, #tpu.memory_space<vmem>> -> memref<1x128xi32, #tpu.memory_space<vmem>>
      %dma_wait3A_657 = tpu.memref_squeeze %dma_wait3A_656 : memref<1x128xi32, #tpu.memory_space<vmem>> -> memref<128xi32, #tpu.memory_space<vmem>>
      %dma_wait3A_658 = arith.constant 0 : i32
      %dma_wait3A_659 = arith.constant 0 : i32
      %dma_wait3A_660 = tpu.memref_slice %arg3[%dma_wait3A_658, %dma_wait3A_659] : memref<1000000x64xf32, #tpu.memory_space<hbm>> -> memref<1000000x64xf32, #tpu.memory_space<hbm>>
      tpu.wait_indirect_dma semaphore(%arg10 : memref<!tpu.dma_semaphore, #tpu.memory_space<semaphore_mem>>) src(%dma_wait3A_660 : memref<1000000x64xf32, #tpu.memory_space<hbm>>) dst(%dma_wait3A_654 : memref<128x64xf32, #tpu.memory_space<vmem>>)
      %get3A = arith.index_cast %add3A_645 : i32 to index
      %get3A_661 = arith.constant 0 : index
      %get3A_662 = tpu.vector_load %arg7[%get3A, %get3A_661] {strides = array<i32>} : memref<200x64xf32, #tpu.memory_space<vmem>>, vector<16xf32>,
      %add3A_663 = arith.constant 0 : i32
      %add3A_664 = vector.broadcast %add3A_663 : i32 to vector<16xi32>
      %add3A_665 = arith.addi %iota3A, %add3A_664 : vector<16xi32>
      %get3A_666 = arith.index_cast %add3A_645 : i32 to index
      %get3A_667 = arith.constant 16 : index
      %get3A_668 = tpu.vector_load %arg7[%get3A_666, %get3A_667] {strides = array<i32>} : memref<200x64xf32, #tpu.memory_space<vmem>>, vector<16xf32>,
      %add3A_669 = arith.constant 16 : i32
      %add3A_670 = vector.broadcast %add3A_669 : i32 to vector<16xi32>
      %add3A_671 = arith.addi %iota3A, %add3A_670 : vector<16xi32>
      %get3A_672 = arith.index_cast %add3A_645 : i32 to index
      %get3A_673 = arith.constant 32 : index
      %get3A_674 = tpu.vector_load %arg7[%get3A_672, %get3A_673] {strides = array<i32>} : memref<200x64xf32, #tpu.memory_space<vmem>>, vector<16xf32>,
      %add3A_675 = arith.constant 32 : i32
      %add3A_676 = vector.broadcast %add3A_675 : i32 to vector<16xi32>
      %add3A_677 = arith.addi %iota3A, %add3A_676 : vector<16xi32>
      %get3A_678 = arith.index_cast %add3A_645 : i32 to index
      %get3A_679 = arith.constant 48 : index
      %get3A_680 = tpu.vector_load %arg7[%get3A_678, %get3A_679] {strides = array<i32>} : memref<200x64xf32, #tpu.memory_space<vmem>>, vector<16xf32>,
      %add3A_681 = arith.constant 48 : i32
      %add3A_682 = vector.broadcast %add3A_681 : i32 to vector<16xi32>
      %add3A_683 = arith.addi %iota3A, %add3A_682 : vector<16xi32>
      %parallel_loop3A = arith.constant 0 : i32
      %parallel_loop3A_684 = arith.constant 128 : i32
      %parallel_loop3A_685 = arith.constant 1 : i32
      %parallel_loop3A_686 = arith.constant 0 : i32
      %parallel_loop3A_687 = arith.constant 0 : i32
      scf.for %parallel_loop3A_1417 = %parallel_loop3A to %parallel_loop3A_684 step %parallel_loop3A_685  : i32 {
        %parallel_loop3A_1418 = vector.broadcast %parallel_loop3A_1417 : i32 to vector<16xi32>
        %parallel_loop3A_1419 = arith.constant 0 : i32
        %parallel_loop3A_1420 = arith.constant 0 : i32
        %parallel_loop3A_1421 = tpu.memref_slice %arg8[%parallel_loop3A_686, %parallel_loop3A_1419, %parallel_loop3A_1420] : memref<4x128x64xf32, #tpu.memory_space<vmem>> -> memref<1x128x64xf32, #tpu.memory_space<vmem>>
        %parallel_loop3A_1422 = tpu.memref_squeeze %parallel_loop3A_1421 : memref<1x128x64xf32, #tpu.memory_space<vmem>> -> memref<128x64xf32, #tpu.memory_space<vmem>>
        %parallel_loop3A_1423 = arith.index_cast %parallel_loop3A_1417 : i32 to index
        %parallel_loop3A_1424 = arith.constant 0 : index
        %parallel_loop3A_1425 = tpu.vector_load %parallel_loop3A_1422[%parallel_loop3A_1423, %parallel_loop3A_1424] {strides = array<i32>} : memref<128x64xf32, #tpu.memory_space<vmem>>, vector<16xf32>,
        %parallel_loop3A_1426 = arith.addf %parallel_loop3A_1425, %get3A_662 : vector<16xf32>
        %parallel_loop3A_1427 = arith.constant 0 : i32
        %parallel_loop3A_1428 = arith.constant 0 : i32
        %parallel_loop3A_1429 = tpu.memref_slice %arg9[%parallel_loop3A_687, %parallel_loop3A_1427, %parallel_loop3A_1428] : memref<4x64x132xf32, #tpu.memory_space<vmem>> -> memref<1x64x132xf32, #tpu.memory_space<vmem>>
        %parallel_loop3A_1430 = tpu.memref_squeeze %parallel_loop3A_1429 : memref<1x64x132xf32, #tpu.memory_space<vmem>> -> memref<64x132xf32, #tpu.memory_space<vmem>>
        tpu.vector_store_idx %parallel_loop3A_1430[%add3A_665, %parallel_loop3A_1418], %parallel_loop3A_1426 : memref<64x132xf32, #tpu.memory_space<vmem>>[vector<16xi32>, vector<16xi32>], vector<16xf32>,
        %parallel_loop3A_1431 = arith.constant 0 : i32
        %parallel_loop3A_1432 = arith.constant 0 : i32
        %parallel_loop3A_1433 = tpu.memref_slice %arg8[%parallel_loop3A_686, %parallel_loop3A_1431, %parallel_loop3A_1432] : memref<4x128x64xf32, #tpu.memory_space<vmem>> -> memref<1x128x64xf32, #tpu.memory_space<vmem>>
        %parallel_loop3A_1434 = tpu.memref_squeeze %parallel_loop3A_1433 : memref<1x128x64xf32, #tpu.memory_space<vmem>> -> memref<128x64xf32, #tpu.memory_space<vmem>>
        %parallel_loop3A_1435 = arith.index_cast %parallel_loop3A_1417 : i32 to index
        %parallel_loop3A_1436 = arith.constant 16 : index
        %parallel_loop3A_1437 = tpu.vector_load %parallel_loop3A_1434[%parallel_loop3A_1435, %parallel_loop3A_1436] {strides = array<i32>} : memref<128x64xf32, #tpu.memory_space<vmem>>, vector<16xf32>,
        %parallel_loop3A_1438 = arith.addf %parallel_loop3A_1437, %get3A_668 : vector<16xf32>
        %parallel_loop3A_1439 = arith.constant 0 : i32
        %parallel_loop3A_1440 = arith.constant 0 : i32
        %parallel_loop3A_1441 = tpu.memref_slice %arg9[%parallel_loop3A_687, %parallel_loop3A_1439, %parallel_loop3A_1440] : memref<4x64x132xf32, #tpu.memory_space<vmem>> -> memref<1x64x132xf32, #tpu.memory_space<vmem>>
        %parallel_loop3A_1442 = tpu.memref_squeeze %parallel_loop3A_1441 : memref<1x64x132xf32, #tpu.memory_space<vmem>> -> memref<64x132xf32, #tpu.memory_space<vmem>>
        tpu.vector_store_idx %parallel_loop3A_1442[%add3A_671, %parallel_loop3A_1418], %parallel_loop3A_1438 : memref<64x132xf32, #tpu.memory_space<vmem>>[vector<16xi32>, vector<16xi32>], vector<16xf32>,
        %parallel_loop3A_1443 = arith.constant 0 : i32
        %parallel_loop3A_1444 = arith.constant 0 : i32
        %parallel_loop3A_1445 = tpu.memref_slice %arg8[%parallel_loop3A_686, %parallel_loop3A_1443, %parallel_loop3A_1444] : memref<4x128x64xf32, #tpu.memory_space<vmem>> -> memref<1x128x64xf32, #tpu.memory_space<vmem>>
        %parallel_loop3A_1446 = tpu.memref_squeeze %parallel_loop3A_1445 : memref<1x128x64xf32, #tpu.memory_space<vmem>> -> memref<128x64xf32, #tpu.memory_space<vmem>>
        %parallel_loop3A_1447 = arith.index_cast %parallel_loop3A_1417 : i32 to index
        %parallel_loop3A_1448 = arith.constant 32 : index
        %parallel_loop3A_1449 = tpu.vector_load %parallel_loop3A_1446[%parallel_loop3A_1447, %parallel_loop3A_1448] {strides = array<i32>} : memref<128x64xf32, #tpu.memory_space<vmem>>, vector<16xf32>,
        %parallel_loop3A_1450 = arith.addf %parallel_loop3A_1449, %get3A_674 : vector<16xf32>
        %parallel_loop3A_1451 = arith.constant 0 : i32
        %parallel_loop3A_1452 = arith.constant 0 : i32
        %parallel_loop3A_1453 = tpu.memref_slice %arg9[%parallel_loop3A_687, %parallel_loop3A_1451, %parallel_loop3A_1452] : memref<4x64x132xf32, #tpu.memory_space<vmem>> -> memref<1x64x132xf32, #tpu.memory_space<vmem>>
        %parallel_loop3A_1454 = tpu.memref_squeeze %parallel_loop3A_1453 : memref<1x64x132xf32, #tpu.memory_space<vmem>> -> memref<64x132xf32, #tpu.memory_space<vmem>>
        tpu.vector_store_idx %parallel_loop3A_1454[%add3A_677, %parallel_loop3A_1418], %parallel_loop3A_1450 : memref<64x132xf32, #tpu.memory_space<vmem>>[vector<16xi32>, vector<16xi32>], vector<16xf32>,
        %parallel_loop3A_1455 = arith.constant 0 : i32
        %parallel_loop3A_1456 = arith.constant 0 : i32
        %parallel_loop3A_1457 = tpu.memref_slice %arg8[%parallel_loop3A_686, %parallel_loop3A_1455, %parallel_loop3A_1456] : memref<4x128x64xf32, #tpu.memory_space<vmem>> -> memref<1x128x64xf32, #tpu.memory_space<vmem>>
        %parallel_loop3A_1458 = tpu.memref_squeeze %parallel_loop3A_1457 : memref<1x128x64xf32, #tpu.memory_space<vmem>> -> memref<128x64xf32, #tpu.memory_space<vmem>>
        %parallel_loop3A_1459 = arith.index_cast %parallel_loop3A_1417 : i32 to index
        %parallel_loop3A_1460 = arith.constant 48 : index
        %parallel_loop3A_1461 = tpu.vector_load %parallel_loop3A_1458[%parallel_loop3A_1459, %parallel_loop3A_1460] {strides = array<i32>} : memref<128x64xf32, #tpu.memory_space<vmem>>, vector<16xf32>,
        %parallel_loop3A_1462 = arith.addf %parallel_loop3A_1461, %get3A_680 : vector<16xf32>
        %parallel_loop3A_1463 = arith.constant 0 : i32
        %parallel_loop3A_1464 = arith.constant 0 : i32
        %parallel_loop3A_1465 = tpu.memref_slice %arg9[%parallel_loop3A_687, %parallel_loop3A_1463, %parallel_loop3A_1464] : memref<4x64x132xf32, #tpu.memory_space<vmem>> -> memref<1x64x132xf32, #tpu.memory_space<vmem>>
        %parallel_loop3A_1466 = tpu.memref_squeeze %parallel_loop3A_1465 : memref<1x64x132xf32, #tpu.memory_space<vmem>> -> memref<64x132xf32, #tpu.memory_space<vmem>>
        tpu.vector_store_idx %parallel_loop3A_1466[%add3A_683, %parallel_loop3A_1418], %parallel_loop3A_1462 : memref<64x132xf32, #tpu.memory_space<vmem>>[vector<16xi32>, vector<16xi32>], vector<16xf32>,
      } {sc.loop_unroll_factor = 4 : i64, sc.parallel_access}
      %dma_start3A_688 = arith.constant 0 : i32
      %dma_start3A_689 = arith.constant 0 : i32
      %dma_start3A_690 = arith.constant 0 : i32
      %dma_start3A_691 = arith.constant 0 : i32
      %dma_start3A_692 = tpu.memref_slice %arg9[%dma_start3A_688, %dma_start3A_690, %dma_start3A_691] : memref<4x64x132xf32, #tpu.memory_space<vmem>> -> memref<1x8x128xf32, #tpu.memory_space<vmem>>
      %dma_start3A_693 = tpu.memref_squeeze %dma_start3A_692 : memref<1x8x128xf32, #tpu.memory_space<vmem>> -> memref<8x128xf32, #tpu.memory_space<vmem>>
      %dma_start3A_694 = arith.constant 0 : i32
      %dma_start3A_695 = arith.constant 0 : i32
      %dma_start3A_696 = tpu.memref_slice %arg5[%add3A_645, %dma_start3A_689, %add3A, %dma_start3A_694, %dma_start3A_695] : memref<200x8x32x8x128xf32, #tpu.memory_space<hbm>> -> memref<1x1x1x8x128xf32, #tpu.memory_space<hbm>>
      %dma_start3A_697 = tpu.memref_squeeze %dma_start3A_696 : memref<1x1x1x8x128xf32, #tpu.memory_space<hbm>> -> memref<8x128xf32, #tpu.memory_space<hbm>>
      %dma_start3A_698 = arith.constant 0 : i32
      %dma_start3A_699 = arith.constant 0 : i32
      %dma_start3A_700 = tpu.memref_slice %arg5[%add3A_645, %dma_start3A_689, %add3A, %dma_start3A_698, %dma_start3A_699] : memref<200x8x32x8x128xf32, #tpu.memory_space<hbm>> -> memref<1x1x1x8x128xf32, #tpu.memory_space<hbm>>
      %dma_start3A_701 = tpu.memref_squeeze %dma_start3A_700 : memref<1x1x1x8x128xf32, #tpu.memory_space<hbm>> -> memref<8x128xf32, #tpu.memory_space<hbm>>
      %dma_start3A_702 = arith.constant 0 : i32
      %dma_start3A_703 = arith.constant 0 : i32
      %dma_start3A_704 = tpu.memref_slice %arg9[%dma_start3A_688, %dma_start3A_702, %dma_start3A_703] : memref<4x64x132xf32, #tpu.memory_space<vmem>> -> memref<1x8x128xf32, #tpu.memory_space<vmem>>
      %dma_start3A_705 = tpu.memref_squeeze %dma_start3A_704 : memref<1x8x128xf32, #tpu.memory_space<vmem>> -> memref<8x128xf32, #tpu.memory_space<vmem>>
      tpu.enqueue_dma source(%dma_start3A_705 : memref<8x128xf32, #tpu.memory_space<vmem>>) target(%dma_start3A_701 : memref<8x128xf32, #tpu.memory_space<hbm>>) target_semaphore(%arg14 : memref<!tpu.dma_semaphore, #tpu.memory_space<semaphore_mem>>)
      %dma_start3A_706 = arith.constant 0 : i32
      %dma_start3A_707 = arith.constant 1 : i32
      %dma_start3A_708 = arith.constant 8 : i32
      %dma_start3A_709 = arith.constant 0 : i32
      %dma_start3A_710 = tpu.memref_slice %arg9[%dma_start3A_706, %dma_start3A_708, %dma_start3A_709] : memref<4x64x132xf32, #tpu.memory_space<vmem>> -> memref<1x8x128xf32, #tpu.memory_space<vmem>>
      %dma_start3A_711 = tpu.memref_squeeze %dma_start3A_710 : memref<1x8x128xf32, #tpu.memory_space<vmem>> -> memref<8x128xf32, #tpu.memory_space<vmem>>
      %dma_start3A_712 = arith.constant 0 : i32
      %dma_start3A_713 = arith.constant 0 : i32
      %dma_start3A_714 = tpu.memref_slice %arg5[%add3A_645, %dma_start3A_707, %add3A, %dma_start3A_712, %dma_start3A_713] : memref<200x8x32x8x128xf32, #tpu.memory_space<hbm>> -> memref<1x1x1x8x128xf32, #tpu.memory_space<hbm>>
      %dma_start3A_715 = tpu.memref_squeeze %dma_start3A_714 : memref<1x1x1x8x128xf32, #tpu.memory_space<hbm>> -> memref<8x128xf32, #tpu.memory_space<hbm>>
      %dma_start3A_716 = arith.constant 0 : i32
      %dma_start3A_717 = arith.constant 0 : i32
      %dma_start3A_718 = tpu.memref_slice %arg5[%add3A_645, %dma_start3A_707, %add3A, %dma_start3A_716, %dma_start3A_717] : memref<200x8x32x8x128xf32, #tpu.memory_space<hbm>> -> memref<1x1x1x8x128xf32, #tpu.memory_space<hbm>>
      %dma_start3A_719 = tpu.memref_squeeze %dma_start3A_718 : memref<1x1x1x8x128xf32, #tpu.memory_space<hbm>> -> memref<8x128xf32, #tpu.memory_space<hbm>>
      %dma_start3A_720 = arith.constant 8 : i32
      %dma_start3A_721 = arith.constant 0 : i32
      %dma_start3A_722 = tpu.memref_slice %arg9[%dma_start3A_706, %dma_start3A_720, %dma_start3A_721] : memref<4x64x132xf32, #tpu.memory_space<vmem>> -> memref<1x8x128xf32, #tpu.memory_space<vmem>>
      %dma_start3A_723 = tpu.memref_squeeze %dma_start3A_722 : memref<1x8x128xf32, #tpu.memory_space<vmem>> -> memref<8x128xf32, #tpu.memory_space<vmem>>
      tpu.enqueue_dma source(%dma_start3A_723 : memref<8x128xf32, #tpu.memory_space<vmem>>) target(%dma_start3A_719 : memref<8x128xf32, #tpu.memory_space<hbm>>) target_semaphore(%arg14 : memref<!tpu.dma_semaphore, #tpu.memory_space<semaphore_mem>>)
      %dma_start3A_724 = arith.constant 0 : i32
      %dma_start3A_725 = arith.constant 2 : i32
      %dma_start3A_726 = arith.constant 16 : i32
      %dma_start3A_727 = arith.constant 0 : i32
      %dma_start3A_728 = tpu.memref_slice %arg9[%dma_start3A_724, %dma_start3A_726, %dma_start3A_727] : memref<4x64x132xf32, #tpu.memory_space<vmem>> -> memref<1x8x128xf32, #tpu.memory_space<vmem>>
      %dma_start3A_729 = tpu.memref_squeeze %dma_start3A_728 : memref<1x8x128xf32, #tpu.memory_space<vmem>> -> memref<8x128xf32, #tpu.memory_space<vmem>>
      %dma_start3A_730 = arith.constant 0 : i32
      %dma_start3A_731 = arith.constant 0 : i32
      %dma_start3A_732 = tpu.memref_slice %arg5[%add3A_645, %dma_start3A_725, %add3A, %dma_start3A_730, %dma_start3A_731] : memref<200x8x32x8x128xf32, #tpu.memory_space<hbm>> -> memref<1x1x1x8x128xf32, #tpu.memory_space<hbm>>
      %dma_start3A_733 = tpu.memref_squeeze %dma_start3A_732 : memref<1x1x1x8x128xf32, #tpu.memory_space<hbm>> -> memref<8x128xf32, #tpu.memory_space<hbm>>
      %dma_start3A_734 = arith.constant 0 : i32
      %dma_start3A_735 = arith.constant 0 : i32
      %dma_start3A_736 = tpu.memref_slice %arg5[%add3A_645, %dma_start3A_725, %add3A, %dma_start3A_734, %dma_start3A_735] : memref<200x8x32x8x128xf32, #tpu.memory_space<hbm>> -> memref<1x1x1x8x128xf32, #tpu.memory_space<hbm>>
      %dma_start3A_737 = tpu.memref_squeeze %dma_start3A_736 : memref<1x1x1x8x128xf32, #tpu.memory_space<hbm>> -> memref<8x128xf32, #tpu.memory_space<hbm>>
      %dma_start3A_738 = arith.constant 16 : i32
      %dma_start3A_739 = arith.constant 0 : i32
      %dma_start3A_740 = tpu.memref_slice %arg9[%dma_start3A_724, %dma_start3A_738, %dma_start3A_739] : memref<4x64x132xf32, #tpu.memory_space<vmem>> -> memref<1x8x128xf32, #tpu.memory_space<vmem>>
      %dma_start3A_741 = tpu.memref_squeeze %dma_start3A_740 : memref<1x8x128xf32, #tpu.memory_space<vmem>> -> memref<8x128xf32, #tpu.memory_space<vmem>>
      tpu.enqueue_dma source(%dma_start3A_741 : memref<8x128xf32, #tpu.memory_space<vmem>>) target(%dma_start3A_737 : memref<8x128xf32, #tpu.memory_space<hbm>>) target_semaphore(%arg14 : memref<!tpu.dma_semaphore, #tpu.memory_space<semaphore_mem>>)
      %dma_start3A_742 = arith.constant 0 : i32
      %dma_start3A_743 = arith.constant 3 : i32
      %dma_start3A_744 = arith.constant 24 : i32
      %dma_start3A_745 = arith.constant 0 : i32
      %dma_start3A_746 = tpu.memref_slice %arg9[%dma_start3A_742, %dma_start3A_744, %dma_start3A_745] : memref<4x64x132xf32, #tpu.memory_space<vmem>> -> memref<1x8x128xf32, #tpu.memory_space<vmem>>
      %dma_start3A_747 = tpu.memref_squeeze %dma_start3A_746 : memref<1x8x128xf32, #tpu.memory_space<vmem>> -> memref<8x128xf32, #tpu.memory_space<vmem>>
      %dma_start3A_748 = arith.constant 0 : i32
      %dma_start3A_749 = arith.constant 0 : i32
      %dma_start3A_750 = tpu.memref_slice %arg5[%add3A_645, %dma_start3A_743, %add3A, %dma_start3A_748, %dma_start3A_749] : memref<200x8x32x8x128xf32, #tpu.memory_space<hbm>> -> memref<1x1x1x8x128xf32, #tpu.memory_space<hbm>>
      %dma_start3A_751 = tpu.memref_squeeze %dma_start3A_750 : memref<1x1x1x8x128xf32, #tpu.memory_space<hbm>> -> memref<8x128xf32, #tpu.memory_space<hbm>>
      %dma_start3A_752 = arith.constant 0 : i32
      %dma_start3A_753 = arith.constant 0 : i32
      %dma_start3A_754 = tpu.memref_slice %arg5[%add3A_645, %dma_start3A_743, %add3A, %dma_start3A_752, %dma_start3A_753] : memref<200x8x32x8x128xf32, #tpu.memory_space<hbm>> -> memref<1x1x1x8x128xf32, #tpu.memory_space<hbm>>
      %dma_start3A_755 = tpu.memref_squeeze %dma_start3A_754 : memref<1x1x1x8x128xf32, #tpu.memory_space<hbm>> -> memref<8x128xf32, #tpu.memory_space<hbm>>
      %dma_start3A_756 = arith.constant 24 : i32
      %dma_start3A_757 = arith.constant 0 : i32
      %dma_start3A_758 = tpu.memref_slice %arg9[%dma_start3A_742, %dma_start3A_756, %dma_start3A_757] : memref<4x64x132xf32, #tpu.memory_space<vmem>> -> memref<1x8x128xf32, #tpu.memory_space<vmem>>
      %dma_start3A_759 = tpu.memref_squeeze %dma_start3A_758 : memref<1x8x128xf32, #tpu.memory_space<vmem>> -> memref<8x128xf32, #tpu.memory_space<vmem>>
      tpu.enqueue_dma source(%dma_start3A_759 : memref<8x128xf32, #tpu.memory_space<vmem>>) target(%dma_start3A_755 : memref<8x128xf32, #tpu.memory_space<hbm>>) target_semaphore(%arg14 : memref<!tpu.dma_semaphore, #tpu.memory_space<semaphore_mem>>)
      %dma_start3A_760 = arith.constant 0 : i32
      %dma_start3A_761 = arith.constant 4 : i32
      %dma_start3A_762 = arith.constant 32 : i32
      %dma_start3A_763 = arith.constant 0 : i32
      %dma_start3A_764 = tpu.memref_slice %arg9[%dma_start3A_760, %dma_start3A_762, %dma_start3A_763] : memref<4x64x132xf32, #tpu.memory_space<vmem>> -> memref<1x8x128xf32, #tpu.memory_space<vmem>>
      %dma_start3A_765 = tpu.memref_squeeze %dma_start3A_764 : memref<1x8x128xf32, #tpu.memory_space<vmem>> -> memref<8x128xf32, #tpu.memory_space<vmem>>
      %dma_start3A_766 = arith.constant 0 : i32
      %dma_start3A_767 = arith.constant 0 : i32
      %dma_start3A_768 = tpu.memref_slice %arg5[%add3A_645, %dma_start3A_761, %add3A, %dma_start3A_766, %dma_start3A_767] : memref<200x8x32x8x128xf32, #tpu.memory_space<hbm>> -> memref<1x1x1x8x128xf32, #tpu.memory_space<hbm>>
      %dma_start3A_769 = tpu.memref_squeeze %dma_start3A_768 : memref<1x1x1x8x128xf32, #tpu.memory_space<hbm>> -> memref<8x128xf32, #tpu.memory_space<hbm>>
      %dma_start3A_770 = arith.constant 0 : i32
      %dma_start3A_771 = arith.constant 0 : i32
      %dma_start3A_772 = tpu.memref_slice %arg5[%add3A_645, %dma_start3A_761, %add3A, %dma_start3A_770, %dma_start3A_771] : memref<200x8x32x8x128xf32, #tpu.memory_space<hbm>> -> memref<1x1x1x8x128xf32, #tpu.memory_space<hbm>>
      %dma_start3A_773 = tpu.memref_squeeze %dma_start3A_772 : memref<1x1x1x8x128xf32, #tpu.memory_space<hbm>> -> memref<8x128xf32, #tpu.memory_space<hbm>>
      %dma_start3A_774 = arith.constant 32 : i32
      %dma_start3A_775 = arith.constant 0 : i32
      %dma_start3A_776 = tpu.memref_slice %arg9[%dma_start3A_760, %dma_start3A_774, %dma_start3A_775] : memref<4x64x132xf32, #tpu.memory_space<vmem>> -> memref<1x8x128xf32, #tpu.memory_space<vmem>>
      %dma_start3A_777 = tpu.memref_squeeze %dma_start3A_776 : memref<1x8x128xf32, #tpu.memory_space<vmem>> -> memref<8x128xf32, #tpu.memory_space<vmem>>
      tpu.enqueue_dma source(%dma_start3A_777 : memref<8x128xf32, #tpu.memory_space<vmem>>) target(%dma_start3A_773 : memref<8x128xf32, #tpu.memory_space<hbm>>) target_semaphore(%arg14 : memref<!tpu.dma_semaphore, #tpu.memory_space<semaphore_mem>>)
      %dma_start3A_778 = arith.constant 0 : i32
      %dma_start3A_779 = arith.constant 5 : i32
      %dma_start3A_780 = arith.constant 40 : i32
      %dma_start3A_781 = arith.constant 0 : i32
      %dma_start3A_782 = tpu.memref_slice %arg9[%dma_start3A_778, %dma_start3A_780, %dma_start3A_781] : memref<4x64x132xf32, #tpu.memory_space<vmem>> -> memref<1x8x128xf32, #tpu.memory_space<vmem>>
      %dma_start3A_783 = tpu.memref_squeeze %dma_start3A_782 : memref<1x8x128xf32, #tpu.memory_space<vmem>> -> memref<8x128xf32, #tpu.memory_space<vmem>>
      %dma_start3A_784 = arith.constant 0 : i32
      %dma_start3A_785 = arith.constant 0 : i32
      %dma_start3A_786 = tpu.memref_slice %arg5[%add3A_645, %dma_start3A_779, %add3A, %dma_start3A_784, %dma_start3A_785] : memref<200x8x32x8x128xf32, #tpu.memory_space<hbm>> -> memref<1x1x1x8x128xf32, #tpu.memory_space<hbm>>
      %dma_start3A_787 = tpu.memref_squeeze %dma_start3A_786 : memref<1x1x1x8x128xf32, #tpu.memory_space<hbm>> -> memref<8x128xf32, #tpu.memory_space<hbm>>
      %dma_start3A_788 = arith.constant 0 : i32
      %dma_start3A_789 = arith.constant 0 : i32
      %dma_start3A_790 = tpu.memref_slice %arg5[%add3A_645, %dma_start3A_779, %add3A, %dma_start3A_788, %dma_start3A_789] : memref<200x8x32x8x128xf32, #tpu.memory_space<hbm>> -> memref<1x1x1x8x128xf32, #tpu.memory_space<hbm>>
      %dma_start3A_791 = tpu.memref_squeeze %dma_start3A_790 : memref<1x1x1x8x128xf32, #tpu.memory_space<hbm>> -> memref<8x128xf32, #tpu.memory_space<hbm>>
      %dma_start3A_792 = arith.constant 40 : i32
      %dma_start3A_793 = arith.constant 0 : i32
      %dma_start3A_794 = tpu.memref_slice %arg9[%dma_start3A_778, %dma_start3A_792, %dma_start3A_793] : memref<4x64x132xf32, #tpu.memory_space<vmem>> -> memref<1x8x128xf32, #tpu.memory_space<vmem>>
      %dma_start3A_795 = tpu.memref_squeeze %dma_start3A_794 : memref<1x8x128xf32, #tpu.memory_space<vmem>> -> memref<8x128xf32, #tpu.memory_space<vmem>>
      tpu.enqueue_dma source(%dma_start3A_795 : memref<8x128xf32, #tpu.memory_space<vmem>>) target(%dma_start3A_791 : memref<8x128xf32, #tpu.memory_space<hbm>>) target_semaphore(%arg14 : memref<!tpu.dma_semaphore, #tpu.memory_space<semaphore_mem>>)
      %dma_start3A_796 = arith.constant 0 : i32
      %dma_start3A_797 = arith.constant 6 : i32
      %dma_start3A_798 = arith.constant 48 : i32
      %dma_start3A_799 = arith.constant 0 : i32
      %dma_start3A_800 = tpu.memref_slice %arg9[%dma_start3A_796, %dma_start3A_798, %dma_start3A_799] : memref<4x64x132xf32, #tpu.memory_space<vmem>> -> memref<1x8x128xf32, #tpu.memory_space<vmem>>
      %dma_start3A_801 = tpu.memref_squeeze %dma_start3A_800 : memref<1x8x128xf32, #tpu.memory_space<vmem>> -> memref<8x128xf32, #tpu.memory_space<vmem>>
      %dma_start3A_802 = arith.constant 0 : i32
      %dma_start3A_803 = arith.constant 0 : i32
      %dma_start3A_804 = tpu.memref_slice %arg5[%add3A_645, %dma_start3A_797, %add3A, %dma_start3A_802, %dma_start3A_803] : memref<200x8x32x8x128xf32, #tpu.memory_space<hbm>> -> memref<1x1x1x8x128xf32, #tpu.memory_space<hbm>>
      %dma_start3A_805 = tpu.memref_squeeze %dma_start3A_804 : memref<1x1x1x8x128xf32, #tpu.memory_space<hbm>> -> memref<8x128xf32, #tpu.memory_space<hbm>>
      %dma_start3A_806 = arith.constant 0 : i32
      %dma_start3A_807 = arith.constant 0 : i32
      %dma_start3A_808 = tpu.memref_slice %arg5[%add3A_645, %dma_start3A_797, %add3A, %dma_start3A_806, %dma_start3A_807] : memref<200x8x32x8x128xf32, #tpu.memory_space<hbm>> -> memref<1x1x1x8x128xf32, #tpu.memory_space<hbm>>
      %dma_start3A_809 = tpu.memref_squeeze %dma_start3A_808 : memref<1x1x1x8x128xf32, #tpu.memory_space<hbm>> -> memref<8x128xf32, #tpu.memory_space<hbm>>
      %dma_start3A_810 = arith.constant 48 : i32
      %dma_start3A_811 = arith.constant 0 : i32
      %dma_start3A_812 = tpu.memref_slice %arg9[%dma_start3A_796, %dma_start3A_810, %dma_start3A_811] : memref<4x64x132xf32, #tpu.memory_space<vmem>> -> memref<1x8x128xf32, #tpu.memory_space<vmem>>
      %dma_start3A_813 = tpu.memref_squeeze %dma_start3A_812 : memref<1x8x128xf32, #tpu.memory_space<vmem>> -> memref<8x128xf32, #tpu.memory_space<vmem>>
      tpu.enqueue_dma source(%dma_start3A_813 : memref<8x128xf32, #tpu.memory_space<vmem>>) target(%dma_start3A_809 : memref<8x128xf32, #tpu.memory_space<hbm>>) target_semaphore(%arg14 : memref<!tpu.dma_semaphore, #tpu.memory_space<semaphore_mem>>)
      %dma_start3A_814 = arith.constant 0 : i32
      %dma_start3A_815 = arith.constant 7 : i32
      %dma_start3A_816 = arith.constant 56 : i32
      %dma_start3A_817 = arith.constant 0 : i32
      %dma_start3A_818 = tpu.memref_slice %arg9[%dma_start3A_814, %dma_start3A_816, %dma_start3A_817] : memref<4x64x132xf32, #tpu.memory_space<vmem>> -> memref<1x8x128xf32, #tpu.memory_space<vmem>>
      %dma_start3A_819 = tpu.memref_squeeze %dma_start3A_818 : memref<1x8x128xf32, #tpu.memory_space<vmem>> -> memref<8x128xf32, #tpu.memory_space<vmem>>
      %dma_start3A_820 = arith.constant 0 : i32
      %dma_start3A_821 = arith.constant 0 : i32
      %dma_start3A_822 = tpu.memref_slice %arg5[%add3A_645, %dma_start3A_815, %add3A, %dma_start3A_820, %dma_start3A_821] : memref<200x8x32x8x128xf32, #tpu.memory_space<hbm>> -> memref<1x1x1x8x128xf32, #tpu.memory_space<hbm>>
      %dma_start3A_823 = tpu.memref_squeeze %dma_start3A_822 : memref<1x1x1x8x128xf32, #tpu.memory_space<hbm>> -> memref<8x128xf32, #tpu.memory_space<hbm>>
      %dma_start3A_824 = arith.constant 0 : i32
      %dma_start3A_825 = arith.constant 0 : i32
      %dma_start3A_826 = tpu.memref_slice %arg5[%add3A_645, %dma_start3A_815, %add3A, %dma_start3A_824, %dma_start3A_825] : memref<200x8x32x8x128xf32, #tpu.memory_space<hbm>> -> memref<1x1x1x8x128xf32, #tpu.memory_space<hbm>>
      %dma_start3A_827 = tpu.memref_squeeze %dma_start3A_826 : memref<1x1x1x8x128xf32, #tpu.memory_space<hbm>> -> memref<8x128xf32, #tpu.memory_space<hbm>>
      %dma_start3A_828 = arith.constant 56 : i32
      %dma_start3A_829 = arith.constant 0 : i32
      %dma_start3A_830 = tpu.memref_slice %arg9[%dma_start3A_814, %dma_start3A_828, %dma_start3A_829] : memref<4x64x132xf32, #tpu.memory_space<vmem>> -> memref<1x8x128xf32, #tpu.memory_space<vmem>>
      %dma_start3A_831 = tpu.memref_squeeze %dma_start3A_830 : memref<1x8x128xf32, #tpu.memory_space<vmem>> -> memref<8x128xf32, #tpu.memory_space<vmem>>
      tpu.enqueue_dma source(%dma_start3A_831 : memref<8x128xf32, #tpu.memory_space<vmem>>) target(%dma_start3A_827 : memref<8x128xf32, #tpu.memory_space<hbm>>) target_semaphore(%arg14 : memref<!tpu.dma_semaphore, #tpu.memory_space<semaphore_mem>>)
      %mul3A_832 = arith.constant 4 : i32
      %mul3A_833 = arith.muli %add3A_641, %mul3A_832 : i32
      %add3A_834 = arith.constant 1 : i32
      %add3A_835 = arith.addi %mul3A_833, %add3A_834 : i32
      %add3A_836 = arith.constant 2 : i32
      %add3A_837 = arith.addi %add3A_835, %add3A_836 : i32
      %lt3A_838 = arith.constant 200 : i32
      %lt3A_839 = arith.cmpi slt, %add3A_837, %lt3A_838 : i32
      %convert_element_type3A_840 = arith.extui %lt3A_839 : i1 to i32
      %cond3A_841 = arith.constant 0 : i32
      %cond3A_842 = arith.cmpi ne, %convert_element_type3A_840, %cond3A_841 : i32
      scf.if %cond3A_842 {
        %ge3A = arith.constant 4 : i32
        %ge3A_1417 = arith.cmpi sge, %add3A_837, %ge3A : i32
        %convert_element_type3A_1418 = arith.extui %ge3A_1417 : i1 to i32
        %cond3A_1419 = arith.constant 0 : i32
        %cond3A_1420 = arith.cmpi ne, %convert_element_type3A_1418, %cond3A_1419 : i32
        scf.if %cond3A_1420 {
          %sub3A = arith.constant 4 : i32
          %sub3A_1432 = arith.subi %add3A_837, %sub3A : i32
          %dma_wait3A_1433 = arith.constant 3 : i32
          %dma_wait3A_1434 = arith.constant 0 : i32
          %dma_wait3A_1435 = arith.constant 0 : i32
          %dma_wait3A_1436 = arith.constant 0 : i32
          %dma_wait3A_1437 = tpu.memref_slice %arg9[%dma_wait3A_1433, %dma_wait3A_1435, %dma_wait3A_1436] : memref<4x64x132xf32, #tpu.memory_space<vmem>> -> memref<1x8x128xf32, #tpu.memory_space<vmem>>
          %dma_wait3A_1438 = tpu.memref_squeeze %dma_wait3A_1437 : memref<1x8x128xf32, #tpu.memory_space<vmem>> -> memref<8x128xf32, #tpu.memory_space<vmem>>
          %dma_wait3A_1439 = arith.constant 0 : i32
          %dma_wait3A_1440 = arith.constant 0 : i32
          %dma_wait3A_1441 = tpu.memref_slice %arg5[%sub3A_1432, %dma_wait3A_1434, %add3A, %dma_wait3A_1439, %dma_wait3A_1440] : memref<200x8x32x8x128xf32, #tpu.memory_space<hbm>> -> memref<1x1x1x8x128xf32, #tpu.memory_space<hbm>>
          %dma_wait3A_1442 = tpu.memref_squeeze %dma_wait3A_1441 : memref<1x1x1x8x128xf32, #tpu.memory_space<hbm>> -> memref<8x128xf32, #tpu.memory_space<hbm>>
          %dma_wait3A_1443 = arith.constant 0 : i32
          %dma_wait3A_1444 = arith.constant 0 : i32
          %dma_wait3A_1445 = tpu.memref_slice %arg5[%sub3A_1432, %dma_wait3A_1434, %add3A, %dma_wait3A_1443, %dma_wait3A_1444] : memref<200x8x32x8x128xf32, #tpu.memory_space<hbm>> -> memref<1x1x1x8x128xf32, #tpu.memory_space<hbm>>
          %dma_wait3A_1446 = tpu.memref_squeeze %dma_wait3A_1445 : memref<1x1x1x8x128xf32, #tpu.memory_space<hbm>> -> memref<8x128xf32, #tpu.memory_space<hbm>>
          %dma_wait3A_1447 = arith.constant 0 : i32
          %dma_wait3A_1448 = arith.constant 0 : i32
          %dma_wait3A_1449 = tpu.memref_slice %arg9[%dma_wait3A_1433, %dma_wait3A_1447, %dma_wait3A_1448] : memref<4x64x132xf32, #tpu.memory_space<vmem>> -> memref<1x8x128xf32, #tpu.memory_space<vmem>>
          %dma_wait3A_1450 = tpu.memref_squeeze %dma_wait3A_1449 : memref<1x8x128xf32, #tpu.memory_space<vmem>> -> memref<8x128xf32, #tpu.memory_space<vmem>>
          tpu.wait_dma2 semaphore(%arg17 : memref<!tpu.dma_semaphore, #tpu.memory_space<semaphore_mem>>) src(%dma_wait3A_1450 : memref<8x128xf32, #tpu.memory_space<vmem>>) dst(%dma_wait3A_1446 : memref<8x128xf32, #tpu.memory_space<hbm>>)
          %dma_wait3A_1451 = arith.constant 3 : i32
          %dma_wait3A_1452 = arith.constant 1 : i32
          %dma_wait3A_1453 = arith.constant 8 : i32
          %dma_wait3A_1454 = arith.constant 0 : i32
          %dma_wait3A_1455 = tpu.memref_slice %arg9[%dma_wait3A_1451, %dma_wait3A_1453, %dma_wait3A_1454] : memref<4x64x132xf32, #tpu.memory_space<vmem>> -> memref<1x8x128xf32, #tpu.memory_space<vmem>>
          %dma_wait3A_1456 = tpu.memref_squeeze %dma_wait3A_1455 : memref<1x8x128xf32, #tpu.memory_space<vmem>> -> memref<8x128xf32, #tpu.memory_space<vmem>>
          %dma_wait3A_1457 = arith.constant 0 : i32
          %dma_wait3A_1458 = arith.constant 0 : i32
          %dma_wait3A_1459 = tpu.memref_slice %arg5[%sub3A_1432, %dma_wait3A_1452, %add3A, %dma_wait3A_1457, %dma_wait3A_1458] : memref<200x8x32x8x128xf32, #tpu.memory_space<hbm>> -> memref<1x1x1x8x128xf32, #tpu.memory_space<hbm>>
          %dma_wait3A_1460 = tpu.memref_squeeze %dma_wait3A_1459 : memref<1x1x1x8x128xf32, #tpu.memory_space<hbm>> -> memref<8x128xf32, #tpu.memory_space<hbm>>
          %dma_wait3A_1461 = arith.constant 0 : i32
          %dma_wait3A_1462 = arith.constant 0 : i32
          %dma_wait3A_1463 = tpu.memref_slice %arg5[%sub3A_1432, %dma_wait3A_1452, %add3A, %dma_wait3A_1461, %dma_wait3A_1462] : memref<200x8x32x8x128xf32, #tpu.memory_space<hbm>> -> memref<1x1x1x8x128xf32, #tpu.memory_space<hbm>>
          %dma_wait3A_1464 = tpu.memref_squeeze %dma_wait3A_1463 : memref<1x1x1x8x128xf32, #tpu.memory_space<hbm>> -> memref<8x128xf32, #tpu.memory_space<hbm>>
          %dma_wait3A_1465 = arith.constant 8 : i32
          %dma_wait3A_1466 = arith.constant 0 : i32
          %dma_wait3A_1467 = tpu.memref_slice %arg9[%dma_wait3A_1451, %dma_wait3A_1465, %dma_wait3A_1466] : memref<4x64x132xf32, #tpu.memory_space<vmem>> -> memref<1x8x128xf32, #tpu.memory_space<vmem>>
          %dma_wait3A_1468 = tpu.memref_squeeze %dma_wait3A_1467 : memref<1x8x128xf32, #tpu.memory_space<vmem>> -> memref<8x128xf32, #tpu.memory_space<vmem>>
          tpu.wait_dma2 semaphore(%arg17 : memref<!tpu.dma_semaphore, #tpu.memory_space<semaphore_mem>>) src(%dma_wait3A_1468 : memref<8x128xf32, #tpu.memory_space<vmem>>) dst(%dma_wait3A_1464 : memref<8x128xf32, #tpu.memory_space<hbm>>)
          %dma_wait3A_1469 = arith.constant 3 : i32
          %dma_wait3A_1470 = arith.constant 2 : i32
          %dma_wait3A_1471 = arith.constant 16 : i32
          %dma_wait3A_1472 = arith.constant 0 : i32
          %dma_wait3A_1473 = tpu.memref_slice %arg9[%dma_wait3A_1469, %dma_wait3A_1471, %dma_wait3A_1472] : memref<4x64x132xf32, #tpu.memory_space<vmem>> -> memref<1x8x128xf32, #tpu.memory_space<vmem>>
          %dma_wait3A_1474 = tpu.memref_squeeze %dma_wait3A_1473 : memref<1x8x128xf32, #tpu.memory_space<vmem>> -> memref<8x128xf32, #tpu.memory_space<vmem>>
          %dma_wait3A_1475 = arith.constant 0 : i32
          %dma_wait3A_1476 = arith.constant 0 : i32
          %dma_wait3A_1477 = tpu.memref_slice %arg5[%sub3A_1432, %dma_wait3A_1470, %add3A, %dma_wait3A_1475, %dma_wait3A_1476] : memref<200x8x32x8x128xf32, #tpu.memory_space<hbm>> -> memref<1x1x1x8x128xf32, #tpu.memory_space<hbm>>
          %dma_wait3A_1478 = tpu.memref_squeeze %dma_wait3A_1477 : memref<1x1x1x8x128xf32, #tpu.memory_space<hbm>> -> memref<8x128xf32, #tpu.memory_space<hbm>>
          %dma_wait3A_1479 = arith.constant 0 : i32
          %dma_wait3A_1480 = arith.constant 0 : i32
          %dma_wait3A_1481 = tpu.memref_slice %arg5[%sub3A_1432, %dma_wait3A_1470, %add3A, %dma_wait3A_1479, %dma_wait3A_1480] : memref<200x8x32x8x128xf32, #tpu.memory_space<hbm>> -> memref<1x1x1x8x128xf32, #tpu.memory_space<hbm>>
          %dma_wait3A_1482 = tpu.memref_squeeze %dma_wait3A_1481 : memref<1x1x1x8x128xf32, #tpu.memory_space<hbm>> -> memref<8x128xf32, #tpu.memory_space<hbm>>
          %dma_wait3A_1483 = arith.constant 16 : i32
          %dma_wait3A_1484 = arith.constant 0 : i32
          %dma_wait3A_1485 = tpu.memref_slice %arg9[%dma_wait3A_1469, %dma_wait3A_1483, %dma_wait3A_1484] : memref<4x64x132xf32, #tpu.memory_space<vmem>> -> memref<1x8x128xf32, #tpu.memory_space<vmem>>
          %dma_wait3A_1486 = tpu.memref_squeeze %dma_wait3A_1485 : memref<1x8x128xf32, #tpu.memory_space<vmem>> -> memref<8x128xf32, #tpu.memory_space<vmem>>
          tpu.wait_dma2 semaphore(%arg17 : memref<!tpu.dma_semaphore, #tpu.memory_space<semaphore_mem>>) src(%dma_wait3A_1486 : memref<8x128xf32, #tpu.memory_space<vmem>>) dst(%dma_wait3A_1482 : memref<8x128xf32, #tpu.memory_space<hbm>>)
          %dma_wait3A_1487 = arith.constant 3 : i32
          %dma_wait3A_1488 = arith.constant 3 : i32
          %dma_wait3A_1489 = arith.constant 24 : i32
          %dma_wait3A_1490 = arith.constant 0 : i32
          %dma_wait3A_1491 = tpu.memref_slice %arg9[%dma_wait3A_1487, %dma_wait3A_1489, %dma_wait3A_1490] : memref<4x64x132xf32, #tpu.memory_space<vmem>> -> memref<1x8x128xf32, #tpu.memory_space<vmem>>
          %dma_wait3A_1492 = tpu.memref_squeeze %dma_wait3A_1491 : memref<1x8x128xf32, #tpu.memory_space<vmem>> -> memref<8x128xf32, #tpu.memory_space<vmem>>
          %dma_wait3A_1493 = arith.constant 0 : i32
          %dma_wait3A_1494 = arith.constant 0 : i32
          %dma_wait3A_1495 = tpu.memref_slice %arg5[%sub3A_1432, %dma_wait3A_1488, %add3A, %dma_wait3A_1493, %dma_wait3A_1494] : memref<200x8x32x8x128xf32, #tpu.memory_space<hbm>> -> memref<1x1x1x8x128xf32, #tpu.memory_space<hbm>>
          %dma_wait3A_1496 = tpu.memref_squeeze %dma_wait3A_1495 : memref<1x1x1x8x128xf32, #tpu.memory_space<hbm>> -> memref<8x128xf32, #tpu.memory_space<hbm>>
          %dma_wait3A_1497 = arith.constant 0 : i32
          %dma_wait3A_1498 = arith.constant 0 : i32
          %dma_wait3A_1499 = tpu.memref_slice %arg5[%sub3A_1432, %dma_wait3A_1488, %add3A, %dma_wait3A_1497, %dma_wait3A_1498] : memref<200x8x32x8x128xf32, #tpu.memory_space<hbm>> -> memref<1x1x1x8x128xf32, #tpu.memory_space<hbm>>
          %dma_wait3A_1500 = tpu.memref_squeeze %dma_wait3A_1499 : memref<1x1x1x8x128xf32, #tpu.memory_space<hbm>> -> memref<8x128xf32, #tpu.memory_space<hbm>>
          %dma_wait3A_1501 = arith.constant 24 : i32
          %dma_wait3A_1502 = arith.constant 0 : i32
          %dma_wait3A_1503 = tpu.memref_slice %arg9[%dma_wait3A_1487, %dma_wait3A_1501, %dma_wait3A_1502] : memref<4x64x132xf32, #tpu.memory_space<vmem>> -> memref<1x8x128xf32, #tpu.memory_space<vmem>>
          %dma_wait3A_1504 = tpu.memref_squeeze %dma_wait3A_1503 : memref<1x8x128xf32, #tpu.memory_space<vmem>> -> memref<8x128xf32, #tpu.memory_space<vmem>>
          tpu.wait_dma2 semaphore(%arg17 : memref<!tpu.dma_semaphore, #tpu.memory_space<semaphore_mem>>) src(%dma_wait3A_1504 : memref<8x128xf32, #tpu.memory_space<vmem>>) dst(%dma_wait3A_1500 : memref<8x128xf32, #tpu.memory_space<hbm>>)
          %dma_wait3A_1505 = arith.constant 3 : i32
          %dma_wait3A_1506 = arith.constant 4 : i32
          %dma_wait3A_1507 = arith.constant 32 : i32
          %dma_wait3A_1508 = arith.constant 0 : i32
          %dma_wait3A_1509 = tpu.memref_slice %arg9[%dma_wait3A_1505, %dma_wait3A_1507, %dma_wait3A_1508] : memref<4x64x132xf32, #tpu.memory_space<vmem>> -> memref<1x8x128xf32, #tpu.memory_space<vmem>>
          %dma_wait3A_1510 = tpu.memref_squeeze %dma_wait3A_1509 : memref<1x8x128xf32, #tpu.memory_space<vmem>> -> memref<8x128xf32, #tpu.memory_space<vmem>>
          %dma_wait3A_1511 = arith.constant 0 : i32
          %dma_wait3A_1512 = arith.constant 0 : i32
          %dma_wait3A_1513 = tpu.memref_slice %arg5[%sub3A_1432, %dma_wait3A_1506, %add3A, %dma_wait3A_1511, %dma_wait3A_1512] : memref<200x8x32x8x128xf32, #tpu.memory_space<hbm>> -> memref<1x1x1x8x128xf32, #tpu.memory_space<hbm>>
          %dma_wait3A_1514 = tpu.memref_squeeze %dma_wait3A_1513 : memref<1x1x1x8x128xf32, #tpu.memory_space<hbm>> -> memref<8x128xf32, #tpu.memory_space<hbm>>
          %dma_wait3A_1515 = arith.constant 0 : i32
          %dma_wait3A_1516 = arith.constant 0 : i32
          %dma_wait3A_1517 = tpu.memref_slice %arg5[%sub3A_1432, %dma_wait3A_1506, %add3A, %dma_wait3A_1515, %dma_wait3A_1516] : memref<200x8x32x8x128xf32, #tpu.memory_space<hbm>> -> memref<1x1x1x8x128xf32, #tpu.memory_space<hbm>>
          %dma_wait3A_1518 = tpu.memref_squeeze %dma_wait3A_1517 : memref<1x1x1x8x128xf32, #tpu.memory_space<hbm>> -> memref<8x128xf32, #tpu.memory_space<hbm>>
          %dma_wait3A_1519 = arith.constant 32 : i32
          %dma_wait3A_1520 = arith.constant 0 : i32
          %dma_wait3A_1521 = tpu.memref_slice %arg9[%dma_wait3A_1505, %dma_wait3A_1519, %dma_wait3A_1520] : memref<4x64x132xf32, #tpu.memory_space<vmem>> -> memref<1x8x128xf32, #tpu.memory_space<vmem>>
          %dma_wait3A_1522 = tpu.memref_squeeze %dma_wait3A_1521 : memref<1x8x128xf32, #tpu.memory_space<vmem>> -> memref<8x128xf32, #tpu.memory_space<vmem>>
          tpu.wait_dma2 semaphore(%arg17 : memref<!tpu.dma_semaphore, #tpu.memory_space<semaphore_mem>>) src(%dma_wait3A_1522 : memref<8x128xf32, #tpu.memory_space<vmem>>) dst(%dma_wait3A_1518 : memref<8x128xf32, #tpu.memory_space<hbm>>)
          %dma_wait3A_1523 = arith.constant 3 : i32
          %dma_wait3A_1524 = arith.constant 5 : i32
          %dma_wait3A_1525 = arith.constant 40 : i32
          %dma_wait3A_1526 = arith.constant 0 : i32
          %dma_wait3A_1527 = tpu.memref_slice %arg9[%dma_wait3A_1523, %dma_wait3A_1525, %dma_wait3A_1526] : memref<4x64x132xf32, #tpu.memory_space<vmem>> -> memref<1x8x128xf32, #tpu.memory_space<vmem>>
          %dma_wait3A_1528 = tpu.memref_squeeze %dma_wait3A_1527 : memref<1x8x128xf32, #tpu.memory_space<vmem>> -> memref<8x128xf32, #tpu.memory_space<vmem>>
          %dma_wait3A_1529 = arith.constant 0 : i32
          %dma_wait3A_1530 = arith.constant 0 : i32
          %dma_wait3A_1531 = tpu.memref_slice %arg5[%sub3A_1432, %dma_wait3A_1524, %add3A, %dma_wait3A_1529, %dma_wait3A_1530] : memref<200x8x32x8x128xf32, #tpu.memory_space<hbm>> -> memref<1x1x1x8x128xf32, #tpu.memory_space<hbm>>
          %dma_wait3A_1532 = tpu.memref_squeeze %dma_wait3A_1531 : memref<1x1x1x8x128xf32, #tpu.memory_space<hbm>> -> memref<8x128xf32, #tpu.memory_space<hbm>>
          %dma_wait3A_1533 = arith.constant 0 : i32
          %dma_wait3A_1534 = arith.constant 0 : i32
          %dma_wait3A_1535 = tpu.memref_slice %arg5[%sub3A_1432, %dma_wait3A_1524, %add3A, %dma_wait3A_1533, %dma_wait3A_1534] : memref<200x8x32x8x128xf32, #tpu.memory_space<hbm>> -> memref<1x1x1x8x128xf32, #tpu.memory_space<hbm>>
          %dma_wait3A_1536 = tpu.memref_squeeze %dma_wait3A_1535 : memref<1x1x1x8x128xf32, #tpu.memory_space<hbm>> -> memref<8x128xf32, #tpu.memory_space<hbm>>
          %dma_wait3A_1537 = arith.constant 40 : i32
          %dma_wait3A_1538 = arith.constant 0 : i32
          %dma_wait3A_1539 = tpu.memref_slice %arg9[%dma_wait3A_1523, %dma_wait3A_1537, %dma_wait3A_1538] : memref<4x64x132xf32, #tpu.memory_space<vmem>> -> memref<1x8x128xf32, #tpu.memory_space<vmem>>
          %dma_wait3A_1540 = tpu.memref_squeeze %dma_wait3A_1539 : memref<1x8x128xf32, #tpu.memory_space<vmem>> -> memref<8x128xf32, #tpu.memory_space<vmem>>
          tpu.wait_dma2 semaphore(%arg17 : memref<!tpu.dma_semaphore, #tpu.memory_space<semaphore_mem>>) src(%dma_wait3A_1540 : memref<8x128xf32, #tpu.memory_space<vmem>>) dst(%dma_wait3A_1536 : memref<8x128xf32, #tpu.memory_space<hbm>>)
          %dma_wait3A_1541 = arith.constant 3 : i32
          %dma_wait3A_1542 = arith.constant 6 : i32
          %dma_wait3A_1543 = arith.constant 48 : i32
          %dma_wait3A_1544 = arith.constant 0 : i32
          %dma_wait3A_1545 = tpu.memref_slice %arg9[%dma_wait3A_1541, %dma_wait3A_1543, %dma_wait3A_1544] : memref<4x64x132xf32, #tpu.memory_space<vmem>> -> memref<1x8x128xf32, #tpu.memory_space<vmem>>
          %dma_wait3A_1546 = tpu.memref_squeeze %dma_wait3A_1545 : memref<1x8x128xf32, #tpu.memory_space<vmem>> -> memref<8x128xf32, #tpu.memory_space<vmem>>
          %dma_wait3A_1547 = arith.constant 0 : i32
          %dma_wait3A_1548 = arith.constant 0 : i32
          %dma_wait3A_1549 = tpu.memref_slice %arg5[%sub3A_1432, %dma_wait3A_1542, %add3A, %dma_wait3A_1547, %dma_wait3A_1548] : memref<200x8x32x8x128xf32, #tpu.memory_space<hbm>> -> memref<1x1x1x8x128xf32, #tpu.memory_space<hbm>>
          %dma_wait3A_1550 = tpu.memref_squeeze %dma_wait3A_1549 : memref<1x1x1x8x128xf32, #tpu.memory_space<hbm>> -> memref<8x128xf32, #tpu.memory_space<hbm>>
          %dma_wait3A_1551 = arith.constant 0 : i32
          %dma_wait3A_1552 = arith.constant 0 : i32
          %dma_wait3A_1553 = tpu.memref_slice %arg5[%sub3A_1432, %dma_wait3A_1542, %add3A, %dma_wait3A_1551, %dma_wait3A_1552] : memref<200x8x32x8x128xf32, #tpu.memory_space<hbm>> -> memref<1x1x1x8x128xf32, #tpu.memory_space<hbm>>
          %dma_wait3A_1554 = tpu.memref_squeeze %dma_wait3A_1553 : memref<1x1x1x8x128xf32, #tpu.memory_space<hbm>> -> memref<8x128xf32, #tpu.memory_space<hbm>>
          %dma_wait3A_1555 = arith.constant 48 : i32
          %dma_wait3A_1556 = arith.constant 0 : i32
          %dma_wait3A_1557 = tpu.memref_slice %arg9[%dma_wait3A_1541, %dma_wait3A_1555, %dma_wait3A_1556] : memref<4x64x132xf32, #tpu.memory_space<vmem>> -> memref<1x8x128xf32, #tpu.memory_space<vmem>>
          %dma_wait3A_1558 = tpu.memref_squeeze %dma_wait3A_1557 : memref<1x8x128xf32, #tpu.memory_space<vmem>> -> memref<8x128xf32, #tpu.memory_space<vmem>>
          tpu.wait_dma2 semaphore(%arg17 : memref<!tpu.dma_semaphore, #tpu.memory_space<semaphore_mem>>) src(%dma_wait3A_1558 : memref<8x128xf32, #tpu.memory_space<vmem>>) dst(%dma_wait3A_1554 : memref<8x128xf32, #tpu.memory_space<hbm>>)
          %dma_wait3A_1559 = arith.constant 3 : i32
          %dma_wait3A_1560 = arith.constant 7 : i32
          %dma_wait3A_1561 = arith.constant 56 : i32
          %dma_wait3A_1562 = arith.constant 0 : i32
          %dma_wait3A_1563 = tpu.memref_slice %arg9[%dma_wait3A_1559, %dma_wait3A_1561, %dma_wait3A_1562] : memref<4x64x132xf32, #tpu.memory_space<vmem>> -> memref<1x8x128xf32, #tpu.memory_space<vmem>>
          %dma_wait3A_1564 = tpu.memref_squeeze %dma_wait3A_1563 : memref<1x8x128xf32, #tpu.memory_space<vmem>> -> memref<8x128xf32, #tpu.memory_space<vmem>>
          %dma_wait3A_1565 = arith.constant 0 : i32
          %dma_wait3A_1566 = arith.constant 0 : i32
          %dma_wait3A_1567 = tpu.memref_slice %arg5[%sub3A_1432, %dma_wait3A_1560, %add3A, %dma_wait3A_1565, %dma_wait3A_1566] : memref<200x8x32x8x128xf32, #tpu.memory_space<hbm>> -> memref<1x1x1x8x128xf32, #tpu.memory_space<hbm>>
          %dma_wait3A_1568 = tpu.memref_squeeze %dma_wait3A_1567 : memref<1x1x1x8x128xf32, #tpu.memory_space<hbm>> -> memref<8x128xf32, #tpu.memory_space<hbm>>
          %dma_wait3A_1569 = arith.constant 0 : i32
          %dma_wait3A_1570 = arith.constant 0 : i32
          %dma_wait3A_1571 = tpu.memref_slice %arg5[%sub3A_1432, %dma_wait3A_1560, %add3A, %dma_wait3A_1569, %dma_wait3A_1570] : memref<200x8x32x8x128xf32, #tpu.memory_space<hbm>> -> memref<1x1x1x8x128xf32, #tpu.memory_space<hbm>>
          %dma_wait3A_1572 = tpu.memref_squeeze %dma_wait3A_1571 : memref<1x1x1x8x128xf32, #tpu.memory_space<hbm>> -> memref<8x128xf32, #tpu.memory_space<hbm>>
          %dma_wait3A_1573 = arith.constant 56 : i32
          %dma_wait3A_1574 = arith.constant 0 : i32
          %dma_wait3A_1575 = tpu.memref_slice %arg9[%dma_wait3A_1559, %dma_wait3A_1573, %dma_wait3A_1574] : memref<4x64x132xf32, #tpu.memory_space<vmem>> -> memref<1x8x128xf32, #tpu.memory_space<vmem>>
          %dma_wait3A_1576 = tpu.memref_squeeze %dma_wait3A_1575 : memref<1x8x128xf32, #tpu.memory_space<vmem>> -> memref<8x128xf32, #tpu.memory_space<vmem>>
          tpu.wait_dma2 semaphore(%arg17 : memref<!tpu.dma_semaphore, #tpu.memory_space<semaphore_mem>>) src(%dma_wait3A_1576 : memref<8x128xf32, #tpu.memory_space<vmem>>) dst(%dma_wait3A_1572 : memref<8x128xf32, #tpu.memory_space<hbm>>)
        } else {
        }
        %dma_start3A_1421 = arith.constant 3 : i32
        %dma_start3A_1422 = arith.constant 0 : i32
        %dma_start3A_1423 = arith.constant 0 : i32
        %dma_start3A_1424 = tpu.memref_slice %arg8[%dma_start3A_1421, %dma_start3A_1422, %dma_start3A_1423] : memref<4x128x64xf32, #tpu.memory_space<vmem>> -> memref<1x128x64xf32, #tpu.memory_space<vmem>>
        %dma_start3A_1425 = tpu.memref_squeeze %dma_start3A_1424 : memref<1x128x64xf32, #tpu.memory_space<vmem>> -> memref<128x64xf32, #tpu.memory_space<vmem>>
        %dma_start3A_1426 = arith.constant 0 : i32
        %dma_start3A_1427 = tpu.memref_slice %arg6[%add3A_837, %dma_start3A_1426] : memref<200x128xi32, #tpu.memory_space<vmem>> -> memref<1x128xi32, #tpu.memory_space<vmem>>
        %dma_start3A_1428 = tpu.memref_squeeze %dma_start3A_1427 : memref<1x128xi32, #tpu.memory_space<vmem>> -> memref<128xi32, #tpu.memory_space<vmem>>
        %dma_start3A_1429 = arith.constant 0 : i32
        %dma_start3A_1430 = arith.constant 0 : i32
        %dma_start3A_1431 = tpu.memref_slice %arg3[%dma_start3A_1429, %dma_start3A_1430] : memref<1000000x64xf32, #tpu.memory_space<hbm>> -> memref<1000000x64xf32, #tpu.memory_space<hbm>>
        tpu.enqueue_indirect_dma source(%dma_start3A_1431 : memref<1000000x64xf32, #tpu.memory_space<hbm>>) target(%dma_start3A_1425 : memref<128x64xf32, #tpu.memory_space<vmem>>) offsets(%dma_start3A_1428 : memref<128xi32, #tpu.memory_space<vmem>>) semaphore(%arg13 : memref<!tpu.dma_semaphore, #tpu.memory_space<semaphore_mem>>)
      } else {
      }
      %dma_wait3A_843 = arith.constant 1 : i32
      %dma_wait3A_844 = arith.constant 0 : i32
      %dma_wait3A_845 = arith.constant 0 : i32
      %dma_wait3A_846 = tpu.memref_slice %arg8[%dma_wait3A_843, %dma_wait3A_844, %dma_wait3A_845] : memref<4x128x64xf32, #tpu.memory_space<vmem>> -> memref<1x128x64xf32, #tpu.memory_space<vmem>>
      %dma_wait3A_847 = tpu.memref_squeeze %dma_wait3A_846 : memref<1x128x64xf32, #tpu.memory_space<vmem>> -> memref<128x64xf32, #tpu.memory_space<vmem>>
      %dma_wait3A_848 = arith.constant 0 : i32
      %dma_wait3A_849 = tpu.memref_slice %arg6[%add3A_835, %dma_wait3A_848] : memref<200x128xi32, #tpu.memory_space<vmem>> -> memref<1x128xi32, #tpu.memory_space<vmem>>
      %dma_wait3A_850 = tpu.memref_squeeze %dma_wait3A_849 : memref<1x128xi32, #tpu.memory_space<vmem>> -> memref<128xi32, #tpu.memory_space<vmem>>
      %dma_wait3A_851 = arith.constant 0 : i32
      %dma_wait3A_852 = arith.constant 0 : i32
      %dma_wait3A_853 = tpu.memref_slice %arg3[%dma_wait3A_851, %dma_wait3A_852] : memref<1000000x64xf32, #tpu.memory_space<hbm>> -> memref<1000000x64xf32, #tpu.memory_space<hbm>>
      tpu.wait_indirect_dma semaphore(%arg11 : memref<!tpu.dma_semaphore, #tpu.memory_space<semaphore_mem>>) src(%dma_wait3A_853 : memref<1000000x64xf32, #tpu.memory_space<hbm>>) dst(%dma_wait3A_847 : memref<128x64xf32, #tpu.memory_space<vmem>>)
      %get3A_854 = arith.index_cast %add3A_835 : i32 to index
      %get3A_855 = arith.constant 0 : index
      %get3A_856 = tpu.vector_load %arg7[%get3A_854, %get3A_855] {strides = array<i32>} : memref<200x64xf32, #tpu.memory_space<vmem>>, vector<16xf32>,
      %add3A_857 = arith.constant 0 : i32
      %add3A_858 = vector.broadcast %add3A_857 : i32 to vector<16xi32>
      %add3A_859 = arith.addi %iota3A, %add3A_858 : vector<16xi32>
      %get3A_860 = arith.index_cast %add3A_835 : i32 to index
      %get3A_861 = arith.constant 16 : index
      %get3A_862 = tpu.vector_load %arg7[%get3A_860, %get3A_861] {strides = array<i32>} : memref<200x64xf32, #tpu.memory_space<vmem>>, vector<16xf32>,
      %add3A_863 = arith.constant 16 : i32
      %add3A_864 = vector.broadcast %add3A_863 : i32 to vector<16xi32>
      %add3A_865 = arith.addi %iota3A, %add3A_864 : vector<16xi32>
      %get3A_866 = arith.index_cast %add3A_835 : i32 to index
      %get3A_867 = arith.constant 32 : index
      %get3A_868 = tpu.vector_load %arg7[%get3A_866, %get3A_867] {strides = array<i32>} : memref<200x64xf32, #tpu.memory_space<vmem>>, vector<16xf32>,
      %add3A_869 = arith.constant 32 : i32
      %add3A_870 = vector.broadcast %add3A_869 : i32 to vector<16xi32>
      %add3A_871 = arith.addi %iota3A, %add3A_870 : vector<16xi32>
      %get3A_872 = arith.index_cast %add3A_835 : i32 to index
      %get3A_873 = arith.constant 48 : index
      %get3A_874 = tpu.vector_load %arg7[%get3A_872, %get3A_873] {strides = array<i32>} : memref<200x64xf32, #tpu.memory_space<vmem>>, vector<16xf32>,
      %add3A_875 = arith.constant 48 : i32
      %add3A_876 = vector.broadcast %add3A_875 : i32 to vector<16xi32>
      %add3A_877 = arith.addi %iota3A, %add3A_876 : vector<16xi32>
      %parallel_loop3A_878 = arith.constant 0 : i32
      %parallel_loop3A_879 = arith.constant 128 : i32
      %parallel_loop3A_880 = arith.constant 1 : i32
      %parallel_loop3A_881 = arith.constant 1 : i32
      %parallel_loop3A_882 = arith.constant 1 : i32
      scf.for %parallel_loop3A_1417 = %parallel_loop3A_878 to %parallel_loop3A_879 step %parallel_loop3A_880  : i32 {
        %parallel_loop3A_1418 = vector.broadcast %parallel_loop3A_1417 : i32 to vector<16xi32>
        %parallel_loop3A_1419 = arith.constant 0 : i32
        %parallel_loop3A_1420 = arith.constant 0 : i32
        %parallel_loop3A_1421 = tpu.memref_slice %arg8[%parallel_loop3A_881, %parallel_loop3A_1419, %parallel_loop3A_1420] : memref<4x128x64xf32, #tpu.memory_space<vmem>> -> memref<1x128x64xf32, #tpu.memory_space<vmem>>
        %parallel_loop3A_1422 = tpu.memref_squeeze %parallel_loop3A_1421 : memref<1x128x64xf32, #tpu.memory_space<vmem>> -> memref<128x64xf32, #tpu.memory_space<vmem>>
        %parallel_loop3A_1423 = arith.index_cast %parallel_loop3A_1417 : i32 to index
        %parallel_loop3A_1424 = arith.constant 0 : index
        %parallel_loop3A_1425 = tpu.vector_load %parallel_loop3A_1422[%parallel_loop3A_1423, %parallel_loop3A_1424] {strides = array<i32>} : memref<128x64xf32, #tpu.memory_space<vmem>>, vector<16xf32>,
        %parallel_loop3A_1426 = arith.addf %parallel_loop3A_1425, %get3A_856 : vector<16xf32>
        %parallel_loop3A_1427 = arith.constant 0 : i32
        %parallel_loop3A_1428 = arith.constant 0 : i32
        %parallel_loop3A_1429 = tpu.memref_slice %arg9[%parallel_loop3A_882, %parallel_loop3A_1427, %parallel_loop3A_1428] : memref<4x64x132xf32, #tpu.memory_space<vmem>> -> memref<1x64x132xf32, #tpu.memory_space<vmem>>
        %parallel_loop3A_1430 = tpu.memref_squeeze %parallel_loop3A_1429 : memref<1x64x132xf32, #tpu.memory_space<vmem>> -> memref<64x132xf32, #tpu.memory_space<vmem>>
        tpu.vector_store_idx %parallel_loop3A_1430[%add3A_859, %parallel_loop3A_1418], %parallel_loop3A_1426 : memref<64x132xf32, #tpu.memory_space<vmem>>[vector<16xi32>, vector<16xi32>], vector<16xf32>,
        %parallel_loop3A_1431 = arith.constant 0 : i32
        %parallel_loop3A_1432 = arith.constant 0 : i32
        %parallel_loop3A_1433 = tpu.memref_slice %arg8[%parallel_loop3A_881, %parallel_loop3A_1431, %parallel_loop3A_1432] : memref<4x128x64xf32, #tpu.memory_space<vmem>> -> memref<1x128x64xf32, #tpu.memory_space<vmem>>
        %parallel_loop3A_1434 = tpu.memref_squeeze %parallel_loop3A_1433 : memref<1x128x64xf32, #tpu.memory_space<vmem>> -> memref<128x64xf32, #tpu.memory_space<vmem>>
        %parallel_loop3A_1435 = arith.index_cast %parallel_loop3A_1417 : i32 to index
        %parallel_loop3A_1436 = arith.constant 16 : index
        %parallel_loop3A_1437 = tpu.vector_load %parallel_loop3A_1434[%parallel_loop3A_1435, %parallel_loop3A_1436] {strides = array<i32>} : memref<128x64xf32, #tpu.memory_space<vmem>>, vector<16xf32>,
        %parallel_loop3A_1438 = arith.addf %parallel_loop3A_1437, %get3A_862 : vector<16xf32>
        %parallel_loop3A_1439 = arith.constant 0 : i32
        %parallel_loop3A_1440 = arith.constant 0 : i32
        %parallel_loop3A_1441 = tpu.memref_slice %arg9[%parallel_loop3A_882, %parallel_loop3A_1439, %parallel_loop3A_1440] : memref<4x64x132xf32, #tpu.memory_space<vmem>> -> memref<1x64x132xf32, #tpu.memory_space<vmem>>
        %parallel_loop3A_1442 = tpu.memref_squeeze %parallel_loop3A_1441 : memref<1x64x132xf32, #tpu.memory_space<vmem>> -> memref<64x132xf32, #tpu.memory_space<vmem>>
        tpu.vector_store_idx %parallel_loop3A_1442[%add3A_865, %parallel_loop3A_1418], %parallel_loop3A_1438 : memref<64x132xf32, #tpu.memory_space<vmem>>[vector<16xi32>, vector<16xi32>], vector<16xf32>,
        %parallel_loop3A_1443 = arith.constant 0 : i32
        %parallel_loop3A_1444 = arith.constant 0 : i32
        %parallel_loop3A_1445 = tpu.memref_slice %arg8[%parallel_loop3A_881, %parallel_loop3A_1443, %parallel_loop3A_1444] : memref<4x128x64xf32, #tpu.memory_space<vmem>> -> memref<1x128x64xf32, #tpu.memory_space<vmem>>
        %parallel_loop3A_1446 = tpu.memref_squeeze %parallel_loop3A_1445 : memref<1x128x64xf32, #tpu.memory_space<vmem>> -> memref<128x64xf32, #tpu.memory_space<vmem>>
        %parallel_loop3A_1447 = arith.index_cast %parallel_loop3A_1417 : i32 to index
        %parallel_loop3A_1448 = arith.constant 32 : index
        %parallel_loop3A_1449 = tpu.vector_load %parallel_loop3A_1446[%parallel_loop3A_1447, %parallel_loop3A_1448] {strides = array<i32>} : memref<128x64xf32, #tpu.memory_space<vmem>>, vector<16xf32>,
        %parallel_loop3A_1450 = arith.addf %parallel_loop3A_1449, %get3A_868 : vector<16xf32>
        %parallel_loop3A_1451 = arith.constant 0 : i32
        %parallel_loop3A_1452 = arith.constant 0 : i32
        %parallel_loop3A_1453 = tpu.memref_slice %arg9[%parallel_loop3A_882, %parallel_loop3A_1451, %parallel_loop3A_1452] : memref<4x64x132xf32, #tpu.memory_space<vmem>> -> memref<1x64x132xf32, #tpu.memory_space<vmem>>
        %parallel_loop3A_1454 = tpu.memref_squeeze %parallel_loop3A_1453 : memref<1x64x132xf32, #tpu.memory_space<vmem>> -> memref<64x132xf32, #tpu.memory_space<vmem>>
        tpu.vector_store_idx %parallel_loop3A_1454[%add3A_871, %parallel_loop3A_1418], %parallel_loop3A_1450 : memref<64x132xf32, #tpu.memory_space<vmem>>[vector<16xi32>, vector<16xi32>], vector<16xf32>,
        %parallel_loop3A_1455 = arith.constant 0 : i32
        %parallel_loop3A_1456 = arith.constant 0 : i32
        %parallel_loop3A_1457 = tpu.memref_slice %arg8[%parallel_loop3A_881, %parallel_loop3A_1455, %parallel_loop3A_1456] : memref<4x128x64xf32, #tpu.memory_space<vmem>> -> memref<1x128x64xf32, #tpu.memory_space<vmem>>
        %parallel_loop3A_1458 = tpu.memref_squeeze %parallel_loop3A_1457 : memref<1x128x64xf32, #tpu.memory_space<vmem>> -> memref<128x64xf32, #tpu.memory_space<vmem>>
        %parallel_loop3A_1459 = arith.index_cast %parallel_loop3A_1417 : i32 to index
        %parallel_loop3A_1460 = arith.constant 48 : index
        %parallel_loop3A_1461 = tpu.vector_load %parallel_loop3A_1458[%parallel_loop3A_1459, %parallel_loop3A_1460] {strides = array<i32>} : memref<128x64xf32, #tpu.memory_space<vmem>>, vector<16xf32>,
        %parallel_loop3A_1462 = arith.addf %parallel_loop3A_1461, %get3A_874 : vector<16xf32>
        %parallel_loop3A_1463 = arith.constant 0 : i32
        %parallel_loop3A_1464 = arith.constant 0 : i32
        %parallel_loop3A_1465 = tpu.memref_slice %arg9[%parallel_loop3A_882, %parallel_loop3A_1463, %parallel_loop3A_1464] : memref<4x64x132xf32, #tpu.memory_space<vmem>> -> memref<1x64x132xf32, #tpu.memory_space<vmem>>
        %parallel_loop3A_1466 = tpu.memref_squeeze %parallel_loop3A_1465 : memref<1x64x132xf32, #tpu.memory_space<vmem>> -> memref<64x132xf32, #tpu.memory_space<vmem>>
        tpu.vector_store_idx %parallel_loop3A_1466[%add3A_877, %parallel_loop3A_1418], %parallel_loop3A_1462 : memref<64x132xf32, #tpu.memory_space<vmem>>[vector<16xi32>, vector<16xi32>], vector<16xf32>,
      } {sc.loop_unroll_factor = 4 : i64, sc.parallel_access}
      %dma_start3A_883 = arith.constant 1 : i32
      %dma_start3A_884 = arith.constant 0 : i32
      %dma_start3A_885 = arith.constant 0 : i32
      %dma_start3A_886 = arith.constant 0 : i32
      %dma_start3A_887 = tpu.memref_slice %arg9[%dma_start3A_883, %dma_start3A_885, %dma_start3A_886] : memref<4x64x132xf32, #tpu.memory_space<vmem>> -> memref<1x8x128xf32, #tpu.memory_space<vmem>>
      %dma_start3A_888 = tpu.memref_squeeze %dma_start3A_887 : memref<1x8x128xf32, #tpu.memory_space<vmem>> -> memref<8x128xf32, #tpu.memory_space<vmem>>
      %dma_start3A_889 = arith.constant 0 : i32
      %dma_start3A_890 = arith.constant 0 : i32
      %dma_start3A_891 = tpu.memref_slice %arg5[%add3A_835, %dma_start3A_884, %add3A, %dma_start3A_889, %dma_start3A_890] : memref<200x8x32x8x128xf32, #tpu.memory_space<hbm>> -> memref<1x1x1x8x128xf32, #tpu.memory_space<hbm>>
      %dma_start3A_892 = tpu.memref_squeeze %dma_start3A_891 : memref<1x1x1x8x128xf32, #tpu.memory_space<hbm>> -> memref<8x128xf32, #tpu.memory_space<hbm>>
      %dma_start3A_893 = arith.constant 0 : i32
      %dma_start3A_894 = arith.constant 0 : i32
      %dma_start3A_895 = tpu.memref_slice %arg5[%add3A_835, %dma_start3A_884, %add3A, %dma_start3A_893, %dma_start3A_894] : memref<200x8x32x8x128xf32, #tpu.memory_space<hbm>> -> memref<1x1x1x8x128xf32, #tpu.memory_space<hbm>>
      %dma_start3A_896 = tpu.memref_squeeze %dma_start3A_895 : memref<1x1x1x8x128xf32, #tpu.memory_space<hbm>> -> memref<8x128xf32, #tpu.memory_space<hbm>>
      %dma_start3A_897 = arith.constant 0 : i32
      %dma_start3A_898 = arith.constant 0 : i32
      %dma_start3A_899 = tpu.memref_slice %arg9[%dma_start3A_883, %dma_start3A_897, %dma_start3A_898] : memref<4x64x132xf32, #tpu.memory_space<vmem>> -> memref<1x8x128xf32, #tpu.memory_space<vmem>>
      %dma_start3A_900 = tpu.memref_squeeze %dma_start3A_899 : memref<1x8x128xf32, #tpu.memory_space<vmem>> -> memref<8x128xf32, #tpu.memory_space<vmem>>
      tpu.enqueue_dma source(%dma_start3A_900 : memref<8x128xf32, #tpu.memory_space<vmem>>) target(%dma_start3A_896 : memref<8x128xf32, #tpu.memory_space<hbm>>) target_semaphore(%arg15 : memref<!tpu.dma_semaphore, #tpu.memory_space<semaphore_mem>>)
      %dma_start3A_901 = arith.constant 1 : i32
      %dma_start3A_902 = arith.constant 1 : i32
      %dma_start3A_903 = arith.constant 8 : i32
      %dma_start3A_904 = arith.constant 0 : i32
      %dma_start3A_905 = tpu.memref_slice %arg9[%dma_start3A_901, %dma_start3A_903, %dma_start3A_904] : memref<4x64x132xf32, #tpu.memory_space<vmem>> -> memref<1x8x128xf32, #tpu.memory_space<vmem>>
      %dma_start3A_906 = tpu.memref_squeeze %dma_start3A_905 : memref<1x8x128xf32, #tpu.memory_space<vmem>> -> memref<8x128xf32, #tpu.memory_space<vmem>>
      %dma_start3A_907 = arith.constant 0 : i32
      %dma_start3A_908 = arith.constant 0 : i32
      %dma_start3A_909 = tpu.memref_slice %arg5[%add3A_835, %dma_start3A_902, %add3A, %dma_start3A_907, %dma_start3A_908] : memref<200x8x32x8x128xf32, #tpu.memory_space<hbm>> -> memref<1x1x1x8x128xf32, #tpu.memory_space<hbm>>
      %dma_start3A_910 = tpu.memref_squeeze %dma_start3A_909 : memref<1x1x1x8x128xf32, #tpu.memory_space<hbm>> -> memref<8x128xf32, #tpu.memory_space<hbm>>
      %dma_start3A_911 = arith.constant 0 : i32
      %dma_start3A_912 = arith.constant 0 : i32
      %dma_start3A_913 = tpu.memref_slice %arg5[%add3A_835, %dma_start3A_902, %add3A, %dma_start3A_911, %dma_start3A_912] : memref<200x8x32x8x128xf32, #tpu.memory_space<hbm>> -> memref<1x1x1x8x128xf32, #tpu.memory_space<hbm>>
      %dma_start3A_914 = tpu.memref_squeeze %dma_start3A_913 : memref<1x1x1x8x128xf32, #tpu.memory_space<hbm>> -> memref<8x128xf32, #tpu.memory_space<hbm>>
      %dma_start3A_915 = arith.constant 8 : i32
      %dma_start3A_916 = arith.constant 0 : i32
      %dma_start3A_917 = tpu.memref_slice %arg9[%dma_start3A_901, %dma_start3A_915, %dma_start3A_916] : memref<4x64x132xf32, #tpu.memory_space<vmem>> -> memref<1x8x128xf32, #tpu.memory_space<vmem>>
      %dma_start3A_918 = tpu.memref_squeeze %dma_start3A_917 : memref<1x8x128xf32, #tpu.memory_space<vmem>> -> memref<8x128xf32, #tpu.memory_space<vmem>>
      tpu.enqueue_dma source(%dma_start3A_918 : memref<8x128xf32, #tpu.memory_space<vmem>>) target(%dma_start3A_914 : memref<8x128xf32, #tpu.memory_space<hbm>>) target_semaphore(%arg15 : memref<!tpu.dma_semaphore, #tpu.memory_space<semaphore_mem>>)
      %dma_start3A_919 = arith.constant 1 : i32
      %dma_start3A_920 = arith.constant 2 : i32
      %dma_start3A_921 = arith.constant 16 : i32
      %dma_start3A_922 = arith.constant 0 : i32
      %dma_start3A_923 = tpu.memref_slice %arg9[%dma_start3A_919, %dma_start3A_921, %dma_start3A_922] : memref<4x64x132xf32, #tpu.memory_space<vmem>> -> memref<1x8x128xf32, #tpu.memory_space<vmem>>
      %dma_start3A_924 = tpu.memref_squeeze %dma_start3A_923 : memref<1x8x128xf32, #tpu.memory_space<vmem>> -> memref<8x128xf32, #tpu.memory_space<vmem>>
      %dma_start3A_925 = arith.constant 0 : i32
      %dma_start3A_926 = arith.constant 0 : i32
      %dma_start3A_927 = tpu.memref_slice %arg5[%add3A_835, %dma_start3A_920, %add3A, %dma_start3A_925, %dma_start3A_926] : memref<200x8x32x8x128xf32, #tpu.memory_space<hbm>> -> memref<1x1x1x8x128xf32, #tpu.memory_space<hbm>>
      %dma_start3A_928 = tpu.memref_squeeze %dma_start3A_927 : memref<1x1x1x8x128xf32, #tpu.memory_space<hbm>> -> memref<8x128xf32, #tpu.memory_space<hbm>>
      %dma_start3A_929 = arith.constant 0 : i32
      %dma_start3A_930 = arith.constant 0 : i32
      %dma_start3A_931 = tpu.memref_slice %arg5[%add3A_835, %dma_start3A_920, %add3A, %dma_start3A_929, %dma_start3A_930] : memref<200x8x32x8x128xf32, #tpu.memory_space<hbm>> -> memref<1x1x1x8x128xf32, #tpu.memory_space<hbm>>
      %dma_start3A_932 = tpu.memref_squeeze %dma_start3A_931 : memref<1x1x1x8x128xf32, #tpu.memory_space<hbm>> -> memref<8x128xf32, #tpu.memory_space<hbm>>
      %dma_start3A_933 = arith.constant 16 : i32
      %dma_start3A_934 = arith.constant 0 : i32
      %dma_start3A_935 = tpu.memref_slice %arg9[%dma_start3A_919, %dma_start3A_933, %dma_start3A_934] : memref<4x64x132xf32, #tpu.memory_space<vmem>> -> memref<1x8x128xf32, #tpu.memory_space<vmem>>
      %dma_start3A_936 = tpu.memref_squeeze %dma_start3A_935 : memref<1x8x128xf32, #tpu.memory_space<vmem>> -> memref<8x128xf32, #tpu.memory_space<vmem>>
      tpu.enqueue_dma source(%dma_start3A_936 : memref<8x128xf32, #tpu.memory_space<vmem>>) target(%dma_start3A_932 : memref<8x128xf32, #tpu.memory_space<hbm>>) target_semaphore(%arg15 : memref<!tpu.dma_semaphore, #tpu.memory_space<semaphore_mem>>)
      %dma_start3A_937 = arith.constant 1 : i32
      %dma_start3A_938 = arith.constant 3 : i32
      %dma_start3A_939 = arith.constant 24 : i32
      %dma_start3A_940 = arith.constant 0 : i32
      %dma_start3A_941 = tpu.memref_slice %arg9[%dma_start3A_937, %dma_start3A_939, %dma_start3A_940] : memref<4x64x132xf32, #tpu.memory_space<vmem>> -> memref<1x8x128xf32, #tpu.memory_space<vmem>>
      %dma_start3A_942 = tpu.memref_squeeze %dma_start3A_941 : memref<1x8x128xf32, #tpu.memory_space<vmem>> -> memref<8x128xf32, #tpu.memory_space<vmem>>
      %dma_start3A_943 = arith.constant 0 : i32
      %dma_start3A_944 = arith.constant 0 : i32
      %dma_start3A_945 = tpu.memref_slice %arg5[%add3A_835, %dma_start3A_938, %add3A, %dma_start3A_943, %dma_start3A_944] : memref<200x8x32x8x128xf32, #tpu.memory_space<hbm>> -> memref<1x1x1x8x128xf32, #tpu.memory_space<hbm>>
      %dma_start3A_946 = tpu.memref_squeeze %dma_start3A_945 : memref<1x1x1x8x128xf32, #tpu.memory_space<hbm>> -> memref<8x128xf32, #tpu.memory_space<hbm>>
      %dma_start3A_947 = arith.constant 0 : i32
      %dma_start3A_948 = arith.constant 0 : i32
      %dma_start3A_949 = tpu.memref_slice %arg5[%add3A_835, %dma_start3A_938, %add3A, %dma_start3A_947, %dma_start3A_948] : memref<200x8x32x8x128xf32, #tpu.memory_space<hbm>> -> memref<1x1x1x8x128xf32, #tpu.memory_space<hbm>>
      %dma_start3A_950 = tpu.memref_squeeze %dma_start3A_949 : memref<1x1x1x8x128xf32, #tpu.memory_space<hbm>> -> memref<8x128xf32, #tpu.memory_space<hbm>>
      %dma_start3A_951 = arith.constant 24 : i32
      %dma_start3A_952 = arith.constant 0 : i32
      %dma_start3A_953 = tpu.memref_slice %arg9[%dma_start3A_937, %dma_start3A_951, %dma_start3A_952] : memref<4x64x132xf32, #tpu.memory_space<vmem>> -> memref<1x8x128xf32, #tpu.memory_space<vmem>>
      %dma_start3A_954 = tpu.memref_squeeze %dma_start3A_953 : memref<1x8x128xf32, #tpu.memory_space<vmem>> -> memref<8x128xf32, #tpu.memory_space<vmem>>
      tpu.enqueue_dma source(%dma_start3A_954 : memref<8x128xf32, #tpu.memory_space<vmem>>) target(%dma_start3A_950 : memref<8x128xf32, #tpu.memory_space<hbm>>) target_semaphore(%arg15 : memref<!tpu.dma_semaphore, #tpu.memory_space<semaphore_mem>>)
      %dma_start3A_955 = arith.constant 1 : i32
      %dma_start3A_956 = arith.constant 4 : i32
      %dma_start3A_957 = arith.constant 32 : i32
      %dma_start3A_958 = arith.constant 0 : i32
      %dma_start3A_959 = tpu.memref_slice %arg9[%dma_start3A_955, %dma_start3A_957, %dma_start3A_958] : memref<4x64x132xf32, #tpu.memory_space<vmem>> -> memref<1x8x128xf32, #tpu.memory_space<vmem>>
      %dma_start3A_960 = tpu.memref_squeeze %dma_start3A_959 : memref<1x8x128xf32, #tpu.memory_space<vmem>> -> memref<8x128xf32, #tpu.memory_space<vmem>>
      %dma_start3A_961 = arith.constant 0 : i32
      %dma_start3A_962 = arith.constant 0 : i32
      %dma_start3A_963 = tpu.memref_slice %arg5[%add3A_835, %dma_start3A_956, %add3A, %dma_start3A_961, %dma_start3A_962] : memref<200x8x32x8x128xf32, #tpu.memory_space<hbm>> -> memref<1x1x1x8x128xf32, #tpu.memory_space<hbm>>
      %dma_start3A_964 = tpu.memref_squeeze %dma_start3A_963 : memref<1x1x1x8x128xf32, #tpu.memory_space<hbm>> -> memref<8x128xf32, #tpu.memory_space<hbm>>
      %dma_start3A_965 = arith.constant 0 : i32
      %dma_start3A_966 = arith.constant 0 : i32
      %dma_start3A_967 = tpu.memref_slice %arg5[%add3A_835, %dma_start3A_956, %add3A, %dma_start3A_965, %dma_start3A_966] : memref<200x8x32x8x128xf32, #tpu.memory_space<hbm>> -> memref<1x1x1x8x128xf32, #tpu.memory_space<hbm>>
      %dma_start3A_968 = tpu.memref_squeeze %dma_start3A_967 : memref<1x1x1x8x128xf32, #tpu.memory_space<hbm>> -> memref<8x128xf32, #tpu.memory_space<hbm>>
      %dma_start3A_969 = arith.constant 32 : i32
      %dma_start3A_970 = arith.constant 0 : i32
      %dma_start3A_971 = tpu.memref_slice %arg9[%dma_start3A_955, %dma_start3A_969, %dma_start3A_970] : memref<4x64x132xf32, #tpu.memory_space<vmem>> -> memref<1x8x128xf32, #tpu.memory_space<vmem>>
      %dma_start3A_972 = tpu.memref_squeeze %dma_start3A_971 : memref<1x8x128xf32, #tpu.memory_space<vmem>> -> memref<8x128xf32, #tpu.memory_space<vmem>>
      tpu.enqueue_dma source(%dma_start3A_972 : memref<8x128xf32, #tpu.memory_space<vmem>>) target(%dma_start3A_968 : memref<8x128xf32, #tpu.memory_space<hbm>>) target_semaphore(%arg15 : memref<!tpu.dma_semaphore, #tpu.memory_space<semaphore_mem>>)
      %dma_start3A_973 = arith.constant 1 : i32
      %dma_start3A_974 = arith.constant 5 : i32
      %dma_start3A_975 = arith.constant 40 : i32
      %dma_start3A_976 = arith.constant 0 : i32
      %dma_start3A_977 = tpu.memref_slice %arg9[%dma_start3A_973, %dma_start3A_975, %dma_start3A_976] : memref<4x64x132xf32, #tpu.memory_space<vmem>> -> memref<1x8x128xf32, #tpu.memory_space<vmem>>
      %dma_start3A_978 = tpu.memref_squeeze %dma_start3A_977 : memref<1x8x128xf32, #tpu.memory_space<vmem>> -> memref<8x128xf32, #tpu.memory_space<vmem>>
      %dma_start3A_979 = arith.constant 0 : i32
      %dma_start3A_980 = arith.constant 0 : i32
      %dma_start3A_981 = tpu.memref_slice %arg5[%add3A_835, %dma_start3A_974, %add3A, %dma_start3A_979, %dma_start3A_980] : memref<200x8x32x8x128xf32, #tpu.memory_space<hbm>> -> memref<1x1x1x8x128xf32, #tpu.memory_space<hbm>>
      %dma_start3A_982 = tpu.memref_squeeze %dma_start3A_981 : memref<1x1x1x8x128xf32, #tpu.memory_space<hbm>> -> memref<8x128xf32, #tpu.memory_space<hbm>>
      %dma_start3A_983 = arith.constant 0 : i32
      %dma_start3A_984 = arith.constant 0 : i32
      %dma_start3A_985 = tpu.memref_slice %arg5[%add3A_835, %dma_start3A_974, %add3A, %dma_start3A_983, %dma_start3A_984] : memref<200x8x32x8x128xf32, #tpu.memory_space<hbm>> -> memref<1x1x1x8x128xf32, #tpu.memory_space<hbm>>
      %dma_start3A_986 = tpu.memref_squeeze %dma_start3A_985 : memref<1x1x1x8x128xf32, #tpu.memory_space<hbm>> -> memref<8x128xf32, #tpu.memory_space<hbm>>
      %dma_start3A_987 = arith.constant 40 : i32
      %dma_start3A_988 = arith.constant 0 : i32
      %dma_start3A_989 = tpu.memref_slice %arg9[%dma_start3A_973, %dma_start3A_987, %dma_start3A_988] : memref<4x64x132xf32, #tpu.memory_space<vmem>> -> memref<1x8x128xf32, #tpu.memory_space<vmem>>
      %dma_start3A_990 = tpu.memref_squeeze %dma_start3A_989 : memref<1x8x128xf32, #tpu.memory_space<vmem>> -> memref<8x128xf32, #tpu.memory_space<vmem>>
      tpu.enqueue_dma source(%dma_start3A_990 : memref<8x128xf32, #tpu.memory_space<vmem>>) target(%dma_start3A_986 : memref<8x128xf32, #tpu.memory_space<hbm>>) target_semaphore(%arg15 : memref<!tpu.dma_semaphore, #tpu.memory_space<semaphore_mem>>)
      %dma_start3A_991 = arith.constant 1 : i32
      %dma_start3A_992 = arith.constant 6 : i32
      %dma_start3A_993 = arith.constant 48 : i32
      %dma_start3A_994 = arith.constant 0 : i32
      %dma_start3A_995 = tpu.memref_slice %arg9[%dma_start3A_991, %dma_start3A_993, %dma_start3A_994] : memref<4x64x132xf32, #tpu.memory_space<vmem>> -> memref<1x8x128xf32, #tpu.memory_space<vmem>>
      %dma_start3A_996 = tpu.memref_squeeze %dma_start3A_995 : memref<1x8x128xf32, #tpu.memory_space<vmem>> -> memref<8x128xf32, #tpu.memory_space<vmem>>
      %dma_start3A_997 = arith.constant 0 : i32
      %dma_start3A_998 = arith.constant 0 : i32
      %dma_start3A_999 = tpu.memref_slice %arg5[%add3A_835, %dma_start3A_992, %add3A, %dma_start3A_997, %dma_start3A_998] : memref<200x8x32x8x128xf32, #tpu.memory_space<hbm>> -> memref<1x1x1x8x128xf32, #tpu.memory_space<hbm>>
      %dma_start3A_1000 = tpu.memref_squeeze %dma_start3A_999 : memref<1x1x1x8x128xf32, #tpu.memory_space<hbm>> -> memref<8x128xf32, #tpu.memory_space<hbm>>
      %dma_start3A_1001 = arith.constant 0 : i32
      %dma_start3A_1002 = arith.constant 0 : i32
      %dma_start3A_1003 = tpu.memref_slice %arg5[%add3A_835, %dma_start3A_992, %add3A, %dma_start3A_1001, %dma_start3A_1002] : memref<200x8x32x8x128xf32, #tpu.memory_space<hbm>> -> memref<1x1x1x8x128xf32, #tpu.memory_space<hbm>>
      %dma_start3A_1004 = tpu.memref_squeeze %dma_start3A_1003 : memref<1x1x1x8x128xf32, #tpu.memory_space<hbm>> -> memref<8x128xf32, #tpu.memory_space<hbm>>
      %dma_start3A_1005 = arith.constant 48 : i32
      %dma_start3A_1006 = arith.constant 0 : i32
      %dma_start3A_1007 = tpu.memref_slice %arg9[%dma_start3A_991, %dma_start3A_1005, %dma_start3A_1006] : memref<4x64x132xf32, #tpu.memory_space<vmem>> -> memref<1x8x128xf32, #tpu.memory_space<vmem>>
      %dma_start3A_1008 = tpu.memref_squeeze %dma_start3A_1007 : memref<1x8x128xf32, #tpu.memory_space<vmem>> -> memref<8x128xf32, #tpu.memory_space<vmem>>
      tpu.enqueue_dma source(%dma_start3A_1008 : memref<8x128xf32, #tpu.memory_space<vmem>>) target(%dma_start3A_1004 : memref<8x128xf32, #tpu.memory_space<hbm>>) target_semaphore(%arg15 : memref<!tpu.dma_semaphore, #tpu.memory_space<semaphore_mem>>)
      %dma_start3A_1009 = arith.constant 1 : i32
      %dma_start3A_1010 = arith.constant 7 : i32
      %dma_start3A_1011 = arith.constant 56 : i32
      %dma_start3A_1012 = arith.constant 0 : i32
      %dma_start3A_1013 = tpu.memref_slice %arg9[%dma_start3A_1009, %dma_start3A_1011, %dma_start3A_1012] : memref<4x64x132xf32, #tpu.memory_space<vmem>> -> memref<1x8x128xf32, #tpu.memory_space<vmem>>
      %dma_start3A_1014 = tpu.memref_squeeze %dma_start3A_1013 : memref<1x8x128xf32, #tpu.memory_space<vmem>> -> memref<8x128xf32, #tpu.memory_space<vmem>>
      %dma_start3A_1015 = arith.constant 0 : i32
      %dma_start3A_1016 = arith.constant 0 : i32
      %dma_start3A_1017 = tpu.memref_slice %arg5[%add3A_835, %dma_start3A_1010, %add3A, %dma_start3A_1015, %dma_start3A_1016] : memref<200x8x32x8x128xf32, #tpu.memory_space<hbm>> -> memref<1x1x1x8x128xf32, #tpu.memory_space<hbm>>
      %dma_start3A_1018 = tpu.memref_squeeze %dma_start3A_1017 : memref<1x1x1x8x128xf32, #tpu.memory_space<hbm>> -> memref<8x128xf32, #tpu.memory_space<hbm>>
      %dma_start3A_1019 = arith.constant 0 : i32
      %dma_start3A_1020 = arith.constant 0 : i32
      %dma_start3A_1021 = tpu.memref_slice %arg5[%add3A_835, %dma_start3A_1010, %add3A, %dma_start3A_1019, %dma_start3A_1020] : memref<200x8x32x8x128xf32, #tpu.memory_space<hbm>> -> memref<1x1x1x8x128xf32, #tpu.memory_space<hbm>>
      %dma_start3A_1022 = tpu.memref_squeeze %dma_start3A_1021 : memref<1x1x1x8x128xf32, #tpu.memory_space<hbm>> -> memref<8x128xf32, #tpu.memory_space<hbm>>
      %dma_start3A_1023 = arith.constant 56 : i32
      %dma_start3A_1024 = arith.constant 0 : i32
      %dma_start3A_1025 = tpu.memref_slice %arg9[%dma_start3A_1009, %dma_start3A_1023, %dma_start3A_1024] : memref<4x64x132xf32, #tpu.memory_space<vmem>> -> memref<1x8x128xf32, #tpu.memory_space<vmem>>
      %dma_start3A_1026 = tpu.memref_squeeze %dma_start3A_1025 : memref<1x8x128xf32, #tpu.memory_space<vmem>> -> memref<8x128xf32, #tpu.memory_space<vmem>>
      tpu.enqueue_dma source(%dma_start3A_1026 : memref<8x128xf32, #tpu.memory_space<vmem>>) target(%dma_start3A_1022 : memref<8x128xf32, #tpu.memory_space<hbm>>) target_semaphore(%arg15 : memref<!tpu.dma_semaphore, #tpu.memory_space<semaphore_mem>>)
      %mul3A_1027 = arith.constant 4 : i32
      %mul3A_1028 = arith.muli %add3A_641, %mul3A_1027 : i32
      %add3A_1029 = arith.constant 2 : i32
      %add3A_1030 = arith.addi %mul3A_1028, %add3A_1029 : i32
      %add3A_1031 = arith.constant 2 : i32
      %add3A_1032 = arith.addi %add3A_1030, %add3A_1031 : i32
      %lt3A_1033 = arith.constant 200 : i32
      %lt3A_1034 = arith.cmpi slt, %add3A_1032, %lt3A_1033 : i32
      %convert_element_type3A_1035 = arith.extui %lt3A_1034 : i1 to i32
      %cond3A_1036 = arith.constant 0 : i32
      %cond3A_1037 = arith.cmpi ne, %convert_element_type3A_1035, %cond3A_1036 : i32
      scf.if %cond3A_1037 {
        %ge3A = arith.constant 4 : i32
        %ge3A_1417 = arith.cmpi sge, %add3A_1032, %ge3A : i32
        %convert_element_type3A_1418 = arith.extui %ge3A_1417 : i1 to i32
        %cond3A_1419 = arith.constant 0 : i32
        %cond3A_1420 = arith.cmpi ne, %convert_element_type3A_1418, %cond3A_1419 : i32
        scf.if %cond3A_1420 {
          %sub3A = arith.constant 4 : i32
          %sub3A_1432 = arith.subi %add3A_1032, %sub3A : i32
          %dma_wait3A_1433 = arith.constant 0 : i32
          %dma_wait3A_1434 = arith.constant 0 : i32
          %dma_wait3A_1435 = arith.constant 0 : i32
          %dma_wait3A_1436 = arith.constant 0 : i32
          %dma_wait3A_1437 = tpu.memref_slice %arg9[%dma_wait3A_1433, %dma_wait3A_1435, %dma_wait3A_1436] : memref<4x64x132xf32, #tpu.memory_space<vmem>> -> memref<1x8x128xf32, #tpu.memory_space<vmem>>
          %dma_wait3A_1438 = tpu.memref_squeeze %dma_wait3A_1437 : memref<1x8x128xf32, #tpu.memory_space<vmem>> -> memref<8x128xf32, #tpu.memory_space<vmem>>
          %dma_wait3A_1439 = arith.constant 0 : i32
          %dma_wait3A_1440 = arith.constant 0 : i32
          %dma_wait3A_1441 = tpu.memref_slice %arg5[%sub3A_1432, %dma_wait3A_1434, %add3A, %dma_wait3A_1439, %dma_wait3A_1440] : memref<200x8x32x8x128xf32, #tpu.memory_space<hbm>> -> memref<1x1x1x8x128xf32, #tpu.memory_space<hbm>>
          %dma_wait3A_1442 = tpu.memref_squeeze %dma_wait3A_1441 : memref<1x1x1x8x128xf32, #tpu.memory_space<hbm>> -> memref<8x128xf32, #tpu.memory_space<hbm>>
          %dma_wait3A_1443 = arith.constant 0 : i32
          %dma_wait3A_1444 = arith.constant 0 : i32
          %dma_wait3A_1445 = tpu.memref_slice %arg5[%sub3A_1432, %dma_wait3A_1434, %add3A, %dma_wait3A_1443, %dma_wait3A_1444] : memref<200x8x32x8x128xf32, #tpu.memory_space<hbm>> -> memref<1x1x1x8x128xf32, #tpu.memory_space<hbm>>
          %dma_wait3A_1446 = tpu.memref_squeeze %dma_wait3A_1445 : memref<1x1x1x8x128xf32, #tpu.memory_space<hbm>> -> memref<8x128xf32, #tpu.memory_space<hbm>>
          %dma_wait3A_1447 = arith.constant 0 : i32
          %dma_wait3A_1448 = arith.constant 0 : i32
          %dma_wait3A_1449 = tpu.memref_slice %arg9[%dma_wait3A_1433, %dma_wait3A_1447, %dma_wait3A_1448] : memref<4x64x132xf32, #tpu.memory_space<vmem>> -> memref<1x8x128xf32, #tpu.memory_space<vmem>>
          %dma_wait3A_1450 = tpu.memref_squeeze %dma_wait3A_1449 : memref<1x8x128xf32, #tpu.memory_space<vmem>> -> memref<8x128xf32, #tpu.memory_space<vmem>>
          tpu.wait_dma2 semaphore(%arg14 : memref<!tpu.dma_semaphore, #tpu.memory_space<semaphore_mem>>) src(%dma_wait3A_1450 : memref<8x128xf32, #tpu.memory_space<vmem>>) dst(%dma_wait3A_1446 : memref<8x128xf32, #tpu.memory_space<hbm>>)
          %dma_wait3A_1451 = arith.constant 0 : i32
          %dma_wait3A_1452 = arith.constant 1 : i32
          %dma_wait3A_1453 = arith.constant 8 : i32
          %dma_wait3A_1454 = arith.constant 0 : i32
          %dma_wait3A_1455 = tpu.memref_slice %arg9[%dma_wait3A_1451, %dma_wait3A_1453, %dma_wait3A_1454] : memref<4x64x132xf32, #tpu.memory_space<vmem>> -> memref<1x8x128xf32, #tpu.memory_space<vmem>>
          %dma_wait3A_1456 = tpu.memref_squeeze %dma_wait3A_1455 : memref<1x8x128xf32, #tpu.memory_space<vmem>> -> memref<8x128xf32, #tpu.memory_space<vmem>>
          %dma_wait3A_1457 = arith.constant 0 : i32
          %dma_wait3A_1458 = arith.constant 0 : i32
          %dma_wait3A_1459 = tpu.memref_slice %arg5[%sub3A_1432, %dma_wait3A_1452, %add3A, %dma_wait3A_1457, %dma_wait3A_1458] : memref<200x8x32x8x128xf32, #tpu.memory_space<hbm>> -> memref<1x1x1x8x128xf32, #tpu.memory_space<hbm>>
          %dma_wait3A_1460 = tpu.memref_squeeze %dma_wait3A_1459 : memref<1x1x1x8x128xf32, #tpu.memory_space<hbm>> -> memref<8x128xf32, #tpu.memory_space<hbm>>
          %dma_wait3A_1461 = arith.constant 0 : i32
          %dma_wait3A_1462 = arith.constant 0 : i32
          %dma_wait3A_1463 = tpu.memref_slice %arg5[%sub3A_1432, %dma_wait3A_1452, %add3A, %dma_wait3A_1461, %dma_wait3A_1462] : memref<200x8x32x8x128xf32, #tpu.memory_space<hbm>> -> memref<1x1x1x8x128xf32, #tpu.memory_space<hbm>>
          %dma_wait3A_1464 = tpu.memref_squeeze %dma_wait3A_1463 : memref<1x1x1x8x128xf32, #tpu.memory_space<hbm>> -> memref<8x128xf32, #tpu.memory_space<hbm>>
          %dma_wait3A_1465 = arith.constant 8 : i32
          %dma_wait3A_1466 = arith.constant 0 : i32
          %dma_wait3A_1467 = tpu.memref_slice %arg9[%dma_wait3A_1451, %dma_wait3A_1465, %dma_wait3A_1466] : memref<4x64x132xf32, #tpu.memory_space<vmem>> -> memref<1x8x128xf32, #tpu.memory_space<vmem>>
          %dma_wait3A_1468 = tpu.memref_squeeze %dma_wait3A_1467 : memref<1x8x128xf32, #tpu.memory_space<vmem>> -> memref<8x128xf32, #tpu.memory_space<vmem>>
          tpu.wait_dma2 semaphore(%arg14 : memref<!tpu.dma_semaphore, #tpu.memory_space<semaphore_mem>>) src(%dma_wait3A_1468 : memref<8x128xf32, #tpu.memory_space<vmem>>) dst(%dma_wait3A_1464 : memref<8x128xf32, #tpu.memory_space<hbm>>)
          %dma_wait3A_1469 = arith.constant 0 : i32
          %dma_wait3A_1470 = arith.constant 2 : i32
          %dma_wait3A_1471 = arith.constant 16 : i32
          %dma_wait3A_1472 = arith.constant 0 : i32
          %dma_wait3A_1473 = tpu.memref_slice %arg9[%dma_wait3A_1469, %dma_wait3A_1471, %dma_wait3A_1472] : memref<4x64x132xf32, #tpu.memory_space<vmem>> -> memref<1x8x128xf32, #tpu.memory_space<vmem>>
          %dma_wait3A_1474 = tpu.memref_squeeze %dma_wait3A_1473 : memref<1x8x128xf32, #tpu.memory_space<vmem>> -> memref<8x128xf32, #tpu.memory_space<vmem>>
          %dma_wait3A_1475 = arith.constant 0 : i32
          %dma_wait3A_1476 = arith.constant 0 : i32
          %dma_wait3A_1477 = tpu.memref_slice %arg5[%sub3A_1432, %dma_wait3A_1470, %add3A, %dma_wait3A_1475, %dma_wait3A_1476] : memref<200x8x32x8x128xf32, #tpu.memory_space<hbm>> -> memref<1x1x1x8x128xf32, #tpu.memory_space<hbm>>
          %dma_wait3A_1478 = tpu.memref_squeeze %dma_wait3A_1477 : memref<1x1x1x8x128xf32, #tpu.memory_space<hbm>> -> memref<8x128xf32, #tpu.memory_space<hbm>>
          %dma_wait3A_1479 = arith.constant 0 : i32
          %dma_wait3A_1480 = arith.constant 0 : i32
          %dma_wait3A_1481 = tpu.memref_slice %arg5[%sub3A_1432, %dma_wait3A_1470, %add3A, %dma_wait3A_1479, %dma_wait3A_1480] : memref<200x8x32x8x128xf32, #tpu.memory_space<hbm>> -> memref<1x1x1x8x128xf32, #tpu.memory_space<hbm>>
          %dma_wait3A_1482 = tpu.memref_squeeze %dma_wait3A_1481 : memref<1x1x1x8x128xf32, #tpu.memory_space<hbm>> -> memref<8x128xf32, #tpu.memory_space<hbm>>
          %dma_wait3A_1483 = arith.constant 16 : i32
          %dma_wait3A_1484 = arith.constant 0 : i32
          %dma_wait3A_1485 = tpu.memref_slice %arg9[%dma_wait3A_1469, %dma_wait3A_1483, %dma_wait3A_1484] : memref<4x64x132xf32, #tpu.memory_space<vmem>> -> memref<1x8x128xf32, #tpu.memory_space<vmem>>
          %dma_wait3A_1486 = tpu.memref_squeeze %dma_wait3A_1485 : memref<1x8x128xf32, #tpu.memory_space<vmem>> -> memref<8x128xf32, #tpu.memory_space<vmem>>
          tpu.wait_dma2 semaphore(%arg14 : memref<!tpu.dma_semaphore, #tpu.memory_space<semaphore_mem>>) src(%dma_wait3A_1486 : memref<8x128xf32, #tpu.memory_space<vmem>>) dst(%dma_wait3A_1482 : memref<8x128xf32, #tpu.memory_space<hbm>>)
          %dma_wait3A_1487 = arith.constant 0 : i32
          %dma_wait3A_1488 = arith.constant 3 : i32
          %dma_wait3A_1489 = arith.constant 24 : i32
          %dma_wait3A_1490 = arith.constant 0 : i32
          %dma_wait3A_1491 = tpu.memref_slice %arg9[%dma_wait3A_1487, %dma_wait3A_1489, %dma_wait3A_1490] : memref<4x64x132xf32, #tpu.memory_space<vmem>> -> memref<1x8x128xf32, #tpu.memory_space<vmem>>
          %dma_wait3A_1492 = tpu.memref_squeeze %dma_wait3A_1491 : memref<1x8x128xf32, #tpu.memory_space<vmem>> -> memref<8x128xf32, #tpu.memory_space<vmem>>
          %dma_wait3A_1493 = arith.constant 0 : i32
          %dma_wait3A_1494 = arith.constant 0 : i32
          %dma_wait3A_1495 = tpu.memref_slice %arg5[%sub3A_1432, %dma_wait3A_1488, %add3A, %dma_wait3A_1493, %dma_wait3A_1494] : memref<200x8x32x8x128xf32, #tpu.memory_space<hbm>> -> memref<1x1x1x8x128xf32, #tpu.memory_space<hbm>>
          %dma_wait3A_1496 = tpu.memref_squeeze %dma_wait3A_1495 : memref<1x1x1x8x128xf32, #tpu.memory_space<hbm>> -> memref<8x128xf32, #tpu.memory_space<hbm>>
          %dma_wait3A_1497 = arith.constant 0 : i32
          %dma_wait3A_1498 = arith.constant 0 : i32
          %dma_wait3A_1499 = tpu.memref_slice %arg5[%sub3A_1432, %dma_wait3A_1488, %add3A, %dma_wait3A_1497, %dma_wait3A_1498] : memref<200x8x32x8x128xf32, #tpu.memory_space<hbm>> -> memref<1x1x1x8x128xf32, #tpu.memory_space<hbm>>
          %dma_wait3A_1500 = tpu.memref_squeeze %dma_wait3A_1499 : memref<1x1x1x8x128xf32, #tpu.memory_space<hbm>> -> memref<8x128xf32, #tpu.memory_space<hbm>>
          %dma_wait3A_1501 = arith.constant 24 : i32
          %dma_wait3A_1502 = arith.constant 0 : i32
          %dma_wait3A_1503 = tpu.memref_slice %arg9[%dma_wait3A_1487, %dma_wait3A_1501, %dma_wait3A_1502] : memref<4x64x132xf32, #tpu.memory_space<vmem>> -> memref<1x8x128xf32, #tpu.memory_space<vmem>>
          %dma_wait3A_1504 = tpu.memref_squeeze %dma_wait3A_1503 : memref<1x8x128xf32, #tpu.memory_space<vmem>> -> memref<8x128xf32, #tpu.memory_space<vmem>>
          tpu.wait_dma2 semaphore(%arg14 : memref<!tpu.dma_semaphore, #tpu.memory_space<semaphore_mem>>) src(%dma_wait3A_1504 : memref<8x128xf32, #tpu.memory_space<vmem>>) dst(%dma_wait3A_1500 : memref<8x128xf32, #tpu.memory_space<hbm>>)
          %dma_wait3A_1505 = arith.constant 0 : i32
          %dma_wait3A_1506 = arith.constant 4 : i32
          %dma_wait3A_1507 = arith.constant 32 : i32
          %dma_wait3A_1508 = arith.constant 0 : i32
          %dma_wait3A_1509 = tpu.memref_slice %arg9[%dma_wait3A_1505, %dma_wait3A_1507, %dma_wait3A_1508] : memref<4x64x132xf32, #tpu.memory_space<vmem>> -> memref<1x8x128xf32, #tpu.memory_space<vmem>>
          %dma_wait3A_1510 = tpu.memref_squeeze %dma_wait3A_1509 : memref<1x8x128xf32, #tpu.memory_space<vmem>> -> memref<8x128xf32, #tpu.memory_space<vmem>>
          %dma_wait3A_1511 = arith.constant 0 : i32
          %dma_wait3A_1512 = arith.constant 0 : i32
          %dma_wait3A_1513 = tpu.memref_slice %arg5[%sub3A_1432, %dma_wait3A_1506, %add3A, %dma_wait3A_1511, %dma_wait3A_1512] : memref<200x8x32x8x128xf32, #tpu.memory_space<hbm>> -> memref<1x1x1x8x128xf32, #tpu.memory_space<hbm>>
          %dma_wait3A_1514 = tpu.memref_squeeze %dma_wait3A_1513 : memref<1x1x1x8x128xf32, #tpu.memory_space<hbm>> -> memref<8x128xf32, #tpu.memory_space<hbm>>
          %dma_wait3A_1515 = arith.constant 0 : i32
          %dma_wait3A_1516 = arith.constant 0 : i32
          %dma_wait3A_1517 = tpu.memref_slice %arg5[%sub3A_1432, %dma_wait3A_1506, %add3A, %dma_wait3A_1515, %dma_wait3A_1516] : memref<200x8x32x8x128xf32, #tpu.memory_space<hbm>> -> memref<1x1x1x8x128xf32, #tpu.memory_space<hbm>>
          %dma_wait3A_1518 = tpu.memref_squeeze %dma_wait3A_1517 : memref<1x1x1x8x128xf32, #tpu.memory_space<hbm>> -> memref<8x128xf32, #tpu.memory_space<hbm>>
          %dma_wait3A_1519 = arith.constant 32 : i32
          %dma_wait3A_1520 = arith.constant 0 : i32
          %dma_wait3A_1521 = tpu.memref_slice %arg9[%dma_wait3A_1505, %dma_wait3A_1519, %dma_wait3A_1520] : memref<4x64x132xf32, #tpu.memory_space<vmem>> -> memref<1x8x128xf32, #tpu.memory_space<vmem>>
          %dma_wait3A_1522 = tpu.memref_squeeze %dma_wait3A_1521 : memref<1x8x128xf32, #tpu.memory_space<vmem>> -> memref<8x128xf32, #tpu.memory_space<vmem>>
          tpu.wait_dma2 semaphore(%arg14 : memref<!tpu.dma_semaphore, #tpu.memory_space<semaphore_mem>>) src(%dma_wait3A_1522 : memref<8x128xf32, #tpu.memory_space<vmem>>) dst(%dma_wait3A_1518 : memref<8x128xf32, #tpu.memory_space<hbm>>)
          %dma_wait3A_1523 = arith.constant 0 : i32
          %dma_wait3A_1524 = arith.constant 5 : i32
          %dma_wait3A_1525 = arith.constant 40 : i32
          %dma_wait3A_1526 = arith.constant 0 : i32
          %dma_wait3A_1527 = tpu.memref_slice %arg9[%dma_wait3A_1523, %dma_wait3A_1525, %dma_wait3A_1526] : memref<4x64x132xf32, #tpu.memory_space<vmem>> -> memref<1x8x128xf32, #tpu.memory_space<vmem>>
          %dma_wait3A_1528 = tpu.memref_squeeze %dma_wait3A_1527 : memref<1x8x128xf32, #tpu.memory_space<vmem>> -> memref<8x128xf32, #tpu.memory_space<vmem>>
          %dma_wait3A_1529 = arith.constant 0 : i32
          %dma_wait3A_1530 = arith.constant 0 : i32
          %dma_wait3A_1531 = tpu.memref_slice %arg5[%sub3A_1432, %dma_wait3A_1524, %add3A, %dma_wait3A_1529, %dma_wait3A_1530] : memref<200x8x32x8x128xf32, #tpu.memory_space<hbm>> -> memref<1x1x1x8x128xf32, #tpu.memory_space<hbm>>
          %dma_wait3A_1532 = tpu.memref_squeeze %dma_wait3A_1531 : memref<1x1x1x8x128xf32, #tpu.memory_space<hbm>> -> memref<8x128xf32, #tpu.memory_space<hbm>>
          %dma_wait3A_1533 = arith.constant 0 : i32
          %dma_wait3A_1534 = arith.constant 0 : i32
          %dma_wait3A_1535 = tpu.memref_slice %arg5[%sub3A_1432, %dma_wait3A_1524, %add3A, %dma_wait3A_1533, %dma_wait3A_1534] : memref<200x8x32x8x128xf32, #tpu.memory_space<hbm>> -> memref<1x1x1x8x128xf32, #tpu.memory_space<hbm>>
          %dma_wait3A_1536 = tpu.memref_squeeze %dma_wait3A_1535 : memref<1x1x1x8x128xf32, #tpu.memory_space<hbm>> -> memref<8x128xf32, #tpu.memory_space<hbm>>
          %dma_wait3A_1537 = arith.constant 40 : i32
          %dma_wait3A_1538 = arith.constant 0 : i32
          %dma_wait3A_1539 = tpu.memref_slice %arg9[%dma_wait3A_1523, %dma_wait3A_1537, %dma_wait3A_1538] : memref<4x64x132xf32, #tpu.memory_space<vmem>> -> memref<1x8x128xf32, #tpu.memory_space<vmem>>
          %dma_wait3A_1540 = tpu.memref_squeeze %dma_wait3A_1539 : memref<1x8x128xf32, #tpu.memory_space<vmem>> -> memref<8x128xf32, #tpu.memory_space<vmem>>
          tpu.wait_dma2 semaphore(%arg14 : memref<!tpu.dma_semaphore, #tpu.memory_space<semaphore_mem>>) src(%dma_wait3A_1540 : memref<8x128xf32, #tpu.memory_space<vmem>>) dst(%dma_wait3A_1536 : memref<8x128xf32, #tpu.memory_space<hbm>>)
          %dma_wait3A_1541 = arith.constant 0 : i32
          %dma_wait3A_1542 = arith.constant 6 : i32
          %dma_wait3A_1543 = arith.constant 48 : i32
          %dma_wait3A_1544 = arith.constant 0 : i32
          %dma_wait3A_1545 = tpu.memref_slice %arg9[%dma_wait3A_1541, %dma_wait3A_1543, %dma_wait3A_1544] : memref<4x64x132xf32, #tpu.memory_space<vmem>> -> memref<1x8x128xf32, #tpu.memory_space<vmem>>
          %dma_wait3A_1546 = tpu.memref_squeeze %dma_wait3A_1545 : memref<1x8x128xf32, #tpu.memory_space<vmem>> -> memref<8x128xf32, #tpu.memory_space<vmem>>
          %dma_wait3A_1547 = arith.constant 0 : i32
          %dma_wait3A_1548 = arith.constant 0 : i32
          %dma_wait3A_1549 = tpu.memref_slice %arg5[%sub3A_1432, %dma_wait3A_1542, %add3A, %dma_wait3A_1547, %dma_wait3A_1548] : memref<200x8x32x8x128xf32, #tpu.memory_space<hbm>> -> memref<1x1x1x8x128xf32, #tpu.memory_space<hbm>>
          %dma_wait3A_1550 = tpu.memref_squeeze %dma_wait3A_1549 : memref<1x1x1x8x128xf32, #tpu.memory_space<hbm>> -> memref<8x128xf32, #tpu.memory_space<hbm>>
          %dma_wait3A_1551 = arith.constant 0 : i32
          %dma_wait3A_1552 = arith.constant 0 : i32
          %dma_wait3A_1553 = tpu.memref_slice %arg5[%sub3A_1432, %dma_wait3A_1542, %add3A, %dma_wait3A_1551, %dma_wait3A_1552] : memref<200x8x32x8x128xf32, #tpu.memory_space<hbm>> -> memref<1x1x1x8x128xf32, #tpu.memory_space<hbm>>
          %dma_wait3A_1554 = tpu.memref_squeeze %dma_wait3A_1553 : memref<1x1x1x8x128xf32, #tpu.memory_space<hbm>> -> memref<8x128xf32, #tpu.memory_space<hbm>>
          %dma_wait3A_1555 = arith.constant 48 : i32
          %dma_wait3A_1556 = arith.constant 0 : i32
          %dma_wait3A_1557 = tpu.memref_slice %arg9[%dma_wait3A_1541, %dma_wait3A_1555, %dma_wait3A_1556] : memref<4x64x132xf32, #tpu.memory_space<vmem>> -> memref<1x8x128xf32, #tpu.memory_space<vmem>>
          %dma_wait3A_1558 = tpu.memref_squeeze %dma_wait3A_1557 : memref<1x8x128xf32, #tpu.memory_space<vmem>> -> memref<8x128xf32, #tpu.memory_space<vmem>>
          tpu.wait_dma2 semaphore(%arg14 : memref<!tpu.dma_semaphore, #tpu.memory_space<semaphore_mem>>) src(%dma_wait3A_1558 : memref<8x128xf32, #tpu.memory_space<vmem>>) dst(%dma_wait3A_1554 : memref<8x128xf32, #tpu.memory_space<hbm>>)
          %dma_wait3A_1559 = arith.constant 0 : i32
          %dma_wait3A_1560 = arith.constant 7 : i32
          %dma_wait3A_1561 = arith.constant 56 : i32
          %dma_wait3A_1562 = arith.constant 0 : i32
          %dma_wait3A_1563 = tpu.memref_slice %arg9[%dma_wait3A_1559, %dma_wait3A_1561, %dma_wait3A_1562] : memref<4x64x132xf32, #tpu.memory_space<vmem>> -> memref<1x8x128xf32, #tpu.memory_space<vmem>>
          %dma_wait3A_1564 = tpu.memref_squeeze %dma_wait3A_1563 : memref<1x8x128xf32, #tpu.memory_space<vmem>> -> memref<8x128xf32, #tpu.memory_space<vmem>>
          %dma_wait3A_1565 = arith.constant 0 : i32
          %dma_wait3A_1566 = arith.constant 0 : i32
          %dma_wait3A_1567 = tpu.memref_slice %arg5[%sub3A_1432, %dma_wait3A_1560, %add3A, %dma_wait3A_1565, %dma_wait3A_1566] : memref<200x8x32x8x128xf32, #tpu.memory_space<hbm>> -> memref<1x1x1x8x128xf32, #tpu.memory_space<hbm>>
          %dma_wait3A_1568 = tpu.memref_squeeze %dma_wait3A_1567 : memref<1x1x1x8x128xf32, #tpu.memory_space<hbm>> -> memref<8x128xf32, #tpu.memory_space<hbm>>
          %dma_wait3A_1569 = arith.constant 0 : i32
          %dma_wait3A_1570 = arith.constant 0 : i32
          %dma_wait3A_1571 = tpu.memref_slice %arg5[%sub3A_1432, %dma_wait3A_1560, %add3A, %dma_wait3A_1569, %dma_wait3A_1570] : memref<200x8x32x8x128xf32, #tpu.memory_space<hbm>> -> memref<1x1x1x8x128xf32, #tpu.memory_space<hbm>>
          %dma_wait3A_1572 = tpu.memref_squeeze %dma_wait3A_1571 : memref<1x1x1x8x128xf32, #tpu.memory_space<hbm>> -> memref<8x128xf32, #tpu.memory_space<hbm>>
          %dma_wait3A_1573 = arith.constant 56 : i32
          %dma_wait3A_1574 = arith.constant 0 : i32
          %dma_wait3A_1575 = tpu.memref_slice %arg9[%dma_wait3A_1559, %dma_wait3A_1573, %dma_wait3A_1574] : memref<4x64x132xf32, #tpu.memory_space<vmem>> -> memref<1x8x128xf32, #tpu.memory_space<vmem>>
          %dma_wait3A_1576 = tpu.memref_squeeze %dma_wait3A_1575 : memref<1x8x128xf32, #tpu.memory_space<vmem>> -> memref<8x128xf32, #tpu.memory_space<vmem>>
          tpu.wait_dma2 semaphore(%arg14 : memref<!tpu.dma_semaphore, #tpu.memory_space<semaphore_mem>>) src(%dma_wait3A_1576 : memref<8x128xf32, #tpu.memory_space<vmem>>) dst(%dma_wait3A_1572 : memref<8x128xf32, #tpu.memory_space<hbm>>)
        } else {
        }
        %dma_start3A_1421 = arith.constant 0 : i32
        %dma_start3A_1422 = arith.constant 0 : i32
        %dma_start3A_1423 = arith.constant 0 : i32
        %dma_start3A_1424 = tpu.memref_slice %arg8[%dma_start3A_1421, %dma_start3A_1422, %dma_start3A_1423] : memref<4x128x64xf32, #tpu.memory_space<vmem>> -> memref<1x128x64xf32, #tpu.memory_space<vmem>>
        %dma_start3A_1425 = tpu.memref_squeeze %dma_start3A_1424 : memref<1x128x64xf32, #tpu.memory_space<vmem>> -> memref<128x64xf32, #tpu.memory_space<vmem>>
        %dma_start3A_1426 = arith.constant 0 : i32
        %dma_start3A_1427 = tpu.memref_slice %arg6[%add3A_1032, %dma_start3A_1426] : memref<200x128xi32, #tpu.memory_space<vmem>> -> memref<1x128xi32, #tpu.memory_space<vmem>>
        %dma_start3A_1428 = tpu.memref_squeeze %dma_start3A_1427 : memref<1x128xi32, #tpu.memory_space<vmem>> -> memref<128xi32, #tpu.memory_space<vmem>>
        %dma_start3A_1429 = arith.constant 0 : i32
        %dma_start3A_1430 = arith.constant 0 : i32
        %dma_start3A_1431 = tpu.memref_slice %arg3[%dma_start3A_1429, %dma_start3A_1430] : memref<1000000x64xf32, #tpu.memory_space<hbm>> -> memref<1000000x64xf32, #tpu.memory_space<hbm>>
        tpu.enqueue_indirect_dma source(%dma_start3A_1431 : memref<1000000x64xf32, #tpu.memory_space<hbm>>) target(%dma_start3A_1425 : memref<128x64xf32, #tpu.memory_space<vmem>>) offsets(%dma_start3A_1428 : memref<128xi32, #tpu.memory_space<vmem>>) semaphore(%arg10 : memref<!tpu.dma_semaphore, #tpu.memory_space<semaphore_mem>>)
      } else {
      }
      %dma_wait3A_1038 = arith.constant 2 : i32
      %dma_wait3A_1039 = arith.constant 0 : i32
      %dma_wait3A_1040 = arith.constant 0 : i32
      %dma_wait3A_1041 = tpu.memref_slice %arg8[%dma_wait3A_1038, %dma_wait3A_1039, %dma_wait3A_1040] : memref<4x128x64xf32, #tpu.memory_space<vmem>> -> memref<1x128x64xf32, #tpu.memory_space<vmem>>
      %dma_wait3A_1042 = tpu.memref_squeeze %dma_wait3A_1041 : memref<1x128x64xf32, #tpu.memory_space<vmem>> -> memref<128x64xf32, #tpu.memory_space<vmem>>
      %dma_wait3A_1043 = arith.constant 0 : i32
      %dma_wait3A_1044 = tpu.memref_slice %arg6[%add3A_1030, %dma_wait3A_1043] : memref<200x128xi32, #tpu.memory_space<vmem>> -> memref<1x128xi32, #tpu.memory_space<vmem>>
      %dma_wait3A_1045 = tpu.memref_squeeze %dma_wait3A_1044 : memref<1x128xi32, #tpu.memory_space<vmem>> -> memref<128xi32, #tpu.memory_space<vmem>>
      %dma_wait3A_1046 = arith.constant 0 : i32
      %dma_wait3A_1047 = arith.constant 0 : i32
      %dma_wait3A_1048 = tpu.memref_slice %arg3[%dma_wait3A_1046, %dma_wait3A_1047] : memref<1000000x64xf32, #tpu.memory_space<hbm>> -> memref<1000000x64xf32, #tpu.memory_space<hbm>>
      tpu.wait_indirect_dma semaphore(%arg12 : memref<!tpu.dma_semaphore, #tpu.memory_space<semaphore_mem>>) src(%dma_wait3A_1048 : memref<1000000x64xf32, #tpu.memory_space<hbm>>) dst(%dma_wait3A_1042 : memref<128x64xf32, #tpu.memory_space<vmem>>)
      %get3A_1049 = arith.index_cast %add3A_1030 : i32 to index
      %get3A_1050 = arith.constant 0 : index
      %get3A_1051 = tpu.vector_load %arg7[%get3A_1049, %get3A_1050] {strides = array<i32>} : memref<200x64xf32, #tpu.memory_space<vmem>>, vector<16xf32>,
      %add3A_1052 = arith.constant 0 : i32
      %add3A_1053 = vector.broadcast %add3A_1052 : i32 to vector<16xi32>
      %add3A_1054 = arith.addi %iota3A, %add3A_1053 : vector<16xi32>
      %get3A_1055 = arith.index_cast %add3A_1030 : i32 to index
      %get3A_1056 = arith.constant 16 : index
      %get3A_1057 = tpu.vector_load %arg7[%get3A_1055, %get3A_1056] {strides = array<i32>} : memref<200x64xf32, #tpu.memory_space<vmem>>, vector<16xf32>,
      %add3A_1058 = arith.constant 16 : i32
      %add3A_1059 = vector.broadcast %add3A_1058 : i32 to vector<16xi32>
      %add3A_1060 = arith.addi %iota3A, %add3A_1059 : vector<16xi32>
      %get3A_1061 = arith.index_cast %add3A_1030 : i32 to index
      %get3A_1062 = arith.constant 32 : index
      %get3A_1063 = tpu.vector_load %arg7[%get3A_1061, %get3A_1062] {strides = array<i32>} : memref<200x64xf32, #tpu.memory_space<vmem>>, vector<16xf32>,
      %add3A_1064 = arith.constant 32 : i32
      %add3A_1065 = vector.broadcast %add3A_1064 : i32 to vector<16xi32>
      %add3A_1066 = arith.addi %iota3A, %add3A_1065 : vector<16xi32>
      %get3A_1067 = arith.index_cast %add3A_1030 : i32 to index
      %get3A_1068 = arith.constant 48 : index
      %get3A_1069 = tpu.vector_load %arg7[%get3A_1067, %get3A_1068] {strides = array<i32>} : memref<200x64xf32, #tpu.memory_space<vmem>>, vector<16xf32>,
      %add3A_1070 = arith.constant 48 : i32
      %add3A_1071 = vector.broadcast %add3A_1070 : i32 to vector<16xi32>
      %add3A_1072 = arith.addi %iota3A, %add3A_1071 : vector<16xi32>
      %parallel_loop3A_1073 = arith.constant 0 : i32
      %parallel_loop3A_1074 = arith.constant 128 : i32
      %parallel_loop3A_1075 = arith.constant 1 : i32
      %parallel_loop3A_1076 = arith.constant 2 : i32
      %parallel_loop3A_1077 = arith.constant 2 : i32
      scf.for %parallel_loop3A_1417 = %parallel_loop3A_1073 to %parallel_loop3A_1074 step %parallel_loop3A_1075  : i32 {
        %parallel_loop3A_1418 = vector.broadcast %parallel_loop3A_1417 : i32 to vector<16xi32>
        %parallel_loop3A_1419 = arith.constant 0 : i32
        %parallel_loop3A_1420 = arith.constant 0 : i32
        %parallel_loop3A_1421 = tpu.memref_slice %arg8[%parallel_loop3A_1076, %parallel_loop3A_1419, %parallel_loop3A_1420] : memref<4x128x64xf32, #tpu.memory_space<vmem>> -> memref<1x128x64xf32, #tpu.memory_space<vmem>>
        %parallel_loop3A_1422 = tpu.memref_squeeze %parallel_loop3A_1421 : memref<1x128x64xf32, #tpu.memory_space<vmem>> -> memref<128x64xf32, #tpu.memory_space<vmem>>
        %parallel_loop3A_1423 = arith.index_cast %parallel_loop3A_1417 : i32 to index
        %parallel_loop3A_1424 = arith.constant 0 : index
        %parallel_loop3A_1425 = tpu.vector_load %parallel_loop3A_1422[%parallel_loop3A_1423, %parallel_loop3A_1424] {strides = array<i32>} : memref<128x64xf32, #tpu.memory_space<vmem>>, vector<16xf32>,
        %parallel_loop3A_1426 = arith.addf %parallel_loop3A_1425, %get3A_1051 : vector<16xf32>
        %parallel_loop3A_1427 = arith.constant 0 : i32
        %parallel_loop3A_1428 = arith.constant 0 : i32
        %parallel_loop3A_1429 = tpu.memref_slice %arg9[%parallel_loop3A_1077, %parallel_loop3A_1427, %parallel_loop3A_1428] : memref<4x64x132xf32, #tpu.memory_space<vmem>> -> memref<1x64x132xf32, #tpu.memory_space<vmem>>
        %parallel_loop3A_1430 = tpu.memref_squeeze %parallel_loop3A_1429 : memref<1x64x132xf32, #tpu.memory_space<vmem>> -> memref<64x132xf32, #tpu.memory_space<vmem>>
        tpu.vector_store_idx %parallel_loop3A_1430[%add3A_1054, %parallel_loop3A_1418], %parallel_loop3A_1426 : memref<64x132xf32, #tpu.memory_space<vmem>>[vector<16xi32>, vector<16xi32>], vector<16xf32>,
        %parallel_loop3A_1431 = arith.constant 0 : i32
        %parallel_loop3A_1432 = arith.constant 0 : i32
        %parallel_loop3A_1433 = tpu.memref_slice %arg8[%parallel_loop3A_1076, %parallel_loop3A_1431, %parallel_loop3A_1432] : memref<4x128x64xf32, #tpu.memory_space<vmem>> -> memref<1x128x64xf32, #tpu.memory_space<vmem>>
        %parallel_loop3A_1434 = tpu.memref_squeeze %parallel_loop3A_1433 : memref<1x128x64xf32, #tpu.memory_space<vmem>> -> memref<128x64xf32, #tpu.memory_space<vmem>>
        %parallel_loop3A_1435 = arith.index_cast %parallel_loop3A_1417 : i32 to index
        %parallel_loop3A_1436 = arith.constant 16 : index
        %parallel_loop3A_1437 = tpu.vector_load %parallel_loop3A_1434[%parallel_loop3A_1435, %parallel_loop3A_1436] {strides = array<i32>} : memref<128x64xf32, #tpu.memory_space<vmem>>, vector<16xf32>,
        %parallel_loop3A_1438 = arith.addf %parallel_loop3A_1437, %get3A_1057 : vector<16xf32>
        %parallel_loop3A_1439 = arith.constant 0 : i32
        %parallel_loop3A_1440 = arith.constant 0 : i32
        %parallel_loop3A_1441 = tpu.memref_slice %arg9[%parallel_loop3A_1077, %parallel_loop3A_1439, %parallel_loop3A_1440] : memref<4x64x132xf32, #tpu.memory_space<vmem>> -> memref<1x64x132xf32, #tpu.memory_space<vmem>>
        %parallel_loop3A_1442 = tpu.memref_squeeze %parallel_loop3A_1441 : memref<1x64x132xf32, #tpu.memory_space<vmem>> -> memref<64x132xf32, #tpu.memory_space<vmem>>
        tpu.vector_store_idx %parallel_loop3A_1442[%add3A_1060, %parallel_loop3A_1418], %parallel_loop3A_1438 : memref<64x132xf32, #tpu.memory_space<vmem>>[vector<16xi32>, vector<16xi32>], vector<16xf32>,
        %parallel_loop3A_1443 = arith.constant 0 : i32
        %parallel_loop3A_1444 = arith.constant 0 : i32
        %parallel_loop3A_1445 = tpu.memref_slice %arg8[%parallel_loop3A_1076, %parallel_loop3A_1443, %parallel_loop3A_1444] : memref<4x128x64xf32, #tpu.memory_space<vmem>> -> memref<1x128x64xf32, #tpu.memory_space<vmem>>
        %parallel_loop3A_1446 = tpu.memref_squeeze %parallel_loop3A_1445 : memref<1x128x64xf32, #tpu.memory_space<vmem>> -> memref<128x64xf32, #tpu.memory_space<vmem>>
        %parallel_loop3A_1447 = arith.index_cast %parallel_loop3A_1417 : i32 to index
        %parallel_loop3A_1448 = arith.constant 32 : index
        %parallel_loop3A_1449 = tpu.vector_load %parallel_loop3A_1446[%parallel_loop3A_1447, %parallel_loop3A_1448] {strides = array<i32>} : memref<128x64xf32, #tpu.memory_space<vmem>>, vector<16xf32>,
        %parallel_loop3A_1450 = arith.addf %parallel_loop3A_1449, %get3A_1063 : vector<16xf32>
        %parallel_loop3A_1451 = arith.constant 0 : i32
        %parallel_loop3A_1452 = arith.constant 0 : i32
        %parallel_loop3A_1453 = tpu.memref_slice %arg9[%parallel_loop3A_1077, %parallel_loop3A_1451, %parallel_loop3A_1452] : memref<4x64x132xf32, #tpu.memory_space<vmem>> -> memref<1x64x132xf32, #tpu.memory_space<vmem>>
        %parallel_loop3A_1454 = tpu.memref_squeeze %parallel_loop3A_1453 : memref<1x64x132xf32, #tpu.memory_space<vmem>> -> memref<64x132xf32, #tpu.memory_space<vmem>>
        tpu.vector_store_idx %parallel_loop3A_1454[%add3A_1066, %parallel_loop3A_1418], %parallel_loop3A_1450 : memref<64x132xf32, #tpu.memory_space<vmem>>[vector<16xi32>, vector<16xi32>], vector<16xf32>,
        %parallel_loop3A_1455 = arith.constant 0 : i32
        %parallel_loop3A_1456 = arith.constant 0 : i32
        %parallel_loop3A_1457 = tpu.memref_slice %arg8[%parallel_loop3A_1076, %parallel_loop3A_1455, %parallel_loop3A_1456] : memref<4x128x64xf32, #tpu.memory_space<vmem>> -> memref<1x128x64xf32, #tpu.memory_space<vmem>>
        %parallel_loop3A_1458 = tpu.memref_squeeze %parallel_loop3A_1457 : memref<1x128x64xf32, #tpu.memory_space<vmem>> -> memref<128x64xf32, #tpu.memory_space<vmem>>
        %parallel_loop3A_1459 = arith.index_cast %parallel_loop3A_1417 : i32 to index
        %parallel_loop3A_1460 = arith.constant 48 : index
        %parallel_loop3A_1461 = tpu.vector_load %parallel_loop3A_1458[%parallel_loop3A_1459, %parallel_loop3A_1460] {strides = array<i32>} : memref<128x64xf32, #tpu.memory_space<vmem>>, vector<16xf32>,
        %parallel_loop3A_1462 = arith.addf %parallel_loop3A_1461, %get3A_1069 : vector<16xf32>
        %parallel_loop3A_1463 = arith.constant 0 : i32
        %parallel_loop3A_1464 = arith.constant 0 : i32
        %parallel_loop3A_1465 = tpu.memref_slice %arg9[%parallel_loop3A_1077, %parallel_loop3A_1463, %parallel_loop3A_1464] : memref<4x64x132xf32, #tpu.memory_space<vmem>> -> memref<1x64x132xf32, #tpu.memory_space<vmem>>
        %parallel_loop3A_1466 = tpu.memref_squeeze %parallel_loop3A_1465 : memref<1x64x132xf32, #tpu.memory_space<vmem>> -> memref<64x132xf32, #tpu.memory_space<vmem>>
        tpu.vector_store_idx %parallel_loop3A_1466[%add3A_1072, %parallel_loop3A_1418], %parallel_loop3A_1462 : memref<64x132xf32, #tpu.memory_space<vmem>>[vector<16xi32>, vector<16xi32>], vector<16xf32>,
      } {sc.loop_unroll_factor = 4 : i64, sc.parallel_access}
      %dma_start3A_1078 = arith.constant 2 : i32
      %dma_start3A_1079 = arith.constant 0 : i32
      %dma_start3A_1080 = arith.constant 0 : i32
      %dma_start3A_1081 = arith.constant 0 : i32
      %dma_start3A_1082 = tpu.memref_slice %arg9[%dma_start3A_1078, %dma_start3A_1080, %dma_start3A_1081] : memref<4x64x132xf32, #tpu.memory_space<vmem>> -> memref<1x8x128xf32, #tpu.memory_space<vmem>>
      %dma_start3A_1083 = tpu.memref_squeeze %dma_start3A_1082 : memref<1x8x128xf32, #tpu.memory_space<vmem>> -> memref<8x128xf32, #tpu.memory_space<vmem>>
      %dma_start3A_1084 = arith.constant 0 : i32
      %dma_start3A_1085 = arith.constant 0 : i32
      %dma_start3A_1086 = tpu.memref_slice %arg5[%add3A_1030, %dma_start3A_1079, %add3A, %dma_start3A_1084, %dma_start3A_1085] : memref<200x8x32x8x128xf32, #tpu.memory_space<hbm>> -> memref<1x1x1x8x128xf32, #tpu.memory_space<hbm>>
      %dma_start3A_1087 = tpu.memref_squeeze %dma_start3A_1086 : memref<1x1x1x8x128xf32, #tpu.memory_space<hbm>> -> memref<8x128xf32, #tpu.memory_space<hbm>>
      %dma_start3A_1088 = arith.constant 0 : i32
      %dma_start3A_1089 = arith.constant 0 : i32
      %dma_start3A_1090 = tpu.memref_slice %arg5[%add3A_1030, %dma_start3A_1079, %add3A, %dma_start3A_1088, %dma_start3A_1089] : memref<200x8x32x8x128xf32, #tpu.memory_space<hbm>> -> memref<1x1x1x8x128xf32, #tpu.memory_space<hbm>>
      %dma_start3A_1091 = tpu.memref_squeeze %dma_start3A_1090 : memref<1x1x1x8x128xf32, #tpu.memory_space<hbm>> -> memref<8x128xf32, #tpu.memory_space<hbm>>
      %dma_start3A_1092 = arith.constant 0 : i32
      %dma_start3A_1093 = arith.constant 0 : i32
      %dma_start3A_1094 = tpu.memref_slice %arg9[%dma_start3A_1078, %dma_start3A_1092, %dma_start3A_1093] : memref<4x64x132xf32, #tpu.memory_space<vmem>> -> memref<1x8x128xf32, #tpu.memory_space<vmem>>
      %dma_start3A_1095 = tpu.memref_squeeze %dma_start3A_1094 : memref<1x8x128xf32, #tpu.memory_space<vmem>> -> memref<8x128xf32, #tpu.memory_space<vmem>>
      tpu.enqueue_dma source(%dma_start3A_1095 : memref<8x128xf32, #tpu.memory_space<vmem>>) target(%dma_start3A_1091 : memref<8x128xf32, #tpu.memory_space<hbm>>) target_semaphore(%arg16 : memref<!tpu.dma_semaphore, #tpu.memory_space<semaphore_mem>>)
      %dma_start3A_1096 = arith.constant 2 : i32
      %dma_start3A_1097 = arith.constant 1 : i32
      %dma_start3A_1098 = arith.constant 8 : i32
      %dma_start3A_1099 = arith.constant 0 : i32
      %dma_start3A_1100 = tpu.memref_slice %arg9[%dma_start3A_1096, %dma_start3A_1098, %dma_start3A_1099] : memref<4x64x132xf32, #tpu.memory_space<vmem>> -> memref<1x8x128xf32, #tpu.memory_space<vmem>>
      %dma_start3A_1101 = tpu.memref_squeeze %dma_start3A_1100 : memref<1x8x128xf32, #tpu.memory_space<vmem>> -> memref<8x128xf32, #tpu.memory_space<vmem>>
      %dma_start3A_1102 = arith.constant 0 : i32
      %dma_start3A_1103 = arith.constant 0 : i32
      %dma_start3A_1104 = tpu.memref_slice %arg5[%add3A_1030, %dma_start3A_1097, %add3A, %dma_start3A_1102, %dma_start3A_1103] : memref<200x8x32x8x128xf32, #tpu.memory_space<hbm>> -> memref<1x1x1x8x128xf32, #tpu.memory_space<hbm>>
      %dma_start3A_1105 = tpu.memref_squeeze %dma_start3A_1104 : memref<1x1x1x8x128xf32, #tpu.memory_space<hbm>> -> memref<8x128xf32, #tpu.memory_space<hbm>>
      %dma_start3A_1106 = arith.constant 0 : i32
      %dma_start3A_1107 = arith.constant 0 : i32
      %dma_start3A_1108 = tpu.memref_slice %arg5[%add3A_1030, %dma_start3A_1097, %add3A, %dma_start3A_1106, %dma_start3A_1107] : memref<200x8x32x8x128xf32, #tpu.memory_space<hbm>> -> memref<1x1x1x8x128xf32, #tpu.memory_space<hbm>>
      %dma_start3A_1109 = tpu.memref_squeeze %dma_start3A_1108 : memref<1x1x1x8x128xf32, #tpu.memory_space<hbm>> -> memref<8x128xf32, #tpu.memory_space<hbm>>
      %dma_start3A_1110 = arith.constant 8 : i32
      %dma_start3A_1111 = arith.constant 0 : i32
      %dma_start3A_1112 = tpu.memref_slice %arg9[%dma_start3A_1096, %dma_start3A_1110, %dma_start3A_1111] : memref<4x64x132xf32, #tpu.memory_space<vmem>> -> memref<1x8x128xf32, #tpu.memory_space<vmem>>
      %dma_start3A_1113 = tpu.memref_squeeze %dma_start3A_1112 : memref<1x8x128xf32, #tpu.memory_space<vmem>> -> memref<8x128xf32, #tpu.memory_space<vmem>>
      tpu.enqueue_dma source(%dma_start3A_1113 : memref<8x128xf32, #tpu.memory_space<vmem>>) target(%dma_start3A_1109 : memref<8x128xf32, #tpu.memory_space<hbm>>) target_semaphore(%arg16 : memref<!tpu.dma_semaphore, #tpu.memory_space<semaphore_mem>>)
      %dma_start3A_1114 = arith.constant 2 : i32
      %dma_start3A_1115 = arith.constant 2 : i32
      %dma_start3A_1116 = arith.constant 16 : i32
      %dma_start3A_1117 = arith.constant 0 : i32
      %dma_start3A_1118 = tpu.memref_slice %arg9[%dma_start3A_1114, %dma_start3A_1116, %dma_start3A_1117] : memref<4x64x132xf32, #tpu.memory_space<vmem>> -> memref<1x8x128xf32, #tpu.memory_space<vmem>>
      %dma_start3A_1119 = tpu.memref_squeeze %dma_start3A_1118 : memref<1x8x128xf32, #tpu.memory_space<vmem>> -> memref<8x128xf32, #tpu.memory_space<vmem>>
      %dma_start3A_1120 = arith.constant 0 : i32
      %dma_start3A_1121 = arith.constant 0 : i32
      %dma_start3A_1122 = tpu.memref_slice %arg5[%add3A_1030, %dma_start3A_1115, %add3A, %dma_start3A_1120, %dma_start3A_1121] : memref<200x8x32x8x128xf32, #tpu.memory_space<hbm>> -> memref<1x1x1x8x128xf32, #tpu.memory_space<hbm>>
      %dma_start3A_1123 = tpu.memref_squeeze %dma_start3A_1122 : memref<1x1x1x8x128xf32, #tpu.memory_space<hbm>> -> memref<8x128xf32, #tpu.memory_space<hbm>>
      %dma_start3A_1124 = arith.constant 0 : i32
      %dma_start3A_1125 = arith.constant 0 : i32
      %dma_start3A_1126 = tpu.memref_slice %arg5[%add3A_1030, %dma_start3A_1115, %add3A, %dma_start3A_1124, %dma_start3A_1125] : memref<200x8x32x8x128xf32, #tpu.memory_space<hbm>> -> memref<1x1x1x8x128xf32, #tpu.memory_space<hbm>>
      %dma_start3A_1127 = tpu.memref_squeeze %dma_start3A_1126 : memref<1x1x1x8x128xf32, #tpu.memory_space<hbm>> -> memref<8x128xf32, #tpu.memory_space<hbm>>
      %dma_start3A_1128 = arith.constant 16 : i32
      %dma_start3A_1129 = arith.constant 0 : i32
      %dma_start3A_1130 = tpu.memref_slice %arg9[%dma_start3A_1114, %dma_start3A_1128, %dma_start3A_1129] : memref<4x64x132xf32, #tpu.memory_space<vmem>> -> memref<1x8x128xf32, #tpu.memory_space<vmem>>
      %dma_start3A_1131 = tpu.memref_squeeze %dma_start3A_1130 : memref<1x8x128xf32, #tpu.memory_space<vmem>> -> memref<8x128xf32, #tpu.memory_space<vmem>>
      tpu.enqueue_dma source(%dma_start3A_1131 : memref<8x128xf32, #tpu.memory_space<vmem>>) target(%dma_start3A_1127 : memref<8x128xf32, #tpu.memory_space<hbm>>) target_semaphore(%arg16 : memref<!tpu.dma_semaphore, #tpu.memory_space<semaphore_mem>>)
      %dma_start3A_1132 = arith.constant 2 : i32
      %dma_start3A_1133 = arith.constant 3 : i32
      %dma_start3A_1134 = arith.constant 24 : i32
      %dma_start3A_1135 = arith.constant 0 : i32
      %dma_start3A_1136 = tpu.memref_slice %arg9[%dma_start3A_1132, %dma_start3A_1134, %dma_start3A_1135] : memref<4x64x132xf32, #tpu.memory_space<vmem>> -> memref<1x8x128xf32, #tpu.memory_space<vmem>>
      %dma_start3A_1137 = tpu.memref_squeeze %dma_start3A_1136 : memref<1x8x128xf32, #tpu.memory_space<vmem>> -> memref<8x128xf32, #tpu.memory_space<vmem>>
      %dma_start3A_1138 = arith.constant 0 : i32
      %dma_start3A_1139 = arith.constant 0 : i32
      %dma_start3A_1140 = tpu.memref_slice %arg5[%add3A_1030, %dma_start3A_1133, %add3A, %dma_start3A_1138, %dma_start3A_1139] : memref<200x8x32x8x128xf32, #tpu.memory_space<hbm>> -> memref<1x1x1x8x128xf32, #tpu.memory_space<hbm>>
      %dma_start3A_1141 = tpu.memref_squeeze %dma_start3A_1140 : memref<1x1x1x8x128xf32, #tpu.memory_space<hbm>> -> memref<8x128xf32, #tpu.memory_space<hbm>>
      %dma_start3A_1142 = arith.constant 0 : i32
      %dma_start3A_1143 = arith.constant 0 : i32
      %dma_start3A_1144 = tpu.memref_slice %arg5[%add3A_1030, %dma_start3A_1133, %add3A, %dma_start3A_1142, %dma_start3A_1143] : memref<200x8x32x8x128xf32, #tpu.memory_space<hbm>> -> memref<1x1x1x8x128xf32, #tpu.memory_space<hbm>>
      %dma_start3A_1145 = tpu.memref_squeeze %dma_start3A_1144 : memref<1x1x1x8x128xf32, #tpu.memory_space<hbm>> -> memref<8x128xf32, #tpu.memory_space<hbm>>
      %dma_start3A_1146 = arith.constant 24 : i32
      %dma_start3A_1147 = arith.constant 0 : i32
      %dma_start3A_1148 = tpu.memref_slice %arg9[%dma_start3A_1132, %dma_start3A_1146, %dma_start3A_1147] : memref<4x64x132xf32, #tpu.memory_space<vmem>> -> memref<1x8x128xf32, #tpu.memory_space<vmem>>
      %dma_start3A_1149 = tpu.memref_squeeze %dma_start3A_1148 : memref<1x8x128xf32, #tpu.memory_space<vmem>> -> memref<8x128xf32, #tpu.memory_space<vmem>>
      tpu.enqueue_dma source(%dma_start3A_1149 : memref<8x128xf32, #tpu.memory_space<vmem>>) target(%dma_start3A_1145 : memref<8x128xf32, #tpu.memory_space<hbm>>) target_semaphore(%arg16 : memref<!tpu.dma_semaphore, #tpu.memory_space<semaphore_mem>>)
      %dma_start3A_1150 = arith.constant 2 : i32
      %dma_start3A_1151 = arith.constant 4 : i32
      %dma_start3A_1152 = arith.constant 32 : i32
      %dma_start3A_1153 = arith.constant 0 : i32
      %dma_start3A_1154 = tpu.memref_slice %arg9[%dma_start3A_1150, %dma_start3A_1152, %dma_start3A_1153] : memref<4x64x132xf32, #tpu.memory_space<vmem>> -> memref<1x8x128xf32, #tpu.memory_space<vmem>>
      %dma_start3A_1155 = tpu.memref_squeeze %dma_start3A_1154 : memref<1x8x128xf32, #tpu.memory_space<vmem>> -> memref<8x128xf32, #tpu.memory_space<vmem>>
      %dma_start3A_1156 = arith.constant 0 : i32
      %dma_start3A_1157 = arith.constant 0 : i32
      %dma_start3A_1158 = tpu.memref_slice %arg5[%add3A_1030, %dma_start3A_1151, %add3A, %dma_start3A_1156, %dma_start3A_1157] : memref<200x8x32x8x128xf32, #tpu.memory_space<hbm>> -> memref<1x1x1x8x128xf32, #tpu.memory_space<hbm>>
      %dma_start3A_1159 = tpu.memref_squeeze %dma_start3A_1158 : memref<1x1x1x8x128xf32, #tpu.memory_space<hbm>> -> memref<8x128xf32, #tpu.memory_space<hbm>>
      %dma_start3A_1160 = arith.constant 0 : i32
      %dma_start3A_1161 = arith.constant 0 : i32
      %dma_start3A_1162 = tpu.memref_slice %arg5[%add3A_1030, %dma_start3A_1151, %add3A, %dma_start3A_1160, %dma_start3A_1161] : memref<200x8x32x8x128xf32, #tpu.memory_space<hbm>> -> memref<1x1x1x8x128xf32, #tpu.memory_space<hbm>>
      %dma_start3A_1163 = tpu.memref_squeeze %dma_start3A_1162 : memref<1x1x1x8x128xf32, #tpu.memory_space<hbm>> -> memref<8x128xf32, #tpu.memory_space<hbm>>
      %dma_start3A_1164 = arith.constant 32 : i32
      %dma_start3A_1165 = arith.constant 0 : i32
      %dma_start3A_1166 = tpu.memref_slice %arg9[%dma_start3A_1150, %dma_start3A_1164, %dma_start3A_1165] : memref<4x64x132xf32, #tpu.memory_space<vmem>> -> memref<1x8x128xf32, #tpu.memory_space<vmem>>
      %dma_start3A_1167 = tpu.memref_squeeze %dma_start3A_1166 : memref<1x8x128xf32, #tpu.memory_space<vmem>> -> memref<8x128xf32, #tpu.memory_space<vmem>>
      tpu.enqueue_dma source(%dma_start3A_1167 : memref<8x128xf32, #tpu.memory_space<vmem>>) target(%dma_start3A_1163 : memref<8x128xf32, #tpu.memory_space<hbm>>) target_semaphore(%arg16 : memref<!tpu.dma_semaphore, #tpu.memory_space<semaphore_mem>>)
      %dma_start3A_1168 = arith.constant 2 : i32
      %dma_start3A_1169 = arith.constant 5 : i32
      %dma_start3A_1170 = arith.constant 40 : i32
      %dma_start3A_1171 = arith.constant 0 : i32
      %dma_start3A_1172 = tpu.memref_slice %arg9[%dma_start3A_1168, %dma_start3A_1170, %dma_start3A_1171] : memref<4x64x132xf32, #tpu.memory_space<vmem>> -> memref<1x8x128xf32, #tpu.memory_space<vmem>>
      %dma_start3A_1173 = tpu.memref_squeeze %dma_start3A_1172 : memref<1x8x128xf32, #tpu.memory_space<vmem>> -> memref<8x128xf32, #tpu.memory_space<vmem>>
      %dma_start3A_1174 = arith.constant 0 : i32
      %dma_start3A_1175 = arith.constant 0 : i32
      %dma_start3A_1176 = tpu.memref_slice %arg5[%add3A_1030, %dma_start3A_1169, %add3A, %dma_start3A_1174, %dma_start3A_1175] : memref<200x8x32x8x128xf32, #tpu.memory_space<hbm>> -> memref<1x1x1x8x128xf32, #tpu.memory_space<hbm>>
      %dma_start3A_1177 = tpu.memref_squeeze %dma_start3A_1176 : memref<1x1x1x8x128xf32, #tpu.memory_space<hbm>> -> memref<8x128xf32, #tpu.memory_space<hbm>>
      %dma_start3A_1178 = arith.constant 0 : i32
      %dma_start3A_1179 = arith.constant 0 : i32
      %dma_start3A_1180 = tpu.memref_slice %arg5[%add3A_1030, %dma_start3A_1169, %add3A, %dma_start3A_1178, %dma_start3A_1179] : memref<200x8x32x8x128xf32, #tpu.memory_space<hbm>> -> memref<1x1x1x8x128xf32, #tpu.memory_space<hbm>>
      %dma_start3A_1181 = tpu.memref_squeeze %dma_start3A_1180 : memref<1x1x1x8x128xf32, #tpu.memory_space<hbm>> -> memref<8x128xf32, #tpu.memory_space<hbm>>
      %dma_start3A_1182 = arith.constant 40 : i32
      %dma_start3A_1183 = arith.constant 0 : i32
      %dma_start3A_1184 = tpu.memref_slice %arg9[%dma_start3A_1168, %dma_start3A_1182, %dma_start3A_1183] : memref<4x64x132xf32, #tpu.memory_space<vmem>> -> memref<1x8x128xf32, #tpu.memory_space<vmem>>
      %dma_start3A_1185 = tpu.memref_squeeze %dma_start3A_1184 : memref<1x8x128xf32, #tpu.memory_space<vmem>> -> memref<8x128xf32, #tpu.memory_space<vmem>>
      tpu.enqueue_dma source(%dma_start3A_1185 : memref<8x128xf32, #tpu.memory_space<vmem>>) target(%dma_start3A_1181 : memref<8x128xf32, #tpu.memory_space<hbm>>) target_semaphore(%arg16 : memref<!tpu.dma_semaphore, #tpu.memory_space<semaphore_mem>>)
      %dma_start3A_1186 = arith.constant 2 : i32
      %dma_start3A_1187 = arith.constant 6 : i32
      %dma_start3A_1188 = arith.constant 48 : i32
      %dma_start3A_1189 = arith.constant 0 : i32
      %dma_start3A_1190 = tpu.memref_slice %arg9[%dma_start3A_1186, %dma_start3A_1188, %dma_start3A_1189] : memref<4x64x132xf32, #tpu.memory_space<vmem>> -> memref<1x8x128xf32, #tpu.memory_space<vmem>>
      %dma_start3A_1191 = tpu.memref_squeeze %dma_start3A_1190 : memref<1x8x128xf32, #tpu.memory_space<vmem>> -> memref<8x128xf32, #tpu.memory_space<vmem>>
      %dma_start3A_1192 = arith.constant 0 : i32
      %dma_start3A_1193 = arith.constant 0 : i32
      %dma_start3A_1194 = tpu.memref_slice %arg5[%add3A_1030, %dma_start3A_1187, %add3A, %dma_start3A_1192, %dma_start3A_1193] : memref<200x8x32x8x128xf32, #tpu.memory_space<hbm>> -> memref<1x1x1x8x128xf32, #tpu.memory_space<hbm>>
      %dma_start3A_1195 = tpu.memref_squeeze %dma_start3A_1194 : memref<1x1x1x8x128xf32, #tpu.memory_space<hbm>> -> memref<8x128xf32, #tpu.memory_space<hbm>>
      %dma_start3A_1196 = arith.constant 0 : i32
      %dma_start3A_1197 = arith.constant 0 : i32
      %dma_start3A_1198 = tpu.memref_slice %arg5[%add3A_1030, %dma_start3A_1187, %add3A, %dma_start3A_1196, %dma_start3A_1197] : memref<200x8x32x8x128xf32, #tpu.memory_space<hbm>> -> memref<1x1x1x8x128xf32, #tpu.memory_space<hbm>>
      %dma_start3A_1199 = tpu.memref_squeeze %dma_start3A_1198 : memref<1x1x1x8x128xf32, #tpu.memory_space<hbm>> -> memref<8x128xf32, #tpu.memory_space<hbm>>
      %dma_start3A_1200 = arith.constant 48 : i32
      %dma_start3A_1201 = arith.constant 0 : i32
      %dma_start3A_1202 = tpu.memref_slice %arg9[%dma_start3A_1186, %dma_start3A_1200, %dma_start3A_1201] : memref<4x64x132xf32, #tpu.memory_space<vmem>> -> memref<1x8x128xf32, #tpu.memory_space<vmem>>
      %dma_start3A_1203 = tpu.memref_squeeze %dma_start3A_1202 : memref<1x8x128xf32, #tpu.memory_space<vmem>> -> memref<8x128xf32, #tpu.memory_space<vmem>>
      tpu.enqueue_dma source(%dma_start3A_1203 : memref<8x128xf32, #tpu.memory_space<vmem>>) target(%dma_start3A_1199 : memref<8x128xf32, #tpu.memory_space<hbm>>) target_semaphore(%arg16 : memref<!tpu.dma_semaphore, #tpu.memory_space<semaphore_mem>>)
      %dma_start3A_1204 = arith.constant 2 : i32
      %dma_start3A_1205 = arith.constant 7 : i32
      %dma_start3A_1206 = arith.constant 56 : i32
      %dma_start3A_1207 = arith.constant 0 : i32
      %dma_start3A_1208 = tpu.memref_slice %arg9[%dma_start3A_1204, %dma_start3A_1206, %dma_start3A_1207] : memref<4x64x132xf32, #tpu.memory_space<vmem>> -> memref<1x8x128xf32, #tpu.memory_space<vmem>>
      %dma_start3A_1209 = tpu.memref_squeeze %dma_start3A_1208 : memref<1x8x128xf32, #tpu.memory_space<vmem>> -> memref<8x128xf32, #tpu.memory_space<vmem>>
      %dma_start3A_1210 = arith.constant 0 : i32
      %dma_start3A_1211 = arith.constant 0 : i32
      %dma_start3A_1212 = tpu.memref_slice %arg5[%add3A_1030, %dma_start3A_1205, %add3A, %dma_start3A_1210, %dma_start3A_1211] : memref<200x8x32x8x128xf32, #tpu.memory_space<hbm>> -> memref<1x1x1x8x128xf32, #tpu.memory_space<hbm>>
      %dma_start3A_1213 = tpu.memref_squeeze %dma_start3A_1212 : memref<1x1x1x8x128xf32, #tpu.memory_space<hbm>> -> memref<8x128xf32, #tpu.memory_space<hbm>>
      %dma_start3A_1214 = arith.constant 0 : i32
      %dma_start3A_1215 = arith.constant 0 : i32
      %dma_start3A_1216 = tpu.memref_slice %arg5[%add3A_1030, %dma_start3A_1205, %add3A, %dma_start3A_1214, %dma_start3A_1215] : memref<200x8x32x8x128xf32, #tpu.memory_space<hbm>> -> memref<1x1x1x8x128xf32, #tpu.memory_space<hbm>>
      %dma_start3A_1217 = tpu.memref_squeeze %dma_start3A_1216 : memref<1x1x1x8x128xf32, #tpu.memory_space<hbm>> -> memref<8x128xf32, #tpu.memory_space<hbm>>
      %dma_start3A_1218 = arith.constant 56 : i32
      %dma_start3A_1219 = arith.constant 0 : i32
      %dma_start3A_1220 = tpu.memref_slice %arg9[%dma_start3A_1204, %dma_start3A_1218, %dma_start3A_1219] : memref<4x64x132xf32, #tpu.memory_space<vmem>> -> memref<1x8x128xf32, #tpu.memory_space<vmem>>
      %dma_start3A_1221 = tpu.memref_squeeze %dma_start3A_1220 : memref<1x8x128xf32, #tpu.memory_space<vmem>> -> memref<8x128xf32, #tpu.memory_space<vmem>>
      tpu.enqueue_dma source(%dma_start3A_1221 : memref<8x128xf32, #tpu.memory_space<vmem>>) target(%dma_start3A_1217 : memref<8x128xf32, #tpu.memory_space<hbm>>) target_semaphore(%arg16 : memref<!tpu.dma_semaphore, #tpu.memory_space<semaphore_mem>>)
      %mul3A_1222 = arith.constant 4 : i32
      %mul3A_1223 = arith.muli %add3A_641, %mul3A_1222 : i32
      %add3A_1224 = arith.constant 3 : i32
      %add3A_1225 = arith.addi %mul3A_1223, %add3A_1224 : i32
      %add3A_1226 = arith.constant 2 : i32
      %add3A_1227 = arith.addi %add3A_1225, %add3A_1226 : i32
      %lt3A_1228 = arith.constant 200 : i32
      %lt3A_1229 = arith.cmpi slt, %add3A_1227, %lt3A_1228 : i32
      %convert_element_type3A_1230 = arith.extui %lt3A_1229 : i1 to i32
      %cond3A_1231 = arith.constant 0 : i32
      %cond3A_1232 = arith.cmpi ne, %convert_element_type3A_1230, %cond3A_1231 : i32
      scf.if %cond3A_1232 {
        %ge3A = arith.constant 4 : i32
        %ge3A_1417 = arith.cmpi sge, %add3A_1227, %ge3A : i32
        %convert_element_type3A_1418 = arith.extui %ge3A_1417 : i1 to i32
        %cond3A_1419 = arith.constant 0 : i32
        %cond3A_1420 = arith.cmpi ne, %convert_element_type3A_1418, %cond3A_1419 : i32
        scf.if %cond3A_1420 {
          %sub3A = arith.constant 4 : i32
          %sub3A_1432 = arith.subi %add3A_1227, %sub3A : i32
          %dma_wait3A_1433 = arith.constant 1 : i32
          %dma_wait3A_1434 = arith.constant 0 : i32
          %dma_wait3A_1435 = arith.constant 0 : i32
          %dma_wait3A_1436 = arith.constant 0 : i32
          %dma_wait3A_1437 = tpu.memref_slice %arg9[%dma_wait3A_1433, %dma_wait3A_1435, %dma_wait3A_1436] : memref<4x64x132xf32, #tpu.memory_space<vmem>> -> memref<1x8x128xf32, #tpu.memory_space<vmem>>
          %dma_wait3A_1438 = tpu.memref_squeeze %dma_wait3A_1437 : memref<1x8x128xf32, #tpu.memory_space<vmem>> -> memref<8x128xf32, #tpu.memory_space<vmem>>
          %dma_wait3A_1439 = arith.constant 0 : i32
          %dma_wait3A_1440 = arith.constant 0 : i32
          %dma_wait3A_1441 = tpu.memref_slice %arg5[%sub3A_1432, %dma_wait3A_1434, %add3A, %dma_wait3A_1439, %dma_wait3A_1440] : memref<200x8x32x8x128xf32, #tpu.memory_space<hbm>> -> memref<1x1x1x8x128xf32, #tpu.memory_space<hbm>>
          %dma_wait3A_1442 = tpu.memref_squeeze %dma_wait3A_1441 : memref<1x1x1x8x128xf32, #tpu.memory_space<hbm>> -> memref<8x128xf32, #tpu.memory_space<hbm>>
          %dma_wait3A_1443 = arith.constant 0 : i32
          %dma_wait3A_1444 = arith.constant 0 : i32
          %dma_wait3A_1445 = tpu.memref_slice %arg5[%sub3A_1432, %dma_wait3A_1434, %add3A, %dma_wait3A_1443, %dma_wait3A_1444] : memref<200x8x32x8x128xf32, #tpu.memory_space<hbm>> -> memref<1x1x1x8x128xf32, #tpu.memory_space<hbm>>
          %dma_wait3A_1446 = tpu.memref_squeeze %dma_wait3A_1445 : memref<1x1x1x8x128xf32, #tpu.memory_space<hbm>> -> memref<8x128xf32, #tpu.memory_space<hbm>>
          %dma_wait3A_1447 = arith.constant 0 : i32
          %dma_wait3A_1448 = arith.constant 0 : i32
          %dma_wait3A_1449 = tpu.memref_slice %arg9[%dma_wait3A_1433, %dma_wait3A_1447, %dma_wait3A_1448] : memref<4x64x132xf32, #tpu.memory_space<vmem>> -> memref<1x8x128xf32, #tpu.memory_space<vmem>>
          %dma_wait3A_1450 = tpu.memref_squeeze %dma_wait3A_1449 : memref<1x8x128xf32, #tpu.memory_space<vmem>> -> memref<8x128xf32, #tpu.memory_space<vmem>>
          tpu.wait_dma2 semaphore(%arg15 : memref<!tpu.dma_semaphore, #tpu.memory_space<semaphore_mem>>) src(%dma_wait3A_1450 : memref<8x128xf32, #tpu.memory_space<vmem>>) dst(%dma_wait3A_1446 : memref<8x128xf32, #tpu.memory_space<hbm>>)
          %dma_wait3A_1451 = arith.constant 1 : i32
          %dma_wait3A_1452 = arith.constant 1 : i32
          %dma_wait3A_1453 = arith.constant 8 : i32
          %dma_wait3A_1454 = arith.constant 0 : i32
          %dma_wait3A_1455 = tpu.memref_slice %arg9[%dma_wait3A_1451, %dma_wait3A_1453, %dma_wait3A_1454] : memref<4x64x132xf32, #tpu.memory_space<vmem>> -> memref<1x8x128xf32, #tpu.memory_space<vmem>>
          %dma_wait3A_1456 = tpu.memref_squeeze %dma_wait3A_1455 : memref<1x8x128xf32, #tpu.memory_space<vmem>> -> memref<8x128xf32, #tpu.memory_space<vmem>>
          %dma_wait3A_1457 = arith.constant 0 : i32
          %dma_wait3A_1458 = arith.constant 0 : i32
          %dma_wait3A_1459 = tpu.memref_slice %arg5[%sub3A_1432, %dma_wait3A_1452, %add3A, %dma_wait3A_1457, %dma_wait3A_1458] : memref<200x8x32x8x128xf32, #tpu.memory_space<hbm>> -> memref<1x1x1x8x128xf32, #tpu.memory_space<hbm>>
          %dma_wait3A_1460 = tpu.memref_squeeze %dma_wait3A_1459 : memref<1x1x1x8x128xf32, #tpu.memory_space<hbm>> -> memref<8x128xf32, #tpu.memory_space<hbm>>
          %dma_wait3A_1461 = arith.constant 0 : i32
          %dma_wait3A_1462 = arith.constant 0 : i32
          %dma_wait3A_1463 = tpu.memref_slice %arg5[%sub3A_1432, %dma_wait3A_1452, %add3A, %dma_wait3A_1461, %dma_wait3A_1462] : memref<200x8x32x8x128xf32, #tpu.memory_space<hbm>> -> memref<1x1x1x8x128xf32, #tpu.memory_space<hbm>>
          %dma_wait3A_1464 = tpu.memref_squeeze %dma_wait3A_1463 : memref<1x1x1x8x128xf32, #tpu.memory_space<hbm>> -> memref<8x128xf32, #tpu.memory_space<hbm>>
          %dma_wait3A_1465 = arith.constant 8 : i32
          %dma_wait3A_1466 = arith.constant 0 : i32
          %dma_wait3A_1467 = tpu.memref_slice %arg9[%dma_wait3A_1451, %dma_wait3A_1465, %dma_wait3A_1466] : memref<4x64x132xf32, #tpu.memory_space<vmem>> -> memref<1x8x128xf32, #tpu.memory_space<vmem>>
          %dma_wait3A_1468 = tpu.memref_squeeze %dma_wait3A_1467 : memref<1x8x128xf32, #tpu.memory_space<vmem>> -> memref<8x128xf32, #tpu.memory_space<vmem>>
          tpu.wait_dma2 semaphore(%arg15 : memref<!tpu.dma_semaphore, #tpu.memory_space<semaphore_mem>>) src(%dma_wait3A_1468 : memref<8x128xf32, #tpu.memory_space<vmem>>) dst(%dma_wait3A_1464 : memref<8x128xf32, #tpu.memory_space<hbm>>)
          %dma_wait3A_1469 = arith.constant 1 : i32
          %dma_wait3A_1470 = arith.constant 2 : i32
          %dma_wait3A_1471 = arith.constant 16 : i32
          %dma_wait3A_1472 = arith.constant 0 : i32
          %dma_wait3A_1473 = tpu.memref_slice %arg9[%dma_wait3A_1469, %dma_wait3A_1471, %dma_wait3A_1472] : memref<4x64x132xf32, #tpu.memory_space<vmem>> -> memref<1x8x128xf32, #tpu.memory_space<vmem>>
          %dma_wait3A_1474 = tpu.memref_squeeze %dma_wait3A_1473 : memref<1x8x128xf32, #tpu.memory_space<vmem>> -> memref<8x128xf32, #tpu.memory_space<vmem>>
          %dma_wait3A_1475 = arith.constant 0 : i32
          %dma_wait3A_1476 = arith.constant 0 : i32
          %dma_wait3A_1477 = tpu.memref_slice %arg5[%sub3A_1432, %dma_wait3A_1470, %add3A, %dma_wait3A_1475, %dma_wait3A_1476] : memref<200x8x32x8x128xf32, #tpu.memory_space<hbm>> -> memref<1x1x1x8x128xf32, #tpu.memory_space<hbm>>
          %dma_wait3A_1478 = tpu.memref_squeeze %dma_wait3A_1477 : memref<1x1x1x8x128xf32, #tpu.memory_space<hbm>> -> memref<8x128xf32, #tpu.memory_space<hbm>>
          %dma_wait3A_1479 = arith.constant 0 : i32
          %dma_wait3A_1480 = arith.constant 0 : i32
          %dma_wait3A_1481 = tpu.memref_slice %arg5[%sub3A_1432, %dma_wait3A_1470, %add3A, %dma_wait3A_1479, %dma_wait3A_1480] : memref<200x8x32x8x128xf32, #tpu.memory_space<hbm>> -> memref<1x1x1x8x128xf32, #tpu.memory_space<hbm>>
          %dma_wait3A_1482 = tpu.memref_squeeze %dma_wait3A_1481 : memref<1x1x1x8x128xf32, #tpu.memory_space<hbm>> -> memref<8x128xf32, #tpu.memory_space<hbm>>
          %dma_wait3A_1483 = arith.constant 16 : i32
          %dma_wait3A_1484 = arith.constant 0 : i32
          %dma_wait3A_1485 = tpu.memref_slice %arg9[%dma_wait3A_1469, %dma_wait3A_1483, %dma_wait3A_1484] : memref<4x64x132xf32, #tpu.memory_space<vmem>> -> memref<1x8x128xf32, #tpu.memory_space<vmem>>
          %dma_wait3A_1486 = tpu.memref_squeeze %dma_wait3A_1485 : memref<1x8x128xf32, #tpu.memory_space<vmem>> -> memref<8x128xf32, #tpu.memory_space<vmem>>
          tpu.wait_dma2 semaphore(%arg15 : memref<!tpu.dma_semaphore, #tpu.memory_space<semaphore_mem>>) src(%dma_wait3A_1486 : memref<8x128xf32, #tpu.memory_space<vmem>>) dst(%dma_wait3A_1482 : memref<8x128xf32, #tpu.memory_space<hbm>>)
          %dma_wait3A_1487 = arith.constant 1 : i32
          %dma_wait3A_1488 = arith.constant 3 : i32
          %dma_wait3A_1489 = arith.constant 24 : i32
          %dma_wait3A_1490 = arith.constant 0 : i32
          %dma_wait3A_1491 = tpu.memref_slice %arg9[%dma_wait3A_1487, %dma_wait3A_1489, %dma_wait3A_1490] : memref<4x64x132xf32, #tpu.memory_space<vmem>> -> memref<1x8x128xf32, #tpu.memory_space<vmem>>
          %dma_wait3A_1492 = tpu.memref_squeeze %dma_wait3A_1491 : memref<1x8x128xf32, #tpu.memory_space<vmem>> -> memref<8x128xf32, #tpu.memory_space<vmem>>
          %dma_wait3A_1493 = arith.constant 0 : i32
          %dma_wait3A_1494 = arith.constant 0 : i32
          %dma_wait3A_1495 = tpu.memref_slice %arg5[%sub3A_1432, %dma_wait3A_1488, %add3A, %dma_wait3A_1493, %dma_wait3A_1494] : memref<200x8x32x8x128xf32, #tpu.memory_space<hbm>> -> memref<1x1x1x8x128xf32, #tpu.memory_space<hbm>>
          %dma_wait3A_1496 = tpu.memref_squeeze %dma_wait3A_1495 : memref<1x1x1x8x128xf32, #tpu.memory_space<hbm>> -> memref<8x128xf32, #tpu.memory_space<hbm>>
          %dma_wait3A_1497 = arith.constant 0 : i32
          %dma_wait3A_1498 = arith.constant 0 : i32
          %dma_wait3A_1499 = tpu.memref_slice %arg5[%sub3A_1432, %dma_wait3A_1488, %add3A, %dma_wait3A_1497, %dma_wait3A_1498] : memref<200x8x32x8x128xf32, #tpu.memory_space<hbm>> -> memref<1x1x1x8x128xf32, #tpu.memory_space<hbm>>
          %dma_wait3A_1500 = tpu.memref_squeeze %dma_wait3A_1499 : memref<1x1x1x8x128xf32, #tpu.memory_space<hbm>> -> memref<8x128xf32, #tpu.memory_space<hbm>>
          %dma_wait3A_1501 = arith.constant 24 : i32
          %dma_wait3A_1502 = arith.constant 0 : i32
          %dma_wait3A_1503 = tpu.memref_slice %arg9[%dma_wait3A_1487, %dma_wait3A_1501, %dma_wait3A_1502] : memref<4x64x132xf32, #tpu.memory_space<vmem>> -> memref<1x8x128xf32, #tpu.memory_space<vmem>>
          %dma_wait3A_1504 = tpu.memref_squeeze %dma_wait3A_1503 : memref<1x8x128xf32, #tpu.memory_space<vmem>> -> memref<8x128xf32, #tpu.memory_space<vmem>>
          tpu.wait_dma2 semaphore(%arg15 : memref<!tpu.dma_semaphore, #tpu.memory_space<semaphore_mem>>) src(%dma_wait3A_1504 : memref<8x128xf32, #tpu.memory_space<vmem>>) dst(%dma_wait3A_1500 : memref<8x128xf32, #tpu.memory_space<hbm>>)
          %dma_wait3A_1505 = arith.constant 1 : i32
          %dma_wait3A_1506 = arith.constant 4 : i32
          %dma_wait3A_1507 = arith.constant 32 : i32
          %dma_wait3A_1508 = arith.constant 0 : i32
          %dma_wait3A_1509 = tpu.memref_slice %arg9[%dma_wait3A_1505, %dma_wait3A_1507, %dma_wait3A_1508] : memref<4x64x132xf32, #tpu.memory_space<vmem>> -> memref<1x8x128xf32, #tpu.memory_space<vmem>>
          %dma_wait3A_1510 = tpu.memref_squeeze %dma_wait3A_1509 : memref<1x8x128xf32, #tpu.memory_space<vmem>> -> memref<8x128xf32, #tpu.memory_space<vmem>>
          %dma_wait3A_1511 = arith.constant 0 : i32
          %dma_wait3A_1512 = arith.constant 0 : i32
          %dma_wait3A_1513 = tpu.memref_slice %arg5[%sub3A_1432, %dma_wait3A_1506, %add3A, %dma_wait3A_1511, %dma_wait3A_1512] : memref<200x8x32x8x128xf32, #tpu.memory_space<hbm>> -> memref<1x1x1x8x128xf32, #tpu.memory_space<hbm>>
          %dma_wait3A_1514 = tpu.memref_squeeze %dma_wait3A_1513 : memref<1x1x1x8x128xf32, #tpu.memory_space<hbm>> -> memref<8x128xf32, #tpu.memory_space<hbm>>
          %dma_wait3A_1515 = arith.constant 0 : i32
          %dma_wait3A_1516 = arith.constant 0 : i32
          %dma_wait3A_1517 = tpu.memref_slice %arg5[%sub3A_1432, %dma_wait3A_1506, %add3A, %dma_wait3A_1515, %dma_wait3A_1516] : memref<200x8x32x8x128xf32, #tpu.memory_space<hbm>> -> memref<1x1x1x8x128xf32, #tpu.memory_space<hbm>>
          %dma_wait3A_1518 = tpu.memref_squeeze %dma_wait3A_1517 : memref<1x1x1x8x128xf32, #tpu.memory_space<hbm>> -> memref<8x128xf32, #tpu.memory_space<hbm>>
          %dma_wait3A_1519 = arith.constant 32 : i32
          %dma_wait3A_1520 = arith.constant 0 : i32
          %dma_wait3A_1521 = tpu.memref_slice %arg9[%dma_wait3A_1505, %dma_wait3A_1519, %dma_wait3A_1520] : memref<4x64x132xf32, #tpu.memory_space<vmem>> -> memref<1x8x128xf32, #tpu.memory_space<vmem>>
          %dma_wait3A_1522 = tpu.memref_squeeze %dma_wait3A_1521 : memref<1x8x128xf32, #tpu.memory_space<vmem>> -> memref<8x128xf32, #tpu.memory_space<vmem>>
          tpu.wait_dma2 semaphore(%arg15 : memref<!tpu.dma_semaphore, #tpu.memory_space<semaphore_mem>>) src(%dma_wait3A_1522 : memref<8x128xf32, #tpu.memory_space<vmem>>) dst(%dma_wait3A_1518 : memref<8x128xf32, #tpu.memory_space<hbm>>)
          %dma_wait3A_1523 = arith.constant 1 : i32
          %dma_wait3A_1524 = arith.constant 5 : i32
          %dma_wait3A_1525 = arith.constant 40 : i32
          %dma_wait3A_1526 = arith.constant 0 : i32
          %dma_wait3A_1527 = tpu.memref_slice %arg9[%dma_wait3A_1523, %dma_wait3A_1525, %dma_wait3A_1526] : memref<4x64x132xf32, #tpu.memory_space<vmem>> -> memref<1x8x128xf32, #tpu.memory_space<vmem>>
          %dma_wait3A_1528 = tpu.memref_squeeze %dma_wait3A_1527 : memref<1x8x128xf32, #tpu.memory_space<vmem>> -> memref<8x128xf32, #tpu.memory_space<vmem>>
          %dma_wait3A_1529 = arith.constant 0 : i32
          %dma_wait3A_1530 = arith.constant 0 : i32
          %dma_wait3A_1531 = tpu.memref_slice %arg5[%sub3A_1432, %dma_wait3A_1524, %add3A, %dma_wait3A_1529, %dma_wait3A_1530] : memref<200x8x32x8x128xf32, #tpu.memory_space<hbm>> -> memref<1x1x1x8x128xf32, #tpu.memory_space<hbm>>
          %dma_wait3A_1532 = tpu.memref_squeeze %dma_wait3A_1531 : memref<1x1x1x8x128xf32, #tpu.memory_space<hbm>> -> memref<8x128xf32, #tpu.memory_space<hbm>>
          %dma_wait3A_1533 = arith.constant 0 : i32
          %dma_wait3A_1534 = arith.constant 0 : i32
          %dma_wait3A_1535 = tpu.memref_slice %arg5[%sub3A_1432, %dma_wait3A_1524, %add3A, %dma_wait3A_1533, %dma_wait3A_1534] : memref<200x8x32x8x128xf32, #tpu.memory_space<hbm>> -> memref<1x1x1x8x128xf32, #tpu.memory_space<hbm>>
          %dma_wait3A_1536 = tpu.memref_squeeze %dma_wait3A_1535 : memref<1x1x1x8x128xf32, #tpu.memory_space<hbm>> -> memref<8x128xf32, #tpu.memory_space<hbm>>
          %dma_wait3A_1537 = arith.constant 40 : i32
          %dma_wait3A_1538 = arith.constant 0 : i32
          %dma_wait3A_1539 = tpu.memref_slice %arg9[%dma_wait3A_1523, %dma_wait3A_1537, %dma_wait3A_1538] : memref<4x64x132xf32, #tpu.memory_space<vmem>> -> memref<1x8x128xf32, #tpu.memory_space<vmem>>
          %dma_wait3A_1540 = tpu.memref_squeeze %dma_wait3A_1539 : memref<1x8x128xf32, #tpu.memory_space<vmem>> -> memref<8x128xf32, #tpu.memory_space<vmem>>
          tpu.wait_dma2 semaphore(%arg15 : memref<!tpu.dma_semaphore, #tpu.memory_space<semaphore_mem>>) src(%dma_wait3A_1540 : memref<8x128xf32, #tpu.memory_space<vmem>>) dst(%dma_wait3A_1536 : memref<8x128xf32, #tpu.memory_space<hbm>>)
          %dma_wait3A_1541 = arith.constant 1 : i32
          %dma_wait3A_1542 = arith.constant 6 : i32
          %dma_wait3A_1543 = arith.constant 48 : i32
          %dma_wait3A_1544 = arith.constant 0 : i32
          %dma_wait3A_1545 = tpu.memref_slice %arg9[%dma_wait3A_1541, %dma_wait3A_1543, %dma_wait3A_1544] : memref<4x64x132xf32, #tpu.memory_space<vmem>> -> memref<1x8x128xf32, #tpu.memory_space<vmem>>
          %dma_wait3A_1546 = tpu.memref_squeeze %dma_wait3A_1545 : memref<1x8x128xf32, #tpu.memory_space<vmem>> -> memref<8x128xf32, #tpu.memory_space<vmem>>
          %dma_wait3A_1547 = arith.constant 0 : i32
          %dma_wait3A_1548 = arith.constant 0 : i32
          %dma_wait3A_1549 = tpu.memref_slice %arg5[%sub3A_1432, %dma_wait3A_1542, %add3A, %dma_wait3A_1547, %dma_wait3A_1548] : memref<200x8x32x8x128xf32, #tpu.memory_space<hbm>> -> memref<1x1x1x8x128xf32, #tpu.memory_space<hbm>>
          %dma_wait3A_1550 = tpu.memref_squeeze %dma_wait3A_1549 : memref<1x1x1x8x128xf32, #tpu.memory_space<hbm>> -> memref<8x128xf32, #tpu.memory_space<hbm>>
          %dma_wait3A_1551 = arith.constant 0 : i32
          %dma_wait3A_1552 = arith.constant 0 : i32
          %dma_wait3A_1553 = tpu.memref_slice %arg5[%sub3A_1432, %dma_wait3A_1542, %add3A, %dma_wait3A_1551, %dma_wait3A_1552] : memref<200x8x32x8x128xf32, #tpu.memory_space<hbm>> -> memref<1x1x1x8x128xf32, #tpu.memory_space<hbm>>
          %dma_wait3A_1554 = tpu.memref_squeeze %dma_wait3A_1553 : memref<1x1x1x8x128xf32, #tpu.memory_space<hbm>> -> memref<8x128xf32, #tpu.memory_space<hbm>>
          %dma_wait3A_1555 = arith.constant 48 : i32
          %dma_wait3A_1556 = arith.constant 0 : i32
          %dma_wait3A_1557 = tpu.memref_slice %arg9[%dma_wait3A_1541, %dma_wait3A_1555, %dma_wait3A_1556] : memref<4x64x132xf32, #tpu.memory_space<vmem>> -> memref<1x8x128xf32, #tpu.memory_space<vmem>>
          %dma_wait3A_1558 = tpu.memref_squeeze %dma_wait3A_1557 : memref<1x8x128xf32, #tpu.memory_space<vmem>> -> memref<8x128xf32, #tpu.memory_space<vmem>>
          tpu.wait_dma2 semaphore(%arg15 : memref<!tpu.dma_semaphore, #tpu.memory_space<semaphore_mem>>) src(%dma_wait3A_1558 : memref<8x128xf32, #tpu.memory_space<vmem>>) dst(%dma_wait3A_1554 : memref<8x128xf32, #tpu.memory_space<hbm>>)
          %dma_wait3A_1559 = arith.constant 1 : i32
          %dma_wait3A_1560 = arith.constant 7 : i32
          %dma_wait3A_1561 = arith.constant 56 : i32
          %dma_wait3A_1562 = arith.constant 0 : i32
          %dma_wait3A_1563 = tpu.memref_slice %arg9[%dma_wait3A_1559, %dma_wait3A_1561, %dma_wait3A_1562] : memref<4x64x132xf32, #tpu.memory_space<vmem>> -> memref<1x8x128xf32, #tpu.memory_space<vmem>>
          %dma_wait3A_1564 = tpu.memref_squeeze %dma_wait3A_1563 : memref<1x8x128xf32, #tpu.memory_space<vmem>> -> memref<8x128xf32, #tpu.memory_space<vmem>>
          %dma_wait3A_1565 = arith.constant 0 : i32
          %dma_wait3A_1566 = arith.constant 0 : i32
          %dma_wait3A_1567 = tpu.memref_slice %arg5[%sub3A_1432, %dma_wait3A_1560, %add3A, %dma_wait3A_1565, %dma_wait3A_1566] : memref<200x8x32x8x128xf32, #tpu.memory_space<hbm>> -> memref<1x1x1x8x128xf32, #tpu.memory_space<hbm>>
          %dma_wait3A_1568 = tpu.memref_squeeze %dma_wait3A_1567 : memref<1x1x1x8x128xf32, #tpu.memory_space<hbm>> -> memref<8x128xf32, #tpu.memory_space<hbm>>
          %dma_wait3A_1569 = arith.constant 0 : i32
          %dma_wait3A_1570 = arith.constant 0 : i32
          %dma_wait3A_1571 = tpu.memref_slice %arg5[%sub3A_1432, %dma_wait3A_1560, %add3A, %dma_wait3A_1569, %dma_wait3A_1570] : memref<200x8x32x8x128xf32, #tpu.memory_space<hbm>> -> memref<1x1x1x8x128xf32, #tpu.memory_space<hbm>>
          %dma_wait3A_1572 = tpu.memref_squeeze %dma_wait3A_1571 : memref<1x1x1x8x128xf32, #tpu.memory_space<hbm>> -> memref<8x128xf32, #tpu.memory_space<hbm>>
          %dma_wait3A_1573 = arith.constant 56 : i32
          %dma_wait3A_1574 = arith.constant 0 : i32
          %dma_wait3A_1575 = tpu.memref_slice %arg9[%dma_wait3A_1559, %dma_wait3A_1573, %dma_wait3A_1574] : memref<4x64x132xf32, #tpu.memory_space<vmem>> -> memref<1x8x128xf32, #tpu.memory_space<vmem>>
          %dma_wait3A_1576 = tpu.memref_squeeze %dma_wait3A_1575 : memref<1x8x128xf32, #tpu.memory_space<vmem>> -> memref<8x128xf32, #tpu.memory_space<vmem>>
          tpu.wait_dma2 semaphore(%arg15 : memref<!tpu.dma_semaphore, #tpu.memory_space<semaphore_mem>>) src(%dma_wait3A_1576 : memref<8x128xf32, #tpu.memory_space<vmem>>) dst(%dma_wait3A_1572 : memref<8x128xf32, #tpu.memory_space<hbm>>)
        } else {
        }
        %dma_start3A_1421 = arith.constant 1 : i32
        %dma_start3A_1422 = arith.constant 0 : i32
        %dma_start3A_1423 = arith.constant 0 : i32
        %dma_start3A_1424 = tpu.memref_slice %arg8[%dma_start3A_1421, %dma_start3A_1422, %dma_start3A_1423] : memref<4x128x64xf32, #tpu.memory_space<vmem>> -> memref<1x128x64xf32, #tpu.memory_space<vmem>>
        %dma_start3A_1425 = tpu.memref_squeeze %dma_start3A_1424 : memref<1x128x64xf32, #tpu.memory_space<vmem>> -> memref<128x64xf32, #tpu.memory_space<vmem>>
        %dma_start3A_1426 = arith.constant 0 : i32
        %dma_start3A_1427 = tpu.memref_slice %arg6[%add3A_1227, %dma_start3A_1426] : memref<200x128xi32, #tpu.memory_space<vmem>> -> memref<1x128xi32, #tpu.memory_space<vmem>>
        %dma_start3A_1428 = tpu.memref_squeeze %dma_start3A_1427 : memref<1x128xi32, #tpu.memory_space<vmem>> -> memref<128xi32, #tpu.memory_space<vmem>>
        %dma_start3A_1429 = arith.constant 0 : i32
        %dma_start3A_1430 = arith.constant 0 : i32
        %dma_start3A_1431 = tpu.memref_slice %arg3[%dma_start3A_1429, %dma_start3A_1430] : memref<1000000x64xf32, #tpu.memory_space<hbm>> -> memref<1000000x64xf32, #tpu.memory_space<hbm>>
        tpu.enqueue_indirect_dma source(%dma_start3A_1431 : memref<1000000x64xf32, #tpu.memory_space<hbm>>) target(%dma_start3A_1425 : memref<128x64xf32, #tpu.memory_space<vmem>>) offsets(%dma_start3A_1428 : memref<128xi32, #tpu.memory_space<vmem>>) semaphore(%arg11 : memref<!tpu.dma_semaphore, #tpu.memory_space<semaphore_mem>>)
      } else {
      }
      %dma_wait3A_1233 = arith.constant 3 : i32
      %dma_wait3A_1234 = arith.constant 0 : i32
      %dma_wait3A_1235 = arith.constant 0 : i32
      %dma_wait3A_1236 = tpu.memref_slice %arg8[%dma_wait3A_1233, %dma_wait3A_1234, %dma_wait3A_1235] : memref<4x128x64xf32, #tpu.memory_space<vmem>> -> memref<1x128x64xf32, #tpu.memory_space<vmem>>
      %dma_wait3A_1237 = tpu.memref_squeeze %dma_wait3A_1236 : memref<1x128x64xf32, #tpu.memory_space<vmem>> -> memref<128x64xf32, #tpu.memory_space<vmem>>
      %dma_wait3A_1238 = arith.constant 0 : i32
      %dma_wait3A_1239 = tpu.memref_slice %arg6[%add3A_1225, %dma_wait3A_1238] : memref<200x128xi32, #tpu.memory_space<vmem>> -> memref<1x128xi32, #tpu.memory_space<vmem>>
      %dma_wait3A_1240 = tpu.memref_squeeze %dma_wait3A_1239 : memref<1x128xi32, #tpu.memory_space<vmem>> -> memref<128xi32, #tpu.memory_space<vmem>>
      %dma_wait3A_1241 = arith.constant 0 : i32
      %dma_wait3A_1242 = arith.constant 0 : i32
      %dma_wait3A_1243 = tpu.memref_slice %arg3[%dma_wait3A_1241, %dma_wait3A_1242] : memref<1000000x64xf32, #tpu.memory_space<hbm>> -> memref<1000000x64xf32, #tpu.memory_space<hbm>>
      tpu.wait_indirect_dma semaphore(%arg13 : memref<!tpu.dma_semaphore, #tpu.memory_space<semaphore_mem>>) src(%dma_wait3A_1243 : memref<1000000x64xf32, #tpu.memory_space<hbm>>) dst(%dma_wait3A_1237 : memref<128x64xf32, #tpu.memory_space<vmem>>)
      %get3A_1244 = arith.index_cast %add3A_1225 : i32 to index
      %get3A_1245 = arith.constant 0 : index
      %get3A_1246 = tpu.vector_load %arg7[%get3A_1244, %get3A_1245] {strides = array<i32>} : memref<200x64xf32, #tpu.memory_space<vmem>>, vector<16xf32>,
      %add3A_1247 = arith.constant 0 : i32
      %add3A_1248 = vector.broadcast %add3A_1247 : i32 to vector<16xi32>
      %add3A_1249 = arith.addi %iota3A, %add3A_1248 : vector<16xi32>
      %get3A_1250 = arith.index_cast %add3A_1225 : i32 to index
      %get3A_1251 = arith.constant 16 : index
      %get3A_1252 = tpu.vector_load %arg7[%get3A_1250, %get3A_1251] {strides = array<i32>} : memref<200x64xf32, #tpu.memory_space<vmem>>, vector<16xf32>,
      %add3A_1253 = arith.constant 16 : i32
      %add3A_1254 = vector.broadcast %add3A_1253 : i32 to vector<16xi32>
      %add3A_1255 = arith.addi %iota3A, %add3A_1254 : vector<16xi32>
      %get3A_1256 = arith.index_cast %add3A_1225 : i32 to index
      %get3A_1257 = arith.constant 32 : index
      %get3A_1258 = tpu.vector_load %arg7[%get3A_1256, %get3A_1257] {strides = array<i32>} : memref<200x64xf32, #tpu.memory_space<vmem>>, vector<16xf32>,
      %add3A_1259 = arith.constant 32 : i32
      %add3A_1260 = vector.broadcast %add3A_1259 : i32 to vector<16xi32>
      %add3A_1261 = arith.addi %iota3A, %add3A_1260 : vector<16xi32>
      %get3A_1262 = arith.index_cast %add3A_1225 : i32 to index
      %get3A_1263 = arith.constant 48 : index
      %get3A_1264 = tpu.vector_load %arg7[%get3A_1262, %get3A_1263] {strides = array<i32>} : memref<200x64xf32, #tpu.memory_space<vmem>>, vector<16xf32>,
      %add3A_1265 = arith.constant 48 : i32
      %add3A_1266 = vector.broadcast %add3A_1265 : i32 to vector<16xi32>
      %add3A_1267 = arith.addi %iota3A, %add3A_1266 : vector<16xi32>
      %parallel_loop3A_1268 = arith.constant 0 : i32
      %parallel_loop3A_1269 = arith.constant 128 : i32
      %parallel_loop3A_1270 = arith.constant 1 : i32
      %parallel_loop3A_1271 = arith.constant 3 : i32
      %parallel_loop3A_1272 = arith.constant 3 : i32
      scf.for %parallel_loop3A_1417 = %parallel_loop3A_1268 to %parallel_loop3A_1269 step %parallel_loop3A_1270  : i32 {
        %parallel_loop3A_1418 = vector.broadcast %parallel_loop3A_1417 : i32 to vector<16xi32>
        %parallel_loop3A_1419 = arith.constant 0 : i32
        %parallel_loop3A_1420 = arith.constant 0 : i32
        %parallel_loop3A_1421 = tpu.memref_slice %arg8[%parallel_loop3A_1271, %parallel_loop3A_1419, %parallel_loop3A_1420] : memref<4x128x64xf32, #tpu.memory_space<vmem>> -> memref<1x128x64xf32, #tpu.memory_space<vmem>>
        %parallel_loop3A_1422 = tpu.memref_squeeze %parallel_loop3A_1421 : memref<1x128x64xf32, #tpu.memory_space<vmem>> -> memref<128x64xf32, #tpu.memory_space<vmem>>
        %parallel_loop3A_1423 = arith.index_cast %parallel_loop3A_1417 : i32 to index
        %parallel_loop3A_1424 = arith.constant 0 : index
        %parallel_loop3A_1425 = tpu.vector_load %parallel_loop3A_1422[%parallel_loop3A_1423, %parallel_loop3A_1424] {strides = array<i32>} : memref<128x64xf32, #tpu.memory_space<vmem>>, vector<16xf32>,
        %parallel_loop3A_1426 = arith.addf %parallel_loop3A_1425, %get3A_1246 : vector<16xf32>
        %parallel_loop3A_1427 = arith.constant 0 : i32
        %parallel_loop3A_1428 = arith.constant 0 : i32
        %parallel_loop3A_1429 = tpu.memref_slice %arg9[%parallel_loop3A_1272, %parallel_loop3A_1427, %parallel_loop3A_1428] : memref<4x64x132xf32, #tpu.memory_space<vmem>> -> memref<1x64x132xf32, #tpu.memory_space<vmem>>
        %parallel_loop3A_1430 = tpu.memref_squeeze %parallel_loop3A_1429 : memref<1x64x132xf32, #tpu.memory_space<vmem>> -> memref<64x132xf32, #tpu.memory_space<vmem>>
        tpu.vector_store_idx %parallel_loop3A_1430[%add3A_1249, %parallel_loop3A_1418], %parallel_loop3A_1426 : memref<64x132xf32, #tpu.memory_space<vmem>>[vector<16xi32>, vector<16xi32>], vector<16xf32>,
        %parallel_loop3A_1431 = arith.constant 0 : i32
        %parallel_loop3A_1432 = arith.constant 0 : i32
        %parallel_loop3A_1433 = tpu.memref_slice %arg8[%parallel_loop3A_1271, %parallel_loop3A_1431, %parallel_loop3A_1432] : memref<4x128x64xf32, #tpu.memory_space<vmem>> -> memref<1x128x64xf32, #tpu.memory_space<vmem>>
        %parallel_loop3A_1434 = tpu.memref_squeeze %parallel_loop3A_1433 : memref<1x128x64xf32, #tpu.memory_space<vmem>> -> memref<128x64xf32, #tpu.memory_space<vmem>>
        %parallel_loop3A_1435 = arith.index_cast %parallel_loop3A_1417 : i32 to index
        %parallel_loop3A_1436 = arith.constant 16 : index
        %parallel_loop3A_1437 = tpu.vector_load %parallel_loop3A_1434[%parallel_loop3A_1435, %parallel_loop3A_1436] {strides = array<i32>} : memref<128x64xf32, #tpu.memory_space<vmem>>, vector<16xf32>,
        %parallel_loop3A_1438 = arith.addf %parallel_loop3A_1437, %get3A_1252 : vector<16xf32>
        %parallel_loop3A_1439 = arith.constant 0 : i32
        %parallel_loop3A_1440 = arith.constant 0 : i32
        %parallel_loop3A_1441 = tpu.memref_slice %arg9[%parallel_loop3A_1272, %parallel_loop3A_1439, %parallel_loop3A_1440] : memref<4x64x132xf32, #tpu.memory_space<vmem>> -> memref<1x64x132xf32, #tpu.memory_space<vmem>>
        %parallel_loop3A_1442 = tpu.memref_squeeze %parallel_loop3A_1441 : memref<1x64x132xf32, #tpu.memory_space<vmem>> -> memref<64x132xf32, #tpu.memory_space<vmem>>
        tpu.vector_store_idx %parallel_loop3A_1442[%add3A_1255, %parallel_loop3A_1418], %parallel_loop3A_1438 : memref<64x132xf32, #tpu.memory_space<vmem>>[vector<16xi32>, vector<16xi32>], vector<16xf32>,
        %parallel_loop3A_1443 = arith.constant 0 : i32
        %parallel_loop3A_1444 = arith.constant 0 : i32
        %parallel_loop3A_1445 = tpu.memref_slice %arg8[%parallel_loop3A_1271, %parallel_loop3A_1443, %parallel_loop3A_1444] : memref<4x128x64xf32, #tpu.memory_space<vmem>> -> memref<1x128x64xf32, #tpu.memory_space<vmem>>
        %parallel_loop3A_1446 = tpu.memref_squeeze %parallel_loop3A_1445 : memref<1x128x64xf32, #tpu.memory_space<vmem>> -> memref<128x64xf32, #tpu.memory_space<vmem>>
        %parallel_loop3A_1447 = arith.index_cast %parallel_loop3A_1417 : i32 to index
        %parallel_loop3A_1448 = arith.constant 32 : index
        %parallel_loop3A_1449 = tpu.vector_load %parallel_loop3A_1446[%parallel_loop3A_1447, %parallel_loop3A_1448] {strides = array<i32>} : memref<128x64xf32, #tpu.memory_space<vmem>>, vector<16xf32>,
        %parallel_loop3A_1450 = arith.addf %parallel_loop3A_1449, %get3A_1258 : vector<16xf32>
        %parallel_loop3A_1451 = arith.constant 0 : i32
        %parallel_loop3A_1452 = arith.constant 0 : i32
        %parallel_loop3A_1453 = tpu.memref_slice %arg9[%parallel_loop3A_1272, %parallel_loop3A_1451, %parallel_loop3A_1452] : memref<4x64x132xf32, #tpu.memory_space<vmem>> -> memref<1x64x132xf32, #tpu.memory_space<vmem>>
        %parallel_loop3A_1454 = tpu.memref_squeeze %parallel_loop3A_1453 : memref<1x64x132xf32, #tpu.memory_space<vmem>> -> memref<64x132xf32, #tpu.memory_space<vmem>>
        tpu.vector_store_idx %parallel_loop3A_1454[%add3A_1261, %parallel_loop3A_1418], %parallel_loop3A_1450 : memref<64x132xf32, #tpu.memory_space<vmem>>[vector<16xi32>, vector<16xi32>], vector<16xf32>,
        %parallel_loop3A_1455 = arith.constant 0 : i32
        %parallel_loop3A_1456 = arith.constant 0 : i32
        %parallel_loop3A_1457 = tpu.memref_slice %arg8[%parallel_loop3A_1271, %parallel_loop3A_1455, %parallel_loop3A_1456] : memref<4x128x64xf32, #tpu.memory_space<vmem>> -> memref<1x128x64xf32, #tpu.memory_space<vmem>>
        %parallel_loop3A_1458 = tpu.memref_squeeze %parallel_loop3A_1457 : memref<1x128x64xf32, #tpu.memory_space<vmem>> -> memref<128x64xf32, #tpu.memory_space<vmem>>
        %parallel_loop3A_1459 = arith.index_cast %parallel_loop3A_1417 : i32 to index
        %parallel_loop3A_1460 = arith.constant 48 : index
        %parallel_loop3A_1461 = tpu.vector_load %parallel_loop3A_1458[%parallel_loop3A_1459, %parallel_loop3A_1460] {strides = array<i32>} : memref<128x64xf32, #tpu.memory_space<vmem>>, vector<16xf32>,
        %parallel_loop3A_1462 = arith.addf %parallel_loop3A_1461, %get3A_1264 : vector<16xf32>
        %parallel_loop3A_1463 = arith.constant 0 : i32
        %parallel_loop3A_1464 = arith.constant 0 : i32
        %parallel_loop3A_1465 = tpu.memref_slice %arg9[%parallel_loop3A_1272, %parallel_loop3A_1463, %parallel_loop3A_1464] : memref<4x64x132xf32, #tpu.memory_space<vmem>> -> memref<1x64x132xf32, #tpu.memory_space<vmem>>
        %parallel_loop3A_1466 = tpu.memref_squeeze %parallel_loop3A_1465 : memref<1x64x132xf32, #tpu.memory_space<vmem>> -> memref<64x132xf32, #tpu.memory_space<vmem>>
        tpu.vector_store_idx %parallel_loop3A_1466[%add3A_1267, %parallel_loop3A_1418], %parallel_loop3A_1462 : memref<64x132xf32, #tpu.memory_space<vmem>>[vector<16xi32>, vector<16xi32>], vector<16xf32>,
      } {sc.loop_unroll_factor = 4 : i64, sc.parallel_access}
      %dma_start3A_1273 = arith.constant 3 : i32
      %dma_start3A_1274 = arith.constant 0 : i32
      %dma_start3A_1275 = arith.constant 0 : i32
      %dma_start3A_1276 = arith.constant 0 : i32
      %dma_start3A_1277 = tpu.memref_slice %arg9[%dma_start3A_1273, %dma_start3A_1275, %dma_start3A_1276] : memref<4x64x132xf32, #tpu.memory_space<vmem>> -> memref<1x8x128xf32, #tpu.memory_space<vmem>>
      %dma_start3A_1278 = tpu.memref_squeeze %dma_start3A_1277 : memref<1x8x128xf32, #tpu.memory_space<vmem>> -> memref<8x128xf32, #tpu.memory_space<vmem>>
      %dma_start3A_1279 = arith.constant 0 : i32
      %dma_start3A_1280 = arith.constant 0 : i32
      %dma_start3A_1281 = tpu.memref_slice %arg5[%add3A_1225, %dma_start3A_1274, %add3A, %dma_start3A_1279, %dma_start3A_1280] : memref<200x8x32x8x128xf32, #tpu.memory_space<hbm>> -> memref<1x1x1x8x128xf32, #tpu.memory_space<hbm>>
      %dma_start3A_1282 = tpu.memref_squeeze %dma_start3A_1281 : memref<1x1x1x8x128xf32, #tpu.memory_space<hbm>> -> memref<8x128xf32, #tpu.memory_space<hbm>>
      %dma_start3A_1283 = arith.constant 0 : i32
      %dma_start3A_1284 = arith.constant 0 : i32
      %dma_start3A_1285 = tpu.memref_slice %arg5[%add3A_1225, %dma_start3A_1274, %add3A, %dma_start3A_1283, %dma_start3A_1284] : memref<200x8x32x8x128xf32, #tpu.memory_space<hbm>> -> memref<1x1x1x8x128xf32, #tpu.memory_space<hbm>>
      %dma_start3A_1286 = tpu.memref_squeeze %dma_start3A_1285 : memref<1x1x1x8x128xf32, #tpu.memory_space<hbm>> -> memref<8x128xf32, #tpu.memory_space<hbm>>
      %dma_start3A_1287 = arith.constant 0 : i32
      %dma_start3A_1288 = arith.constant 0 : i32
      %dma_start3A_1289 = tpu.memref_slice %arg9[%dma_start3A_1273, %dma_start3A_1287, %dma_start3A_1288] : memref<4x64x132xf32, #tpu.memory_space<vmem>> -> memref<1x8x128xf32, #tpu.memory_space<vmem>>
      %dma_start3A_1290 = tpu.memref_squeeze %dma_start3A_1289 : memref<1x8x128xf32, #tpu.memory_space<vmem>> -> memref<8x128xf32, #tpu.memory_space<vmem>>
      tpu.enqueue_dma source(%dma_start3A_1290 : memref<8x128xf32, #tpu.memory_space<vmem>>) target(%dma_start3A_1286 : memref<8x128xf32, #tpu.memory_space<hbm>>) target_semaphore(%arg17 : memref<!tpu.dma_semaphore, #tpu.memory_space<semaphore_mem>>)
      %dma_start3A_1291 = arith.constant 3 : i32
      %dma_start3A_1292 = arith.constant 1 : i32
      %dma_start3A_1293 = arith.constant 8 : i32
      %dma_start3A_1294 = arith.constant 0 : i32
      %dma_start3A_1295 = tpu.memref_slice %arg9[%dma_start3A_1291, %dma_start3A_1293, %dma_start3A_1294] : memref<4x64x132xf32, #tpu.memory_space<vmem>> -> memref<1x8x128xf32, #tpu.memory_space<vmem>>
      %dma_start3A_1296 = tpu.memref_squeeze %dma_start3A_1295 : memref<1x8x128xf32, #tpu.memory_space<vmem>> -> memref<8x128xf32, #tpu.memory_space<vmem>>
      %dma_start3A_1297 = arith.constant 0 : i32
      %dma_start3A_1298 = arith.constant 0 : i32
      %dma_start3A_1299 = tpu.memref_slice %arg5[%add3A_1225, %dma_start3A_1292, %add3A, %dma_start3A_1297, %dma_start3A_1298] : memref<200x8x32x8x128xf32, #tpu.memory_space<hbm>> -> memref<1x1x1x8x128xf32, #tpu.memory_space<hbm>>
      %dma_start3A_1300 = tpu.memref_squeeze %dma_start3A_1299 : memref<1x1x1x8x128xf32, #tpu.memory_space<hbm>> -> memref<8x128xf32, #tpu.memory_space<hbm>>
      %dma_start3A_1301 = arith.constant 0 : i32
      %dma_start3A_1302 = arith.constant 0 : i32
      %dma_start3A_1303 = tpu.memref_slice %arg5[%add3A_1225, %dma_start3A_1292, %add3A, %dma_start3A_1301, %dma_start3A_1302] : memref<200x8x32x8x128xf32, #tpu.memory_space<hbm>> -> memref<1x1x1x8x128xf32, #tpu.memory_space<hbm>>
      %dma_start3A_1304 = tpu.memref_squeeze %dma_start3A_1303 : memref<1x1x1x8x128xf32, #tpu.memory_space<hbm>> -> memref<8x128xf32, #tpu.memory_space<hbm>>
      %dma_start3A_1305 = arith.constant 8 : i32
      %dma_start3A_1306 = arith.constant 0 : i32
      %dma_start3A_1307 = tpu.memref_slice %arg9[%dma_start3A_1291, %dma_start3A_1305, %dma_start3A_1306] : memref<4x64x132xf32, #tpu.memory_space<vmem>> -> memref<1x8x128xf32, #tpu.memory_space<vmem>>
      %dma_start3A_1308 = tpu.memref_squeeze %dma_start3A_1307 : memref<1x8x128xf32, #tpu.memory_space<vmem>> -> memref<8x128xf32, #tpu.memory_space<vmem>>
      tpu.enqueue_dma source(%dma_start3A_1308 : memref<8x128xf32, #tpu.memory_space<vmem>>) target(%dma_start3A_1304 : memref<8x128xf32, #tpu.memory_space<hbm>>) target_semaphore(%arg17 : memref<!tpu.dma_semaphore, #tpu.memory_space<semaphore_mem>>)
      %dma_start3A_1309 = arith.constant 3 : i32
      %dma_start3A_1310 = arith.constant 2 : i32
      %dma_start3A_1311 = arith.constant 16 : i32
      %dma_start3A_1312 = arith.constant 0 : i32
      %dma_start3A_1313 = tpu.memref_slice %arg9[%dma_start3A_1309, %dma_start3A_1311, %dma_start3A_1312] : memref<4x64x132xf32, #tpu.memory_space<vmem>> -> memref<1x8x128xf32, #tpu.memory_space<vmem>>
      %dma_start3A_1314 = tpu.memref_squeeze %dma_start3A_1313 : memref<1x8x128xf32, #tpu.memory_space<vmem>> -> memref<8x128xf32, #tpu.memory_space<vmem>>
      %dma_start3A_1315 = arith.constant 0 : i32
      %dma_start3A_1316 = arith.constant 0 : i32
      %dma_start3A_1317 = tpu.memref_slice %arg5[%add3A_1225, %dma_start3A_1310, %add3A, %dma_start3A_1315, %dma_start3A_1316] : memref<200x8x32x8x128xf32, #tpu.memory_space<hbm>> -> memref<1x1x1x8x128xf32, #tpu.memory_space<hbm>>
      %dma_start3A_1318 = tpu.memref_squeeze %dma_start3A_1317 : memref<1x1x1x8x128xf32, #tpu.memory_space<hbm>> -> memref<8x128xf32, #tpu.memory_space<hbm>>
      %dma_start3A_1319 = arith.constant 0 : i32
      %dma_start3A_1320 = arith.constant 0 : i32
      %dma_start3A_1321 = tpu.memref_slice %arg5[%add3A_1225, %dma_start3A_1310, %add3A, %dma_start3A_1319, %dma_start3A_1320] : memref<200x8x32x8x128xf32, #tpu.memory_space<hbm>> -> memref<1x1x1x8x128xf32, #tpu.memory_space<hbm>>
      %dma_start3A_1322 = tpu.memref_squeeze %dma_start3A_1321 : memref<1x1x1x8x128xf32, #tpu.memory_space<hbm>> -> memref<8x128xf32, #tpu.memory_space<hbm>>
      %dma_start3A_1323 = arith.constant 16 : i32
      %dma_start3A_1324 = arith.constant 0 : i32
      %dma_start3A_1325 = tpu.memref_slice %arg9[%dma_start3A_1309, %dma_start3A_1323, %dma_start3A_1324] : memref<4x64x132xf32, #tpu.memory_space<vmem>> -> memref<1x8x128xf32, #tpu.memory_space<vmem>>
      %dma_start3A_1326 = tpu.memref_squeeze %dma_start3A_1325 : memref<1x8x128xf32, #tpu.memory_space<vmem>> -> memref<8x128xf32, #tpu.memory_space<vmem>>
      tpu.enqueue_dma source(%dma_start3A_1326 : memref<8x128xf32, #tpu.memory_space<vmem>>) target(%dma_start3A_1322 : memref<8x128xf32, #tpu.memory_space<hbm>>) target_semaphore(%arg17 : memref<!tpu.dma_semaphore, #tpu.memory_space<semaphore_mem>>)
      %dma_start3A_1327 = arith.constant 3 : i32
      %dma_start3A_1328 = arith.constant 3 : i32
      %dma_start3A_1329 = arith.constant 24 : i32
      %dma_start3A_1330 = arith.constant 0 : i32
      %dma_start3A_1331 = tpu.memref_slice %arg9[%dma_start3A_1327, %dma_start3A_1329, %dma_start3A_1330] : memref<4x64x132xf32, #tpu.memory_space<vmem>> -> memref<1x8x128xf32, #tpu.memory_space<vmem>>
      %dma_start3A_1332 = tpu.memref_squeeze %dma_start3A_1331 : memref<1x8x128xf32, #tpu.memory_space<vmem>> -> memref<8x128xf32, #tpu.memory_space<vmem>>
      %dma_start3A_1333 = arith.constant 0 : i32
      %dma_start3A_1334 = arith.constant 0 : i32
      %dma_start3A_1335 = tpu.memref_slice %arg5[%add3A_1225, %dma_start3A_1328, %add3A, %dma_start3A_1333, %dma_start3A_1334] : memref<200x8x32x8x128xf32, #tpu.memory_space<hbm>> -> memref<1x1x1x8x128xf32, #tpu.memory_space<hbm>>
      %dma_start3A_1336 = tpu.memref_squeeze %dma_start3A_1335 : memref<1x1x1x8x128xf32, #tpu.memory_space<hbm>> -> memref<8x128xf32, #tpu.memory_space<hbm>>
      %dma_start3A_1337 = arith.constant 0 : i32
      %dma_start3A_1338 = arith.constant 0 : i32
      %dma_start3A_1339 = tpu.memref_slice %arg5[%add3A_1225, %dma_start3A_1328, %add3A, %dma_start3A_1337, %dma_start3A_1338] : memref<200x8x32x8x128xf32, #tpu.memory_space<hbm>> -> memref<1x1x1x8x128xf32, #tpu.memory_space<hbm>>
      %dma_start3A_1340 = tpu.memref_squeeze %dma_start3A_1339 : memref<1x1x1x8x128xf32, #tpu.memory_space<hbm>> -> memref<8x128xf32, #tpu.memory_space<hbm>>
      %dma_start3A_1341 = arith.constant 24 : i32
      %dma_start3A_1342 = arith.constant 0 : i32
      %dma_start3A_1343 = tpu.memref_slice %arg9[%dma_start3A_1327, %dma_start3A_1341, %dma_start3A_1342] : memref<4x64x132xf32, #tpu.memory_space<vmem>> -> memref<1x8x128xf32, #tpu.memory_space<vmem>>
      %dma_start3A_1344 = tpu.memref_squeeze %dma_start3A_1343 : memref<1x8x128xf32, #tpu.memory_space<vmem>> -> memref<8x128xf32, #tpu.memory_space<vmem>>
      tpu.enqueue_dma source(%dma_start3A_1344 : memref<8x128xf32, #tpu.memory_space<vmem>>) target(%dma_start3A_1340 : memref<8x128xf32, #tpu.memory_space<hbm>>) target_semaphore(%arg17 : memref<!tpu.dma_semaphore, #tpu.memory_space<semaphore_mem>>)
      %dma_start3A_1345 = arith.constant 3 : i32
      %dma_start3A_1346 = arith.constant 4 : i32
      %dma_start3A_1347 = arith.constant 32 : i32
      %dma_start3A_1348 = arith.constant 0 : i32
      %dma_start3A_1349 = tpu.memref_slice %arg9[%dma_start3A_1345, %dma_start3A_1347, %dma_start3A_1348] : memref<4x64x132xf32, #tpu.memory_space<vmem>> -> memref<1x8x128xf32, #tpu.memory_space<vmem>>
      %dma_start3A_1350 = tpu.memref_squeeze %dma_start3A_1349 : memref<1x8x128xf32, #tpu.memory_space<vmem>> -> memref<8x128xf32, #tpu.memory_space<vmem>>
      %dma_start3A_1351 = arith.constant 0 : i32
      %dma_start3A_1352 = arith.constant 0 : i32
      %dma_start3A_1353 = tpu.memref_slice %arg5[%add3A_1225, %dma_start3A_1346, %add3A, %dma_start3A_1351, %dma_start3A_1352] : memref<200x8x32x8x128xf32, #tpu.memory_space<hbm>> -> memref<1x1x1x8x128xf32, #tpu.memory_space<hbm>>
      %dma_start3A_1354 = tpu.memref_squeeze %dma_start3A_1353 : memref<1x1x1x8x128xf32, #tpu.memory_space<hbm>> -> memref<8x128xf32, #tpu.memory_space<hbm>>
      %dma_start3A_1355 = arith.constant 0 : i32
      %dma_start3A_1356 = arith.constant 0 : i32
      %dma_start3A_1357 = tpu.memref_slice %arg5[%add3A_1225, %dma_start3A_1346, %add3A, %dma_start3A_1355, %dma_start3A_1356] : memref<200x8x32x8x128xf32, #tpu.memory_space<hbm>> -> memref<1x1x1x8x128xf32, #tpu.memory_space<hbm>>
      %dma_start3A_1358 = tpu.memref_squeeze %dma_start3A_1357 : memref<1x1x1x8x128xf32, #tpu.memory_space<hbm>> -> memref<8x128xf32, #tpu.memory_space<hbm>>
      %dma_start3A_1359 = arith.constant 32 : i32
      %dma_start3A_1360 = arith.constant 0 : i32
      %dma_start3A_1361 = tpu.memref_slice %arg9[%dma_start3A_1345, %dma_start3A_1359, %dma_start3A_1360] : memref<4x64x132xf32, #tpu.memory_space<vmem>> -> memref<1x8x128xf32, #tpu.memory_space<vmem>>
      %dma_start3A_1362 = tpu.memref_squeeze %dma_start3A_1361 : memref<1x8x128xf32, #tpu.memory_space<vmem>> -> memref<8x128xf32, #tpu.memory_space<vmem>>
      tpu.enqueue_dma source(%dma_start3A_1362 : memref<8x128xf32, #tpu.memory_space<vmem>>) target(%dma_start3A_1358 : memref<8x128xf32, #tpu.memory_space<hbm>>) target_semaphore(%arg17 : memref<!tpu.dma_semaphore, #tpu.memory_space<semaphore_mem>>)
      %dma_start3A_1363 = arith.constant 3 : i32
      %dma_start3A_1364 = arith.constant 5 : i32
      %dma_start3A_1365 = arith.constant 40 : i32
      %dma_start3A_1366 = arith.constant 0 : i32
      %dma_start3A_1367 = tpu.memref_slice %arg9[%dma_start3A_1363, %dma_start3A_1365, %dma_start3A_1366] : memref<4x64x132xf32, #tpu.memory_space<vmem>> -> memref<1x8x128xf32, #tpu.memory_space<vmem>>
      %dma_start3A_1368 = tpu.memref_squeeze %dma_start3A_1367 : memref<1x8x128xf32, #tpu.memory_space<vmem>> -> memref<8x128xf32, #tpu.memory_space<vmem>>
      %dma_start3A_1369 = arith.constant 0 : i32
      %dma_start3A_1370 = arith.constant 0 : i32
      %dma_start3A_1371 = tpu.memref_slice %arg5[%add3A_1225, %dma_start3A_1364, %add3A, %dma_start3A_1369, %dma_start3A_1370] : memref<200x8x32x8x128xf32, #tpu.memory_space<hbm>> -> memref<1x1x1x8x128xf32, #tpu.memory_space<hbm>>
      %dma_start3A_1372 = tpu.memref_squeeze %dma_start3A_1371 : memref<1x1x1x8x128xf32, #tpu.memory_space<hbm>> -> memref<8x128xf32, #tpu.memory_space<hbm>>
      %dma_start3A_1373 = arith.constant 0 : i32
      %dma_start3A_1374 = arith.constant 0 : i32
      %dma_start3A_1375 = tpu.memref_slice %arg5[%add3A_1225, %dma_start3A_1364, %add3A, %dma_start3A_1373, %dma_start3A_1374] : memref<200x8x32x8x128xf32, #tpu.memory_space<hbm>> -> memref<1x1x1x8x128xf32, #tpu.memory_space<hbm>>
      %dma_start3A_1376 = tpu.memref_squeeze %dma_start3A_1375 : memref<1x1x1x8x128xf32, #tpu.memory_space<hbm>> -> memref<8x128xf32, #tpu.memory_space<hbm>>
      %dma_start3A_1377 = arith.constant 40 : i32
      %dma_start3A_1378 = arith.constant 0 : i32
      %dma_start3A_1379 = tpu.memref_slice %arg9[%dma_start3A_1363, %dma_start3A_1377, %dma_start3A_1378] : memref<4x64x132xf32, #tpu.memory_space<vmem>> -> memref<1x8x128xf32, #tpu.memory_space<vmem>>
      %dma_start3A_1380 = tpu.memref_squeeze %dma_start3A_1379 : memref<1x8x128xf32, #tpu.memory_space<vmem>> -> memref<8x128xf32, #tpu.memory_space<vmem>>
      tpu.enqueue_dma source(%dma_start3A_1380 : memref<8x128xf32, #tpu.memory_space<vmem>>) target(%dma_start3A_1376 : memref<8x128xf32, #tpu.memory_space<hbm>>) target_semaphore(%arg17 : memref<!tpu.dma_semaphore, #tpu.memory_space<semaphore_mem>>)
      %dma_start3A_1381 = arith.constant 3 : i32
      %dma_start3A_1382 = arith.constant 6 : i32
      %dma_start3A_1383 = arith.constant 48 : i32
      %dma_start3A_1384 = arith.constant 0 : i32
      %dma_start3A_1385 = tpu.memref_slice %arg9[%dma_start3A_1381, %dma_start3A_1383, %dma_start3A_1384] : memref<4x64x132xf32, #tpu.memory_space<vmem>> -> memref<1x8x128xf32, #tpu.memory_space<vmem>>
      %dma_start3A_1386 = tpu.memref_squeeze %dma_start3A_1385 : memref<1x8x128xf32, #tpu.memory_space<vmem>> -> memref<8x128xf32, #tpu.memory_space<vmem>>
      %dma_start3A_1387 = arith.constant 0 : i32
      %dma_start3A_1388 = arith.constant 0 : i32
      %dma_start3A_1389 = tpu.memref_slice %arg5[%add3A_1225, %dma_start3A_1382, %add3A, %dma_start3A_1387, %dma_start3A_1388] : memref<200x8x32x8x128xf32, #tpu.memory_space<hbm>> -> memref<1x1x1x8x128xf32, #tpu.memory_space<hbm>>
      %dma_start3A_1390 = tpu.memref_squeeze %dma_start3A_1389 : memref<1x1x1x8x128xf32, #tpu.memory_space<hbm>> -> memref<8x128xf32, #tpu.memory_space<hbm>>
      %dma_start3A_1391 = arith.constant 0 : i32
      %dma_start3A_1392 = arith.constant 0 : i32
      %dma_start3A_1393 = tpu.memref_slice %arg5[%add3A_1225, %dma_start3A_1382, %add3A, %dma_start3A_1391, %dma_start3A_1392] : memref<200x8x32x8x128xf32, #tpu.memory_space<hbm>> -> memref<1x1x1x8x128xf32, #tpu.memory_space<hbm>>
      %dma_start3A_1394 = tpu.memref_squeeze %dma_start3A_1393 : memref<1x1x1x8x128xf32, #tpu.memory_space<hbm>> -> memref<8x128xf32, #tpu.memory_space<hbm>>
      %dma_start3A_1395 = arith.constant 48 : i32
      %dma_start3A_1396 = arith.constant 0 : i32
      %dma_start3A_1397 = tpu.memref_slice %arg9[%dma_start3A_1381, %dma_start3A_1395, %dma_start3A_1396] : memref<4x64x132xf32, #tpu.memory_space<vmem>> -> memref<1x8x128xf32, #tpu.memory_space<vmem>>
      %dma_start3A_1398 = tpu.memref_squeeze %dma_start3A_1397 : memref<1x8x128xf32, #tpu.memory_space<vmem>> -> memref<8x128xf32, #tpu.memory_space<vmem>>
      tpu.enqueue_dma source(%dma_start3A_1398 : memref<8x128xf32, #tpu.memory_space<vmem>>) target(%dma_start3A_1394 : memref<8x128xf32, #tpu.memory_space<hbm>>) target_semaphore(%arg17 : memref<!tpu.dma_semaphore, #tpu.memory_space<semaphore_mem>>)
      %dma_start3A_1399 = arith.constant 3 : i32
      %dma_start3A_1400 = arith.constant 7 : i32
      %dma_start3A_1401 = arith.constant 56 : i32
      %dma_start3A_1402 = arith.constant 0 : i32
      %dma_start3A_1403 = tpu.memref_slice %arg9[%dma_start3A_1399, %dma_start3A_1401, %dma_start3A_1402] : memref<4x64x132xf32, #tpu.memory_space<vmem>> -> memref<1x8x128xf32, #tpu.memory_space<vmem>>
      %dma_start3A_1404 = tpu.memref_squeeze %dma_start3A_1403 : memref<1x8x128xf32, #tpu.memory_space<vmem>> -> memref<8x128xf32, #tpu.memory_space<vmem>>
      %dma_start3A_1405 = arith.constant 0 : i32
      %dma_start3A_1406 = arith.constant 0 : i32
      %dma_start3A_1407 = tpu.memref_slice %arg5[%add3A_1225, %dma_start3A_1400, %add3A, %dma_start3A_1405, %dma_start3A_1406] : memref<200x8x32x8x128xf32, #tpu.memory_space<hbm>> -> memref<1x1x1x8x128xf32, #tpu.memory_space<hbm>>
      %dma_start3A_1408 = tpu.memref_squeeze %dma_start3A_1407 : memref<1x1x1x8x128xf32, #tpu.memory_space<hbm>> -> memref<8x128xf32, #tpu.memory_space<hbm>>
      %dma_start3A_1409 = arith.constant 0 : i32
      %dma_start3A_1410 = arith.constant 0 : i32
      %dma_start3A_1411 = tpu.memref_slice %arg5[%add3A_1225, %dma_start3A_1400, %add3A, %dma_start3A_1409, %dma_start3A_1410] : memref<200x8x32x8x128xf32, #tpu.memory_space<hbm>> -> memref<1x1x1x8x128xf32, #tpu.memory_space<hbm>>
      %dma_start3A_1412 = tpu.memref_squeeze %dma_start3A_1411 : memref<1x1x1x8x128xf32, #tpu.memory_space<hbm>> -> memref<8x128xf32, #tpu.memory_space<hbm>>
      %dma_start3A_1413 = arith.constant 56 : i32
      %dma_start3A_1414 = arith.constant 0 : i32
      %dma_start3A_1415 = tpu.memref_slice %arg9[%dma_start3A_1399, %dma_start3A_1413, %dma_start3A_1414] : memref<4x64x132xf32, #tpu.memory_space<vmem>> -> memref<1x8x128xf32, #tpu.memory_space<vmem>>
      %dma_start3A_1416 = tpu.memref_squeeze %dma_start3A_1415 : memref<1x8x128xf32, #tpu.memory_space<vmem>> -> memref<8x128xf32, #tpu.memory_space<vmem>>
      tpu.enqueue_dma source(%dma_start3A_1416 : memref<8x128xf32, #tpu.memory_space<vmem>>) target(%dma_start3A_1412 : memref<8x128xf32, #tpu.memory_space<hbm>>) target_semaphore(%arg17 : memref<!tpu.dma_semaphore, #tpu.memory_space<semaphore_mem>>)
    }
    %scan3A_29 = arith.constant 50 : i32
    %dma_wait3A = arith.constant 0 : i32
    %dma_wait3A_30 = arith.constant 196 : i32
    %dma_wait3A_31 = arith.constant 0 : i32
    %dma_wait3A_32 = arith.constant 0 : i32
    %dma_wait3A_33 = arith.constant 0 : i32
    %dma_wait3A_34 = tpu.memref_slice %arg9[%dma_wait3A, %dma_wait3A_32, %dma_wait3A_33] : memref<4x64x132xf32, #tpu.memory_space<vmem>> -> memref<1x8x128xf32, #tpu.memory_space<vmem>>
    %dma_wait3A_35 = tpu.memref_squeeze %dma_wait3A_34 : memref<1x8x128xf32, #tpu.memory_space<vmem>> -> memref<8x128xf32, #tpu.memory_space<vmem>>
    %dma_wait3A_36 = arith.constant 0 : i32
    %dma_wait3A_37 = arith.constant 0 : i32
    %dma_wait3A_38 = tpu.memref_slice %arg5[%dma_wait3A_30, %dma_wait3A_31, %add3A, %dma_wait3A_36, %dma_wait3A_37] : memref<200x8x32x8x128xf32, #tpu.memory_space<hbm>> -> memref<1x1x1x8x128xf32, #tpu.memory_space<hbm>>
    %dma_wait3A_39 = tpu.memref_squeeze %dma_wait3A_38 : memref<1x1x1x8x128xf32, #tpu.memory_space<hbm>> -> memref<8x128xf32, #tpu.memory_space<hbm>>
    %dma_wait3A_40 = arith.constant 0 : i32
    %dma_wait3A_41 = arith.constant 0 : i32
    %dma_wait3A_42 = tpu.memref_slice %arg5[%dma_wait3A_30, %dma_wait3A_31, %add3A, %dma_wait3A_40, %dma_wait3A_41] : memref<200x8x32x8x128xf32, #tpu.memory_space<hbm>> -> memref<1x1x1x8x128xf32, #tpu.memory_space<hbm>>
    %dma_wait3A_43 = tpu.memref_squeeze %dma_wait3A_42 : memref<1x1x1x8x128xf32, #tpu.memory_space<hbm>> -> memref<8x128xf32, #tpu.memory_space<hbm>>
    %dma_wait3A_44 = arith.constant 0 : i32
    %dma_wait3A_45 = arith.constant 0 : i32
    %dma_wait3A_46 = tpu.memref_slice %arg9[%dma_wait3A, %dma_wait3A_44, %dma_wait3A_45] : memref<4x64x132xf32, #tpu.memory_space<vmem>> -> memref<1x8x128xf32, #tpu.memory_space<vmem>>
    %dma_wait3A_47 = tpu.memref_squeeze %dma_wait3A_46 : memref<1x8x128xf32, #tpu.memory_space<vmem>> -> memref<8x128xf32, #tpu.memory_space<vmem>>
    tpu.wait_dma2 semaphore(%arg14 : memref<!tpu.dma_semaphore, #tpu.memory_space<semaphore_mem>>) src(%dma_wait3A_47 : memref<8x128xf32, #tpu.memory_space<vmem>>) dst(%dma_wait3A_43 : memref<8x128xf32, #tpu.memory_space<hbm>>)
    %dma_wait3A_48 = arith.constant 0 : i32
    %dma_wait3A_49 = arith.constant 196 : i32
    %dma_wait3A_50 = arith.constant 1 : i32
    %dma_wait3A_51 = arith.constant 8 : i32
    %dma_wait3A_52 = arith.constant 0 : i32
    %dma_wait3A_53 = tpu.memref_slice %arg9[%dma_wait3A_48, %dma_wait3A_51, %dma_wait3A_52] : memref<4x64x132xf32, #tpu.memory_space<vmem>> -> memref<1x8x128xf32, #tpu.memory_space<vmem>>
    %dma_wait3A_54 = tpu.memref_squeeze %dma_wait3A_53 : memref<1x8x128xf32, #tpu.memory_space<vmem>> -> memref<8x128xf32, #tpu.memory_space<vmem>>
    %dma_wait3A_55 = arith.constant 0 : i32
    %dma_wait3A_56 = arith.constant 0 : i32
    %dma_wait3A_57 = tpu.memref_slice %arg5[%dma_wait3A_49, %dma_wait3A_50, %add3A, %dma_wait3A_55, %dma_wait3A_56] : memref<200x8x32x8x128xf32, #tpu.memory_space<hbm>> -> memref<1x1x1x8x128xf32, #tpu.memory_space<hbm>>
    %dma_wait3A_58 = tpu.memref_squeeze %dma_wait3A_57 : memref<1x1x1x8x128xf32, #tpu.memory_space<hbm>> -> memref<8x128xf32, #tpu.memory_space<hbm>>
    %dma_wait3A_59 = arith.constant 0 : i32
    %dma_wait3A_60 = arith.constant 0 : i32
    %dma_wait3A_61 = tpu.memref_slice %arg5[%dma_wait3A_49, %dma_wait3A_50, %add3A, %dma_wait3A_59, %dma_wait3A_60] : memref<200x8x32x8x128xf32, #tpu.memory_space<hbm>> -> memref<1x1x1x8x128xf32, #tpu.memory_space<hbm>>
    %dma_wait3A_62 = tpu.memref_squeeze %dma_wait3A_61 : memref<1x1x1x8x128xf32, #tpu.memory_space<hbm>> -> memref<8x128xf32, #tpu.memory_space<hbm>>
    %dma_wait3A_63 = arith.constant 8 : i32
    %dma_wait3A_64 = arith.constant 0 : i32
    %dma_wait3A_65 = tpu.memref_slice %arg9[%dma_wait3A_48, %dma_wait3A_63, %dma_wait3A_64] : memref<4x64x132xf32, #tpu.memory_space<vmem>> -> memref<1x8x128xf32, #tpu.memory_space<vmem>>
    %dma_wait3A_66 = tpu.memref_squeeze %dma_wait3A_65 : memref<1x8x128xf32, #tpu.memory_space<vmem>> -> memref<8x128xf32, #tpu.memory_space<vmem>>
    tpu.wait_dma2 semaphore(%arg14 : memref<!tpu.dma_semaphore, #tpu.memory_space<semaphore_mem>>) src(%dma_wait3A_66 : memref<8x128xf32, #tpu.memory_space<vmem>>) dst(%dma_wait3A_62 : memref<8x128xf32, #tpu.memory_space<hbm>>)
    %dma_wait3A_67 = arith.constant 0 : i32
    %dma_wait3A_68 = arith.constant 196 : i32
    %dma_wait3A_69 = arith.constant 2 : i32
    %dma_wait3A_70 = arith.constant 16 : i32
    %dma_wait3A_71 = arith.constant 0 : i32
    %dma_wait3A_72 = tpu.memref_slice %arg9[%dma_wait3A_67, %dma_wait3A_70, %dma_wait3A_71] : memref<4x64x132xf32, #tpu.memory_space<vmem>> -> memref<1x8x128xf32, #tpu.memory_space<vmem>>
    %dma_wait3A_73 = tpu.memref_squeeze %dma_wait3A_72 : memref<1x8x128xf32, #tpu.memory_space<vmem>> -> memref<8x128xf32, #tpu.memory_space<vmem>>
    %dma_wait3A_74 = arith.constant 0 : i32
    %dma_wait3A_75 = arith.constant 0 : i32
    %dma_wait3A_76 = tpu.memref_slice %arg5[%dma_wait3A_68, %dma_wait3A_69, %add3A, %dma_wait3A_74, %dma_wait3A_75] : memref<200x8x32x8x128xf32, #tpu.memory_space<hbm>> -> memref<1x1x1x8x128xf32, #tpu.memory_space<hbm>>
    %dma_wait3A_77 = tpu.memref_squeeze %dma_wait3A_76 : memref<1x1x1x8x128xf32, #tpu.memory_space<hbm>> -> memref<8x128xf32, #tpu.memory_space<hbm>>
    %dma_wait3A_78 = arith.constant 0 : i32
    %dma_wait3A_79 = arith.constant 0 : i32
    %dma_wait3A_80 = tpu.memref_slice %arg5[%dma_wait3A_68, %dma_wait3A_69, %add3A, %dma_wait3A_78, %dma_wait3A_79] : memref<200x8x32x8x128xf32, #tpu.memory_space<hbm>> -> memref<1x1x1x8x128xf32, #tpu.memory_space<hbm>>
    %dma_wait3A_81 = tpu.memref_squeeze %dma_wait3A_80 : memref<1x1x1x8x128xf32, #tpu.memory_space<hbm>> -> memref<8x128xf32, #tpu.memory_space<hbm>>
    %dma_wait3A_82 = arith.constant 16 : i32
    %dma_wait3A_83 = arith.constant 0 : i32
    %dma_wait3A_84 = tpu.memref_slice %arg9[%dma_wait3A_67, %dma_wait3A_82, %dma_wait3A_83] : memref<4x64x132xf32, #tpu.memory_space<vmem>> -> memref<1x8x128xf32, #tpu.memory_space<vmem>>
    %dma_wait3A_85 = tpu.memref_squeeze %dma_wait3A_84 : memref<1x8x128xf32, #tpu.memory_space<vmem>> -> memref<8x128xf32, #tpu.memory_space<vmem>>
    tpu.wait_dma2 semaphore(%arg14 : memref<!tpu.dma_semaphore, #tpu.memory_space<semaphore_mem>>) src(%dma_wait3A_85 : memref<8x128xf32, #tpu.memory_space<vmem>>) dst(%dma_wait3A_81 : memref<8x128xf32, #tpu.memory_space<hbm>>)
    %dma_wait3A_86 = arith.constant 0 : i32
    %dma_wait3A_87 = arith.constant 196 : i32
    %dma_wait3A_88 = arith.constant 3 : i32
    %dma_wait3A_89 = arith.constant 24 : i32
    %dma_wait3A_90 = arith.constant 0 : i32
    %dma_wait3A_91 = tpu.memref_slice %arg9[%dma_wait3A_86, %dma_wait3A_89, %dma_wait3A_90] : memref<4x64x132xf32, #tpu.memory_space<vmem>> -> memref<1x8x128xf32, #tpu.memory_space<vmem>>
    %dma_wait3A_92 = tpu.memref_squeeze %dma_wait3A_91 : memref<1x8x128xf32, #tpu.memory_space<vmem>> -> memref<8x128xf32, #tpu.memory_space<vmem>>
    %dma_wait3A_93 = arith.constant 0 : i32
    %dma_wait3A_94 = arith.constant 0 : i32
    %dma_wait3A_95 = tpu.memref_slice %arg5[%dma_wait3A_87, %dma_wait3A_88, %add3A, %dma_wait3A_93, %dma_wait3A_94] : memref<200x8x32x8x128xf32, #tpu.memory_space<hbm>> -> memref<1x1x1x8x128xf32, #tpu.memory_space<hbm>>
    %dma_wait3A_96 = tpu.memref_squeeze %dma_wait3A_95 : memref<1x1x1x8x128xf32, #tpu.memory_space<hbm>> -> memref<8x128xf32, #tpu.memory_space<hbm>>
    %dma_wait3A_97 = arith.constant 0 : i32
    %dma_wait3A_98 = arith.constant 0 : i32
    %dma_wait3A_99 = tpu.memref_slice %arg5[%dma_wait3A_87, %dma_wait3A_88, %add3A, %dma_wait3A_97, %dma_wait3A_98] : memref<200x8x32x8x128xf32, #tpu.memory_space<hbm>> -> memref<1x1x1x8x128xf32, #tpu.memory_space<hbm>>
    %dma_wait3A_100 = tpu.memref_squeeze %dma_wait3A_99 : memref<1x1x1x8x128xf32, #tpu.memory_space<hbm>> -> memref<8x128xf32, #tpu.memory_space<hbm>>
    %dma_wait3A_101 = arith.constant 24 : i32
    %dma_wait3A_102 = arith.constant 0 : i32
    %dma_wait3A_103 = tpu.memref_slice %arg9[%dma_wait3A_86, %dma_wait3A_101, %dma_wait3A_102] : memref<4x64x132xf32, #tpu.memory_space<vmem>> -> memref<1x8x128xf32, #tpu.memory_space<vmem>>
    %dma_wait3A_104 = tpu.memref_squeeze %dma_wait3A_103 : memref<1x8x128xf32, #tpu.memory_space<vmem>> -> memref<8x128xf32, #tpu.memory_space<vmem>>
    tpu.wait_dma2 semaphore(%arg14 : memref<!tpu.dma_semaphore, #tpu.memory_space<semaphore_mem>>) src(%dma_wait3A_104 : memref<8x128xf32, #tpu.memory_space<vmem>>) dst(%dma_wait3A_100 : memref<8x128xf32, #tpu.memory_space<hbm>>)
    %dma_wait3A_105 = arith.constant 0 : i32
    %dma_wait3A_106 = arith.constant 196 : i32
    %dma_wait3A_107 = arith.constant 4 : i32
    %dma_wait3A_108 = arith.constant 32 : i32
    %dma_wait3A_109 = arith.constant 0 : i32
    %dma_wait3A_110 = tpu.memref_slice %arg9[%dma_wait3A_105, %dma_wait3A_108, %dma_wait3A_109] : memref<4x64x132xf32, #tpu.memory_space<vmem>> -> memref<1x8x128xf32, #tpu.memory_space<vmem>>
    %dma_wait3A_111 = tpu.memref_squeeze %dma_wait3A_110 : memref<1x8x128xf32, #tpu.memory_space<vmem>> -> memref<8x128xf32, #tpu.memory_space<vmem>>
    %dma_wait3A_112 = arith.constant 0 : i32
    %dma_wait3A_113 = arith.constant 0 : i32
    %dma_wait3A_114 = tpu.memref_slice %arg5[%dma_wait3A_106, %dma_wait3A_107, %add3A, %dma_wait3A_112, %dma_wait3A_113] : memref<200x8x32x8x128xf32, #tpu.memory_space<hbm>> -> memref<1x1x1x8x128xf32, #tpu.memory_space<hbm>>
    %dma_wait3A_115 = tpu.memref_squeeze %dma_wait3A_114 : memref<1x1x1x8x128xf32, #tpu.memory_space<hbm>> -> memref<8x128xf32, #tpu.memory_space<hbm>>
    %dma_wait3A_116 = arith.constant 0 : i32
    %dma_wait3A_117 = arith.constant 0 : i32
    %dma_wait3A_118 = tpu.memref_slice %arg5[%dma_wait3A_106, %dma_wait3A_107, %add3A, %dma_wait3A_116, %dma_wait3A_117] : memref<200x8x32x8x128xf32, #tpu.memory_space<hbm>> -> memref<1x1x1x8x128xf32, #tpu.memory_space<hbm>>
    %dma_wait3A_119 = tpu.memref_squeeze %dma_wait3A_118 : memref<1x1x1x8x128xf32, #tpu.memory_space<hbm>> -> memref<8x128xf32, #tpu.memory_space<hbm>>
    %dma_wait3A_120 = arith.constant 32 : i32
    %dma_wait3A_121 = arith.constant 0 : i32
    %dma_wait3A_122 = tpu.memref_slice %arg9[%dma_wait3A_105, %dma_wait3A_120, %dma_wait3A_121] : memref<4x64x132xf32, #tpu.memory_space<vmem>> -> memref<1x8x128xf32, #tpu.memory_space<vmem>>
    %dma_wait3A_123 = tpu.memref_squeeze %dma_wait3A_122 : memref<1x8x128xf32, #tpu.memory_space<vmem>> -> memref<8x128xf32, #tpu.memory_space<vmem>>
    tpu.wait_dma2 semaphore(%arg14 : memref<!tpu.dma_semaphore, #tpu.memory_space<semaphore_mem>>) src(%dma_wait3A_123 : memref<8x128xf32, #tpu.memory_space<vmem>>) dst(%dma_wait3A_119 : memref<8x128xf32, #tpu.memory_space<hbm>>)
    %dma_wait3A_124 = arith.constant 0 : i32
    %dma_wait3A_125 = arith.constant 196 : i32
    %dma_wait3A_126 = arith.constant 5 : i32
    %dma_wait3A_127 = arith.constant 40 : i32
    %dma_wait3A_128 = arith.constant 0 : i32
    %dma_wait3A_129 = tpu.memref_slice %arg9[%dma_wait3A_124, %dma_wait3A_127, %dma_wait3A_128] : memref<4x64x132xf32, #tpu.memory_space<vmem>> -> memref<1x8x128xf32, #tpu.memory_space<vmem>>
    %dma_wait3A_130 = tpu.memref_squeeze %dma_wait3A_129 : memref<1x8x128xf32, #tpu.memory_space<vmem>> -> memref<8x128xf32, #tpu.memory_space<vmem>>
    %dma_wait3A_131 = arith.constant 0 : i32
    %dma_wait3A_132 = arith.constant 0 : i32
    %dma_wait3A_133 = tpu.memref_slice %arg5[%dma_wait3A_125, %dma_wait3A_126, %add3A, %dma_wait3A_131, %dma_wait3A_132] : memref<200x8x32x8x128xf32, #tpu.memory_space<hbm>> -> memref<1x1x1x8x128xf32, #tpu.memory_space<hbm>>
    %dma_wait3A_134 = tpu.memref_squeeze %dma_wait3A_133 : memref<1x1x1x8x128xf32, #tpu.memory_space<hbm>> -> memref<8x128xf32, #tpu.memory_space<hbm>>
    %dma_wait3A_135 = arith.constant 0 : i32
    %dma_wait3A_136 = arith.constant 0 : i32
    %dma_wait3A_137 = tpu.memref_slice %arg5[%dma_wait3A_125, %dma_wait3A_126, %add3A, %dma_wait3A_135, %dma_wait3A_136] : memref<200x8x32x8x128xf32, #tpu.memory_space<hbm>> -> memref<1x1x1x8x128xf32, #tpu.memory_space<hbm>>
    %dma_wait3A_138 = tpu.memref_squeeze %dma_wait3A_137 : memref<1x1x1x8x128xf32, #tpu.memory_space<hbm>> -> memref<8x128xf32, #tpu.memory_space<hbm>>
    %dma_wait3A_139 = arith.constant 40 : i32
    %dma_wait3A_140 = arith.constant 0 : i32
    %dma_wait3A_141 = tpu.memref_slice %arg9[%dma_wait3A_124, %dma_wait3A_139, %dma_wait3A_140] : memref<4x64x132xf32, #tpu.memory_space<vmem>> -> memref<1x8x128xf32, #tpu.memory_space<vmem>>
    %dma_wait3A_142 = tpu.memref_squeeze %dma_wait3A_141 : memref<1x8x128xf32, #tpu.memory_space<vmem>> -> memref<8x128xf32, #tpu.memory_space<vmem>>
    tpu.wait_dma2 semaphore(%arg14 : memref<!tpu.dma_semaphore, #tpu.memory_space<semaphore_mem>>) src(%dma_wait3A_142 : memref<8x128xf32, #tpu.memory_space<vmem>>) dst(%dma_wait3A_138 : memref<8x128xf32, #tpu.memory_space<hbm>>)
    %dma_wait3A_143 = arith.constant 0 : i32
    %dma_wait3A_144 = arith.constant 196 : i32
    %dma_wait3A_145 = arith.constant 6 : i32
    %dma_wait3A_146 = arith.constant 48 : i32
    %dma_wait3A_147 = arith.constant 0 : i32
    %dma_wait3A_148 = tpu.memref_slice %arg9[%dma_wait3A_143, %dma_wait3A_146, %dma_wait3A_147] : memref<4x64x132xf32, #tpu.memory_space<vmem>> -> memref<1x8x128xf32, #tpu.memory_space<vmem>>
    %dma_wait3A_149 = tpu.memref_squeeze %dma_wait3A_148 : memref<1x8x128xf32, #tpu.memory_space<vmem>> -> memref<8x128xf32, #tpu.memory_space<vmem>>
    %dma_wait3A_150 = arith.constant 0 : i32
    %dma_wait3A_151 = arith.constant 0 : i32
    %dma_wait3A_152 = tpu.memref_slice %arg5[%dma_wait3A_144, %dma_wait3A_145, %add3A, %dma_wait3A_150, %dma_wait3A_151] : memref<200x8x32x8x128xf32, #tpu.memory_space<hbm>> -> memref<1x1x1x8x128xf32, #tpu.memory_space<hbm>>
    %dma_wait3A_153 = tpu.memref_squeeze %dma_wait3A_152 : memref<1x1x1x8x128xf32, #tpu.memory_space<hbm>> -> memref<8x128xf32, #tpu.memory_space<hbm>>
    %dma_wait3A_154 = arith.constant 0 : i32
    %dma_wait3A_155 = arith.constant 0 : i32
    %dma_wait3A_156 = tpu.memref_slice %arg5[%dma_wait3A_144, %dma_wait3A_145, %add3A, %dma_wait3A_154, %dma_wait3A_155] : memref<200x8x32x8x128xf32, #tpu.memory_space<hbm>> -> memref<1x1x1x8x128xf32, #tpu.memory_space<hbm>>
    %dma_wait3A_157 = tpu.memref_squeeze %dma_wait3A_156 : memref<1x1x1x8x128xf32, #tpu.memory_space<hbm>> -> memref<8x128xf32, #tpu.memory_space<hbm>>
    %dma_wait3A_158 = arith.constant 48 : i32
    %dma_wait3A_159 = arith.constant 0 : i32
    %dma_wait3A_160 = tpu.memref_slice %arg9[%dma_wait3A_143, %dma_wait3A_158, %dma_wait3A_159] : memref<4x64x132xf32, #tpu.memory_space<vmem>> -> memref<1x8x128xf32, #tpu.memory_space<vmem>>
    %dma_wait3A_161 = tpu.memref_squeeze %dma_wait3A_160 : memref<1x8x128xf32, #tpu.memory_space<vmem>> -> memref<8x128xf32, #tpu.memory_space<vmem>>
    tpu.wait_dma2 semaphore(%arg14 : memref<!tpu.dma_semaphore, #tpu.memory_space<semaphore_mem>>) src(%dma_wait3A_161 : memref<8x128xf32, #tpu.memory_space<vmem>>) dst(%dma_wait3A_157 : memref<8x128xf32, #tpu.memory_space<hbm>>)
    %dma_wait3A_162 = arith.constant 0 : i32
    %dma_wait3A_163 = arith.constant 196 : i32
    %dma_wait3A_164 = arith.constant 7 : i32
    %dma_wait3A_165 = arith.constant 56 : i32
    %dma_wait3A_166 = arith.constant 0 : i32
    %dma_wait3A_167 = tpu.memref_slice %arg9[%dma_wait3A_162, %dma_wait3A_165, %dma_wait3A_166] : memref<4x64x132xf32, #tpu.memory_space<vmem>> -> memref<1x8x128xf32, #tpu.memory_space<vmem>>
    %dma_wait3A_168 = tpu.memref_squeeze %dma_wait3A_167 : memref<1x8x128xf32, #tpu.memory_space<vmem>> -> memref<8x128xf32, #tpu.memory_space<vmem>>
    %dma_wait3A_169 = arith.constant 0 : i32
    %dma_wait3A_170 = arith.constant 0 : i32
    %dma_wait3A_171 = tpu.memref_slice %arg5[%dma_wait3A_163, %dma_wait3A_164, %add3A, %dma_wait3A_169, %dma_wait3A_170] : memref<200x8x32x8x128xf32, #tpu.memory_space<hbm>> -> memref<1x1x1x8x128xf32, #tpu.memory_space<hbm>>
    %dma_wait3A_172 = tpu.memref_squeeze %dma_wait3A_171 : memref<1x1x1x8x128xf32, #tpu.memory_space<hbm>> -> memref<8x128xf32, #tpu.memory_space<hbm>>
    %dma_wait3A_173 = arith.constant 0 : i32
    %dma_wait3A_174 = arith.constant 0 : i32
    %dma_wait3A_175 = tpu.memref_slice %arg5[%dma_wait3A_163, %dma_wait3A_164, %add3A, %dma_wait3A_173, %dma_wait3A_174] : memref<200x8x32x8x128xf32, #tpu.memory_space<hbm>> -> memref<1x1x1x8x128xf32, #tpu.memory_space<hbm>>
    %dma_wait3A_176 = tpu.memref_squeeze %dma_wait3A_175 : memref<1x1x1x8x128xf32, #tpu.memory_space<hbm>> -> memref<8x128xf32, #tpu.memory_space<hbm>>
    %dma_wait3A_177 = arith.constant 56 : i32
    %dma_wait3A_178 = arith.constant 0 : i32
    %dma_wait3A_179 = tpu.memref_slice %arg9[%dma_wait3A_162, %dma_wait3A_177, %dma_wait3A_178] : memref<4x64x132xf32, #tpu.memory_space<vmem>> -> memref<1x8x128xf32, #tpu.memory_space<vmem>>
    %dma_wait3A_180 = tpu.memref_squeeze %dma_wait3A_179 : memref<1x8x128xf32, #tpu.memory_space<vmem>> -> memref<8x128xf32, #tpu.memory_space<vmem>>
    tpu.wait_dma2 semaphore(%arg14 : memref<!tpu.dma_semaphore, #tpu.memory_space<semaphore_mem>>) src(%dma_wait3A_180 : memref<8x128xf32, #tpu.memory_space<vmem>>) dst(%dma_wait3A_176 : memref<8x128xf32, #tpu.memory_space<hbm>>)
    %dma_wait3A_181 = arith.constant 1 : i32
    %dma_wait3A_182 = arith.constant 197 : i32
    %dma_wait3A_183 = arith.constant 0 : i32
    %dma_wait3A_184 = arith.constant 0 : i32
    %dma_wait3A_185 = arith.constant 0 : i32
    %dma_wait3A_186 = tpu.memref_slice %arg9[%dma_wait3A_181, %dma_wait3A_184, %dma_wait3A_185] : memref<4x64x132xf32, #tpu.memory_space<vmem>> -> memref<1x8x128xf32, #tpu.memory_space<vmem>>
    %dma_wait3A_187 = tpu.memref_squeeze %dma_wait3A_186 : memref<1x8x128xf32, #tpu.memory_space<vmem>> -> memref<8x128xf32, #tpu.memory_space<vmem>>
    %dma_wait3A_188 = arith.constant 0 : i32
    %dma_wait3A_189 = arith.constant 0 : i32
    %dma_wait3A_190 = tpu.memref_slice %arg5[%dma_wait3A_182, %dma_wait3A_183, %add3A, %dma_wait3A_188, %dma_wait3A_189] : memref<200x8x32x8x128xf32, #tpu.memory_space<hbm>> -> memref<1x1x1x8x128xf32, #tpu.memory_space<hbm>>
    %dma_wait3A_191 = tpu.memref_squeeze %dma_wait3A_190 : memref<1x1x1x8x128xf32, #tpu.memory_space<hbm>> -> memref<8x128xf32, #tpu.memory_space<hbm>>
    %dma_wait3A_192 = arith.constant 0 : i32
    %dma_wait3A_193 = arith.constant 0 : i32
    %dma_wait3A_194 = tpu.memref_slice %arg5[%dma_wait3A_182, %dma_wait3A_183, %add3A, %dma_wait3A_192, %dma_wait3A_193] : memref<200x8x32x8x128xf32, #tpu.memory_space<hbm>> -> memref<1x1x1x8x128xf32, #tpu.memory_space<hbm>>
    %dma_wait3A_195 = tpu.memref_squeeze %dma_wait3A_194 : memref<1x1x1x8x128xf32, #tpu.memory_space<hbm>> -> memref<8x128xf32, #tpu.memory_space<hbm>>
    %dma_wait3A_196 = arith.constant 0 : i32
    %dma_wait3A_197 = arith.constant 0 : i32
    %dma_wait3A_198 = tpu.memref_slice %arg9[%dma_wait3A_181, %dma_wait3A_196, %dma_wait3A_197] : memref<4x64x132xf32, #tpu.memory_space<vmem>> -> memref<1x8x128xf32, #tpu.memory_space<vmem>>
    %dma_wait3A_199 = tpu.memref_squeeze %dma_wait3A_198 : memref<1x8x128xf32, #tpu.memory_space<vmem>> -> memref<8x128xf32, #tpu.memory_space<vmem>>
    tpu.wait_dma2 semaphore(%arg15 : memref<!tpu.dma_semaphore, #tpu.memory_space<semaphore_mem>>) src(%dma_wait3A_199 : memref<8x128xf32, #tpu.memory_space<vmem>>) dst(%dma_wait3A_195 : memref<8x128xf32, #tpu.memory_space<hbm>>)
    %dma_wait3A_200 = arith.constant 1 : i32
    %dma_wait3A_201 = arith.constant 197 : i32
    %dma_wait3A_202 = arith.constant 1 : i32
    %dma_wait3A_203 = arith.constant 8 : i32
    %dma_wait3A_204 = arith.constant 0 : i32
    %dma_wait3A_205 = tpu.memref_slice %arg9[%dma_wait3A_200, %dma_wait3A_203, %dma_wait3A_204] : memref<4x64x132xf32, #tpu.memory_space<vmem>> -> memref<1x8x128xf32, #tpu.memory_space<vmem>>
    %dma_wait3A_206 = tpu.memref_squeeze %dma_wait3A_205 : memref<1x8x128xf32, #tpu.memory_space<vmem>> -> memref<8x128xf32, #tpu.memory_space<vmem>>
    %dma_wait3A_207 = arith.constant 0 : i32
    %dma_wait3A_208 = arith.constant 0 : i32
    %dma_wait3A_209 = tpu.memref_slice %arg5[%dma_wait3A_201, %dma_wait3A_202, %add3A, %dma_wait3A_207, %dma_wait3A_208] : memref<200x8x32x8x128xf32, #tpu.memory_space<hbm>> -> memref<1x1x1x8x128xf32, #tpu.memory_space<hbm>>
    %dma_wait3A_210 = tpu.memref_squeeze %dma_wait3A_209 : memref<1x1x1x8x128xf32, #tpu.memory_space<hbm>> -> memref<8x128xf32, #tpu.memory_space<hbm>>
    %dma_wait3A_211 = arith.constant 0 : i32
    %dma_wait3A_212 = arith.constant 0 : i32
    %dma_wait3A_213 = tpu.memref_slice %arg5[%dma_wait3A_201, %dma_wait3A_202, %add3A, %dma_wait3A_211, %dma_wait3A_212] : memref<200x8x32x8x128xf32, #tpu.memory_space<hbm>> -> memref<1x1x1x8x128xf32, #tpu.memory_space<hbm>>
    %dma_wait3A_214 = tpu.memref_squeeze %dma_wait3A_213 : memref<1x1x1x8x128xf32, #tpu.memory_space<hbm>> -> memref<8x128xf32, #tpu.memory_space<hbm>>
    %dma_wait3A_215 = arith.constant 8 : i32
    %dma_wait3A_216 = arith.constant 0 : i32
    %dma_wait3A_217 = tpu.memref_slice %arg9[%dma_wait3A_200, %dma_wait3A_215, %dma_wait3A_216] : memref<4x64x132xf32, #tpu.memory_space<vmem>> -> memref<1x8x128xf32, #tpu.memory_space<vmem>>
    %dma_wait3A_218 = tpu.memref_squeeze %dma_wait3A_217 : memref<1x8x128xf32, #tpu.memory_space<vmem>> -> memref<8x128xf32, #tpu.memory_space<vmem>>
    tpu.wait_dma2 semaphore(%arg15 : memref<!tpu.dma_semaphore, #tpu.memory_space<semaphore_mem>>) src(%dma_wait3A_218 : memref<8x128xf32, #tpu.memory_space<vmem>>) dst(%dma_wait3A_214 : memref<8x128xf32, #tpu.memory_space<hbm>>)
    %dma_wait3A_219 = arith.constant 1 : i32
    %dma_wait3A_220 = arith.constant 197 : i32
    %dma_wait3A_221 = arith.constant 2 : i32
    %dma_wait3A_222 = arith.constant 16 : i32
    %dma_wait3A_223 = arith.constant 0 : i32
    %dma_wait3A_224 = tpu.memref_slice %arg9[%dma_wait3A_219, %dma_wait3A_222, %dma_wait3A_223] : memref<4x64x132xf32, #tpu.memory_space<vmem>> -> memref<1x8x128xf32, #tpu.memory_space<vmem>>
    %dma_wait3A_225 = tpu.memref_squeeze %dma_wait3A_224 : memref<1x8x128xf32, #tpu.memory_space<vmem>> -> memref<8x128xf32, #tpu.memory_space<vmem>>
    %dma_wait3A_226 = arith.constant 0 : i32
    %dma_wait3A_227 = arith.constant 0 : i32
    %dma_wait3A_228 = tpu.memref_slice %arg5[%dma_wait3A_220, %dma_wait3A_221, %add3A, %dma_wait3A_226, %dma_wait3A_227] : memref<200x8x32x8x128xf32, #tpu.memory_space<hbm>> -> memref<1x1x1x8x128xf32, #tpu.memory_space<hbm>>
    %dma_wait3A_229 = tpu.memref_squeeze %dma_wait3A_228 : memref<1x1x1x8x128xf32, #tpu.memory_space<hbm>> -> memref<8x128xf32, #tpu.memory_space<hbm>>
    %dma_wait3A_230 = arith.constant 0 : i32
    %dma_wait3A_231 = arith.constant 0 : i32
    %dma_wait3A_232 = tpu.memref_slice %arg5[%dma_wait3A_220, %dma_wait3A_221, %add3A, %dma_wait3A_230, %dma_wait3A_231] : memref<200x8x32x8x128xf32, #tpu.memory_space<hbm>> -> memref<1x1x1x8x128xf32, #tpu.memory_space<hbm>>
    %dma_wait3A_233 = tpu.memref_squeeze %dma_wait3A_232 : memref<1x1x1x8x128xf32, #tpu.memory_space<hbm>> -> memref<8x128xf32, #tpu.memory_space<hbm>>
    %dma_wait3A_234 = arith.constant 16 : i32
    %dma_wait3A_235 = arith.constant 0 : i32
    %dma_wait3A_236 = tpu.memref_slice %arg9[%dma_wait3A_219, %dma_wait3A_234, %dma_wait3A_235] : memref<4x64x132xf32, #tpu.memory_space<vmem>> -> memref<1x8x128xf32, #tpu.memory_space<vmem>>
    %dma_wait3A_237 = tpu.memref_squeeze %dma_wait3A_236 : memref<1x8x128xf32, #tpu.memory_space<vmem>> -> memref<8x128xf32, #tpu.memory_space<vmem>>
    tpu.wait_dma2 semaphore(%arg15 : memref<!tpu.dma_semaphore, #tpu.memory_space<semaphore_mem>>) src(%dma_wait3A_237 : memref<8x128xf32, #tpu.memory_space<vmem>>) dst(%dma_wait3A_233 : memref<8x128xf32, #tpu.memory_space<hbm>>)
    %dma_wait3A_238 = arith.constant 1 : i32
    %dma_wait3A_239 = arith.constant 197 : i32
    %dma_wait3A_240 = arith.constant 3 : i32
    %dma_wait3A_241 = arith.constant 24 : i32
    %dma_wait3A_242 = arith.constant 0 : i32
    %dma_wait3A_243 = tpu.memref_slice %arg9[%dma_wait3A_238, %dma_wait3A_241, %dma_wait3A_242] : memref<4x64x132xf32, #tpu.memory_space<vmem>> -> memref<1x8x128xf32, #tpu.memory_space<vmem>>
    %dma_wait3A_244 = tpu.memref_squeeze %dma_wait3A_243 : memref<1x8x128xf32, #tpu.memory_space<vmem>> -> memref<8x128xf32, #tpu.memory_space<vmem>>
    %dma_wait3A_245 = arith.constant 0 : i32
    %dma_wait3A_246 = arith.constant 0 : i32
    %dma_wait3A_247 = tpu.memref_slice %arg5[%dma_wait3A_239, %dma_wait3A_240, %add3A, %dma_wait3A_245, %dma_wait3A_246] : memref<200x8x32x8x128xf32, #tpu.memory_space<hbm>> -> memref<1x1x1x8x128xf32, #tpu.memory_space<hbm>>
    %dma_wait3A_248 = tpu.memref_squeeze %dma_wait3A_247 : memref<1x1x1x8x128xf32, #tpu.memory_space<hbm>> -> memref<8x128xf32, #tpu.memory_space<hbm>>
    %dma_wait3A_249 = arith.constant 0 : i32
    %dma_wait3A_250 = arith.constant 0 : i32
    %dma_wait3A_251 = tpu.memref_slice %arg5[%dma_wait3A_239, %dma_wait3A_240, %add3A, %dma_wait3A_249, %dma_wait3A_250] : memref<200x8x32x8x128xf32, #tpu.memory_space<hbm>> -> memref<1x1x1x8x128xf32, #tpu.memory_space<hbm>>
    %dma_wait3A_252 = tpu.memref_squeeze %dma_wait3A_251 : memref<1x1x1x8x128xf32, #tpu.memory_space<hbm>> -> memref<8x128xf32, #tpu.memory_space<hbm>>
    %dma_wait3A_253 = arith.constant 24 : i32
    %dma_wait3A_254 = arith.constant 0 : i32
    %dma_wait3A_255 = tpu.memref_slice %arg9[%dma_wait3A_238, %dma_wait3A_253, %dma_wait3A_254] : memref<4x64x132xf32, #tpu.memory_space<vmem>> -> memref<1x8x128xf32, #tpu.memory_space<vmem>>
    %dma_wait3A_256 = tpu.memref_squeeze %dma_wait3A_255 : memref<1x8x128xf32, #tpu.memory_space<vmem>> -> memref<8x128xf32, #tpu.memory_space<vmem>>
    tpu.wait_dma2 semaphore(%arg15 : memref<!tpu.dma_semaphore, #tpu.memory_space<semaphore_mem>>) src(%dma_wait3A_256 : memref<8x128xf32, #tpu.memory_space<vmem>>) dst(%dma_wait3A_252 : memref<8x128xf32, #tpu.memory_space<hbm>>)
    %dma_wait3A_257 = arith.constant 1 : i32
    %dma_wait3A_258 = arith.constant 197 : i32
    %dma_wait3A_259 = arith.constant 4 : i32
    %dma_wait3A_260 = arith.constant 32 : i32
    %dma_wait3A_261 = arith.constant 0 : i32
    %dma_wait3A_262 = tpu.memref_slice %arg9[%dma_wait3A_257, %dma_wait3A_260, %dma_wait3A_261] : memref<4x64x132xf32, #tpu.memory_space<vmem>> -> memref<1x8x128xf32, #tpu.memory_space<vmem>>
    %dma_wait3A_263 = tpu.memref_squeeze %dma_wait3A_262 : memref<1x8x128xf32, #tpu.memory_space<vmem>> -> memref<8x128xf32, #tpu.memory_space<vmem>>
    %dma_wait3A_264 = arith.constant 0 : i32
    %dma_wait3A_265 = arith.constant 0 : i32
    %dma_wait3A_266 = tpu.memref_slice %arg5[%dma_wait3A_258, %dma_wait3A_259, %add3A, %dma_wait3A_264, %dma_wait3A_265] : memref<200x8x32x8x128xf32, #tpu.memory_space<hbm>> -> memref<1x1x1x8x128xf32, #tpu.memory_space<hbm>>
    %dma_wait3A_267 = tpu.memref_squeeze %dma_wait3A_266 : memref<1x1x1x8x128xf32, #tpu.memory_space<hbm>> -> memref<8x128xf32, #tpu.memory_space<hbm>>
    %dma_wait3A_268 = arith.constant 0 : i32
    %dma_wait3A_269 = arith.constant 0 : i32
    %dma_wait3A_270 = tpu.memref_slice %arg5[%dma_wait3A_258, %dma_wait3A_259, %add3A, %dma_wait3A_268, %dma_wait3A_269] : memref<200x8x32x8x128xf32, #tpu.memory_space<hbm>> -> memref<1x1x1x8x128xf32, #tpu.memory_space<hbm>>
    %dma_wait3A_271 = tpu.memref_squeeze %dma_wait3A_270 : memref<1x1x1x8x128xf32, #tpu.memory_space<hbm>> -> memref<8x128xf32, #tpu.memory_space<hbm>>
    %dma_wait3A_272 = arith.constant 32 : i32
    %dma_wait3A_273 = arith.constant 0 : i32
    %dma_wait3A_274 = tpu.memref_slice %arg9[%dma_wait3A_257, %dma_wait3A_272, %dma_wait3A_273] : memref<4x64x132xf32, #tpu.memory_space<vmem>> -> memref<1x8x128xf32, #tpu.memory_space<vmem>>
    %dma_wait3A_275 = tpu.memref_squeeze %dma_wait3A_274 : memref<1x8x128xf32, #tpu.memory_space<vmem>> -> memref<8x128xf32, #tpu.memory_space<vmem>>
    tpu.wait_dma2 semaphore(%arg15 : memref<!tpu.dma_semaphore, #tpu.memory_space<semaphore_mem>>) src(%dma_wait3A_275 : memref<8x128xf32, #tpu.memory_space<vmem>>) dst(%dma_wait3A_271 : memref<8x128xf32, #tpu.memory_space<hbm>>)
    %dma_wait3A_276 = arith.constant 1 : i32
    %dma_wait3A_277 = arith.constant 197 : i32
    %dma_wait3A_278 = arith.constant 5 : i32
    %dma_wait3A_279 = arith.constant 40 : i32
    %dma_wait3A_280 = arith.constant 0 : i32
    %dma_wait3A_281 = tpu.memref_slice %arg9[%dma_wait3A_276, %dma_wait3A_279, %dma_wait3A_280] : memref<4x64x132xf32, #tpu.memory_space<vmem>> -> memref<1x8x128xf32, #tpu.memory_space<vmem>>
    %dma_wait3A_282 = tpu.memref_squeeze %dma_wait3A_281 : memref<1x8x128xf32, #tpu.memory_space<vmem>> -> memref<8x128xf32, #tpu.memory_space<vmem>>
    %dma_wait3A_283 = arith.constant 0 : i32
    %dma_wait3A_284 = arith.constant 0 : i32
    %dma_wait3A_285 = tpu.memref_slice %arg5[%dma_wait3A_277, %dma_wait3A_278, %add3A, %dma_wait3A_283, %dma_wait3A_284] : memref<200x8x32x8x128xf32, #tpu.memory_space<hbm>> -> memref<1x1x1x8x128xf32, #tpu.memory_space<hbm>>
    %dma_wait3A_286 = tpu.memref_squeeze %dma_wait3A_285 : memref<1x1x1x8x128xf32, #tpu.memory_space<hbm>> -> memref<8x128xf32, #tpu.memory_space<hbm>>
    %dma_wait3A_287 = arith.constant 0 : i32
    %dma_wait3A_288 = arith.constant 0 : i32
    %dma_wait3A_289 = tpu.memref_slice %arg5[%dma_wait3A_277, %dma_wait3A_278, %add3A, %dma_wait3A_287, %dma_wait3A_288] : memref<200x8x32x8x128xf32, #tpu.memory_space<hbm>> -> memref<1x1x1x8x128xf32, #tpu.memory_space<hbm>>
    %dma_wait3A_290 = tpu.memref_squeeze %dma_wait3A_289 : memref<1x1x1x8x128xf32, #tpu.memory_space<hbm>> -> memref<8x128xf32, #tpu.memory_space<hbm>>
    %dma_wait3A_291 = arith.constant 40 : i32
    %dma_wait3A_292 = arith.constant 0 : i32
    %dma_wait3A_293 = tpu.memref_slice %arg9[%dma_wait3A_276, %dma_wait3A_291, %dma_wait3A_292] : memref<4x64x132xf32, #tpu.memory_space<vmem>> -> memref<1x8x128xf32, #tpu.memory_space<vmem>>
    %dma_wait3A_294 = tpu.memref_squeeze %dma_wait3A_293 : memref<1x8x128xf32, #tpu.memory_space<vmem>> -> memref<8x128xf32, #tpu.memory_space<vmem>>
    tpu.wait_dma2 semaphore(%arg15 : memref<!tpu.dma_semaphore, #tpu.memory_space<semaphore_mem>>) src(%dma_wait3A_294 : memref<8x128xf32, #tpu.memory_space<vmem>>) dst(%dma_wait3A_290 : memref<8x128xf32, #tpu.memory_space<hbm>>)
    %dma_wait3A_295 = arith.constant 1 : i32
    %dma_wait3A_296 = arith.constant 197 : i32
    %dma_wait3A_297 = arith.constant 6 : i32
    %dma_wait3A_298 = arith.constant 48 : i32
    %dma_wait3A_299 = arith.constant 0 : i32
    %dma_wait3A_300 = tpu.memref_slice %arg9[%dma_wait3A_295, %dma_wait3A_298, %dma_wait3A_299] : memref<4x64x132xf32, #tpu.memory_space<vmem>> -> memref<1x8x128xf32, #tpu.memory_space<vmem>>
    %dma_wait3A_301 = tpu.memref_squeeze %dma_wait3A_300 : memref<1x8x128xf32, #tpu.memory_space<vmem>> -> memref<8x128xf32, #tpu.memory_space<vmem>>
    %dma_wait3A_302 = arith.constant 0 : i32
    %dma_wait3A_303 = arith.constant 0 : i32
    %dma_wait3A_304 = tpu.memref_slice %arg5[%dma_wait3A_296, %dma_wait3A_297, %add3A, %dma_wait3A_302, %dma_wait3A_303] : memref<200x8x32x8x128xf32, #tpu.memory_space<hbm>> -> memref<1x1x1x8x128xf32, #tpu.memory_space<hbm>>
    %dma_wait3A_305 = tpu.memref_squeeze %dma_wait3A_304 : memref<1x1x1x8x128xf32, #tpu.memory_space<hbm>> -> memref<8x128xf32, #tpu.memory_space<hbm>>
    %dma_wait3A_306 = arith.constant 0 : i32
    %dma_wait3A_307 = arith.constant 0 : i32
    %dma_wait3A_308 = tpu.memref_slice %arg5[%dma_wait3A_296, %dma_wait3A_297, %add3A, %dma_wait3A_306, %dma_wait3A_307] : memref<200x8x32x8x128xf32, #tpu.memory_space<hbm>> -> memref<1x1x1x8x128xf32, #tpu.memory_space<hbm>>
    %dma_wait3A_309 = tpu.memref_squeeze %dma_wait3A_308 : memref<1x1x1x8x128xf32, #tpu.memory_space<hbm>> -> memref<8x128xf32, #tpu.memory_space<hbm>>
    %dma_wait3A_310 = arith.constant 48 : i32
    %dma_wait3A_311 = arith.constant 0 : i32
    %dma_wait3A_312 = tpu.memref_slice %arg9[%dma_wait3A_295, %dma_wait3A_310, %dma_wait3A_311] : memref<4x64x132xf32, #tpu.memory_space<vmem>> -> memref<1x8x128xf32, #tpu.memory_space<vmem>>
    %dma_wait3A_313 = tpu.memref_squeeze %dma_wait3A_312 : memref<1x8x128xf32, #tpu.memory_space<vmem>> -> memref<8x128xf32, #tpu.memory_space<vmem>>
    tpu.wait_dma2 semaphore(%arg15 : memref<!tpu.dma_semaphore, #tpu.memory_space<semaphore_mem>>) src(%dma_wait3A_313 : memref<8x128xf32, #tpu.memory_space<vmem>>) dst(%dma_wait3A_309 : memref<8x128xf32, #tpu.memory_space<hbm>>)
    %dma_wait3A_314 = arith.constant 1 : i32
    %dma_wait3A_315 = arith.constant 197 : i32
    %dma_wait3A_316 = arith.constant 7 : i32
    %dma_wait3A_317 = arith.constant 56 : i32
    %dma_wait3A_318 = arith.constant 0 : i32
    %dma_wait3A_319 = tpu.memref_slice %arg9[%dma_wait3A_314, %dma_wait3A_317, %dma_wait3A_318] : memref<4x64x132xf32, #tpu.memory_space<vmem>> -> memref<1x8x128xf32, #tpu.memory_space<vmem>>
    %dma_wait3A_320 = tpu.memref_squeeze %dma_wait3A_319 : memref<1x8x128xf32, #tpu.memory_space<vmem>> -> memref<8x128xf32, #tpu.memory_space<vmem>>
    %dma_wait3A_321 = arith.constant 0 : i32
    %dma_wait3A_322 = arith.constant 0 : i32
    %dma_wait3A_323 = tpu.memref_slice %arg5[%dma_wait3A_315, %dma_wait3A_316, %add3A, %dma_wait3A_321, %dma_wait3A_322] : memref<200x8x32x8x128xf32, #tpu.memory_space<hbm>> -> memref<1x1x1x8x128xf32, #tpu.memory_space<hbm>>
    %dma_wait3A_324 = tpu.memref_squeeze %dma_wait3A_323 : memref<1x1x1x8x128xf32, #tpu.memory_space<hbm>> -> memref<8x128xf32, #tpu.memory_space<hbm>>
    %dma_wait3A_325 = arith.constant 0 : i32
    %dma_wait3A_326 = arith.constant 0 : i32
    %dma_wait3A_327 = tpu.memref_slice %arg5[%dma_wait3A_315, %dma_wait3A_316, %add3A, %dma_wait3A_325, %dma_wait3A_326] : memref<200x8x32x8x128xf32, #tpu.memory_space<hbm>> -> memref<1x1x1x8x128xf32, #tpu.memory_space<hbm>>
    %dma_wait3A_328 = tpu.memref_squeeze %dma_wait3A_327 : memref<1x1x1x8x128xf32, #tpu.memory_space<hbm>> -> memref<8x128xf32, #tpu.memory_space<hbm>>
    %dma_wait3A_329 = arith.constant 56 : i32
    %dma_wait3A_330 = arith.constant 0 : i32
    %dma_wait3A_331 = tpu.memref_slice %arg9[%dma_wait3A_314, %dma_wait3A_329, %dma_wait3A_330] : memref<4x64x132xf32, #tpu.memory_space<vmem>> -> memref<1x8x128xf32, #tpu.memory_space<vmem>>
    %dma_wait3A_332 = tpu.memref_squeeze %dma_wait3A_331 : memref<1x8x128xf32, #tpu.memory_space<vmem>> -> memref<8x128xf32, #tpu.memory_space<vmem>>
    tpu.wait_dma2 semaphore(%arg15 : memref<!tpu.dma_semaphore, #tpu.memory_space<semaphore_mem>>) src(%dma_wait3A_332 : memref<8x128xf32, #tpu.memory_space<vmem>>) dst(%dma_wait3A_328 : memref<8x128xf32, #tpu.memory_space<hbm>>)
    %dma_wait3A_333 = arith.constant 2 : i32
    %dma_wait3A_334 = arith.constant 198 : i32
    %dma_wait3A_335 = arith.constant 0 : i32
    %dma_wait3A_336 = arith.constant 0 : i32
    %dma_wait3A_337 = arith.constant 0 : i32
    %dma_wait3A_338 = tpu.memref_slice %arg9[%dma_wait3A_333, %dma_wait3A_336, %dma_wait3A_337] : memref<4x64x132xf32, #tpu.memory_space<vmem>> -> memref<1x8x128xf32, #tpu.memory_space<vmem>>
    %dma_wait3A_339 = tpu.memref_squeeze %dma_wait3A_338 : memref<1x8x128xf32, #tpu.memory_space<vmem>> -> memref<8x128xf32, #tpu.memory_space<vmem>>
    %dma_wait3A_340 = arith.constant 0 : i32
    %dma_wait3A_341 = arith.constant 0 : i32
    %dma_wait3A_342 = tpu.memref_slice %arg5[%dma_wait3A_334, %dma_wait3A_335, %add3A, %dma_wait3A_340, %dma_wait3A_341] : memref<200x8x32x8x128xf32, #tpu.memory_space<hbm>> -> memref<1x1x1x8x128xf32, #tpu.memory_space<hbm>>
    %dma_wait3A_343 = tpu.memref_squeeze %dma_wait3A_342 : memref<1x1x1x8x128xf32, #tpu.memory_space<hbm>> -> memref<8x128xf32, #tpu.memory_space<hbm>>
    %dma_wait3A_344 = arith.constant 0 : i32
    %dma_wait3A_345 = arith.constant 0 : i32
    %dma_wait3A_346 = tpu.memref_slice %arg5[%dma_wait3A_334, %dma_wait3A_335, %add3A, %dma_wait3A_344, %dma_wait3A_345] : memref<200x8x32x8x128xf32, #tpu.memory_space<hbm>> -> memref<1x1x1x8x128xf32, #tpu.memory_space<hbm>>
    %dma_wait3A_347 = tpu.memref_squeeze %dma_wait3A_346 : memref<1x1x1x8x128xf32, #tpu.memory_space<hbm>> -> memref<8x128xf32, #tpu.memory_space<hbm>>
    %dma_wait3A_348 = arith.constant 0 : i32
    %dma_wait3A_349 = arith.constant 0 : i32
    %dma_wait3A_350 = tpu.memref_slice %arg9[%dma_wait3A_333, %dma_wait3A_348, %dma_wait3A_349] : memref<4x64x132xf32, #tpu.memory_space<vmem>> -> memref<1x8x128xf32, #tpu.memory_space<vmem>>
    %dma_wait3A_351 = tpu.memref_squeeze %dma_wait3A_350 : memref<1x8x128xf32, #tpu.memory_space<vmem>> -> memref<8x128xf32, #tpu.memory_space<vmem>>
    tpu.wait_dma2 semaphore(%arg16 : memref<!tpu.dma_semaphore, #tpu.memory_space<semaphore_mem>>) src(%dma_wait3A_351 : memref<8x128xf32, #tpu.memory_space<vmem>>) dst(%dma_wait3A_347 : memref<8x128xf32, #tpu.memory_space<hbm>>)
    %dma_wait3A_352 = arith.constant 2 : i32
    %dma_wait3A_353 = arith.constant 198 : i32
    %dma_wait3A_354 = arith.constant 1 : i32
    %dma_wait3A_355 = arith.constant 8 : i32
    %dma_wait3A_356 = arith.constant 0 : i32
    %dma_wait3A_357 = tpu.memref_slice %arg9[%dma_wait3A_352, %dma_wait3A_355, %dma_wait3A_356] : memref<4x64x132xf32, #tpu.memory_space<vmem>> -> memref<1x8x128xf32, #tpu.memory_space<vmem>>
    %dma_wait3A_358 = tpu.memref_squeeze %dma_wait3A_357 : memref<1x8x128xf32, #tpu.memory_space<vmem>> -> memref<8x128xf32, #tpu.memory_space<vmem>>
    %dma_wait3A_359 = arith.constant 0 : i32
    %dma_wait3A_360 = arith.constant 0 : i32
    %dma_wait3A_361 = tpu.memref_slice %arg5[%dma_wait3A_353, %dma_wait3A_354, %add3A, %dma_wait3A_359, %dma_wait3A_360] : memref<200x8x32x8x128xf32, #tpu.memory_space<hbm>> -> memref<1x1x1x8x128xf32, #tpu.memory_space<hbm>>
    %dma_wait3A_362 = tpu.memref_squeeze %dma_wait3A_361 : memref<1x1x1x8x128xf32, #tpu.memory_space<hbm>> -> memref<8x128xf32, #tpu.memory_space<hbm>>
    %dma_wait3A_363 = arith.constant 0 : i32
    %dma_wait3A_364 = arith.constant 0 : i32
    %dma_wait3A_365 = tpu.memref_slice %arg5[%dma_wait3A_353, %dma_wait3A_354, %add3A, %dma_wait3A_363, %dma_wait3A_364] : memref<200x8x32x8x128xf32, #tpu.memory_space<hbm>> -> memref<1x1x1x8x128xf32, #tpu.memory_space<hbm>>
    %dma_wait3A_366 = tpu.memref_squeeze %dma_wait3A_365 : memref<1x1x1x8x128xf32, #tpu.memory_space<hbm>> -> memref<8x128xf32, #tpu.memory_space<hbm>>
    %dma_wait3A_367 = arith.constant 8 : i32
    %dma_wait3A_368 = arith.constant 0 : i32
    %dma_wait3A_369 = tpu.memref_slice %arg9[%dma_wait3A_352, %dma_wait3A_367, %dma_wait3A_368] : memref<4x64x132xf32, #tpu.memory_space<vmem>> -> memref<1x8x128xf32, #tpu.memory_space<vmem>>
    %dma_wait3A_370 = tpu.memref_squeeze %dma_wait3A_369 : memref<1x8x128xf32, #tpu.memory_space<vmem>> -> memref<8x128xf32, #tpu.memory_space<vmem>>
    tpu.wait_dma2 semaphore(%arg16 : memref<!tpu.dma_semaphore, #tpu.memory_space<semaphore_mem>>) src(%dma_wait3A_370 : memref<8x128xf32, #tpu.memory_space<vmem>>) dst(%dma_wait3A_366 : memref<8x128xf32, #tpu.memory_space<hbm>>)
    %dma_wait3A_371 = arith.constant 2 : i32
    %dma_wait3A_372 = arith.constant 198 : i32
    %dma_wait3A_373 = arith.constant 2 : i32
    %dma_wait3A_374 = arith.constant 16 : i32
    %dma_wait3A_375 = arith.constant 0 : i32
    %dma_wait3A_376 = tpu.memref_slice %arg9[%dma_wait3A_371, %dma_wait3A_374, %dma_wait3A_375] : memref<4x64x132xf32, #tpu.memory_space<vmem>> -> memref<1x8x128xf32, #tpu.memory_space<vmem>>
    %dma_wait3A_377 = tpu.memref_squeeze %dma_wait3A_376 : memref<1x8x128xf32, #tpu.memory_space<vmem>> -> memref<8x128xf32, #tpu.memory_space<vmem>>
    %dma_wait3A_378 = arith.constant 0 : i32
    %dma_wait3A_379 = arith.constant 0 : i32
    %dma_wait3A_380 = tpu.memref_slice %arg5[%dma_wait3A_372, %dma_wait3A_373, %add3A, %dma_wait3A_378, %dma_wait3A_379] : memref<200x8x32x8x128xf32, #tpu.memory_space<hbm>> -> memref<1x1x1x8x128xf32, #tpu.memory_space<hbm>>
    %dma_wait3A_381 = tpu.memref_squeeze %dma_wait3A_380 : memref<1x1x1x8x128xf32, #tpu.memory_space<hbm>> -> memref<8x128xf32, #tpu.memory_space<hbm>>
    %dma_wait3A_382 = arith.constant 0 : i32
    %dma_wait3A_383 = arith.constant 0 : i32
    %dma_wait3A_384 = tpu.memref_slice %arg5[%dma_wait3A_372, %dma_wait3A_373, %add3A, %dma_wait3A_382, %dma_wait3A_383] : memref<200x8x32x8x128xf32, #tpu.memory_space<hbm>> -> memref<1x1x1x8x128xf32, #tpu.memory_space<hbm>>
    %dma_wait3A_385 = tpu.memref_squeeze %dma_wait3A_384 : memref<1x1x1x8x128xf32, #tpu.memory_space<hbm>> -> memref<8x128xf32, #tpu.memory_space<hbm>>
    %dma_wait3A_386 = arith.constant 16 : i32
    %dma_wait3A_387 = arith.constant 0 : i32
    %dma_wait3A_388 = tpu.memref_slice %arg9[%dma_wait3A_371, %dma_wait3A_386, %dma_wait3A_387] : memref<4x64x132xf32, #tpu.memory_space<vmem>> -> memref<1x8x128xf32, #tpu.memory_space<vmem>>
    %dma_wait3A_389 = tpu.memref_squeeze %dma_wait3A_388 : memref<1x8x128xf32, #tpu.memory_space<vmem>> -> memref<8x128xf32, #tpu.memory_space<vmem>>
    tpu.wait_dma2 semaphore(%arg16 : memref<!tpu.dma_semaphore, #tpu.memory_space<semaphore_mem>>) src(%dma_wait3A_389 : memref<8x128xf32, #tpu.memory_space<vmem>>) dst(%dma_wait3A_385 : memref<8x128xf32, #tpu.memory_space<hbm>>)
    %dma_wait3A_390 = arith.constant 2 : i32
    %dma_wait3A_391 = arith.constant 198 : i32
    %dma_wait3A_392 = arith.constant 3 : i32
    %dma_wait3A_393 = arith.constant 24 : i32
    %dma_wait3A_394 = arith.constant 0 : i32
    %dma_wait3A_395 = tpu.memref_slice %arg9[%dma_wait3A_390, %dma_wait3A_393, %dma_wait3A_394] : memref<4x64x132xf32, #tpu.memory_space<vmem>> -> memref<1x8x128xf32, #tpu.memory_space<vmem>>
    %dma_wait3A_396 = tpu.memref_squeeze %dma_wait3A_395 : memref<1x8x128xf32, #tpu.memory_space<vmem>> -> memref<8x128xf32, #tpu.memory_space<vmem>>
    %dma_wait3A_397 = arith.constant 0 : i32
    %dma_wait3A_398 = arith.constant 0 : i32
    %dma_wait3A_399 = tpu.memref_slice %arg5[%dma_wait3A_391, %dma_wait3A_392, %add3A, %dma_wait3A_397, %dma_wait3A_398] : memref<200x8x32x8x128xf32, #tpu.memory_space<hbm>> -> memref<1x1x1x8x128xf32, #tpu.memory_space<hbm>>
    %dma_wait3A_400 = tpu.memref_squeeze %dma_wait3A_399 : memref<1x1x1x8x128xf32, #tpu.memory_space<hbm>> -> memref<8x128xf32, #tpu.memory_space<hbm>>
    %dma_wait3A_401 = arith.constant 0 : i32
    %dma_wait3A_402 = arith.constant 0 : i32
    %dma_wait3A_403 = tpu.memref_slice %arg5[%dma_wait3A_391, %dma_wait3A_392, %add3A, %dma_wait3A_401, %dma_wait3A_402] : memref<200x8x32x8x128xf32, #tpu.memory_space<hbm>> -> memref<1x1x1x8x128xf32, #tpu.memory_space<hbm>>
    %dma_wait3A_404 = tpu.memref_squeeze %dma_wait3A_403 : memref<1x1x1x8x128xf32, #tpu.memory_space<hbm>> -> memref<8x128xf32, #tpu.memory_space<hbm>>
    %dma_wait3A_405 = arith.constant 24 : i32
    %dma_wait3A_406 = arith.constant 0 : i32
    %dma_wait3A_407 = tpu.memref_slice %arg9[%dma_wait3A_390, %dma_wait3A_405, %dma_wait3A_406] : memref<4x64x132xf32, #tpu.memory_space<vmem>> -> memref<1x8x128xf32, #tpu.memory_space<vmem>>
    %dma_wait3A_408 = tpu.memref_squeeze %dma_wait3A_407 : memref<1x8x128xf32, #tpu.memory_space<vmem>> -> memref<8x128xf32, #tpu.memory_space<vmem>>
    tpu.wait_dma2 semaphore(%arg16 : memref<!tpu.dma_semaphore, #tpu.memory_space<semaphore_mem>>) src(%dma_wait3A_408 : memref<8x128xf32, #tpu.memory_space<vmem>>) dst(%dma_wait3A_404 : memref<8x128xf32, #tpu.memory_space<hbm>>)
    %dma_wait3A_409 = arith.constant 2 : i32
    %dma_wait3A_410 = arith.constant 198 : i32
    %dma_wait3A_411 = arith.constant 4 : i32
    %dma_wait3A_412 = arith.constant 32 : i32
    %dma_wait3A_413 = arith.constant 0 : i32
    %dma_wait3A_414 = tpu.memref_slice %arg9[%dma_wait3A_409, %dma_wait3A_412, %dma_wait3A_413] : memref<4x64x132xf32, #tpu.memory_space<vmem>> -> memref<1x8x128xf32, #tpu.memory_space<vmem>>
    %dma_wait3A_415 = tpu.memref_squeeze %dma_wait3A_414 : memref<1x8x128xf32, #tpu.memory_space<vmem>> -> memref<8x128xf32, #tpu.memory_space<vmem>>
    %dma_wait3A_416 = arith.constant 0 : i32
    %dma_wait3A_417 = arith.constant 0 : i32
    %dma_wait3A_418 = tpu.memref_slice %arg5[%dma_wait3A_410, %dma_wait3A_411, %add3A, %dma_wait3A_416, %dma_wait3A_417] : memref<200x8x32x8x128xf32, #tpu.memory_space<hbm>> -> memref<1x1x1x8x128xf32, #tpu.memory_space<hbm>>
    %dma_wait3A_419 = tpu.memref_squeeze %dma_wait3A_418 : memref<1x1x1x8x128xf32, #tpu.memory_space<hbm>> -> memref<8x128xf32, #tpu.memory_space<hbm>>
    %dma_wait3A_420 = arith.constant 0 : i32
    %dma_wait3A_421 = arith.constant 0 : i32
    %dma_wait3A_422 = tpu.memref_slice %arg5[%dma_wait3A_410, %dma_wait3A_411, %add3A, %dma_wait3A_420, %dma_wait3A_421] : memref<200x8x32x8x128xf32, #tpu.memory_space<hbm>> -> memref<1x1x1x8x128xf32, #tpu.memory_space<hbm>>
    %dma_wait3A_423 = tpu.memref_squeeze %dma_wait3A_422 : memref<1x1x1x8x128xf32, #tpu.memory_space<hbm>> -> memref<8x128xf32, #tpu.memory_space<hbm>>
    %dma_wait3A_424 = arith.constant 32 : i32
    %dma_wait3A_425 = arith.constant 0 : i32
    %dma_wait3A_426 = tpu.memref_slice %arg9[%dma_wait3A_409, %dma_wait3A_424, %dma_wait3A_425] : memref<4x64x132xf32, #tpu.memory_space<vmem>> -> memref<1x8x128xf32, #tpu.memory_space<vmem>>
    %dma_wait3A_427 = tpu.memref_squeeze %dma_wait3A_426 : memref<1x8x128xf32, #tpu.memory_space<vmem>> -> memref<8x128xf32, #tpu.memory_space<vmem>>
    tpu.wait_dma2 semaphore(%arg16 : memref<!tpu.dma_semaphore, #tpu.memory_space<semaphore_mem>>) src(%dma_wait3A_427 : memref<8x128xf32, #tpu.memory_space<vmem>>) dst(%dma_wait3A_423 : memref<8x128xf32, #tpu.memory_space<hbm>>)
    %dma_wait3A_428 = arith.constant 2 : i32
    %dma_wait3A_429 = arith.constant 198 : i32
    %dma_wait3A_430 = arith.constant 5 : i32
    %dma_wait3A_431 = arith.constant 40 : i32
    %dma_wait3A_432 = arith.constant 0 : i32
    %dma_wait3A_433 = tpu.memref_slice %arg9[%dma_wait3A_428, %dma_wait3A_431, %dma_wait3A_432] : memref<4x64x132xf32, #tpu.memory_space<vmem>> -> memref<1x8x128xf32, #tpu.memory_space<vmem>>
    %dma_wait3A_434 = tpu.memref_squeeze %dma_wait3A_433 : memref<1x8x128xf32, #tpu.memory_space<vmem>> -> memref<8x128xf32, #tpu.memory_space<vmem>>
    %dma_wait3A_435 = arith.constant 0 : i32
    %dma_wait3A_436 = arith.constant 0 : i32
    %dma_wait3A_437 = tpu.memref_slice %arg5[%dma_wait3A_429, %dma_wait3A_430, %add3A, %dma_wait3A_435, %dma_wait3A_436] : memref<200x8x32x8x128xf32, #tpu.memory_space<hbm>> -> memref<1x1x1x8x128xf32, #tpu.memory_space<hbm>>
    %dma_wait3A_438 = tpu.memref_squeeze %dma_wait3A_437 : memref<1x1x1x8x128xf32, #tpu.memory_space<hbm>> -> memref<8x128xf32, #tpu.memory_space<hbm>>
    %dma_wait3A_439 = arith.constant 0 : i32
    %dma_wait3A_440 = arith.constant 0 : i32
    %dma_wait3A_441 = tpu.memref_slice %arg5[%dma_wait3A_429, %dma_wait3A_430, %add3A, %dma_wait3A_439, %dma_wait3A_440] : memref<200x8x32x8x128xf32, #tpu.memory_space<hbm>> -> memref<1x1x1x8x128xf32, #tpu.memory_space<hbm>>
    %dma_wait3A_442 = tpu.memref_squeeze %dma_wait3A_441 : memref<1x1x1x8x128xf32, #tpu.memory_space<hbm>> -> memref<8x128xf32, #tpu.memory_space<hbm>>
    %dma_wait3A_443 = arith.constant 40 : i32
    %dma_wait3A_444 = arith.constant 0 : i32
    %dma_wait3A_445 = tpu.memref_slice %arg9[%dma_wait3A_428, %dma_wait3A_443, %dma_wait3A_444] : memref<4x64x132xf32, #tpu.memory_space<vmem>> -> memref<1x8x128xf32, #tpu.memory_space<vmem>>
    %dma_wait3A_446 = tpu.memref_squeeze %dma_wait3A_445 : memref<1x8x128xf32, #tpu.memory_space<vmem>> -> memref<8x128xf32, #tpu.memory_space<vmem>>
    tpu.wait_dma2 semaphore(%arg16 : memref<!tpu.dma_semaphore, #tpu.memory_space<semaphore_mem>>) src(%dma_wait3A_446 : memref<8x128xf32, #tpu.memory_space<vmem>>) dst(%dma_wait3A_442 : memref<8x128xf32, #tpu.memory_space<hbm>>)
    %dma_wait3A_447 = arith.constant 2 : i32
    %dma_wait3A_448 = arith.constant 198 : i32
    %dma_wait3A_449 = arith.constant 6 : i32
    %dma_wait3A_450 = arith.constant 48 : i32
    %dma_wait3A_451 = arith.constant 0 : i32
    %dma_wait3A_452 = tpu.memref_slice %arg9[%dma_wait3A_447, %dma_wait3A_450, %dma_wait3A_451] : memref<4x64x132xf32, #tpu.memory_space<vmem>> -> memref<1x8x128xf32, #tpu.memory_space<vmem>>
    %dma_wait3A_453 = tpu.memref_squeeze %dma_wait3A_452 : memref<1x8x128xf32, #tpu.memory_space<vmem>> -> memref<8x128xf32, #tpu.memory_space<vmem>>
    %dma_wait3A_454 = arith.constant 0 : i32
    %dma_wait3A_455 = arith.constant 0 : i32
    %dma_wait3A_456 = tpu.memref_slice %arg5[%dma_wait3A_448, %dma_wait3A_449, %add3A, %dma_wait3A_454, %dma_wait3A_455] : memref<200x8x32x8x128xf32, #tpu.memory_space<hbm>> -> memref<1x1x1x8x128xf32, #tpu.memory_space<hbm>>
    %dma_wait3A_457 = tpu.memref_squeeze %dma_wait3A_456 : memref<1x1x1x8x128xf32, #tpu.memory_space<hbm>> -> memref<8x128xf32, #tpu.memory_space<hbm>>
    %dma_wait3A_458 = arith.constant 0 : i32
    %dma_wait3A_459 = arith.constant 0 : i32
    %dma_wait3A_460 = tpu.memref_slice %arg5[%dma_wait3A_448, %dma_wait3A_449, %add3A, %dma_wait3A_458, %dma_wait3A_459] : memref<200x8x32x8x128xf32, #tpu.memory_space<hbm>> -> memref<1x1x1x8x128xf32, #tpu.memory_space<hbm>>
    %dma_wait3A_461 = tpu.memref_squeeze %dma_wait3A_460 : memref<1x1x1x8x128xf32, #tpu.memory_space<hbm>> -> memref<8x128xf32, #tpu.memory_space<hbm>>
    %dma_wait3A_462 = arith.constant 48 : i32
    %dma_wait3A_463 = arith.constant 0 : i32
    %dma_wait3A_464 = tpu.memref_slice %arg9[%dma_wait3A_447, %dma_wait3A_462, %dma_wait3A_463] : memref<4x64x132xf32, #tpu.memory_space<vmem>> -> memref<1x8x128xf32, #tpu.memory_space<vmem>>
    %dma_wait3A_465 = tpu.memref_squeeze %dma_wait3A_464 : memref<1x8x128xf32, #tpu.memory_space<vmem>> -> memref<8x128xf32, #tpu.memory_space<vmem>>
    tpu.wait_dma2 semaphore(%arg16 : memref<!tpu.dma_semaphore, #tpu.memory_space<semaphore_mem>>) src(%dma_wait3A_465 : memref<8x128xf32, #tpu.memory_space<vmem>>) dst(%dma_wait3A_461 : memref<8x128xf32, #tpu.memory_space<hbm>>)
    %dma_wait3A_466 = arith.constant 2 : i32
    %dma_wait3A_467 = arith.constant 198 : i32
    %dma_wait3A_468 = arith.constant 7 : i32
    %dma_wait3A_469 = arith.constant 56 : i32
    %dma_wait3A_470 = arith.constant 0 : i32
    %dma_wait3A_471 = tpu.memref_slice %arg9[%dma_wait3A_466, %dma_wait3A_469, %dma_wait3A_470] : memref<4x64x132xf32, #tpu.memory_space<vmem>> -> memref<1x8x128xf32, #tpu.memory_space<vmem>>
    %dma_wait3A_472 = tpu.memref_squeeze %dma_wait3A_471 : memref<1x8x128xf32, #tpu.memory_space<vmem>> -> memref<8x128xf32, #tpu.memory_space<vmem>>
    %dma_wait3A_473 = arith.constant 0 : i32
    %dma_wait3A_474 = arith.constant 0 : i32
    %dma_wait3A_475 = tpu.memref_slice %arg5[%dma_wait3A_467, %dma_wait3A_468, %add3A, %dma_wait3A_473, %dma_wait3A_474] : memref<200x8x32x8x128xf32, #tpu.memory_space<hbm>> -> memref<1x1x1x8x128xf32, #tpu.memory_space<hbm>>
    %dma_wait3A_476 = tpu.memref_squeeze %dma_wait3A_475 : memref<1x1x1x8x128xf32, #tpu.memory_space<hbm>> -> memref<8x128xf32, #tpu.memory_space<hbm>>
    %dma_wait3A_477 = arith.constant 0 : i32
    %dma_wait3A_478 = arith.constant 0 : i32
    %dma_wait3A_479 = tpu.memref_slice %arg5[%dma_wait3A_467, %dma_wait3A_468, %add3A, %dma_wait3A_477, %dma_wait3A_478] : memref<200x8x32x8x128xf32, #tpu.memory_space<hbm>> -> memref<1x1x1x8x128xf32, #tpu.memory_space<hbm>>
    %dma_wait3A_480 = tpu.memref_squeeze %dma_wait3A_479 : memref<1x1x1x8x128xf32, #tpu.memory_space<hbm>> -> memref<8x128xf32, #tpu.memory_space<hbm>>
    %dma_wait3A_481 = arith.constant 56 : i32
    %dma_wait3A_482 = arith.constant 0 : i32
    %dma_wait3A_483 = tpu.memref_slice %arg9[%dma_wait3A_466, %dma_wait3A_481, %dma_wait3A_482] : memref<4x64x132xf32, #tpu.memory_space<vmem>> -> memref<1x8x128xf32, #tpu.memory_space<vmem>>
    %dma_wait3A_484 = tpu.memref_squeeze %dma_wait3A_483 : memref<1x8x128xf32, #tpu.memory_space<vmem>> -> memref<8x128xf32, #tpu.memory_space<vmem>>
    tpu.wait_dma2 semaphore(%arg16 : memref<!tpu.dma_semaphore, #tpu.memory_space<semaphore_mem>>) src(%dma_wait3A_484 : memref<8x128xf32, #tpu.memory_space<vmem>>) dst(%dma_wait3A_480 : memref<8x128xf32, #tpu.memory_space<hbm>>)
    %dma_wait3A_485 = arith.constant 3 : i32
    %dma_wait3A_486 = arith.constant 199 : i32
    %dma_wait3A_487 = arith.constant 0 : i32
    %dma_wait3A_488 = arith.constant 0 : i32
    %dma_wait3A_489 = arith.constant 0 : i32
    %dma_wait3A_490 = tpu.memref_slice %arg9[%dma_wait3A_485, %dma_wait3A_488, %dma_wait3A_489] : memref<4x64x132xf32, #tpu.memory_space<vmem>> -> memref<1x8x128xf32, #tpu.memory_space<vmem>>
    %dma_wait3A_491 = tpu.memref_squeeze %dma_wait3A_490 : memref<1x8x128xf32, #tpu.memory_space<vmem>> -> memref<8x128xf32, #tpu.memory_space<vmem>>
    %dma_wait3A_492 = arith.constant 0 : i32
    %dma_wait3A_493 = arith.constant 0 : i32
    %dma_wait3A_494 = tpu.memref_slice %arg5[%dma_wait3A_486, %dma_wait3A_487, %add3A, %dma_wait3A_492, %dma_wait3A_493] : memref<200x8x32x8x128xf32, #tpu.memory_space<hbm>> -> memref<1x1x1x8x128xf32, #tpu.memory_space<hbm>>
    %dma_wait3A_495 = tpu.memref_squeeze %dma_wait3A_494 : memref<1x1x1x8x128xf32, #tpu.memory_space<hbm>> -> memref<8x128xf32, #tpu.memory_space<hbm>>
    %dma_wait3A_496 = arith.constant 0 : i32
    %dma_wait3A_497 = arith.constant 0 : i32
    %dma_wait3A_498 = tpu.memref_slice %arg5[%dma_wait3A_486, %dma_wait3A_487, %add3A, %dma_wait3A_496, %dma_wait3A_497] : memref<200x8x32x8x128xf32, #tpu.memory_space<hbm>> -> memref<1x1x1x8x128xf32, #tpu.memory_space<hbm>>
    %dma_wait3A_499 = tpu.memref_squeeze %dma_wait3A_498 : memref<1x1x1x8x128xf32, #tpu.memory_space<hbm>> -> memref<8x128xf32, #tpu.memory_space<hbm>>
    %dma_wait3A_500 = arith.constant 0 : i32
    %dma_wait3A_501 = arith.constant 0 : i32
    %dma_wait3A_502 = tpu.memref_slice %arg9[%dma_wait3A_485, %dma_wait3A_500, %dma_wait3A_501] : memref<4x64x132xf32, #tpu.memory_space<vmem>> -> memref<1x8x128xf32, #tpu.memory_space<vmem>>
    %dma_wait3A_503 = tpu.memref_squeeze %dma_wait3A_502 : memref<1x8x128xf32, #tpu.memory_space<vmem>> -> memref<8x128xf32, #tpu.memory_space<vmem>>
    tpu.wait_dma2 semaphore(%arg17 : memref<!tpu.dma_semaphore, #tpu.memory_space<semaphore_mem>>) src(%dma_wait3A_503 : memref<8x128xf32, #tpu.memory_space<vmem>>) dst(%dma_wait3A_499 : memref<8x128xf32, #tpu.memory_space<hbm>>)
    %dma_wait3A_504 = arith.constant 3 : i32
    %dma_wait3A_505 = arith.constant 199 : i32
    %dma_wait3A_506 = arith.constant 1 : i32
    %dma_wait3A_507 = arith.constant 8 : i32
    %dma_wait3A_508 = arith.constant 0 : i32
    %dma_wait3A_509 = tpu.memref_slice %arg9[%dma_wait3A_504, %dma_wait3A_507, %dma_wait3A_508] : memref<4x64x132xf32, #tpu.memory_space<vmem>> -> memref<1x8x128xf32, #tpu.memory_space<vmem>>
    %dma_wait3A_510 = tpu.memref_squeeze %dma_wait3A_509 : memref<1x8x128xf32, #tpu.memory_space<vmem>> -> memref<8x128xf32, #tpu.memory_space<vmem>>
    %dma_wait3A_511 = arith.constant 0 : i32
    %dma_wait3A_512 = arith.constant 0 : i32
    %dma_wait3A_513 = tpu.memref_slice %arg5[%dma_wait3A_505, %dma_wait3A_506, %add3A, %dma_wait3A_511, %dma_wait3A_512] : memref<200x8x32x8x128xf32, #tpu.memory_space<hbm>> -> memref<1x1x1x8x128xf32, #tpu.memory_space<hbm>>
    %dma_wait3A_514 = tpu.memref_squeeze %dma_wait3A_513 : memref<1x1x1x8x128xf32, #tpu.memory_space<hbm>> -> memref<8x128xf32, #tpu.memory_space<hbm>>
    %dma_wait3A_515 = arith.constant 0 : i32
    %dma_wait3A_516 = arith.constant 0 : i32
    %dma_wait3A_517 = tpu.memref_slice %arg5[%dma_wait3A_505, %dma_wait3A_506, %add3A, %dma_wait3A_515, %dma_wait3A_516] : memref<200x8x32x8x128xf32, #tpu.memory_space<hbm>> -> memref<1x1x1x8x128xf32, #tpu.memory_space<hbm>>
    %dma_wait3A_518 = tpu.memref_squeeze %dma_wait3A_517 : memref<1x1x1x8x128xf32, #tpu.memory_space<hbm>> -> memref<8x128xf32, #tpu.memory_space<hbm>>
    %dma_wait3A_519 = arith.constant 8 : i32
    %dma_wait3A_520 = arith.constant 0 : i32
    %dma_wait3A_521 = tpu.memref_slice %arg9[%dma_wait3A_504, %dma_wait3A_519, %dma_wait3A_520] : memref<4x64x132xf32, #tpu.memory_space<vmem>> -> memref<1x8x128xf32, #tpu.memory_space<vmem>>
    %dma_wait3A_522 = tpu.memref_squeeze %dma_wait3A_521 : memref<1x8x128xf32, #tpu.memory_space<vmem>> -> memref<8x128xf32, #tpu.memory_space<vmem>>
    tpu.wait_dma2 semaphore(%arg17 : memref<!tpu.dma_semaphore, #tpu.memory_space<semaphore_mem>>) src(%dma_wait3A_522 : memref<8x128xf32, #tpu.memory_space<vmem>>) dst(%dma_wait3A_518 : memref<8x128xf32, #tpu.memory_space<hbm>>)
    %dma_wait3A_523 = arith.constant 3 : i32
    %dma_wait3A_524 = arith.constant 199 : i32
    %dma_wait3A_525 = arith.constant 2 : i32
    %dma_wait3A_526 = arith.constant 16 : i32
    %dma_wait3A_527 = arith.constant 0 : i32
    %dma_wait3A_528 = tpu.memref_slice %arg9[%dma_wait3A_523, %dma_wait3A_526, %dma_wait3A_527] : memref<4x64x132xf32, #tpu.memory_space<vmem>> -> memref<1x8x128xf32, #tpu.memory_space<vmem>>
    %dma_wait3A_529 = tpu.memref_squeeze %dma_wait3A_528 : memref<1x8x128xf32, #tpu.memory_space<vmem>> -> memref<8x128xf32, #tpu.memory_space<vmem>>
    %dma_wait3A_530 = arith.constant 0 : i32
    %dma_wait3A_531 = arith.constant 0 : i32
    %dma_wait3A_532 = tpu.memref_slice %arg5[%dma_wait3A_524, %dma_wait3A_525, %add3A, %dma_wait3A_530, %dma_wait3A_531] : memref<200x8x32x8x128xf32, #tpu.memory_space<hbm>> -> memref<1x1x1x8x128xf32, #tpu.memory_space<hbm>>
    %dma_wait3A_533 = tpu.memref_squeeze %dma_wait3A_532 : memref<1x1x1x8x128xf32, #tpu.memory_space<hbm>> -> memref<8x128xf32, #tpu.memory_space<hbm>>
    %dma_wait3A_534 = arith.constant 0 : i32
    %dma_wait3A_535 = arith.constant 0 : i32
    %dma_wait3A_536 = tpu.memref_slice %arg5[%dma_wait3A_524, %dma_wait3A_525, %add3A, %dma_wait3A_534, %dma_wait3A_535] : memref<200x8x32x8x128xf32, #tpu.memory_space<hbm>> -> memref<1x1x1x8x128xf32, #tpu.memory_space<hbm>>
    %dma_wait3A_537 = tpu.memref_squeeze %dma_wait3A_536 : memref<1x1x1x8x128xf32, #tpu.memory_space<hbm>> -> memref<8x128xf32, #tpu.memory_space<hbm>>
    %dma_wait3A_538 = arith.constant 16 : i32
    %dma_wait3A_539 = arith.constant 0 : i32
    %dma_wait3A_540 = tpu.memref_slice %arg9[%dma_wait3A_523, %dma_wait3A_538, %dma_wait3A_539] : memref<4x64x132xf32, #tpu.memory_space<vmem>> -> memref<1x8x128xf32, #tpu.memory_space<vmem>>
    %dma_wait3A_541 = tpu.memref_squeeze %dma_wait3A_540 : memref<1x8x128xf32, #tpu.memory_space<vmem>> -> memref<8x128xf32, #tpu.memory_space<vmem>>
    tpu.wait_dma2 semaphore(%arg17 : memref<!tpu.dma_semaphore, #tpu.memory_space<semaphore_mem>>) src(%dma_wait3A_541 : memref<8x128xf32, #tpu.memory_space<vmem>>) dst(%dma_wait3A_537 : memref<8x128xf32, #tpu.memory_space<hbm>>)
    %dma_wait3A_542 = arith.constant 3 : i32
    %dma_wait3A_543 = arith.constant 199 : i32
    %dma_wait3A_544 = arith.constant 3 : i32
    %dma_wait3A_545 = arith.constant 24 : i32
    %dma_wait3A_546 = arith.constant 0 : i32
    %dma_wait3A_547 = tpu.memref_slice %arg9[%dma_wait3A_542, %dma_wait3A_545, %dma_wait3A_546] : memref<4x64x132xf32, #tpu.memory_space<vmem>> -> memref<1x8x128xf32, #tpu.memory_space<vmem>>
    %dma_wait3A_548 = tpu.memref_squeeze %dma_wait3A_547 : memref<1x8x128xf32, #tpu.memory_space<vmem>> -> memref<8x128xf32, #tpu.memory_space<vmem>>
    %dma_wait3A_549 = arith.constant 0 : i32
    %dma_wait3A_550 = arith.constant 0 : i32
    %dma_wait3A_551 = tpu.memref_slice %arg5[%dma_wait3A_543, %dma_wait3A_544, %add3A, %dma_wait3A_549, %dma_wait3A_550] : memref<200x8x32x8x128xf32, #tpu.memory_space<hbm>> -> memref<1x1x1x8x128xf32, #tpu.memory_space<hbm>>
    %dma_wait3A_552 = tpu.memref_squeeze %dma_wait3A_551 : memref<1x1x1x8x128xf32, #tpu.memory_space<hbm>> -> memref<8x128xf32, #tpu.memory_space<hbm>>
    %dma_wait3A_553 = arith.constant 0 : i32
    %dma_wait3A_554 = arith.constant 0 : i32
    %dma_wait3A_555 = tpu.memref_slice %arg5[%dma_wait3A_543, %dma_wait3A_544, %add3A, %dma_wait3A_553, %dma_wait3A_554] : memref<200x8x32x8x128xf32, #tpu.memory_space<hbm>> -> memref<1x1x1x8x128xf32, #tpu.memory_space<hbm>>
    %dma_wait3A_556 = tpu.memref_squeeze %dma_wait3A_555 : memref<1x1x1x8x128xf32, #tpu.memory_space<hbm>> -> memref<8x128xf32, #tpu.memory_space<hbm>>
    %dma_wait3A_557 = arith.constant 24 : i32
    %dma_wait3A_558 = arith.constant 0 : i32
    %dma_wait3A_559 = tpu.memref_slice %arg9[%dma_wait3A_542, %dma_wait3A_557, %dma_wait3A_558] : memref<4x64x132xf32, #tpu.memory_space<vmem>> -> memref<1x8x128xf32, #tpu.memory_space<vmem>>
    %dma_wait3A_560 = tpu.memref_squeeze %dma_wait3A_559 : memref<1x8x128xf32, #tpu.memory_space<vmem>> -> memref<8x128xf32, #tpu.memory_space<vmem>>
    tpu.wait_dma2 semaphore(%arg17 : memref<!tpu.dma_semaphore, #tpu.memory_space<semaphore_mem>>) src(%dma_wait3A_560 : memref<8x128xf32, #tpu.memory_space<vmem>>) dst(%dma_wait3A_556 : memref<8x128xf32, #tpu.memory_space<hbm>>)
    %dma_wait3A_561 = arith.constant 3 : i32
    %dma_wait3A_562 = arith.constant 199 : i32
    %dma_wait3A_563 = arith.constant 4 : i32
    %dma_wait3A_564 = arith.constant 32 : i32
    %dma_wait3A_565 = arith.constant 0 : i32
    %dma_wait3A_566 = tpu.memref_slice %arg9[%dma_wait3A_561, %dma_wait3A_564, %dma_wait3A_565] : memref<4x64x132xf32, #tpu.memory_space<vmem>> -> memref<1x8x128xf32, #tpu.memory_space<vmem>>
    %dma_wait3A_567 = tpu.memref_squeeze %dma_wait3A_566 : memref<1x8x128xf32, #tpu.memory_space<vmem>> -> memref<8x128xf32, #tpu.memory_space<vmem>>
    %dma_wait3A_568 = arith.constant 0 : i32
    %dma_wait3A_569 = arith.constant 0 : i32
    %dma_wait3A_570 = tpu.memref_slice %arg5[%dma_wait3A_562, %dma_wait3A_563, %add3A, %dma_wait3A_568, %dma_wait3A_569] : memref<200x8x32x8x128xf32, #tpu.memory_space<hbm>> -> memref<1x1x1x8x128xf32, #tpu.memory_space<hbm>>
    %dma_wait3A_571 = tpu.memref_squeeze %dma_wait3A_570 : memref<1x1x1x8x128xf32, #tpu.memory_space<hbm>> -> memref<8x128xf32, #tpu.memory_space<hbm>>
    %dma_wait3A_572 = arith.constant 0 : i32
    %dma_wait3A_573 = arith.constant 0 : i32
    %dma_wait3A_574 = tpu.memref_slice %arg5[%dma_wait3A_562, %dma_wait3A_563, %add3A, %dma_wait3A_572, %dma_wait3A_573] : memref<200x8x32x8x128xf32, #tpu.memory_space<hbm>> -> memref<1x1x1x8x128xf32, #tpu.memory_space<hbm>>
    %dma_wait3A_575 = tpu.memref_squeeze %dma_wait3A_574 : memref<1x1x1x8x128xf32, #tpu.memory_space<hbm>> -> memref<8x128xf32, #tpu.memory_space<hbm>>
    %dma_wait3A_576 = arith.constant 32 : i32
    %dma_wait3A_577 = arith.constant 0 : i32
    %dma_wait3A_578 = tpu.memref_slice %arg9[%dma_wait3A_561, %dma_wait3A_576, %dma_wait3A_577] : memref<4x64x132xf32, #tpu.memory_space<vmem>> -> memref<1x8x128xf32, #tpu.memory_space<vmem>>
    %dma_wait3A_579 = tpu.memref_squeeze %dma_wait3A_578 : memref<1x8x128xf32, #tpu.memory_space<vmem>> -> memref<8x128xf32, #tpu.memory_space<vmem>>
    tpu.wait_dma2 semaphore(%arg17 : memref<!tpu.dma_semaphore, #tpu.memory_space<semaphore_mem>>) src(%dma_wait3A_579 : memref<8x128xf32, #tpu.memory_space<vmem>>) dst(%dma_wait3A_575 : memref<8x128xf32, #tpu.memory_space<hbm>>)
    %dma_wait3A_580 = arith.constant 3 : i32
    %dma_wait3A_581 = arith.constant 199 : i32
    %dma_wait3A_582 = arith.constant 5 : i32
    %dma_wait3A_583 = arith.constant 40 : i32
    %dma_wait3A_584 = arith.constant 0 : i32
    %dma_wait3A_585 = tpu.memref_slice %arg9[%dma_wait3A_580, %dma_wait3A_583, %dma_wait3A_584] : memref<4x64x132xf32, #tpu.memory_space<vmem>> -> memref<1x8x128xf32, #tpu.memory_space<vmem>>
    %dma_wait3A_586 = tpu.memref_squeeze %dma_wait3A_585 : memref<1x8x128xf32, #tpu.memory_space<vmem>> -> memref<8x128xf32, #tpu.memory_space<vmem>>
    %dma_wait3A_587 = arith.constant 0 : i32
    %dma_wait3A_588 = arith.constant 0 : i32
    %dma_wait3A_589 = tpu.memref_slice %arg5[%dma_wait3A_581, %dma_wait3A_582, %add3A, %dma_wait3A_587, %dma_wait3A_588] : memref<200x8x32x8x128xf32, #tpu.memory_space<hbm>> -> memref<1x1x1x8x128xf32, #tpu.memory_space<hbm>>
    %dma_wait3A_590 = tpu.memref_squeeze %dma_wait3A_589 : memref<1x1x1x8x128xf32, #tpu.memory_space<hbm>> -> memref<8x128xf32, #tpu.memory_space<hbm>>
    %dma_wait3A_591 = arith.constant 0 : i32
    %dma_wait3A_592 = arith.constant 0 : i32
    %dma_wait3A_593 = tpu.memref_slice %arg5[%dma_wait3A_581, %dma_wait3A_582, %add3A, %dma_wait3A_591, %dma_wait3A_592] : memref<200x8x32x8x128xf32, #tpu.memory_space<hbm>> -> memref<1x1x1x8x128xf32, #tpu.memory_space<hbm>>
    %dma_wait3A_594 = tpu.memref_squeeze %dma_wait3A_593 : memref<1x1x1x8x128xf32, #tpu.memory_space<hbm>> -> memref<8x128xf32, #tpu.memory_space<hbm>>
    %dma_wait3A_595 = arith.constant 40 : i32
    %dma_wait3A_596 = arith.constant 0 : i32
    %dma_wait3A_597 = tpu.memref_slice %arg9[%dma_wait3A_580, %dma_wait3A_595, %dma_wait3A_596] : memref<4x64x132xf32, #tpu.memory_space<vmem>> -> memref<1x8x128xf32, #tpu.memory_space<vmem>>
    %dma_wait3A_598 = tpu.memref_squeeze %dma_wait3A_597 : memref<1x8x128xf32, #tpu.memory_space<vmem>> -> memref<8x128xf32, #tpu.memory_space<vmem>>
    tpu.wait_dma2 semaphore(%arg17 : memref<!tpu.dma_semaphore, #tpu.memory_space<semaphore_mem>>) src(%dma_wait3A_598 : memref<8x128xf32, #tpu.memory_space<vmem>>) dst(%dma_wait3A_594 : memref<8x128xf32, #tpu.memory_space<hbm>>)
    %dma_wait3A_599 = arith.constant 3 : i32
    %dma_wait3A_600 = arith.constant 199 : i32
    %dma_wait3A_601 = arith.constant 6 : i32
    %dma_wait3A_602 = arith.constant 48 : i32
    %dma_wait3A_603 = arith.constant 0 : i32
    %dma_wait3A_604 = tpu.memref_slice %arg9[%dma_wait3A_599, %dma_wait3A_602, %dma_wait3A_603] : memref<4x64x132xf32, #tpu.memory_space<vmem>> -> memref<1x8x128xf32, #tpu.memory_space<vmem>>
    %dma_wait3A_605 = tpu.memref_squeeze %dma_wait3A_604 : memref<1x8x128xf32, #tpu.memory_space<vmem>> -> memref<8x128xf32, #tpu.memory_space<vmem>>
    %dma_wait3A_606 = arith.constant 0 : i32
    %dma_wait3A_607 = arith.constant 0 : i32
    %dma_wait3A_608 = tpu.memref_slice %arg5[%dma_wait3A_600, %dma_wait3A_601, %add3A, %dma_wait3A_606, %dma_wait3A_607] : memref<200x8x32x8x128xf32, #tpu.memory_space<hbm>> -> memref<1x1x1x8x128xf32, #tpu.memory_space<hbm>>
    %dma_wait3A_609 = tpu.memref_squeeze %dma_wait3A_608 : memref<1x1x1x8x128xf32, #tpu.memory_space<hbm>> -> memref<8x128xf32, #tpu.memory_space<hbm>>
    %dma_wait3A_610 = arith.constant 0 : i32
    %dma_wait3A_611 = arith.constant 0 : i32
    %dma_wait3A_612 = tpu.memref_slice %arg5[%dma_wait3A_600, %dma_wait3A_601, %add3A, %dma_wait3A_610, %dma_wait3A_611] : memref<200x8x32x8x128xf32, #tpu.memory_space<hbm>> -> memref<1x1x1x8x128xf32, #tpu.memory_space<hbm>>
    %dma_wait3A_613 = tpu.memref_squeeze %dma_wait3A_612 : memref<1x1x1x8x128xf32, #tpu.memory_space<hbm>> -> memref<8x128xf32, #tpu.memory_space<hbm>>
    %dma_wait3A_614 = arith.constant 48 : i32
    %dma_wait3A_615 = arith.constant 0 : i32
    %dma_wait3A_616 = tpu.memref_slice %arg9[%dma_wait3A_599, %dma_wait3A_614, %dma_wait3A_615] : memref<4x64x132xf32, #tpu.memory_space<vmem>> -> memref<1x8x128xf32, #tpu.memory_space<vmem>>
    %dma_wait3A_617 = tpu.memref_squeeze %dma_wait3A_616 : memref<1x8x128xf32, #tpu.memory_space<vmem>> -> memref<8x128xf32, #tpu.memory_space<vmem>>
    tpu.wait_dma2 semaphore(%arg17 : memref<!tpu.dma_semaphore, #tpu.memory_space<semaphore_mem>>) src(%dma_wait3A_617 : memref<8x128xf32, #tpu.memory_space<vmem>>) dst(%dma_wait3A_613 : memref<8x128xf32, #tpu.memory_space<hbm>>)
    %dma_wait3A_618 = arith.constant 3 : i32
    %dma_wait3A_619 = arith.constant 199 : i32
    %dma_wait3A_620 = arith.constant 7 : i32
    %dma_wait3A_621 = arith.constant 56 : i32
    %dma_wait3A_622 = arith.constant 0 : i32
    %dma_wait3A_623 = tpu.memref_slice %arg9[%dma_wait3A_618, %dma_wait3A_621, %dma_wait3A_622] : memref<4x64x132xf32, #tpu.memory_space<vmem>> -> memref<1x8x128xf32, #tpu.memory_space<vmem>>
    %dma_wait3A_624 = tpu.memref_squeeze %dma_wait3A_623 : memref<1x8x128xf32, #tpu.memory_space<vmem>> -> memref<8x128xf32, #tpu.memory_space<vmem>>
    %dma_wait3A_625 = arith.constant 0 : i32
    %dma_wait3A_626 = arith.constant 0 : i32
    %dma_wait3A_627 = tpu.memref_slice %arg5[%dma_wait3A_619, %dma_wait3A_620, %add3A, %dma_wait3A_625, %dma_wait3A_626] : memref<200x8x32x8x128xf32, #tpu.memory_space<hbm>> -> memref<1x1x1x8x128xf32, #tpu.memory_space<hbm>>
    %dma_wait3A_628 = tpu.memref_squeeze %dma_wait3A_627 : memref<1x1x1x8x128xf32, #tpu.memory_space<hbm>> -> memref<8x128xf32, #tpu.memory_space<hbm>>
    %dma_wait3A_629 = arith.constant 0 : i32
    %dma_wait3A_630 = arith.constant 0 : i32
    %dma_wait3A_631 = tpu.memref_slice %arg5[%dma_wait3A_619, %dma_wait3A_620, %add3A, %dma_wait3A_629, %dma_wait3A_630] : memref<200x8x32x8x128xf32, #tpu.memory_space<hbm>> -> memref<1x1x1x8x128xf32, #tpu.memory_space<hbm>>
    %dma_wait3A_632 = tpu.memref_squeeze %dma_wait3A_631 : memref<1x1x1x8x128xf32, #tpu.memory_space<hbm>> -> memref<8x128xf32, #tpu.memory_space<hbm>>
    %dma_wait3A_633 = arith.constant 56 : i32
    %dma_wait3A_634 = arith.constant 0 : i32
    %dma_wait3A_635 = tpu.memref_slice %arg9[%dma_wait3A_618, %dma_wait3A_633, %dma_wait3A_634] : memref<4x64x132xf32, #tpu.memory_space<vmem>> -> memref<1x8x128xf32, #tpu.memory_space<vmem>>
    %dma_wait3A_636 = tpu.memref_squeeze %dma_wait3A_635 : memref<1x8x128xf32, #tpu.memory_space<vmem>> -> memref<8x128xf32, #tpu.memory_space<vmem>>
    tpu.wait_dma2 semaphore(%arg17 : memref<!tpu.dma_semaphore, #tpu.memory_space<semaphore_mem>>) src(%dma_wait3A_636 : memref<8x128xf32, #tpu.memory_space<vmem>>) dst(%dma_wait3A_632 : memref<8x128xf32, #tpu.memory_space<hbm>>)
    return
  }
}

</mosaic_0001>

<sc_bundles>
// kernel: kernel.3.cloned.1.call-start
scs
__scs_entry_jumppad:
0x0: {  	(pc) =	sbr.rel $0x88, $3  }
0x1: {  	(tag) =	ssettag $0x0;
	lr =	simm.s32 $0x1  }
0x2: {  	[smem:$0x3F9D] =	sst lr;
	_ =	strace $0xD0000000  }
0x3: {  	_ = 	snop  }
0x4: {  	_ = 	snop  }
0x5: {  	_ = 	snop  }
0x6: {  	_ = 	snop  }
0x7: {  	_ = 	snop  }
__scs_overlays_trampoline_lowered:
0x8: {  	[smem:$0x3FAC] =	sst s0  }
0x9: {  	[smem:$0x3FAD] =	sst s1  }
0xa: {  	[smem:$0x3FAE] =	sst s2  }
0xb: {  	[smem:$0x3FAF] =	sst s3  }
0xc: {  	[smem:$0x3FB0] =	sst s4  }
0xd: {  	[smem:$0x3FB1] =	sst s5  }
0xe: {  	[smem:$0x3FB2] =	sst s6  }
0xf: {  	[smem:$0x3FB3] =	sst s7  }
0x10: {  	[smem:$0x3FB4] =	sst s8  }
0x11: {  	[smem:$0x3FB5] =	sst s9;
	s0 =	simm.s32 @!p0 $0x0  }
0x12: {  	s1 =	sld [smem:$0x3F9B];
	s0 =	simm.s32 @p0 $0x1  }
0x13: {  	[smem:$0x3FB6] =	sst s0;
	s0 =	simm.s32 @!p1 $0x0  }
0x14: {  	s2 =	sld [smem:$0x3F9A];
	s0 =	simm.s32 @p1 $0x1  }
0x15: {  	[smem:$0x3FB7] =	sst s0;
	s0 =	simm.s32 @!p2 $0x0  }
0x16: {  	s3 =	sld [smem:$0x3FDB];
	s0 =	simm.s32 @p2 $0x1  }
0x17: {  	s4 =	simm.s32 $0x1BF5;
	[smem:$0x3FB9] =	sst s0  }
0x18: {  	s0 =	sld [smem:$0x3F9C];
	_ =	swait.ge [sflag:s4], $0x0  }
0x19: {  	s7 =	sld [smem:$0x3F9D]  }
0x1a: {  	s8 =	sadd.s32 $0xFFFFE003, lr  }
0x1b: {  	s9 =	sadd.s32 $0xFFFFFEF7, lr;
	s5 =	simm.s32 $0xFFFFFFFF;
	p2 =	slt.u32 s8, $0xFFFFF086  }
0x1c: {  	p1 =	slt.u32 s9, $0xF7A;
	s5 =	simm.s32 @!p2 $0x0  }
0x1d: {  	s5 =	simm.s32 @p1 $0x1;
	p0 =	seq.s32 s7, s2  }
0x1e: {  	s7 =	smul.u32 @!p0 $0xF7A, s2;
	p2 =	seq.s32 @!p0 s5, $0x0  }
0x1f: {  	s9 =	smul.u32 $0xF7A, s1;
	s8 =	simm.s32 @!p0 $0x1BF5;
	p2 =	por !p2, p0  }
0x20: {  	[sflag:s8] =	ssyncset.s32 @!p0 $0xFFFFF086;
	s6 =	sadd.s32 @!p0 s3, s7;
	s7 =	simm.s32 @!p0 $0x108  }
0x21: {  	s3 =	sadd.s32 s3, s9;
	s6 =	sadd.s32 @!p0 $0x88, s6;
	s7 =	simm.s32 @p2 $0x1082  }
0x22: {  	[simem:s7], [sflag:s8] =	dma.local @!p0 [hbm:s6], $0xF7A  }
0x23: {  	s9 =	sor.u32 $0xD0000000, s2;
	s6 =	simm.s32 $0x108;
	_ =	swait.ge @!p0 [sflag:s8], $0x0  }
0x24: {  	s3 =	sadd.s32 $0x88, s3;
	s6 =	simm.s32 @!p1 $0x1082;
	[sflag:s4] =	ssyncset.s32 $0xFFFFF086  }
0x25: {  	[simem:s6], [sflag:s4] =	dma.local [hbm:s3], $0xF7A  }
0x26: {  	[smem:$0x3F9D] =	sst s1;
	(tag) =	ssettag s2;
	_ =	strace s9  }
0x27: {  	s1 =	sld [smem:$0x3FAD]  }
0x28: {  	s2 =	sld [smem:$0x3FAE]  }
0x29: {  	s4 =	sld [smem:$0x3FB0]  }
0x2a: {  	p0 =	seq.s32 s5, $0x0;
	s5 =	sld [smem:$0x3FB1]  }
0x2b: {  	s6 =	sld [smem:$0x3FB2]  }
0x2c: {  	s7 =	sld [smem:$0x3FB3]  }
0x2d: {  	s3 =	simm.s32 $0x108;
	s8 =	sld [smem:$0x3FB4]  }
0x2e: {  	s3 =	simm.s32 @!p0 $0x1082;
	s9 =	sld [smem:$0x3FB5]  }
0x2f: {  	lr =	sadd.s32 s0, s3;
	s0 =	sld [smem:$0x3FAC]  }
0x30: {  	s3 =	sld [smem:$0x3FAF]  }
0x31: {  	[smem:$0x3FB8] =	sst s10  }
0x32: {  	s10 =	sld [smem:$0x3FB6];
	_ =	sdelay $0x3  }
0x33: {  	p0 =	seq.s32 s10, $0x1;
	s10 =	sld [smem:$0x3FB8];
	_ =	sdelay $0x3  }
0x34: {  	[smem:$0x3FB8] =	sst s10  }
0x35: {  	s10 =	sld [smem:$0x3FB7];
	_ =	sdelay $0x3  }
0x36: {  	p1 =	seq.s32 s10, $0x1;
	s10 =	sld [smem:$0x3FB8];
	_ =	sdelay $0x3  }
0x37: {  	[smem:$0x3FB8] =	sst s10  }
0x38: {  	s10 =	sld [smem:$0x3FB9]  }
0x39: {  	_ = 	snop;
	(pc) =	sbr.ind lr, $3  }
0x3a: {  	_ = 	snop  }
0x3b: {  	_ = 	snop  }
0x3c: {  	p2 =	seq.s32 s10, $0x1;
	s10 =	sld [smem:$0x3FB8]  }
0x3d: {  	_ =	shalt  }
0x3e: {  	_ =	shalt  }
0x3f: {  	_ =	shalt  }
0x40: {  	_ =	shalt  }
0x41: {  	_ =	shalt  }
0x42: {  	_ =	shalt  }
0x43: {  	_ =	shalt  }
0x44: {  	_ =	shalt  }
0x45: {  	_ =	shalt  }
0x46: {  	_ =	shalt  }
0x47: {  	_ =	shalt  }
0x48: {  	_ =	shalt  }
0x49: {  	_ =	shalt  }
0x4a: {  	_ =	shalt  }
0x4b: {  	_ =	shalt  }
0x4c: {  	_ =	shalt  }
0x4d: {  	_ =	shalt  }
0x4e: {  	_ =	shalt  }
0x4f: {  	_ =	shalt  }
0x50: {  	_ =	shalt  }
0x51: {  	_ =	shalt  }
0x52: {  	_ =	shalt  }
0x53: {  	_ =	shalt  }
0x54: {  	_ =	shalt  }
0x55: {  	_ =	shalt  }
0x56: {  	_ =	shalt  }
0x57: {  	_ =	shalt  }
0x58: {  	_ =	shalt  }
0x59: {  	_ =	shalt  }
0x5a: {  	_ =	shalt  }
0x5b: {  	_ =	shalt  }
0x5c: {  	_ =	shalt  }
0x5d: {  	_ =	shalt  }
0x5e: {  	_ =	shalt  }
0x5f: {  	_ =	shalt  }
0x60: {  	_ =	shalt  }
0x61: {  	_ =	shalt  }
0x62: {  	_ =	shalt  }
0x63: {  	_ =	shalt  }
0x64: {  	_ =	shalt  }
0x65: {  	_ =	shalt  }
0x66: {  	_ =	shalt  }
0x67: {  	_ =	shalt  }
0x68: {  	_ =	shalt  }
0x69: {  	_ =	shalt  }
0x6a: {  	_ =	shalt  }
0x6b: {  	_ =	shalt  }
0x6c: {  	_ =	shalt  }
0x6d: {  	_ =	shalt  }
0x6e: {  	_ =	shalt  }
0x6f: {  	_ =	shalt  }
0x70: {  	_ =	shalt  }
0x71: {  	_ =	shalt  }
0x72: {  	_ =	shalt  }
0x73: {  	_ =	shalt  }
0x74: {  	_ =	shalt  }
0x75: {  	_ =	shalt  }
0x76: {  	_ =	shalt  }
0x77: {  	_ =	shalt  }
0x78: {  	_ =	shalt  }
0x79: {  	_ =	shalt  }
0x7a: {  	_ =	shalt  }
0x7b: {  	_ =	shalt  }
0x7c: {  	_ =	shalt  }
0x7d: {  	_ =	shalt  }
0x7e: {  	_ =	shalt  }
0x7f: {  	_ =	shalt  }
0x80: {  	_ =	shalt  }
0x81: {  	_ =	shalt  }
0x82: {  	_ =	shalt  }
0x83: {  	_ =	shalt  }
0x84: {  	_ =	shalt  }
0x85: {  	_ =	shalt  }
0x86: {  	_ =	shalt  }
0x87: {  	_ =	shalt  }
.Lfunc_end0:
.L_simem_size_0:
called_computation_lowered:
.L_overlay_start_0:
0x88: {  	s2 =	sld [smem:$0x3FD9]  }
0x89: {  	s3 =	sld [smem:$0x3FFE];
	_ =	sdelay $0x1  }
0x8a: {  	s1 =	srdreg.scid  }
0x8b: {  	s0 =	sand.u32 $0x1, s1  }
0x8c: {  	s17 =	sshll.u32 s0, $0xA;
	s2 =	sadd.s32 s3, s2  }
0x8d: {  	s2 =	sadd.s32 s2, s17  }
0x8e: {  	[smem:$0x3FC4] =	sst s2  }
0x8f: {  	_ = 	snop  }
0x90: {  	s2 =	sld [smem:$0x3FD0];
	(tm) =	ssettm $0x1  }
0x91: {  	s18 =	sld [smem:$0x3FFB];
	_ =	sdelay $0x3  }
0x92: {  	_ =	strace s18  }
0x93: {  	s3 =	sld [smem:$0x3FFC];
	_ =	sdelay $0x3  }
0x94: {  	_ =	strace s3  }
0x95: {  	s3 =	sld [smem:$0x3FFD];
	_ =	sdelay $0x3  }
0x96: {  	_ =	strace s3  }
0x97: {  	_ =	strace $0x8FFFFFFF  }
0x98: {  	s19 =	sld [smem:$0x3FDB];
	_ =	sdelay $0x1  }
0x99: {  	s4 =	simm.s32 $_scs_section_size  }
0x9a: {  	s5 =	simm.s32 $_size__tile_overlayer_lowered;
	s6 =	simm.s32 $_tile_overlayer_lowered  }
0x9b: {  	s22 =	simm.s32 $0x1BFF;
	s21 =	sshll.u32 s6, $0x1;
	s3 =	sadd.s32 s4, s19  }
0x9c: {  	s7 =	simm.s32 $0x0;
	s20 =	sshll.u32 s5, $0x1;
	s5 =	sadd.s32 s21, s3  }
0x9d: {  	[timem:s7], [sflag:s22] =	dma.local [hbm:s5], s20  }
0x9e: {  	_ =	swait.ge [sflag:s22], s20  }
0x9f: {  	s4 =	ssub.s32 $0x0, s20;
	[sflag:s22] =	ssyncset.done $0x0  }
0xa0: {  	[sflag:s22] =	ssyncadd.s32 s4;
	_ =	sdelay $0x1  }
0xa1: {  	s23 =	simm.s32 $0x1B8B  }
0xa2: {  	_ =	swait.ge [sflag:s23], $0x1  }
0xa3: {  	[sflag:s23] =	ssyncset.done $0x0  }
0xa4: {  	s25 =	simm.s32 $0x1B8E;
	s24 =	sld [smem:$0x3FFE];
	[sflag:s23] =	ssyncadd.s32 $0xFFFFFFFF  }
0xa5: {  	s26 =	simm.s32 $execute0_lowered;
	[smem:$0x3FD2] =	sst s25  }
0xa6: {  	s5 =	sshll.u32 s26, $0x1;
	_ =	strace $0x80000046;
	[dreg:$0x1] =	wrdreg $0xFFFFFFFF  }
0xa7: {  	s28 =	simm.s32 $_size_execute0_lowered;
	s3 =	sadd.s32 s3, s5;
	[dreg:$0x0] =	wrdreg $0x0  }
0xa8: {  	s5 =	sshll.u32 s28, $0x1;
	[dreg:$0x2] =	wrdreg s3  }
0xa9: {  	[dreg:$0x3] =	wrdreg s5  }
0xaa: {  	[dreg:$0x4] =	wrdreg $0xC0  }
0xab: {  	_ =	task [dreg:s7], $0x5FFFF  }
0xac: {  	[dreg:$0x1] =	wrdreg $0xFFFFFFFF  }
0xad: {  	[dreg:$0x0] =	wrdreg $0x60  }
0xae: {  	[dreg:$0x2] =	wrdreg s24  }
0xaf: {  	[dreg:$0x3] =	wrdreg s2  }
0xb0: {  	[dreg:$0x4] =	wrdreg $0x9  }
0xb1: {  	_ =	task.clear_ibuf [dreg:s7], $0x5FFFF;
	_ =	strace $0x90000046  }
0xb2: {  	s29 =	simm.s32 $0x9;
	_ =	strace $0x80000048  }
0xb3: {  	_ =	swait.ge [sflag:s29], $0x1  }
0xb4: {  	[sflag:s29] =	ssyncadd.s32 $0xFFFFFFFF  }
0xb5: {  	_ =	strace $0x90000048  }
0xb6: {  	_ =	sfence  }
0xb7: {  	s30 =	sld [smem:$0x0];
	_ =	sdelay $0x2  }
0xb8: {  	s31 =	sshll.u32 s1, $0xD;
	s1 =	sshrl.u32 s1, $0x2  }
0xb9: {  	s3 =	sand.u32 $0x4000, s31;
	s1 =	sadd.s32 s1, s30  }
0xba: {  	s0 =	sor.u32 s3, s0;
	s1 =	sshll.u32 s1, $0x11  }
0xbb: {  	s0 =	sor.u32 s1, s0  }
0xbc: {  	s0 =	sadd.s32 $0x8F2B, s0  }
0xbd: {  	[sflag:s0] =	ssyncadd.remote.s32 $0x1  }
0xbe: {  	_ =	sfence.sel $0xFFFF  }
0xbf: {  	[dreg:$0x0] =	wrdreg $0xFFFFFFFF;
	(pc) =	sbr.abs _section_cstart, $3  }
0xc0: {  	[dreg:$0x1] =	wrdreg $0xFFFFFFFF  }
0xc1: {  	_ =	task.clear_ibuf [dreg:s7], $0x2FFFF;
	_ =	strace $0x9FFFFFFF  }
0xc2: {  	(tm) =	ssettm $0x7FFFFFFF  }
0xc3: {  	_ =	shalt  }
tec
execute0_lowered:
.L_overlay_start_1:
0x0: {  	(tag) =	ssettag $0x1  }
0x1: {  	s0 =	rddreg [dreg:$0x0]  }
0x2: {  	s2 =	rddreg [dreg:$0x1];
	s1 =	srdreg.scid  }
0x3: {  	s4 =	stileid.u32;
	s3 =	simm.s32 $0x0;
	s16 =	simm.s32 $0x80  }
0x4: {  	s23 =	simm.s32 $0x1;
	s24 =	simm.s32 $0x11600;
	s15 =	simm.s32 $0x13800  }
0x5: {  	s26 =	simm.s32 $0x3;
	s28 =	simm.s32 $0x15A00;
	s22 =	simm.s32 $0x4  }
0x6: {  	s25 =	simm.s32 $0x17C00;
	s19 =	simm.s32 $0x19CF0;
	s20 =	simm.s32 $0x19D78  }
0x7: {  	s1 =	sand.u32 $0x1, s1;
	s4 =	sshll.u32 s4, $0x1;
	[smem:$0x7FF] =	sst s3  }
0x8: {  	s8 =	sadd.s32 $0x1000, s2;
	s9 =	sadd.s32 $0x2000, s2;
	s10 =	sadd.s32 $0x3000, s2  }
0x9: {  	s11 =	sadd.s32 $0x4000, s2;
	s12 =	sadd.s32 $0x5000, s2;
	s13 =	sadd.s32 $0x6000, s2  }
0xa: {  	s14 =	sadd.s32 $0x7000, s2;
	s5 =	sor.u32 s1, s4;
	s1 =	ssub.s32 $0x2, s1  }
0xb: {  	_ =	strace $0x80000047;
	s4 =	sshll.u32 s5, $0x4;
	s7 =	sshrl.u32 s1, $0x1  }
0xc: {  	v0 =	vlaneseq.u32;
	s6 =	sadd.s32 s4, s0;
	s4 =	sadd.s32 $0xF43200, s0;
	s0 =	sadd.s32 $0x19E00, s0  }
0xd: {  	v0 =	vmul.u32 $0x88, v0;
	s30 =	ssub.s32 s1, s7;
	[dreg:$0x3] =	wrdreg s0;
	s31 =	sadd.s32 $0xE00, s6  }
0xe: {  	s7 =	sshll.u32 s5, $0xA;
	s0 =	smax.u32 s30, $0x1;
	[dreg:$0x4] =	wrdreg s31  }
0xf: {  	v1 =	vadd.s32 $0x880, v0;
	v2 =	vadd.s32 $0x1100, v0;
	v3 =	vadd.s32 $0x1980, v0;
	s5 =	simm.s32 $0x0;
	s6 =	simm.s32 $0x2;
	[dreg:$0x5] =	wrdreg s0  }
.LBB2_1:
0x10: {  	[dreg:$0x6] =	wrdreg s5  }
0x11: {  	s0 =	rddreg [dreg:$0x4];
	s1 =	simm.s32 $0x1000;
	s18 =	simm.s32 $0x9  }
0x12: {  	[tilespmem:s3], [sflag:$0x9] =	stream.strided.gather [hbm4b:s0+s16], $0x6400, s1, s16, $0x38;
	[tilespmem:$0x19E00] =	vst v63  }
0x13: {  	_ =	swait.ge [sflag:s18], $0x6400  }
0x14: {  	[sflag:s18] =	ssyncset.done $0x0  }
0x15: {  	s29 =	simm.s32 $0x6400;
	s21 =	rddreg [dreg:$0x3];
	[sflag:s18] =	ssyncadd.s32 $0xFFFF9C00  }
0x16: {  	[tilespmem:s29], [sflag:$0x9] =	stream.linear.gather [hbm4b:s21+s3], $0x3200, $0x38;
	[tilespmem:$0x19E00] =	vst v63  }
0x17: {  	_ =	swait.ge [sflag:s18], $0x3200  }
0x18: {  	[sflag:s18] =	ssyncset.done $0x0  }
0x19: {  	s30 =	simm.s32 $0x9600;
	[sflag:s18] =	ssyncadd.s32 $0xFFFFCE00  }
0x1a: {  	[tilespmem:s30], [sflag:$0x1] =	stream.indirect.gather [hbm4b:s4+s16], $0x40, s3, s16, $0xb8;
	[tilespmem:$0x19E00] =	vst v63  }
0x1b: {  	s31 =	simm.s32 $0xB600;
	s21 =	simm.s32 $0x0  }
0x1c: {  	[tilespmem:s31], [sflag:$0x2] =	stream.indirect.gather [hbm4b:s4+s16], $0x40, s16, s16, $0xb8;
	[tilespmem:$0x19E00] =	vst v63  }
.LBB2_2:
0x1d: {  	p0 =	seq.s32 s21, $0x0  }
0x1e: {  	s0 =	simm.s32 @!p0 $0x7  }
0x1f: {  	_ =	swait.ge @!p0 [sflag:s0], $0x400  }
0x20: {  	[sflag:s0] =	ssyncset.done @!p0 $0x0  }
0x21: {  	[sflag:s0] =	ssyncadd.s32 @!p0 $0xFFFFFC00  }
0x22: {  	_ =	swait.ge @!p0 [sflag:s0], $0x400  }
0x23: {  	[sflag:s0] =	ssyncset.done @!p0 $0x0  }
0x24: {  	[sflag:s0] =	ssyncadd.s32 @!p0 $0xFFFFFC00  }
0x25: {  	_ =	swait.ge @!p0 [sflag:s0], $0x400  }
0x26: {  	[sflag:s0] =	ssyncset.done @!p0 $0x0  }
0x27: {  	[sflag:s0] =	ssyncadd.s32 @!p0 $0xFFFFFC00  }
0x28: {  	_ =	swait.ge @!p0 [sflag:s0], $0x400  }
0x29: {  	[sflag:s0] =	ssyncset.done @!p0 $0x0  }
0x2a: {  	[sflag:s0] =	ssyncadd.s32 @!p0 $0xFFFFFC00  }
0x2b: {  	_ =	swait.ge @!p0 [sflag:s0], $0x400  }
0x2c: {  	[sflag:s0] =	ssyncset.done @!p0 $0x0  }
0x2d: {  	[sflag:s0] =	ssyncadd.s32 @!p0 $0xFFFFFC00  }
0x2e: {  	_ =	swait.ge @!p0 [sflag:s0], $0x400  }
0x2f: {  	[sflag:s0] =	ssyncset.done @!p0 $0x0  }
0x30: {  	[sflag:s0] =	ssyncadd.s32 @!p0 $0xFFFFFC00  }
0x31: {  	_ =	swait.ge @!p0 [sflag:s0], $0x400  }
0x32: {  	[sflag:s0] =	ssyncset.done @!p0 $0x0  }
0x33: {  	s29 =	sshll.u32 s21, $0x2;
	[sflag:s0] =	ssyncadd.s32 @!p0 $0xFFFFFC00  }
0x34: {  	s5 =	sor.u32 $0x2, s29;
	_ =	swait.ge @!p0 [sflag:s0], $0x400  }
0x35: {  	s1 =	sshll.u32 s5, $0x7;
	[sflag:s0] =	ssyncset.done @!p0 $0x0  }
0x36: {  	s18 =	simm.s32 $0xD600;
	s17 =	sand.u32 $0x3FFFFF80, s1;
	[sflag:s0] =	ssyncadd.s32 @!p0 $0xFFFFFC00  }
0x37: {  	[tilespmem:s18], [sflag:$0x3] =	stream.indirect.gather [hbm4b:s4+s16], $0x40, s17, s16, $0xb8;
	[tilespmem:$0x19E00] =	vst v63  }
0x38: {  	_ =	swait.ge [sflag:s23], $0x2000  }
0x39: {  	s1 =	sshll.u32 s21, $0x8;
	[sflag:s23] =	ssyncset.done $0x0  }
0x3a: {  	s1 =	sand.u32 $0x3FFFFF00, s1;
	[sflag:s23] =	ssyncadd.s32 $0xFFFFE000  }
0x3b: {  	s0 =	simm.s32 $0x9680;
	s18 =	simm.s32 $0x3;
	v9 =	vld [tilespmem:s1+$0x6400]  }
0x3c: {  	v4 =	vmov s18;
	v7 =	vld [tilespmem:s0+$0x40]  }
0x3d: {  	v13 =	vand.u32 $0x7F, v4  }
0x3e: {  	s17 =	simm.s32 $0x0;
	v8 =	vadd.s32 v0, v13;
	v6 =	vld [tilespmem:s1+$0x6410]  }
0x3f: {  	s30 =	simm.s32 $0x2;
	v4 =	vmov s17;
	s17 =	simm.s32 $0x1;
	v10 =	vld [tilespmem:s0+$0xFFFFFF80]  }
0x40: {  	v14 =	vmov s30;
	v12 =	vand.u32 $0x7C, v4;
	v4 =	vmov s17;
	v11 =	vld [tilespmem:s0+$0xFFFFFFC0]  }
0x41: {  	v15 =	vadd.s32 v0, v12;
	v19 =	vand.u32 $0x7D, v4;
	v16 =	vld [tilespmem:s0+$0x0];
	v7 =	vadd.f32 v7, v9  }
0x42: {  	v20 =	vand.u32 $0x7E, v14;
	v5 =	vld [tilespmem:s1+$0x6420];
	v17 =	vadd.s32 v0, v19  }
0x43: {  	v14 =	vadd.s32 v0, v20;
	v4 =	vld [tilespmem:s1+$0x6430];
	[tilespmem:v8+s24+$0x0] =	vst.idx.msk $0xffff, v7  }
0x44: {  	v7 =	vadd.f32 v10, v9;
	v8 =	vld [tilespmem:s0+$0x50]  }
0x45: {  	v10 =	vadd.f32 v11, v9  }
0x46: {  	v11 =	vadd.s32 v1, v13;
	[tilespmem:v15+s24+$0x0] =	vst.idx.msk $0xffff, v7;
	v7 =	vadd.f32 v16, v9  }
0x47: {  	[tilespmem:v17+s24+$0x0] =	vst.idx.msk $0xffff, v10;
	v15 =	vld [tilespmem:s0+$0xFFFFFF90]  }
0x48: {  	v10 =	vld [tilespmem:s0+$0xFFFFFFD0];
	[tilespmem:v14+s24+$0x0] =	vst.idx.msk $0xffff, v7  }
0x49: {  	v14 =	vld [tilespmem:s0+$0x10];
	v7 =	vadd.f32 v8, v6  }
0x4a: {  	s30 =	simm.s32 $0x7;
	s18 =	simm.s32 $0x9780;
	v16 =	vadd.s32 v1, v19  }
0x4b: {  	s17 =	simm.s32 $0x4;
	v26 =	vadd.s32 v2, v13;
	v18 =	vld [tilespmem:s18+$0x40];
	v17 =	vadd.s32 v1, v20;
	[tilespmem:v11+s24+$0x0] =	vst.idx.msk $0xffff, v7;
	v7 =	vmov s30  }
0x4c: {  	v21 =	vadd.s32 v1, v12;
	v8 =	vmov s17;
	v7 =	vand.u32 $0x7F, v7;
	v22 =	vld [tilespmem:s0+$0x60]  }
0x4d: {  	v23 =	vld [tilespmem:s18+$0xFFFFFF80];
	s17 =	simm.s32 $0x5;
	v8 =	vand.u32 $0x7C, v8;
	v10 =	vadd.f32 v10, v6;
	v24 =	vadd.s32 v0, v7  }
0x4e: {  	v25 =	vld [tilespmem:s18+$0xFFFFFFC0];
	v15 =	vadd.f32 v15, v6;
	v11 =	vadd.f32 v14, v6;
	v14 =	vmov s17;
	s17 =	simm.s32 $0x6  }
0x4f: {  	v27 =	vadd.s32 v0, v8;
	[tilespmem:v16+s24+$0x0] =	vst.idx.msk $0xffff, v10;
	v16 =	vmov s17;
	v10 =	vand.u32 $0x7D, v14;
	v14 =	vld [tilespmem:s18+$0x0]  }
0x50: {  	[tilespmem:v17+s24+$0x0] =	vst.idx.msk $0xffff, v11;
	v17 =	vadd.s32 v0, v10;
	v11 =	vand.u32 $0x7E, v16;
	v16 =	vadd.f32 v18, v9;
	v18 =	vld [tilespmem:s0+$0xFFFFFFE0]  }
0x51: {  	[tilespmem:v21+s24+$0x0] =	vst.idx.msk $0xffff, v15;
	v15 =	vadd.s32 v0, v11;
	v21 =	vld [tilespmem:s0+$0x20];
	v22 =	vadd.f32 v22, v5  }
0x52: {  	v23 =	vadd.f32 v23, v9;
	[tilespmem:v24+s24+$0x0] =	vst.idx.msk $0xffff, v16;
	v16 =	vld [tilespmem:s0+$0xFFFFFFA0];
	v24 =	vadd.s32 v2, v19  }
0x53: {  	v29 =	vadd.s32 v2, v20;
	v25 =	vadd.f32 v25, v9;
	v28 =	vld [tilespmem:s18+$0x50];
	[tilespmem:v26+s24+$0x0] =	vst.idx.msk $0xffff, v22  }
0x54: {  	[tilespmem:v27+s24+$0x0] =	vst.idx.msk $0xffff, v23;
	v23 =	vadd.s32 v2, v12;
	v14 =	vadd.f32 v14, v9;
	v26 =	vld [tilespmem:s0+$0x70]  }
0x55: {  	v27 =	vld [tilespmem:s18+$0xFFFFFF90];
	[tilespmem:v17+s24+$0x0] =	vst.idx.msk $0xffff, v25;
	v25 =	vadd.s32 v1, v7;
	v18 =	vadd.f32 v18, v5  }
0x56: {  	v31 =	vadd.s32 v3, v13;
	v30 =	vld [tilespmem:s18+$0xFFFFFFD0];
	[tilespmem:v15+s24+$0x0] =	vst.idx.msk $0xffff, v14;
	v14 =	vadd.f32 v21, v5  }
0x57: {  	v22 =	vadd.s32 v1, v8;
	v17 =	vld [tilespmem:s18+$0x10];
	v13 =	vadd.f32 v16, v5;
	[tilespmem:v24+s24+$0x0] =	vst.idx.msk $0xffff, v18  }
0x58: {  	s31 =	simm.s32 $0x8;
	v21 =	vadd.s32 v1, v10;
	[tilespmem:v29+s24+$0x0] =	vst.idx.msk $0xffff, v14;
	v18 =	vadd.f32 v28, v6;
	v16 =	vld [tilespmem:s0+$0xFFFFFFF0]  }
0x59: {  	v24 =	vmov s31;
	v14 =	vadd.s32 v1, v11;
	v15 =	vld [tilespmem:s0+$0x30];
	[tilespmem:v23+s24+$0x0] =	vst.idx.msk $0xffff, v13;
	v63 =	vadd.f32 v26, v4  }
0x5a: {  	s30 =	simm.s32 $0x9880;
	s17 =	simm.s32 $0xB;
	v19 =	vadd.s32 v3, v19;
	v13 =	vand.u32 $0x7C, v24;
	v24 =	vadd.f32 v27, v6;
	[tilespmem:v25+s24+$0x0] =	vst.idx.msk $0xffff, v18;
	v18 =	vld [tilespmem:s0+$0xFFFFFFB0]  }
0x5b: {  	v20 =	vadd.s32 v3, v20;
	v26 =	vmov s17;
	v23 =	vld [tilespmem:s30+$0x40];
	s0 =	simm.s32 $0xC;
	v25 =	vadd.f32 v30, v6;
	[tilespmem:v31+s24+$0x0] =	vst.idx.msk $0xffff, v63  }
.LBB2_3:
0x5c: {  	p1 =	slt.u32 s0, $0x7C;
	s1 =	sadd.s32 $0x1, s31;
	v26 =	vand.u32 $0x7F, v26;
	[tilespmem:v22+s24+$0x0] =	vst.idx.msk $0xffff, v24;
	v17 =	vadd.f32 v17, v6;
	v22 =	vld [tilespmem:s18+$0x60];
	v24 =	vadd.s32 v3, v12  }
0x5d: {  	v30 =	vmovc v11;
	v27 =	vld [tilespmem:s30+$0xFFFFFF80];
	v28 =	vmov s1;
	s1 =	sadd.s32 $0x2, s31;
	v29 =	vadd.s32 v0, v26;
	[tilespmem:v21+s24+$0x0] =	vst.idx.msk $0xffff, v25;
	v16 =	vadd.f32 v16, v4;
	s31 =	smov.u32 s0  }
0x5e: {  	v12 =	vmovc v8;
	v21 =	vld [tilespmem:s30+$0xFFFFFFC0];
	v11 =	vmov s1;
	[tilespmem:v14+s24+$0x0] =	vst.idx.msk $0xffff, v17;
	v14 =	vadd.s32 v2, v7;
	v15 =	vadd.f32 v15, v4  }
0x5f: {  	v17 =	vadd.s32 v0, v13;
	v28 =	vand.u32 $0x7D, v28;
	v25 =	vld [tilespmem:s30+$0x0];
	v31 =	vadd.f32 v18, v4;
	[tilespmem:v19+s24+$0x0] =	vst.idx.msk $0xffff, v16  }
0x60: {  	v16 =	vadd.s32 v0, v28;
	v11 =	vand.u32 $0x7E, v11;
	v18 =	vadd.f32 v23, v9;
	v19 =	vld [tilespmem:s18+$0xFFFFFFE0];
	[tilespmem:v20+s24+$0x0] =	vst.idx.msk $0xffff, v15  }
0x61: {  	v8 =	vmov v13;
	v15 =	vadd.s32 v0, v11;
	v20 =	vld [tilespmem:s18+$0x20];
	v22 =	vadd.f32 v22, v5;
	[tilespmem:v24+s24+$0x0] =	vst.idx.msk $0xffff, v31  }
0x62: {  	v23 =	vadd.s32 v2, v10;
	v13 =	vadd.f32 v27, v9;
	[tilespmem:v29+s24+$0x0] =	vst.idx.msk $0xffff, v18;
	v18 =	vld [tilespmem:s18+$0xFFFFFFA0]  }
0x63: {  	v27 =	vadd.s32 v2, v30;
	v21 =	vadd.f32 v21, v9;
	v24 =	vld [tilespmem:s30+$0x50];
	[tilespmem:v14+s24+$0x0] =	vst.idx.msk $0xffff, v22  }
0x64: {  	[tilespmem:v17+s24+$0x0] =	vst.idx.msk $0xffff, v13;
	v13 =	vadd.f32 v25, v9;
	v25 =	vadd.s32 v2, v12;
	v29 =	vld [tilespmem:s18+$0x70]  }
0x65: {  	v32 =	vadd.s32 v1, v26;
	v31 =	vld [tilespmem:s30+$0xFFFFFF90];
	[tilespmem:v16+s24+$0x0] =	vst.idx.msk $0xffff, v21;
	v14 =	vadd.f32 v19, v5  }
0x66: {  	v34 =	vadd.s32 v3, v7;
	v7 =	vmov v26;
	v33 =	vld [tilespmem:s30+$0xFFFFFFD0];
	[tilespmem:v15+s24+$0x0] =	vst.idx.msk $0xffff, v13;
	v13 =	vadd.f32 v20, v5  }
.Ltmp0:
0x67: {  	v22 =	vadd.s32 v1, v8;
	v17 =	vld [tilespmem:s30+$0x10];
	v15 =	vadd.f32 v18, v5;
	[tilespmem:v23+s24+$0x0] =	vst.idx.msk $0xffff, v14;
	(pc) =	sbr.rel @p1 .LBB2_3-.Ltmp0, $4  }
0x68: {  	v21 =	vadd.s32 v1, v28;
	v18 =	vadd.f32 v24, v6;
	v16 =	vld [tilespmem:s18+$0xFFFFFFF0];
	[tilespmem:v27+s24+$0x0] =	vst.idx.msk $0xffff, v13  }
0x69: {  	v14 =	vadd.s32 v1, v11;
	v13 =	vmov s0;
	[tilespmem:v25+s24+$0x0] =	vst.idx.msk $0xffff, v15;
	v15 =	vld [tilespmem:s18+$0x30];
	v27 =	vadd.f32 v29, v4  }
0x6a: {  	s1 =	sadd.s32 $0x3, s0;
	v19 =	vadd.s32 v3, v10;
	v13 =	vand.u32 $0x7C, v13;
	v24 =	vadd.f32 v31, v6;
	[tilespmem:v32+s24+$0x0] =	vst.idx.msk $0xffff, v18;
	v18 =	vld [tilespmem:s18+$0xFFFFFFB0];
	s18 =	smov.u32 s30;
	s30 =	sadd.s32 $0x100, s30  }
0x6b: {  	v26 =	vmov s1;
	v10 =	vmovc v28;
	v20 =	vadd.s32 v3, v30;
	s0 =	sadd.s32 $0x4, s0;
	v23 =	vld [tilespmem:s30+$0x40];
	v25 =	vadd.f32 v33, v6;
	[tilespmem:v34+s24+$0x0] =	vst.idx.msk $0xffff, v27  }
0x6c: {  	s0 =	sadd.s32 $0x1, s31  }
0x6d: {  	v26 =	vand.u32 $0x7F, v26;
	s1 =	sadd.s32 $0x2, s31;
	v28 =	vld [tilespmem:s30+$0xFFFFFFC0];
	v27 =	vmov s0  }
0x6e: {  	v31 =	vld [tilespmem:s30+$0x0];
	v29 =	vadd.s32 v0, v26;
	v30 =	vmov s1;
	v27 =	vand.u32 $0x7D, v27  }
0x6f: {  	v32 =	vld [tilespmem:s30+$0xFFFFFF80];
	v30 =	vand.u32 $0x7E, v30;
	v33 =	vadd.s32 v0, v27  }
0x70: {  	v34 =	vadd.s32 v0, v30  }
0x71: {  	[tilespmem:v22+s24+$0x0] =	vst.idx.msk $0xffff, v24;
	v22 =	vadd.s32 v0, v13;
	v23 =	vadd.f32 v23, v9  }
0x72: {  	[tilespmem:v21+s24+$0x0] =	vst.idx.msk $0xffff, v25;
	v21 =	vadd.f32 v28, v9  }
0x73: {  	[tilespmem:v29+s24+$0x0] =	vst.idx.msk $0xffff, v23;
	v23 =	vadd.f32 v31, v9  }
0x74: {  	v9 =	vadd.f32 v32, v9;
	v24 =	vld [tilespmem:s30+$0x50];
	[tilespmem:v33+s24+$0x0] =	vst.idx.msk $0xffff, v21  }
0x75: {  	v17 =	vadd.f32 v17, v6;
	v12 =	vadd.s32 v3, v12;
	[tilespmem:v34+s24+$0x0] =	vst.idx.msk $0xffff, v23;
	v21 =	vld [tilespmem:s30+$0xFFFFFFD0]  }
0x76: {  	v16 =	vadd.f32 v16, v4;
	[tilespmem:v22+s24+$0x0] =	vst.idx.msk $0xffff, v9;
	v9 =	vadd.s32 v1, v26;
	v22 =	vld [tilespmem:s30+$0x10]  }
0x77: {  	[tilespmem:v14+s24+$0x0] =	vst.idx.msk $0xffff, v17;
	v14 =	vadd.f32 v15, v4;
	v17 =	vadd.s32 v1, v27;
	v15 =	vld [tilespmem:s30+$0xFFFFFF90]  }
0x78: {  	v18 =	vadd.f32 v18, v4;
	[tilespmem:v19+s24+$0x0] =	vst.idx.msk $0xffff, v16;
	v16 =	vadd.s32 v1, v30;
	v23 =	vld [tilespmem:s18+$0x60]  }
0x79: {  	v19 =	vld [tilespmem:s18+$0xFFFFFFE0];
	[tilespmem:v20+s24+$0x0] =	vst.idx.msk $0xffff, v14;
	v14 =	vadd.s32 v1, v13;
	v20 =	vadd.f32 v24, v6  }
0x7a: {  	v25 =	vld [tilespmem:s18+$0x20];
	[tilespmem:v12+s24+$0x0] =	vst.idx.msk $0xffff, v18;
	v24 =	vadd.s32 v2, v7;
	v12 =	vadd.f32 v21, v6  }
0x7b: {  	v18 =	vld [tilespmem:s18+$0xFFFFFFA0];
	v21 =	vadd.s32 v2, v10;
	[tilespmem:v9+s24+$0x0] =	vst.idx.msk $0xffff, v20;
	v9 =	vadd.f32 v22, v6  }
0x7c: {  	v20 =	vadd.s32 v2, v11;
	v6 =	vadd.f32 v15, v6;
	v15 =	vld [tilespmem:s30+$0x60];
	[tilespmem:v17+s24+$0x0] =	vst.idx.msk $0xffff, v12  }
0x7d: {  	v12 =	vadd.f32 v23, v5;
	v17 =	vadd.s32 v2, v8;
	[tilespmem:v16+s24+$0x0] =	vst.idx.msk $0xffff, v9;
	v9 =	vld [tilespmem:s30+$0xFFFFFFE0]  }
0x7e: {  	v16 =	vadd.f32 v19, v5;
	[tilespmem:v14+s24+$0x0] =	vst.idx.msk $0xffff, v6;
	v6 =	vadd.s32 v2, v26;
	v14 =	vld [tilespmem:s30+$0x20]  }
0x7f: {  	v22 =	vadd.s32 v2, v27;
	v19 =	vld [tilespmem:s30+$0xFFFFFFA0];
	[tilespmem:v24+s24+$0x0] =	vst.idx.msk $0xffff, v12;
	v12 =	vadd.f32 v25, v5  }
0x80: {  	v18 =	vadd.f32 v18, v5;
	v23 =	vld [tilespmem:s18+$0x70];
	[tilespmem:v21+s24+$0x0] =	vst.idx.msk $0xffff, v16;
	v16 =	vadd.s32 v2, v30  }
0x81: {  	v21 =	vld [tilespmem:s18+$0xFFFFFFF0];
	[tilespmem:v20+s24+$0x0] =	vst.idx.msk $0xffff, v12;
	v12 =	vadd.f32 v15, v5;
	v15 =	vadd.s32 v2, v13  }
0x82: {  	v7 =	vadd.s32 v3, v7;
	[tilespmem:v17+s24+$0x0] =	vst.idx.msk $0xffff, v18;
	v17 =	vld [tilespmem:s18+$0x30];
	v9 =	vadd.f32 v9, v5  }
0x83: {  	v10 =	vadd.s32 v3, v10;
	v18 =	vld [tilespmem:s18+$0xFFFFFFB0];
	[tilespmem:v6+s24+$0x0] =	vst.idx.msk $0xffff, v12;
	v6 =	vadd.f32 v14, v5  }
0x84: {  	v11 =	vadd.s32 v3, v11;
	v5 =	vadd.f32 v19, v5;
	v12 =	vld [tilespmem:s30+$0x70];
	[tilespmem:v22+s24+$0x0] =	vst.idx.msk $0xffff, v9  }
0x85: {  	v8 =	vadd.s32 v3, v8;
	v9 =	vadd.f32 v23, v4;
	[tilespmem:v16+s24+$0x0] =	vst.idx.msk $0xffff, v6;
	v14 =	vld [tilespmem:s30+$0xFFFFFFF0]  }
0x86: {  	v16 =	vadd.s32 v3, v26;
	v6 =	vadd.f32 v21, v4;
	[tilespmem:v15+s24+$0x0] =	vst.idx.msk $0xffff, v5;
	v5 =	vld [tilespmem:s30+$0x30]  }
0x87: {  	v15 =	vadd.s32 v3, v27;
	[tilespmem:v7+s24+$0x0] =	vst.idx.msk $0xffff, v9;
	v7 =	vadd.f32 v17, v4;
	v9 =	vld [tilespmem:s30+$0xFFFFFFB0]  }
0x88: {  	v17 =	vadd.f32 v18, v4;
	[tilespmem:v10+s24+$0x0] =	vst.idx.msk $0xffff, v6;
	v6 =	vadd.s32 v3, v30  }
0x89: {  	v10 =	vadd.s32 v3, v13;
	[tilespmem:v11+s24+$0x0] =	vst.idx.msk $0xffff, v7;
	v7 =	vadd.f32 v12, v4  }
0x8a: {  	[tilespmem:v8+s24+$0x0] =	vst.idx.msk $0xffff, v17;
	v8 =	vadd.f32 v14, v4  }
0x8b: {  	s17 =	sshll.u32 s21, $0x14;
	[tilespmem:v16+s24+$0x0] =	vst.idx.msk $0xffff, v7;
	v5 =	vadd.f32 v5, v4  }
0x8c: {  	s0 =	sor.u32 s7, s17;
	v4 =	vadd.f32 v9, v4;
	[tilespmem:v15+s24+$0x0] =	vst.idx.msk $0xffff, v8  }
0x8d: {  	s0 =	sshrl.u32 s0, $0x3;
	[tilespmem:v6+s24+$0x0] =	vst.idx.msk $0xffff, v5  }
0x8e: {  	s1 =	sadd.s32 s2, s0;
	[tilespmem:v10+s24+$0x0] =	vst.idx.msk $0xffff, v4  }
0x8f: {  	[hbm4b:s1+s3] =	stream.linear.scatter [tilespmem:s24], [sflag:$0x5], $0x80, $0x38;
	[tilespmem:$0x19E00] =	vst v63  }
0x90: {  	s17 =	simm.s32 $0x11688;
	s18 =	sadd.s32 $0x10, s1  }
0x91: {  	[hbm4b:s18+s3] =	stream.linear.scatter [tilespmem:s17], [sflag:$0x5], $0x80, $0x38;
	[tilespmem:$0x19E00] =	vst v63  }
0x92: {  	s18 =	sadd.s32 $0x20, s1;
	s17 =	simm.s32 $0x11710  }
0x93: {  	[hbm4b:s18+s3] =	stream.linear.scatter [tilespmem:s17], [sflag:$0x5], $0x80, $0x38;
	[tilespmem:$0x19E00] =	vst v63  }
0x94: {  	s18 =	sadd.s32 $0x30, s1;
	s17 =	simm.s32 $0x11798  }
0x95: {  	[hbm4b:s18+s3] =	stream.linear.scatter [tilespmem:s17], [sflag:$0x5], $0x80, $0x38;
	[tilespmem:$0x19E00] =	vst v63  }
0x96: {  	s18 =	sadd.s32 $0x40, s1;
	s17 =	simm.s32 $0x11820  }
0x97: {  	[hbm4b:s18+s3] =	stream.linear.scatter [tilespmem:s17], [sflag:$0x5], $0x80, $0x38;
	[tilespmem:$0x19E00] =	vst v63  }
0x98: {  	s18 =	sadd.s32 $0x50, s1;
	s17 =	simm.s32 $0x118A8  }
0x99: {  	[hbm4b:s18+s3] =	stream.linear.scatter [tilespmem:s17], [sflag:$0x5], $0x80, $0x38;
	[tilespmem:$0x19E00] =	vst v63  }
0x9a: {  	s18 =	sadd.s32 $0x60, s1;
	s17 =	simm.s32 $0x11930  }
0x9b: {  	[hbm4b:s18+s3] =	stream.linear.scatter [tilespmem:s17], [sflag:$0x5], $0x80, $0x38;
	[tilespmem:$0x19E00] =	vst v63  }
0x9c: {  	s1 =	sadd.s32 $0x70, s1;
	s18 =	simm.s32 $0x119B8  }
0x9d: {  	[hbm4b:s1+s3] =	stream.linear.scatter [tilespmem:s18], [sflag:$0x5], $0x80, $0x38;
	[tilespmem:$0x19E00] =	vst v63  }
0x9e: {  	s1 =	sadd.s32 s0, s8;
	s18 =	simm.s32 $0x11A40  }
0x9f: {  	[hbm4b:s1+s3] =	stream.linear.scatter [tilespmem:s18], [sflag:$0x5], $0x80, $0x38;
	[tilespmem:$0x19E00] =	vst v63  }
0xa0: {  	s17 =	simm.s32 $0x11AC8;
	s18 =	sadd.s32 $0x10, s1  }
0xa1: {  	[hbm4b:s18+s3] =	stream.linear.scatter [tilespmem:s17], [sflag:$0x5], $0x80, $0x38;
	[tilespmem:$0x19E00] =	vst v63  }
0xa2: {  	s18 =	sadd.s32 $0x20, s1;
	s17 =	simm.s32 $0x11B50  }
0xa3: {  	[hbm4b:s18+s3] =	stream.linear.scatter [tilespmem:s17], [sflag:$0x5], $0x80, $0x38;
	[tilespmem:$0x19E00] =	vst v63  }
0xa4: {  	s18 =	sadd.s32 $0x30, s1;
	s17 =	simm.s32 $0x11BD8  }
0xa5: {  	[hbm4b:s18+s3] =	stream.linear.scatter [tilespmem:s17], [sflag:$0x5], $0x80, $0x38;
	[tilespmem:$0x19E00] =	vst v63  }
0xa6: {  	s18 =	sadd.s32 $0x40, s1;
	s17 =	simm.s32 $0x11C60  }
0xa7: {  	[hbm4b:s18+s3] =	stream.linear.scatter [tilespmem:s17], [sflag:$0x5], $0x80, $0x38;
	[tilespmem:$0x19E00] =	vst v63  }
0xa8: {  	s18 =	sadd.s32 $0x50, s1;
	s17 =	simm.s32 $0x11CE8  }
0xa9: {  	[hbm4b:s18+s3] =	stream.linear.scatter [tilespmem:s17], [sflag:$0x5], $0x80, $0x38;
	[tilespmem:$0x19E00] =	vst v63  }
0xaa: {  	s18 =	sadd.s32 $0x60, s1;
	s17 =	simm.s32 $0x11D70  }
0xab: {  	[hbm4b:s18+s3] =	stream.linear.scatter [tilespmem:s17], [sflag:$0x5], $0x80, $0x38;
	[tilespmem:$0x19E00] =	vst v63  }
0xac: {  	s1 =	sadd.s32 $0x70, s1;
	s18 =	simm.s32 $0x11DF8  }
0xad: {  	[hbm4b:s1+s3] =	stream.linear.scatter [tilespmem:s18], [sflag:$0x5], $0x80, $0x38;
	[tilespmem:$0x19E00] =	vst v63  }
0xae: {  	s1 =	sadd.s32 s0, s9;
	s18 =	simm.s32 $0x11E80  }
0xaf: {  	[hbm4b:s1+s3] =	stream.linear.scatter [tilespmem:s18], [sflag:$0x5], $0x80, $0x38;
	[tilespmem:$0x19E00] =	vst v63  }
0xb0: {  	s17 =	simm.s32 $0x11F08;
	s18 =	sadd.s32 $0x10, s1  }
0xb1: {  	[hbm4b:s18+s3] =	stream.linear.scatter [tilespmem:s17], [sflag:$0x5], $0x80, $0x38;
	[tilespmem:$0x19E00] =	vst v63  }
0xb2: {  	s18 =	sadd.s32 $0x20, s1;
	s17 =	simm.s32 $0x11F90  }
0xb3: {  	[hbm4b:s18+s3] =	stream.linear.scatter [tilespmem:s17], [sflag:$0x5], $0x80, $0x38;
	[tilespmem:$0x19E00] =	vst v63  }
0xb4: {  	s18 =	sadd.s32 $0x30, s1;
	s17 =	simm.s32 $0x12018  }
0xb5: {  	[hbm4b:s18+s3] =	stream.linear.scatter [tilespmem:s17], [sflag:$0x5], $0x80, $0x38;
	[tilespmem:$0x19E00] =	vst v63  }
0xb6: {  	s18 =	sadd.s32 $0x40, s1;
	s17 =	simm.s32 $0x120A0  }
0xb7: {  	[hbm4b:s18+s3] =	stream.linear.scatter [tilespmem:s17], [sflag:$0x5], $0x80, $0x38;
	[tilespmem:$0x19E00] =	vst v63  }
0xb8: {  	s18 =	sadd.s32 $0x50, s1;
	s17 =	simm.s32 $0x12128  }
0xb9: {  	[hbm4b:s18+s3] =	stream.linear.scatter [tilespmem:s17], [sflag:$0x5], $0x80, $0x38;
	[tilespmem:$0x19E00] =	vst v63  }
0xba: {  	s18 =	sadd.s32 $0x60, s1;
	s17 =	simm.s32 $0x121B0  }
0xbb: {  	[hbm4b:s18+s3] =	stream.linear.scatter [tilespmem:s17], [sflag:$0x5], $0x80, $0x38;
	[tilespmem:$0x19E00] =	vst v63  }
0xbc: {  	s1 =	sadd.s32 $0x70, s1;
	s18 =	simm.s32 $0x12238  }
0xbd: {  	[hbm4b:s1+s3] =	stream.linear.scatter [tilespmem:s18], [sflag:$0x5], $0x80, $0x38;
	[tilespmem:$0x19E00] =	vst v63  }
0xbe: {  	s1 =	sadd.s32 s0, s10;
	s18 =	simm.s32 $0x122C0  }
0xbf: {  	[hbm4b:s1+s3] =	stream.linear.scatter [tilespmem:s18], [sflag:$0x5], $0x80, $0x38;
	[tilespmem:$0x19E00] =	vst v63  }
0xc0: {  	s17 =	simm.s32 $0x12348;
	s18 =	sadd.s32 $0x10, s1  }
0xc1: {  	[hbm4b:s18+s3] =	stream.linear.scatter [tilespmem:s17], [sflag:$0x5], $0x80, $0x38;
	[tilespmem:$0x19E00] =	vst v63  }
0xc2: {  	s18 =	sadd.s32 $0x20, s1;
	s17 =	simm.s32 $0x123D0  }
0xc3: {  	[hbm4b:s18+s3] =	stream.linear.scatter [tilespmem:s17], [sflag:$0x5], $0x80, $0x38;
	[tilespmem:$0x19E00] =	vst v63  }
0xc4: {  	s18 =	sadd.s32 $0x30, s1;
	s17 =	simm.s32 $0x12458  }
0xc5: {  	[hbm4b:s18+s3] =	stream.linear.scatter [tilespmem:s17], [sflag:$0x5], $0x80, $0x38;
	[tilespmem:$0x19E00] =	vst v63  }
0xc6: {  	s18 =	sadd.s32 $0x40, s1;
	s17 =	simm.s32 $0x124E0  }
0xc7: {  	[hbm4b:s18+s3] =	stream.linear.scatter [tilespmem:s17], [sflag:$0x5], $0x80, $0x38;
	[tilespmem:$0x19E00] =	vst v63  }
0xc8: {  	s18 =	sadd.s32 $0x50, s1;
	s17 =	simm.s32 $0x12568  }
0xc9: {  	[hbm4b:s18+s3] =	stream.linear.scatter [tilespmem:s17], [sflag:$0x5], $0x80, $0x38;
	[tilespmem:$0x19E00] =	vst v63  }
0xca: {  	s18 =	sadd.s32 $0x60, s1;
	s17 =	simm.s32 $0x125F0  }
0xcb: {  	[hbm4b:s18+s3] =	stream.linear.scatter [tilespmem:s17], [sflag:$0x5], $0x80, $0x38;
	[tilespmem:$0x19E00] =	vst v63  }
0xcc: {  	s1 =	sadd.s32 $0x70, s1;
	s18 =	simm.s32 $0x12678  }
0xcd: {  	[hbm4b:s1+s3] =	stream.linear.scatter [tilespmem:s18], [sflag:$0x5], $0x80, $0x38;
	[tilespmem:$0x19E00] =	vst v63  }
0xce: {  	s1 =	sadd.s32 s0, s11;
	s18 =	simm.s32 $0x12700  }
0xcf: {  	[hbm4b:s1+s3] =	stream.linear.scatter [tilespmem:s18], [sflag:$0x5], $0x80, $0x38;
	[tilespmem:$0x19E00] =	vst v63  }
0xd0: {  	s17 =	simm.s32 $0x12788;
	s18 =	sadd.s32 $0x10, s1  }
0xd1: {  	[hbm4b:s18+s3] =	stream.linear.scatter [tilespmem:s17], [sflag:$0x5], $0x80, $0x38;
	[tilespmem:$0x19E00] =	vst v63  }
0xd2: {  	s18 =	sadd.s32 $0x20, s1;
	s17 =	simm.s32 $0x12810  }
0xd3: {  	[hbm4b:s18+s3] =	stream.linear.scatter [tilespmem:s17], [sflag:$0x5], $0x80, $0x38;
	[tilespmem:$0x19E00] =	vst v63  }
0xd4: {  	s18 =	sadd.s32 $0x30, s1;
	s17 =	simm.s32 $0x12898  }
0xd5: {  	[hbm4b:s18+s3] =	stream.linear.scatter [tilespmem:s17], [sflag:$0x5], $0x80, $0x38;
	[tilespmem:$0x19E00] =	vst v63  }
0xd6: {  	s18 =	sadd.s32 $0x40, s1;
	s17 =	simm.s32 $0x12920  }
0xd7: {  	[hbm4b:s18+s3] =	stream.linear.scatter [tilespmem:s17], [sflag:$0x5], $0x80, $0x38;
	[tilespmem:$0x19E00] =	vst v63  }
0xd8: {  	s18 =	sadd.s32 $0x50, s1;
	s17 =	simm.s32 $0x129A8  }
0xd9: {  	[hbm4b:s18+s3] =	stream.linear.scatter [tilespmem:s17], [sflag:$0x5], $0x80, $0x38;
	[tilespmem:$0x19E00] =	vst v63  }
0xda: {  	s18 =	sadd.s32 $0x60, s1;
	s17 =	simm.s32 $0x12A30  }
0xdb: {  	[hbm4b:s18+s3] =	stream.linear.scatter [tilespmem:s17], [sflag:$0x5], $0x80, $0x38;
	[tilespmem:$0x19E00] =	vst v63  }
0xdc: {  	s1 =	sadd.s32 $0x70, s1;
	s18 =	simm.s32 $0x12AB8  }
0xdd: {  	[hbm4b:s1+s3] =	stream.linear.scatter [tilespmem:s18], [sflag:$0x5], $0x80, $0x38;
	[tilespmem:$0x19E00] =	vst v63  }
0xde: {  	s1 =	sadd.s32 s0, s12;
	s18 =	simm.s32 $0x12B40  }
0xdf: {  	[hbm4b:s1+s3] =	stream.linear.scatter [tilespmem:s18], [sflag:$0x5], $0x80, $0x38;
	[tilespmem:$0x19E00] =	vst v63  }
0xe0: {  	s17 =	simm.s32 $0x12BC8;
	s18 =	sadd.s32 $0x10, s1  }
0xe1: {  	[hbm4b:s18+s3] =	stream.linear.scatter [tilespmem:s17], [sflag:$0x5], $0x80, $0x38;
	[tilespmem:$0x19E00] =	vst v63  }
0xe2: {  	s18 =	sadd.s32 $0x20, s1;
	s17 =	simm.s32 $0x12C50  }
0xe3: {  	[hbm4b:s18+s3] =	stream.linear.scatter [tilespmem:s17], [sflag:$0x5], $0x80, $0x38;
	[tilespmem:$0x19E00] =	vst v63  }
0xe4: {  	s18 =	sadd.s32 $0x30, s1;
	s17 =	simm.s32 $0x12CD8  }
0xe5: {  	[hbm4b:s18+s3] =	stream.linear.scatter [tilespmem:s17], [sflag:$0x5], $0x80, $0x38;
	[tilespmem:$0x19E00] =	vst v63  }
0xe6: {  	s18 =	sadd.s32 $0x40, s1;
	s17 =	simm.s32 $0x12D60  }
0xe7: {  	[hbm4b:s18+s3] =	stream.linear.scatter [tilespmem:s17], [sflag:$0x5], $0x80, $0x38;
	[tilespmem:$0x19E00] =	vst v63  }
0xe8: {  	s18 =	sadd.s32 $0x50, s1;
	s17 =	simm.s32 $0x12DE8  }
0xe9: {  	[hbm4b:s18+s3] =	stream.linear.scatter [tilespmem:s17], [sflag:$0x5], $0x80, $0x38;
	[tilespmem:$0x19E00] =	vst v63  }
0xea: {  	s18 =	sadd.s32 $0x60, s1;
	s17 =	simm.s32 $0x12E70  }
0xeb: {  	[hbm4b:s18+s3] =	stream.linear.scatter [tilespmem:s17], [sflag:$0x5], $0x80, $0x38;
	[tilespmem:$0x19E00] =	vst v63  }
0xec: {  	s1 =	sadd.s32 $0x70, s1;
	s18 =	simm.s32 $0x12EF8  }
0xed: {  	[hbm4b:s1+s3] =	stream.linear.scatter [tilespmem:s18], [sflag:$0x5], $0x80, $0x38;
	[tilespmem:$0x19E00] =	vst v63  }
0xee: {  	s1 =	sadd.s32 s0, s13;
	s18 =	simm.s32 $0x12F80  }
0xef: {  	[hbm4b:s1+s3] =	stream.linear.scatter [tilespmem:s18], [sflag:$0x5], $0x80, $0x38;
	[tilespmem:$0x19E00] =	vst v63  }
0xf0: {  	s17 =	simm.s32 $0x13008;
	s18 =	sadd.s32 $0x10, s1  }
0xf1: {  	[hbm4b:s18+s3] =	stream.linear.scatter [tilespmem:s17], [sflag:$0x5], $0x80, $0x38;
	[tilespmem:$0x19E00] =	vst v63  }
0xf2: {  	s18 =	sadd.s32 $0x20, s1;
	s17 =	simm.s32 $0x13090  }
0xf3: {  	[hbm4b:s18+s3] =	stream.linear.scatter [tilespmem:s17], [sflag:$0x5], $0x80, $0x38;
	[tilespmem:$0x19E00] =	vst v63  }
0xf4: {  	s18 =	sadd.s32 $0x30, s1;
	s17 =	simm.s32 $0x13118  }
0xf5: {  	[hbm4b:s18+s3] =	stream.linear.scatter [tilespmem:s17], [sflag:$0x5], $0x80, $0x38;
	[tilespmem:$0x19E00] =	vst v63  }
0xf6: {  	s18 =	sadd.s32 $0x40, s1;
	s17 =	simm.s32 $0x131A0  }
0xf7: {  	[hbm4b:s18+s3] =	stream.linear.scatter [tilespmem:s17], [sflag:$0x5], $0x80, $0x38;
	[tilespmem:$0x19E00] =	vst v63  }
0xf8: {  	s18 =	sadd.s32 $0x50, s1;
	s17 =	simm.s32 $0x13228  }
0xf9: {  	[hbm4b:s18+s3] =	stream.linear.scatter [tilespmem:s17], [sflag:$0x5], $0x80, $0x38;
	[tilespmem:$0x19E00] =	vst v63  }
0xfa: {  	s18 =	sadd.s32 $0x60, s1;
	s17 =	simm.s32 $0x132B0  }
0xfb: {  	[hbm4b:s18+s3] =	stream.linear.scatter [tilespmem:s17], [sflag:$0x5], $0x80, $0x38;
	[tilespmem:$0x19E00] =	vst v63  }
0xfc: {  	s1 =	sadd.s32 $0x70, s1;
	s18 =	simm.s32 $0x13338  }
0xfd: {  	[hbm4b:s1+s3] =	stream.linear.scatter [tilespmem:s18], [sflag:$0x5], $0x80, $0x38;
	[tilespmem:$0x19E00] =	vst v63  }
0xfe: {  	s0 =	sadd.s32 s0, s14;
	s18 =	simm.s32 $0x133C0  }
0xff: {  	[hbm4b:s0+s3] =	stream.linear.scatter [tilespmem:s18], [sflag:$0x5], $0x80, $0x38;
	[tilespmem:$0x19E00] =	vst v63  }
0x100: {  	s17 =	sadd.s32 $0x10, s0;
	s18 =	simm.s32 $0x13448  }
0x101: {  	[hbm4b:s17+s3] =	stream.linear.scatter [tilespmem:s18], [sflag:$0x5], $0x80, $0x38;
	[tilespmem:$0x19E00] =	vst v63  }
0x102: {  	s17 =	sadd.s32 $0x20, s0;
	s18 =	simm.s32 $0x134D0  }
0x103: {  	[hbm4b:s17+s3] =	stream.linear.scatter [tilespmem:s18], [sflag:$0x5], $0x80, $0x38;
	[tilespmem:$0x19E00] =	vst v63  }
0x104: {  	s17 =	sadd.s32 $0x30, s0;
	s18 =	simm.s32 $0x13558  }
0x105: {  	[hbm4b:s17+s3] =	stream.linear.scatter [tilespmem:s18], [sflag:$0x5], $0x80, $0x38;
	[tilespmem:$0x19E00] =	vst v63  }
0x106: {  	s17 =	sadd.s32 $0x40, s0;
	s18 =	simm.s32 $0x135E0  }
0x107: {  	[hbm4b:s17+s3] =	stream.linear.scatter [tilespmem:s18], [sflag:$0x5], $0x80, $0x38;
	[tilespmem:$0x19E00] =	vst v63  }
0x108: {  	s17 =	sadd.s32 $0x50, s0;
	s18 =	simm.s32 $0x13668  }
0x109: {  	[hbm4b:s17+s3] =	stream.linear.scatter [tilespmem:s18], [sflag:$0x5], $0x80, $0x38;
	[tilespmem:$0x19E00] =	vst v63  }
0x10a: {  	s17 =	sadd.s32 $0x60, s0;
	s18 =	simm.s32 $0x136F0  }
0x10b: {  	[hbm4b:s17+s3] =	stream.linear.scatter [tilespmem:s18], [sflag:$0x5], $0x80, $0x38;
	[tilespmem:$0x19E00] =	vst v63  }
0x10c: {  	s0 =	sadd.s32 $0x70, s0;
	s18 =	simm.s32 $0x13778  }
0x10d: {  	[hbm4b:s0+s3] =	stream.linear.scatter [tilespmem:s18], [sflag:$0x5], $0x80, $0x38;
	[tilespmem:$0x19E00] =	vst v63  }
0x10e: {  	s0 =	simm.s32 @!p0 $0x8  }
0x10f: {  	_ =	swait.ge @!p0 [sflag:s0], $0x400  }
0x110: {  	[sflag:s0] =	ssyncset.done @!p0 $0x0  }
0x111: {  	[sflag:s0] =	ssyncadd.s32 @!p0 $0xFFFFFC00  }
0x112: {  	_ =	swait.ge @!p0 [sflag:s0], $0x400  }
0x113: {  	[sflag:s0] =	ssyncset.done @!p0 $0x0  }
0x114: {  	[sflag:s0] =	ssyncadd.s32 @!p0 $0xFFFFFC00  }
0x115: {  	_ =	swait.ge @!p0 [sflag:s0], $0x400  }
0x116: {  	[sflag:s0] =	ssyncset.done @!p0 $0x0  }
0x117: {  	[sflag:s0] =	ssyncadd.s32 @!p0 $0xFFFFFC00  }
0x118: {  	_ =	swait.ge @!p0 [sflag:s0], $0x400  }
0x119: {  	[sflag:s0] =	ssyncset.done @!p0 $0x0  }
0x11a: {  	[sflag:s0] =	ssyncadd.s32 @!p0 $0xFFFFFC00  }
0x11b: {  	_ =	swait.ge @!p0 [sflag:s0], $0x400  }
0x11c: {  	[sflag:s0] =	ssyncset.done @!p0 $0x0  }
0x11d: {  	[sflag:s0] =	ssyncadd.s32 @!p0 $0xFFFFFC00  }
0x11e: {  	_ =	swait.ge @!p0 [sflag:s0], $0x400  }
0x11f: {  	[sflag:s0] =	ssyncset.done @!p0 $0x0  }
0x120: {  	[sflag:s0] =	ssyncadd.s32 @!p0 $0xFFFFFC00  }
0x121: {  	_ =	swait.ge @!p0 [sflag:s0], $0x400  }
0x122: {  	[sflag:s0] =	ssyncset.done @!p0 $0x0  }
0x123: {  	[sflag:s0] =	ssyncadd.s32 @!p0 $0xFFFFFC00  }
0x124: {  	s18 =	sor.u32 $0x3, s29;
	_ =	swait.ge @!p0 [sflag:s0], $0x400  }
0x125: {  	s17 =	sshll.u32 s18, $0x7;
	[sflag:s0] =	ssyncset.done @!p0 $0x0  }
0x126: {  	s1 =	sand.u32 $0x3FFFFF80, s17;
	s17 =	simm.s32 $0xF600;
	[sflag:s0] =	ssyncadd.s32 @!p0 $0xFFFFFC00  }
0x127: {  	[tilespmem:s17], [sflag:$0x4] =	stream.indirect.gather [hbm4b:s4+s16], $0x40, s1, s16, $0xb8;
	[tilespmem:$0x19E00] =	vst v63  }
0x128: {  	s29 =	sor.u32 $0x1, s29;
	_ =	swait.ge [sflag:s6], $0x2000  }
0x129: {  	s1 =	sshll.u32 s29, $0x6;
	[sflag:s6] =	ssyncset.done $0x0  }
0x12a: {  	s0 =	sand.u32 $0x3FFFFFC0, s1;
	[sflag:s6] =	ssyncadd.s32 $0xFFFFE000  }
0x12b: {  	s31 =	simm.s32 $0xB6F0;
	s17 =	simm.s32 $0x3;
	v9 =	vld [tilespmem:s0+$0x6400]  }
0x12c: {  	v4 =	vmov s17;
	v7 =	vld [tilespmem:s31+$0xFFFFFFD0]  }
0x12d: {  	v13 =	vand.u32 $0x7F, v4  }
0x12e: {  	s17 =	simm.s32 $0x0;
	v8 =	vadd.s32 v0, v13;
	v6 =	vld [tilespmem:s0+$0x6410]  }
0x12f: {  	s30 =	simm.s32 $0x2;
	v4 =	vmov s17;
	s17 =	simm.s32 $0x1;
	v10 =	vld [tilespmem:s31+$0xFFFFFF10]  }
0x130: {  	v14 =	vmov s30;
	v12 =	vand.u32 $0x7C, v4;
	v4 =	vmov s17;
	v11 =	vld [tilespmem:s31+$0xFFFFFF50]  }
0x131: {  	v15 =	vadd.s32 v0, v12;
	v19 =	vand.u32 $0x7D, v4;
	v16 =	vld [tilespmem:s31+$0xFFFFFF90];
	v7 =	vadd.f32 v7, v9  }
0x132: {  	v20 =	vand.u32 $0x7E, v14;
	v5 =	vld [tilespmem:s0+$0x6420];
	v17 =	vadd.s32 v0, v19  }
0x133: {  	v14 =	vadd.s32 v0, v20;
	v4 =	vld [tilespmem:s0+$0x6430];
	[tilespmem:v8+s15+$0x0] =	vst.idx.msk $0xffff, v7  }
0x134: {  	v7 =	vadd.f32 v10, v9;
	v8 =	vld [tilespmem:s31+$0xFFFFFFE0]  }
0x135: {  	v10 =	vadd.f32 v11, v9  }
0x136: {  	v11 =	vadd.s32 v1, v13;
	[tilespmem:v15+s15+$0x0] =	vst.idx.msk $0xffff, v7;
	v7 =	vadd.f32 v16, v9  }
0x137: {  	[tilespmem:v17+s15+$0x0] =	vst.idx.msk $0xffff, v10;
	v15 =	vld [tilespmem:s31+$0xFFFFFF20]  }
0x138: {  	v10 =	vld [tilespmem:s31+$0xFFFFFF60];
	[tilespmem:v14+s15+$0x0] =	vst.idx.msk $0xffff, v7  }
0x139: {  	v14 =	vld [tilespmem:s31+$0xFFFFFFA0];
	v7 =	vadd.f32 v8, v6  }
0x13a: {  	s30 =	simm.s32 $0xB7F0;
	s17 =	simm.s32 $0x7;
	v16 =	vadd.s32 v1, v19  }
0x13b: {  	s1 =	simm.s32 $0x4;
	v26 =	vadd.s32 v2, v13;
	v18 =	vld [tilespmem:s30+$0xFFFFFFD0];
	v17 =	vadd.s32 v1, v20;
	[tilespmem:v11+s15+$0x0] =	vst.idx.msk $0xffff, v7;
	v7 =	vmov s17  }
0x13c: {  	v21 =	vadd.s32 v1, v12;
	v8 =	vmov s1;
	v7 =	vand.u32 $0x7F, v7;
	v22 =	vld [tilespmem:s31+$0xFFFFFFF0]  }
0x13d: {  	v23 =	vld [tilespmem:s30+$0xFFFFFF10];
	v8 =	vand.u32 $0x7C, v8;
	v10 =	vadd.f32 v10, v6;
	s17 =	simm.s32 $0x5;
	v24 =	vadd.s32 v0, v7  }
0x13e: {  	v25 =	vld [tilespmem:s30+$0xFFFFFF50];
	s1 =	simm.s32 $0x6;
	v15 =	vadd.f32 v15, v6;
	v11 =	vadd.f32 v14, v6;
	v14 =	vmov s17  }
0x13f: {  	v27 =	vadd.s32 v0, v8;
	[tilespmem:v16+s15+$0x0] =	vst.idx.msk $0xffff, v10;
	v16 =	vmov s1;
	v10 =	vand.u32 $0x7D, v14;
	v14 =	vld [tilespmem:s30+$0xFFFFFF90]  }
0x140: {  	[tilespmem:v17+s15+$0x0] =	vst.idx.msk $0xffff, v11;
	v17 =	vadd.s32 v0, v10;
	v11 =	vand.u32 $0x7E, v16;
	v16 =	vadd.f32 v18, v9;
	v18 =	vld [tilespmem:s31+$0xFFFFFF70]  }
0x141: {  	[tilespmem:v21+s15+$0x0] =	vst.idx.msk $0xffff, v15;
	v15 =	vadd.s32 v0, v11;
	v21 =	vld [tilespmem:s31+$0xFFFFFFB0];
	v22 =	vadd.f32 v22, v5  }
0x142: {  	v23 =	vadd.f32 v23, v9;
	[tilespmem:v24+s15+$0x0] =	vst.idx.msk $0xffff, v16;
	v16 =	vld [tilespmem:s31+$0xFFFFFF30];
	v24 =	vadd.s32 v2, v19  }
0x143: {  	v60 =	vadd.s32 v2, v20;
	v25 =	vadd.f32 v25, v9;
	v59 =	vld [tilespmem:s30+$0xFFFFFFE0];
	[tilespmem:v26+s15+$0x0] =	vst.idx.msk $0xffff, v22  }
0x144: {  	[tilespmem:v27+s15+$0x0] =	vst.idx.msk $0xffff, v23;
	v23 =	vadd.s32 v2, v12;
	v14 =	vadd.f32 v14, v9;
	v26 =	vld [tilespmem:s31+$0x0]  }
0x145: {  	v27 =	vld [tilespmem:s30+$0xFFFFFF20];
	[tilespmem:v17+s15+$0x0] =	vst.idx.msk $0xffff, v25;
	v25 =	vadd.s32 v1, v7;
	v18 =	vadd.f32 v18, v5  }
0x146: {  	v62 =	vadd.s32 v3, v13;
	v61 =	vld [tilespmem:s30+$0xFFFFFF60];
	[tilespmem:v15+s15+$0x0] =	vst.idx.msk $0xffff, v14;
	v14 =	vadd.f32 v21, v5  }
0x147: {  	v22 =	vadd.s32 v1, v8;
	v17 =	vld [tilespmem:s30+$0xFFFFFFA0];
	v13 =	vadd.f32 v16, v5;
	[tilespmem:v24+s15+$0x0] =	vst.idx.msk $0xffff, v18  }
0x148: {  	s0 =	simm.s32 $0x8;
	v21 =	vadd.s32 v1, v10;
	[tilespmem:v60+s15+$0x0] =	vst.idx.msk $0xffff, v14;
	v18 =	vadd.f32 v59, v6;
	v16 =	vld [tilespmem:s31+$0xFFFFFF80]  }
0x149: {  	v24 =	vmov s0;
	v14 =	vadd.s32 v1, v11;
	v15 =	vld [tilespmem:s31+$0xFFFFFFC0];
	[tilespmem:v23+s15+$0x0] =	vst.idx.msk $0xffff, v13;
	v63 =	vadd.f32 v26, v4  }
0x14a: {  	s17 =	simm.s32 $0xB;
	v19 =	vadd.s32 v3, v19;
	v13 =	vand.u32 $0x7C, v24;
	v24 =	vadd.f32 v27, v6;
	[tilespmem:v25+s15+$0x0] =	vst.idx.msk $0xffff, v18;
	v18 =	vld [tilespmem:s31+$0xFFFFFF40];
	s31 =	simm.s32 $0xB8F0  }
0x14b: {  	v20 =	vadd.s32 v3, v20;
	s1 =	simm.s32 $0xC;
	v26 =	vmov s17;
	v25 =	vadd.f32 v61, v6;
	v23 =	vld [tilespmem:s31+$0xFFFFFFD0];
	[tilespmem:v62+s15+$0x0] =	vst.idx.msk $0xffff, v63  }
.LBB2_5:
0x14c: {  	p0 =	slt.u32 s1, $0x7C;
	s17 =	sadd.s32 $0x1, s0;
	v26 =	vand.u32 $0x7F, v26;
	[tilespmem:v22+s15+$0x0] =	vst.idx.msk $0xffff, v24;
	v17 =	vadd.f32 v17, v6;
	v22 =	vld [tilespmem:s30+$0xFFFFFFF0];
	v24 =	vadd.s32 v3, v12  }
0x14d: {  	v30 =	vmovc v11;
	v27 =	vld [tilespmem:s31+$0xFFFFFF10];
	v28 =	vmov s17;
	s17 =	sadd.s32 $0x2, s0;
	v29 =	vadd.s32 v0, v26;
	[tilespmem:v21+s15+$0x0] =	vst.idx.msk $0xffff, v25;
	v16 =	vadd.f32 v16, v4;
	s0 =	smov.u32 s1  }
0x14e: {  	v12 =	vmovc v8;
	v21 =	vld [tilespmem:s31+$0xFFFFFF50];
	v11 =	vmov s17;
	[tilespmem:v14+s15+$0x0] =	vst.idx.msk $0xffff, v17;
	v14 =	vadd.s32 v2, v7;
	v15 =	vadd.f32 v15, v4  }
0x14f: {  	v17 =	vadd.s32 v0, v13;
	v28 =	vand.u32 $0x7D, v28;
	v25 =	vld [tilespmem:s31+$0xFFFFFF90];
	v31 =	vadd.f32 v18, v4;
	[tilespmem:v19+s15+$0x0] =	vst.idx.msk $0xffff, v16  }
0x150: {  	v16 =	vadd.s32 v0, v28;
	v11 =	vand.u32 $0x7E, v11;
	v18 =	vadd.f32 v23, v9;
	v19 =	vld [tilespmem:s30+$0xFFFFFF70];
	[tilespmem:v20+s15+$0x0] =	vst.idx.msk $0xffff, v15  }
0x151: {  	v8 =	vmov v13;
	v15 =	vadd.s32 v0, v11;
	v20 =	vld [tilespmem:s30+$0xFFFFFFB0];
	v22 =	vadd.f32 v22, v5;
	[tilespmem:v24+s15+$0x0] =	vst.idx.msk $0xffff, v31  }
0x152: {  	v23 =	vadd.s32 v2, v10;
	v13 =	vadd.f32 v27, v9;
	[tilespmem:v29+s15+$0x0] =	vst.idx.msk $0xffff, v18;
	v18 =	vld [tilespmem:s30+$0xFFFFFF30]  }
0x153: {  	v27 =	vadd.s32 v2, v30;
	v21 =	vadd.f32 v21, v9;
	v24 =	vld [tilespmem:s31+$0xFFFFFFE0];
	[tilespmem:v14+s15+$0x0] =	vst.idx.msk $0xffff, v22  }
0x154: {  	[tilespmem:v17+s15+$0x0] =	vst.idx.msk $0xffff, v13;
	v13 =	vadd.f32 v25, v9;
	v25 =	vadd.s32 v2, v12;
	v29 =	vld [tilespmem:s30+$0x0]  }
0x155: {  	v32 =	vadd.s32 v1, v26;
	v31 =	vld [tilespmem:s31+$0xFFFFFF20];
	[tilespmem:v16+s15+$0x0] =	vst.idx.msk $0xffff, v21;
	v14 =	vadd.f32 v19, v5  }
0x156: {  	v34 =	vadd.s32 v3, v7;
	v7 =	vmov v26;
	v33 =	vld [tilespmem:s31+$0xFFFFFF60];
	[tilespmem:v15+s15+$0x0] =	vst.idx.msk $0xffff, v13;
	v13 =	vadd.f32 v20, v5  }
.Ltmp1:
0x157: {  	v22 =	vadd.s32 v1, v8;
	v17 =	vld [tilespmem:s31+$0xFFFFFFA0];
	v15 =	vadd.f32 v18, v5;
	[tilespmem:v23+s15+$0x0] =	vst.idx.msk $0xffff, v14;
	(pc) =	sbr.rel @p0 .LBB2_5-.Ltmp1, $4  }
0x158: {  	v21 =	vadd.s32 v1, v28;
	v18 =	vadd.f32 v24, v6;
	v16 =	vld [tilespmem:s30+$0xFFFFFF80];
	[tilespmem:v27+s15+$0x0] =	vst.idx.msk $0xffff, v13  }
0x159: {  	v14 =	vadd.s32 v1, v11;
	v13 =	vmov s1;
	[tilespmem:v25+s15+$0x0] =	vst.idx.msk $0xffff, v15;
	v15 =	vld [tilespmem:s30+$0xFFFFFFC0];
	v27 =	vadd.f32 v29, v4  }
0x15a: {  	s17 =	sadd.s32 $0x3, s1;
	v19 =	vadd.s32 v3, v10;
	v13 =	vand.u32 $0x7C, v13;
	v24 =	vadd.f32 v31, v6;
	[tilespmem:v32+s15+$0x0] =	vst.idx.msk $0xffff, v18;
	v18 =	vld [tilespmem:s30+$0xFFFFFF40];
	s30 =	smov.u32 s31;
	s31 =	sadd.s32 $0x100, s31  }
0x15b: {  	v26 =	vmov s17;
	v10 =	vmovc v28;
	v20 =	vadd.s32 v3, v30;
	s1 =	sadd.s32 $0x4, s1;
	v23 =	vld [tilespmem:s31+$0xFFFFFFD0];
	v25 =	vadd.f32 v33, v6;
	[tilespmem:v34+s15+$0x0] =	vst.idx.msk $0xffff, v27  }
0x15c: {  	s1 =	sadd.s32 $0x1, s0  }
0x15d: {  	v26 =	vand.u32 $0x7F, v26;
	s17 =	sadd.s32 $0x2, s0;
	v28 =	vld [tilespmem:s31+$0xFFFFFF50];
	v27 =	vmov s1  }
0x15e: {  	v31 =	vld [tilespmem:s31+$0xFFFFFF90];
	v29 =	vadd.s32 v0, v26;
	v30 =	vmov s17;
	v27 =	vand.u32 $0x7D, v27  }
0x15f: {  	v32 =	vld [tilespmem:s31+$0xFFFFFF10];
	v30 =	vand.u32 $0x7E, v30;
	v33 =	vadd.s32 v0, v27  }
0x160: {  	v34 =	vadd.s32 v0, v30  }
0x161: {  	[tilespmem:v22+s15+$0x0] =	vst.idx.msk $0xffff, v24;
	v22 =	vadd.s32 v0, v13;
	v23 =	vadd.f32 v23, v9  }
0x162: {  	[tilespmem:v21+s15+$0x0] =	vst.idx.msk $0xffff, v25;
	v21 =	vadd.f32 v28, v9  }
0x163: {  	[tilespmem:v29+s15+$0x0] =	vst.idx.msk $0xffff, v23;
	v23 =	vadd.f32 v31, v9  }
0x164: {  	v9 =	vadd.f32 v32, v9;
	v24 =	vld [tilespmem:s31+$0xFFFFFFE0];
	[tilespmem:v33+s15+$0x0] =	vst.idx.msk $0xffff, v21  }
0x165: {  	v17 =	vadd.f32 v17, v6;
	v12 =	vadd.s32 v3, v12;
	[tilespmem:v34+s15+$0x0] =	vst.idx.msk $0xffff, v23;
	v21 =	vld [tilespmem:s31+$0xFFFFFF60]  }
0x166: {  	v16 =	vadd.f32 v16, v4;
	[tilespmem:v22+s15+$0x0] =	vst.idx.msk $0xffff, v9;
	v9 =	vadd.s32 v1, v26;
	v22 =	vld [tilespmem:s31+$0xFFFFFFA0]  }
0x167: {  	[tilespmem:v14+s15+$0x0] =	vst.idx.msk $0xffff, v17;
	v14 =	vadd.f32 v15, v4;
	v17 =	vadd.s32 v1, v27;
	v15 =	vld [tilespmem:s31+$0xFFFFFF20]  }
0x168: {  	v18 =	vadd.f32 v18, v4;
	[tilespmem:v19+s15+$0x0] =	vst.idx.msk $0xffff, v16;
	v16 =	vadd.s32 v1, v30;
	v23 =	vld [tilespmem:s30+$0xFFFFFFF0]  }
0x169: {  	v19 =	vld [tilespmem:s30+$0xFFFFFF70];
	[tilespmem:v20+s15+$0x0] =	vst.idx.msk $0xffff, v14;
	v14 =	vadd.s32 v1, v13;
	v20 =	vadd.f32 v24, v6  }
0x16a: {  	v25 =	vld [tilespmem:s30+$0xFFFFFFB0];
	[tilespmem:v12+s15+$0x0] =	vst.idx.msk $0xffff, v18;
	v24 =	vadd.s32 v2, v7;
	v12 =	vadd.f32 v21, v6  }
0x16b: {  	v18 =	vld [tilespmem:s30+$0xFFFFFF30];
	v21 =	vadd.s32 v2, v10;
	[tilespmem:v9+s15+$0x0] =	vst.idx.msk $0xffff, v20;
	v9 =	vadd.f32 v22, v6  }
0x16c: {  	v20 =	vadd.s32 v2, v11;
	v6 =	vadd.f32 v15, v6;
	v15 =	vld [tilespmem:s31+$0xFFFFFFF0];
	[tilespmem:v17+s15+$0x0] =	vst.idx.msk $0xffff, v12  }
0x16d: {  	v12 =	vadd.f32 v23, v5;
	v17 =	vadd.s32 v2, v8;
	[tilespmem:v16+s15+$0x0] =	vst.idx.msk $0xffff, v9;
	v9 =	vld [tilespmem:s31+$0xFFFFFF70]  }
0x16e: {  	v16 =	vadd.f32 v19, v5;
	[tilespmem:v14+s15+$0x0] =	vst.idx.msk $0xffff, v6;
	v6 =	vadd.s32 v2, v26;
	v14 =	vld [tilespmem:s31+$0xFFFFFFB0]  }
0x16f: {  	v22 =	vadd.s32 v2, v27;
	v19 =	vld [tilespmem:s31+$0xFFFFFF30];
	[tilespmem:v24+s15+$0x0] =	vst.idx.msk $0xffff, v12;
	v12 =	vadd.f32 v25, v5  }
0x170: {  	v18 =	vadd.f32 v18, v5;
	v23 =	vld [tilespmem:s30+$0x0];
	[tilespmem:v21+s15+$0x0] =	vst.idx.msk $0xffff, v16;
	v16 =	vadd.s32 v2, v30  }
0x171: {  	v21 =	vld [tilespmem:s30+$0xFFFFFF80];
	[tilespmem:v20+s15+$0x0] =	vst.idx.msk $0xffff, v12;
	v12 =	vadd.f32 v15, v5;
	v15 =	vadd.s32 v2, v13  }
0x172: {  	v7 =	vadd.s32 v3, v7;
	[tilespmem:v17+s15+$0x0] =	vst.idx.msk $0xffff, v18;
	v17 =	vld [tilespmem:s30+$0xFFFFFFC0];
	v9 =	vadd.f32 v9, v5  }
0x173: {  	v10 =	vadd.s32 v3, v10;
	v18 =	vld [tilespmem:s30+$0xFFFFFF40];
	[tilespmem:v6+s15+$0x0] =	vst.idx.msk $0xffff, v12;
	v6 =	vadd.f32 v14, v5  }
0x174: {  	v11 =	vadd.s32 v3, v11;
	v5 =	vadd.f32 v19, v5;
	v12 =	vld [tilespmem:s31+$0x0];
	[tilespmem:v22+s15+$0x0] =	vst.idx.msk $0xffff, v9  }
0x175: {  	v8 =	vadd.s32 v3, v8;
	v9 =	vadd.f32 v23, v4;
	[tilespmem:v16+s15+$0x0] =	vst.idx.msk $0xffff, v6;
	v14 =	vld [tilespmem:s31+$0xFFFFFF80]  }
0x176: {  	v16 =	vadd.s32 v3, v26;
	v6 =	vadd.f32 v21, v4;
	[tilespmem:v15+s15+$0x0] =	vst.idx.msk $0xffff, v5;
	v5 =	vld [tilespmem:s31+$0xFFFFFFC0]  }
0x177: {  	v15 =	vadd.s32 v3, v27;
	[tilespmem:v7+s15+$0x0] =	vst.idx.msk $0xffff, v9;
	v7 =	vadd.f32 v17, v4;
	v9 =	vld [tilespmem:s31+$0xFFFFFF40]  }
0x178: {  	v17 =	vadd.f32 v18, v4;
	[tilespmem:v10+s15+$0x0] =	vst.idx.msk $0xffff, v6;
	v6 =	vadd.s32 v3, v30  }
0x179: {  	v10 =	vadd.s32 v3, v13;
	[tilespmem:v11+s15+$0x0] =	vst.idx.msk $0xffff, v7;
	v7 =	vadd.f32 v12, v4  }
0x17a: {  	[tilespmem:v8+s15+$0x0] =	vst.idx.msk $0xffff, v17;
	v8 =	vadd.f32 v14, v4  }
0x17b: {  	s1 =	sshll.u32 s29, $0x12;
	[tilespmem:v16+s15+$0x0] =	vst.idx.msk $0xffff, v7;
	v5 =	vadd.f32 v5, v4  }
0x17c: {  	s0 =	sor.u32 s7, s1;
	v4 =	vadd.f32 v9, v4;
	[tilespmem:v15+s15+$0x0] =	vst.idx.msk $0xffff, v8  }
0x17d: {  	s0 =	sshrl.u32 s0, $0x3;
	[tilespmem:v6+s15+$0x0] =	vst.idx.msk $0xffff, v5  }
0x17e: {  	s1 =	sadd.s32 s2, s0;
	[tilespmem:v10+s15+$0x0] =	vst.idx.msk $0xffff, v4  }
0x17f: {  	[hbm4b:s1+s3] =	stream.linear.scatter [tilespmem:s15], [sflag:$0x6], $0x80, $0x38;
	[tilespmem:$0x19E00] =	vst v63  }
0x180: {  	s29 =	simm.s32 $0x13888;
	s17 =	sadd.s32 $0x10, s1  }
0x181: {  	[hbm4b:s17+s3] =	stream.linear.scatter [tilespmem:s29], [sflag:$0x6], $0x80, $0x38;
	[tilespmem:$0x19E00] =	vst v63  }
0x182: {  	s17 =	sadd.s32 $0x20, s1;
	s29 =	simm.s32 $0x13910  }
0x183: {  	[hbm4b:s17+s3] =	stream.linear.scatter [tilespmem:s29], [sflag:$0x6], $0x80, $0x38;
	[tilespmem:$0x19E00] =	vst v63  }
0x184: {  	s17 =	sadd.s32 $0x30, s1;
	s29 =	simm.s32 $0x13998  }
0x185: {  	[hbm4b:s17+s3] =	stream.linear.scatter [tilespmem:s29], [sflag:$0x6], $0x80, $0x38;
	[tilespmem:$0x19E00] =	vst v63  }
0x186: {  	s17 =	sadd.s32 $0x40, s1;
	s29 =	simm.s32 $0x13A20  }
0x187: {  	[hbm4b:s17+s3] =	stream.linear.scatter [tilespmem:s29], [sflag:$0x6], $0x80, $0x38;
	[tilespmem:$0x19E00] =	vst v63  }
0x188: {  	s17 =	sadd.s32 $0x50, s1;
	s29 =	simm.s32 $0x13AA8  }
0x189: {  	[hbm4b:s17+s3] =	stream.linear.scatter [tilespmem:s29], [sflag:$0x6], $0x80, $0x38;
	[tilespmem:$0x19E00] =	vst v63  }
0x18a: {  	s17 =	sadd.s32 $0x60, s1;
	s29 =	simm.s32 $0x13B30  }
0x18b: {  	[hbm4b:s17+s3] =	stream.linear.scatter [tilespmem:s29], [sflag:$0x6], $0x80, $0x38;
	[tilespmem:$0x19E00] =	vst v63  }
0x18c: {  	s1 =	sadd.s32 $0x70, s1;
	s17 =	simm.s32 $0x13BB8  }
0x18d: {  	[hbm4b:s1+s3] =	stream.linear.scatter [tilespmem:s17], [sflag:$0x6], $0x80, $0x38;
	[tilespmem:$0x19E00] =	vst v63  }
0x18e: {  	s1 =	sadd.s32 s0, s8;
	s17 =	simm.s32 $0x13C40  }
0x18f: {  	[hbm4b:s1+s3] =	stream.linear.scatter [tilespmem:s17], [sflag:$0x6], $0x80, $0x38;
	[tilespmem:$0x19E00] =	vst v63  }
0x190: {  	s29 =	simm.s32 $0x13CC8;
	s17 =	sadd.s32 $0x10, s1  }
0x191: {  	[hbm4b:s17+s3] =	stream.linear.scatter [tilespmem:s29], [sflag:$0x6], $0x80, $0x38;
	[tilespmem:$0x19E00] =	vst v63  }
0x192: {  	s17 =	sadd.s32 $0x20, s1;
	s29 =	simm.s32 $0x13D50  }
0x193: {  	[hbm4b:s17+s3] =	stream.linear.scatter [tilespmem:s29], [sflag:$0x6], $0x80, $0x38;
	[tilespmem:$0x19E00] =	vst v63  }
0x194: {  	s17 =	sadd.s32 $0x30, s1;
	s29 =	simm.s32 $0x13DD8  }
0x195: {  	[hbm4b:s17+s3] =	stream.linear.scatter [tilespmem:s29], [sflag:$0x6], $0x80, $0x38;
	[tilespmem:$0x19E00] =	vst v63  }
0x196: {  	s17 =	sadd.s32 $0x40, s1;
	s29 =	simm.s32 $0x13E60  }
0x197: {  	[hbm4b:s17+s3] =	stream.linear.scatter [tilespmem:s29], [sflag:$0x6], $0x80, $0x38;
	[tilespmem:$0x19E00] =	vst v63  }
0x198: {  	s17 =	sadd.s32 $0x50, s1;
	s29 =	simm.s32 $0x13EE8  }
0x199: {  	[hbm4b:s17+s3] =	stream.linear.scatter [tilespmem:s29], [sflag:$0x6], $0x80, $0x38;
	[tilespmem:$0x19E00] =	vst v63  }
0x19a: {  	s17 =	sadd.s32 $0x60, s1;
	s29 =	simm.s32 $0x13F70  }
0x19b: {  	[hbm4b:s17+s3] =	stream.linear.scatter [tilespmem:s29], [sflag:$0x6], $0x80, $0x38;
	[tilespmem:$0x19E00] =	vst v63  }
0x19c: {  	s1 =	sadd.s32 $0x70, s1;
	s17 =	simm.s32 $0x13FF8  }
0x19d: {  	[hbm4b:s1+s3] =	stream.linear.scatter [tilespmem:s17], [sflag:$0x6], $0x80, $0x38;
	[tilespmem:$0x19E00] =	vst v63  }
0x19e: {  	s1 =	sadd.s32 s0, s9;
	s17 =	simm.s32 $0x14080  }
0x19f: {  	[hbm4b:s1+s3] =	stream.linear.scatter [tilespmem:s17], [sflag:$0x6], $0x80, $0x38;
	[tilespmem:$0x19E00] =	vst v63  }
0x1a0: {  	s29 =	simm.s32 $0x14108;
	s17 =	sadd.s32 $0x10, s1  }
0x1a1: {  	[hbm4b:s17+s3] =	stream.linear.scatter [tilespmem:s29], [sflag:$0x6], $0x80, $0x38;
	[tilespmem:$0x19E00] =	vst v63  }
0x1a2: {  	s17 =	sadd.s32 $0x20, s1;
	s29 =	simm.s32 $0x14190  }
0x1a3: {  	[hbm4b:s17+s3] =	stream.linear.scatter [tilespmem:s29], [sflag:$0x6], $0x80, $0x38;
	[tilespmem:$0x19E00] =	vst v63  }
0x1a4: {  	s17 =	sadd.s32 $0x30, s1;
	s29 =	simm.s32 $0x14218  }
0x1a5: {  	[hbm4b:s17+s3] =	stream.linear.scatter [tilespmem:s29], [sflag:$0x6], $0x80, $0x38;
	[tilespmem:$0x19E00] =	vst v63  }
0x1a6: {  	s17 =	sadd.s32 $0x40, s1;
	s29 =	simm.s32 $0x142A0  }
0x1a7: {  	[hbm4b:s17+s3] =	stream.linear.scatter [tilespmem:s29], [sflag:$0x6], $0x80, $0x38;
	[tilespmem:$0x19E00] =	vst v63  }
0x1a8: {  	s17 =	sadd.s32 $0x50, s1;
	s29 =	simm.s32 $0x14328  }
0x1a9: {  	[hbm4b:s17+s3] =	stream.linear.scatter [tilespmem:s29], [sflag:$0x6], $0x80, $0x38;
	[tilespmem:$0x19E00] =	vst v63  }
0x1aa: {  	s17 =	sadd.s32 $0x60, s1;
	s29 =	simm.s32 $0x143B0  }
0x1ab: {  	[hbm4b:s17+s3] =	stream.linear.scatter [tilespmem:s29], [sflag:$0x6], $0x80, $0x38;
	[tilespmem:$0x19E00] =	vst v63  }
0x1ac: {  	s1 =	sadd.s32 $0x70, s1;
	s17 =	simm.s32 $0x14438  }
0x1ad: {  	[hbm4b:s1+s3] =	stream.linear.scatter [tilespmem:s17], [sflag:$0x6], $0x80, $0x38;
	[tilespmem:$0x19E00] =	vst v63  }
0x1ae: {  	s1 =	sadd.s32 s0, s10;
	s17 =	simm.s32 $0x144C0  }
0x1af: {  	[hbm4b:s1+s3] =	stream.linear.scatter [tilespmem:s17], [sflag:$0x6], $0x80, $0x38;
	[tilespmem:$0x19E00] =	vst v63  }
0x1b0: {  	s29 =	simm.s32 $0x14548;
	s17 =	sadd.s32 $0x10, s1  }
0x1b1: {  	[hbm4b:s17+s3] =	stream.linear.scatter [tilespmem:s29], [sflag:$0x6], $0x80, $0x38;
	[tilespmem:$0x19E00] =	vst v63  }
0x1b2: {  	s17 =	sadd.s32 $0x20, s1;
	s29 =	simm.s32 $0x145D0  }
0x1b3: {  	[hbm4b:s17+s3] =	stream.linear.scatter [tilespmem:s29], [sflag:$0x6], $0x80, $0x38;
	[tilespmem:$0x19E00] =	vst v63  }
0x1b4: {  	s17 =	sadd.s32 $0x30, s1;
	s29 =	simm.s32 $0x14658  }
0x1b5: {  	[hbm4b:s17+s3] =	stream.linear.scatter [tilespmem:s29], [sflag:$0x6], $0x80, $0x38;
	[tilespmem:$0x19E00] =	vst v63  }
0x1b6: {  	s17 =	sadd.s32 $0x40, s1;
	s29 =	simm.s32 $0x146E0  }
0x1b7: {  	[hbm4b:s17+s3] =	stream.linear.scatter [tilespmem:s29], [sflag:$0x6], $0x80, $0x38;
	[tilespmem:$0x19E00] =	vst v63  }
0x1b8: {  	s17 =	sadd.s32 $0x50, s1;
	s29 =	simm.s32 $0x14768  }
0x1b9: {  	[hbm4b:s17+s3] =	stream.linear.scatter [tilespmem:s29], [sflag:$0x6], $0x80, $0x38;
	[tilespmem:$0x19E00] =	vst v63  }
0x1ba: {  	s17 =	sadd.s32 $0x60, s1;
	s29 =	simm.s32 $0x147F0  }
0x1bb: {  	[hbm4b:s17+s3] =	stream.linear.scatter [tilespmem:s29], [sflag:$0x6], $0x80, $0x38;
	[tilespmem:$0x19E00] =	vst v63  }
0x1bc: {  	s1 =	sadd.s32 $0x70, s1;
	s17 =	simm.s32 $0x14878  }
0x1bd: {  	[hbm4b:s1+s3] =	stream.linear.scatter [tilespmem:s17], [sflag:$0x6], $0x80, $0x38;
	[tilespmem:$0x19E00] =	vst v63  }
0x1be: {  	s1 =	sadd.s32 s0, s11;
	s17 =	simm.s32 $0x14900  }
0x1bf: {  	[hbm4b:s1+s3] =	stream.linear.scatter [tilespmem:s17], [sflag:$0x6], $0x80, $0x38;
	[tilespmem:$0x19E00] =	vst v63  }
0x1c0: {  	s29 =	simm.s32 $0x14988;
	s17 =	sadd.s32 $0x10, s1  }
0x1c1: {  	[hbm4b:s17+s3] =	stream.linear.scatter [tilespmem:s29], [sflag:$0x6], $0x80, $0x38;
	[tilespmem:$0x19E00] =	vst v63  }
0x1c2: {  	s17 =	sadd.s32 $0x20, s1;
	s29 =	simm.s32 $0x14A10  }
0x1c3: {  	[hbm4b:s17+s3] =	stream.linear.scatter [tilespmem:s29], [sflag:$0x6], $0x80, $0x38;
	[tilespmem:$0x19E00] =	vst v63  }
0x1c4: {  	s17 =	sadd.s32 $0x30, s1;
	s29 =	simm.s32 $0x14A98  }
0x1c5: {  	[hbm4b:s17+s3] =	stream.linear.scatter [tilespmem:s29], [sflag:$0x6], $0x80, $0x38;
	[tilespmem:$0x19E00] =	vst v63  }
0x1c6: {  	s17 =	sadd.s32 $0x40, s1;
	s29 =	simm.s32 $0x14B20  }
0x1c7: {  	[hbm4b:s17+s3] =	stream.linear.scatter [tilespmem:s29], [sflag:$0x6], $0x80, $0x38;
	[tilespmem:$0x19E00] =	vst v63  }
0x1c8: {  	s17 =	sadd.s32 $0x50, s1;
	s29 =	simm.s32 $0x14BA8  }
0x1c9: {  	[hbm4b:s17+s3] =	stream.linear.scatter [tilespmem:s29], [sflag:$0x6], $0x80, $0x38;
	[tilespmem:$0x19E00] =	vst v63  }
0x1ca: {  	s17 =	sadd.s32 $0x60, s1;
	s29 =	simm.s32 $0x14C30  }
0x1cb: {  	[hbm4b:s17+s3] =	stream.linear.scatter [tilespmem:s29], [sflag:$0x6], $0x80, $0x38;
	[tilespmem:$0x19E00] =	vst v63  }
0x1cc: {  	s1 =	sadd.s32 $0x70, s1;
	s17 =	simm.s32 $0x14CB8  }
0x1cd: {  	[hbm4b:s1+s3] =	stream.linear.scatter [tilespmem:s17], [sflag:$0x6], $0x80, $0x38;
	[tilespmem:$0x19E00] =	vst v63  }
0x1ce: {  	s1 =	sadd.s32 s0, s12;
	s17 =	simm.s32 $0x14D40  }
0x1cf: {  	[hbm4b:s1+s3] =	stream.linear.scatter [tilespmem:s17], [sflag:$0x6], $0x80, $0x38;
	[tilespmem:$0x19E00] =	vst v63  }
0x1d0: {  	s29 =	simm.s32 $0x14DC8;
	s17 =	sadd.s32 $0x10, s1  }
0x1d1: {  	[hbm4b:s17+s3] =	stream.linear.scatter [tilespmem:s29], [sflag:$0x6], $0x80, $0x38;
	[tilespmem:$0x19E00] =	vst v63  }
0x1d2: {  	s17 =	sadd.s32 $0x20, s1;
	s29 =	simm.s32 $0x14E50  }
0x1d3: {  	[hbm4b:s17+s3] =	stream.linear.scatter [tilespmem:s29], [sflag:$0x6], $0x80, $0x38;
	[tilespmem:$0x19E00] =	vst v63  }
0x1d4: {  	s17 =	sadd.s32 $0x30, s1;
	s29 =	simm.s32 $0x14ED8  }
0x1d5: {  	[hbm4b:s17+s3] =	stream.linear.scatter [tilespmem:s29], [sflag:$0x6], $0x80, $0x38;
	[tilespmem:$0x19E00] =	vst v63  }
0x1d6: {  	s17 =	sadd.s32 $0x40, s1;
	s29 =	simm.s32 $0x14F60  }
0x1d7: {  	[hbm4b:s17+s3] =	stream.linear.scatter [tilespmem:s29], [sflag:$0x6], $0x80, $0x38;
	[tilespmem:$0x19E00] =	vst v63  }
0x1d8: {  	s17 =	sadd.s32 $0x50, s1;
	s29 =	simm.s32 $0x14FE8  }
0x1d9: {  	[hbm4b:s17+s3] =	stream.linear.scatter [tilespmem:s29], [sflag:$0x6], $0x80, $0x38;
	[tilespmem:$0x19E00] =	vst v63  }
0x1da: {  	s17 =	sadd.s32 $0x60, s1;
	s29 =	simm.s32 $0x15070  }
0x1db: {  	[hbm4b:s17+s3] =	stream.linear.scatter [tilespmem:s29], [sflag:$0x6], $0x80, $0x38;
	[tilespmem:$0x19E00] =	vst v63  }
0x1dc: {  	s1 =	sadd.s32 $0x70, s1;
	s17 =	simm.s32 $0x150F8  }
0x1dd: {  	[hbm4b:s1+s3] =	stream.linear.scatter [tilespmem:s17], [sflag:$0x6], $0x80, $0x38;
	[tilespmem:$0x19E00] =	vst v63  }
0x1de: {  	s1 =	sadd.s32 s0, s13;
	s17 =	simm.s32 $0x15180  }
0x1df: {  	[hbm4b:s1+s3] =	stream.linear.scatter [tilespmem:s17], [sflag:$0x6], $0x80, $0x38;
	[tilespmem:$0x19E00] =	vst v63  }
0x1e0: {  	s29 =	simm.s32 $0x15208;
	s17 =	sadd.s32 $0x10, s1  }
0x1e1: {  	[hbm4b:s17+s3] =	stream.linear.scatter [tilespmem:s29], [sflag:$0x6], $0x80, $0x38;
	[tilespmem:$0x19E00] =	vst v63  }
0x1e2: {  	s17 =	sadd.s32 $0x20, s1;
	s29 =	simm.s32 $0x15290  }
0x1e3: {  	[hbm4b:s17+s3] =	stream.linear.scatter [tilespmem:s29], [sflag:$0x6], $0x80, $0x38;
	[tilespmem:$0x19E00] =	vst v63  }
0x1e4: {  	s17 =	sadd.s32 $0x30, s1;
	s29 =	simm.s32 $0x15318  }
0x1e5: {  	[hbm4b:s17+s3] =	stream.linear.scatter [tilespmem:s29], [sflag:$0x6], $0x80, $0x38;
	[tilespmem:$0x19E00] =	vst v63  }
0x1e6: {  	s17 =	sadd.s32 $0x40, s1;
	s29 =	simm.s32 $0x153A0  }
0x1e7: {  	[hbm4b:s17+s3] =	stream.linear.scatter [tilespmem:s29], [sflag:$0x6], $0x80, $0x38;
	[tilespmem:$0x19E00] =	vst v63  }
0x1e8: {  	s17 =	sadd.s32 $0x50, s1;
	s29 =	simm.s32 $0x15428  }
0x1e9: {  	[hbm4b:s17+s3] =	stream.linear.scatter [tilespmem:s29], [sflag:$0x6], $0x80, $0x38;
	[tilespmem:$0x19E00] =	vst v63  }
0x1ea: {  	s17 =	sadd.s32 $0x60, s1;
	s29 =	simm.s32 $0x154B0  }
0x1eb: {  	[hbm4b:s17+s3] =	stream.linear.scatter [tilespmem:s29], [sflag:$0x6], $0x80, $0x38;
	[tilespmem:$0x19E00] =	vst v63  }
0x1ec: {  	s1 =	sadd.s32 $0x70, s1;
	s17 =	simm.s32 $0x15538  }
0x1ed: {  	[hbm4b:s1+s3] =	stream.linear.scatter [tilespmem:s17], [sflag:$0x6], $0x80, $0x38;
	[tilespmem:$0x19E00] =	vst v63  }
0x1ee: {  	s0 =	sadd.s32 s0, s14;
	s17 =	simm.s32 $0x155C0  }
0x1ef: {  	[hbm4b:s0+s3] =	stream.linear.scatter [tilespmem:s17], [sflag:$0x6], $0x80, $0x38;
	[tilespmem:$0x19E00] =	vst v63  }
0x1f0: {  	s1 =	sadd.s32 $0x10, s0;
	s17 =	simm.s32 $0x15648  }
0x1f1: {  	[hbm4b:s1+s3] =	stream.linear.scatter [tilespmem:s17], [sflag:$0x6], $0x80, $0x38;
	[tilespmem:$0x19E00] =	vst v63  }
0x1f2: {  	s1 =	sadd.s32 $0x20, s0;
	s17 =	simm.s32 $0x156D0  }
0x1f3: {  	[hbm4b:s1+s3] =	stream.linear.scatter [tilespmem:s17], [sflag:$0x6], $0x80, $0x38;
	[tilespmem:$0x19E00] =	vst v63  }
0x1f4: {  	s1 =	sadd.s32 $0x30, s0;
	s17 =	simm.s32 $0x15758  }
0x1f5: {  	[hbm4b:s1+s3] =	stream.linear.scatter [tilespmem:s17], [sflag:$0x6], $0x80, $0x38;
	[tilespmem:$0x19E00] =	vst v63  }
0x1f6: {  	s1 =	sadd.s32 $0x40, s0;
	s17 =	simm.s32 $0x157E0  }
0x1f7: {  	[hbm4b:s1+s3] =	stream.linear.scatter [tilespmem:s17], [sflag:$0x6], $0x80, $0x38;
	[tilespmem:$0x19E00] =	vst v63  }
0x1f8: {  	s1 =	sadd.s32 $0x50, s0;
	s17 =	simm.s32 $0x15868  }
0x1f9: {  	[hbm4b:s1+s3] =	stream.linear.scatter [tilespmem:s17], [sflag:$0x6], $0x80, $0x38;
	[tilespmem:$0x19E00] =	vst v63  }
0x1fa: {  	s1 =	sadd.s32 $0x60, s0;
	s17 =	simm.s32 $0x158F0  }
0x1fb: {  	[hbm4b:s1+s3] =	stream.linear.scatter [tilespmem:s17], [sflag:$0x6], $0x80, $0x38;
	[tilespmem:$0x19E00] =	vst v63  }
0x1fc: {  	p0 =	seq.s32 s21, $0x31;
	s0 =	sadd.s32 $0x70, s0;
	s17 =	simm.s32 $0x15978  }
0x1fd: {  	[hbm4b:s0+s3] =	stream.linear.scatter [tilespmem:s17], [sflag:$0x6], $0x80, $0x38;
	[tilespmem:$0x19E00] =	vst v63  }
0x1fe: {  	s0 =	simm.s32 @!p0 $0x5  }
0x1ff: {  	_ =	swait.ge @!p0 [sflag:s0], $0x400  }
0x200: {  	[sflag:s0] =	ssyncset.done @!p0 $0x0  }
0x201: {  	[sflag:s0] =	ssyncadd.s32 @!p0 $0xFFFFFC00  }
0x202: {  	_ =	swait.ge @!p0 [sflag:s0], $0x400  }
0x203: {  	[sflag:s0] =	ssyncset.done @!p0 $0x0  }
0x204: {  	[sflag:s0] =	ssyncadd.s32 @!p0 $0xFFFFFC00  }
0x205: {  	_ =	swait.ge @!p0 [sflag:s0], $0x400  }
0x206: {  	[sflag:s0] =	ssyncset.done @!p0 $0x0  }
0x207: {  	[sflag:s0] =	ssyncadd.s32 @!p0 $0xFFFFFC00  }
0x208: {  	_ =	swait.ge @!p0 [sflag:s0], $0x400  }
0x209: {  	[sflag:s0] =	ssyncset.done @!p0 $0x0  }
0x20a: {  	[sflag:s0] =	ssyncadd.s32 @!p0 $0xFFFFFC00  }
0x20b: {  	_ =	swait.ge @!p0 [sflag:s0], $0x400  }
0x20c: {  	[sflag:s0] =	ssyncset.done @!p0 $0x0  }
0x20d: {  	[sflag:s0] =	ssyncadd.s32 @!p0 $0xFFFFFC00  }
0x20e: {  	_ =	swait.ge @!p0 [sflag:s0], $0x400  }
0x20f: {  	[sflag:s0] =	ssyncset.done @!p0 $0x0  }
0x210: {  	[sflag:s0] =	ssyncadd.s32 @!p0 $0xFFFFFC00  }
0x211: {  	_ =	swait.ge @!p0 [sflag:s0], $0x400  }
0x212: {  	[sflag:s0] =	ssyncset.done @!p0 $0x0  }
0x213: {  	[sflag:s0] =	ssyncadd.s32 @!p0 $0xFFFFFC00  }
0x214: {  	s1 =	sshll.u32 @!p0 s21, $0x9;
	_ =	swait.ge @!p0 [sflag:s0], $0x400  }
0x215: {  	s29 =	sand.u32 @!p0 $0x3FFFFE00, s1;
	s1 =	simm.s32 @!p0 $0x80;
	[sflag:s0] =	ssyncset.done @!p0 $0x0  }
0x216: {  	s17 =	simm.s32 @!p0 $0x9600;
	[sflag:s0] =	ssyncadd.s32 @!p0 $0xFFFFFC00;
	s0 =	sadd.s32 @!p0 $0x200, s29  }
0x217: {  	[tilespmem:s17], [sflag:$0x1] =	stream.indirect.gather @!p0 [hbm4b:s4+s1], $0x40, s0, s1, $0xb8;
	[tilespmem:$0x19E00] =	vst v63  }
0x218: {  	_ =	swait.ge [sflag:s26], $0x2000  }
0x219: {  	s1 =	sshll.u32 s5, $0x6;
	[sflag:s26] =	ssyncset.done $0x0  }
0x21a: {  	s0 =	sand.u32 $0x3FFFFFC0, s1;
	[sflag:s26] =	ssyncadd.s32 $0xFFFFE000  }
0x21b: {  	s31 =	simm.s32 $0xD6F0;
	s17 =	simm.s32 $0x3;
	v9 =	vld [tilespmem:s0+$0x6400]  }
0x21c: {  	v4 =	vmov s17;
	v7 =	vld [tilespmem:s31+$0xFFFFFFD0]  }
0x21d: {  	v13 =	vand.u32 $0x7F, v4  }
0x21e: {  	s17 =	simm.s32 $0x0;
	v8 =	vadd.s32 v0, v13;
	v6 =	vld [tilespmem:s0+$0x6410]  }
0x21f: {  	s1 =	simm.s32 $0x1;
	v4 =	vmov s17;
	s17 =	simm.s32 $0x2;
	v10 =	vld [tilespmem:s31+$0xFFFFFF10]  }
0x220: {  	v12 =	vand.u32 $0x7C, v4;
	v4 =	vmov s1;
	v14 =	vmov s17;
	v11 =	vld [tilespmem:s31+$0xFFFFFF50]  }
0x221: {  	v15 =	vadd.s32 v0, v12;
	v19 =	vand.u32 $0x7D, v4;
	v16 =	vld [tilespmem:s31+$0xFFFFFF90];
	v7 =	vadd.f32 v7, v9  }
0x222: {  	v5 =	vld [tilespmem:s0+$0x6420];
	v20 =	vand.u32 $0x7E, v14;
	v17 =	vadd.s32 v0, v19  }
0x223: {  	v4 =	vld [tilespmem:s0+$0x6430];
	v14 =	vadd.s32 v0, v20;
	[tilespmem:v8+s28+$0x0] =	vst.idx.msk $0xffff, v7  }
0x224: {  	v7 =	vadd.f32 v10, v9;
	v8 =	vld [tilespmem:s31+$0xFFFFFFE0]  }
0x225: {  	v10 =	vadd.f32 v11, v9  }
0x226: {  	v11 =	vadd.s32 v1, v13;
	[tilespmem:v15+s28+$0x0] =	vst.idx.msk $0xffff, v7;
	v7 =	vadd.f32 v16, v9  }
0x227: {  	[tilespmem:v17+s28+$0x0] =	vst.idx.msk $0xffff, v10;
	v15 =	vld [tilespmem:s31+$0xFFFFFF20]  }
0x228: {  	v10 =	vld [tilespmem:s31+$0xFFFFFF60];
	[tilespmem:v14+s28+$0x0] =	vst.idx.msk $0xffff, v7  }
0x229: {  	v14 =	vld [tilespmem:s31+$0xFFFFFFA0];
	v7 =	vadd.f32 v8, v6  }
0x22a: {  	s30 =	simm.s32 $0xD7F0;
	s17 =	simm.s32 $0x7;
	v16 =	vadd.s32 v1, v19  }
0x22b: {  	s1 =	simm.s32 $0x4;
	v26 =	vadd.s32 v2, v13;
	v18 =	vld [tilespmem:s30+$0xFFFFFFD0];
	v17 =	vadd.s32 v1, v20;
	[tilespmem:v11+s28+$0x0] =	vst.idx.msk $0xffff, v7;
	v7 =	vmov s17  }
0x22c: {  	v21 =	vadd.s32 v1, v12;
	v8 =	vmov s1;
	v7 =	vand.u32 $0x7F, v7;
	v22 =	vld [tilespmem:s31+$0xFFFFFFF0]  }
0x22d: {  	v23 =	vld [tilespmem:s30+$0xFFFFFF10];
	v8 =	vand.u32 $0x7C, v8;
	v10 =	vadd.f32 v10, v6;
	s17 =	simm.s32 $0x5;
	v24 =	vadd.s32 v0, v7  }
0x22e: {  	v25 =	vld [tilespmem:s30+$0xFFFFFF50];
	s1 =	simm.s32 $0x6;
	v15 =	vadd.f32 v15, v6;
	v11 =	vadd.f32 v14, v6;
	v14 =	vmov s17  }
0x22f: {  	v27 =	vadd.s32 v0, v8;
	[tilespmem:v16+s28+$0x0] =	vst.idx.msk $0xffff, v10;
	v16 =	vmov s1;
	v10 =	vand.u32 $0x7D, v14;
	v14 =	vld [tilespmem:s30+$0xFFFFFF90]  }
0x230: {  	[tilespmem:v17+s28+$0x0] =	vst.idx.msk $0xffff, v11;
	v17 =	vadd.s32 v0, v10;
	v11 =	vand.u32 $0x7E, v16;
	v16 =	vadd.f32 v18, v9;
	v18 =	vld [tilespmem:s31+$0xFFFFFF70]  }
0x231: {  	[tilespmem:v21+s28+$0x0] =	vst.idx.msk $0xffff, v15;
	v15 =	vadd.s32 v0, v11;
	v21 =	vld [tilespmem:s31+$0xFFFFFFB0];
	v22 =	vadd.f32 v22, v5  }
0x232: {  	v23 =	vadd.f32 v23, v9;
	[tilespmem:v24+s28+$0x0] =	vst.idx.msk $0xffff, v16;
	v16 =	vld [tilespmem:s31+$0xFFFFFF30];
	v24 =	vadd.s32 v2, v19  }
0x233: {  	v60 =	vadd.s32 v2, v20;
	v25 =	vadd.f32 v25, v9;
	v59 =	vld [tilespmem:s30+$0xFFFFFFE0];
	[tilespmem:v26+s28+$0x0] =	vst.idx.msk $0xffff, v22  }
0x234: {  	[tilespmem:v27+s28+$0x0] =	vst.idx.msk $0xffff, v23;
	v23 =	vadd.s32 v2, v12;
	v14 =	vadd.f32 v14, v9;
	v26 =	vld [tilespmem:s31+$0x0]  }
0x235: {  	v27 =	vld [tilespmem:s30+$0xFFFFFF20];
	[tilespmem:v17+s28+$0x0] =	vst.idx.msk $0xffff, v25;
	v25 =	vadd.s32 v1, v7;
	v18 =	vadd.f32 v18, v5  }
0x236: {  	v62 =	vadd.s32 v3, v13;
	v61 =	vld [tilespmem:s30+$0xFFFFFF60];
	[tilespmem:v15+s28+$0x0] =	vst.idx.msk $0xffff, v14;
	v14 =	vadd.f32 v21, v5  }
0x237: {  	v22 =	vadd.s32 v1, v8;
	v17 =	vld [tilespmem:s30+$0xFFFFFFA0];
	v13 =	vadd.f32 v16, v5;
	[tilespmem:v24+s28+$0x0] =	vst.idx.msk $0xffff, v18  }
0x238: {  	s0 =	simm.s32 $0x8;
	v21 =	vadd.s32 v1, v10;
	[tilespmem:v60+s28+$0x0] =	vst.idx.msk $0xffff, v14;
	v18 =	vadd.f32 v59, v6;
	v16 =	vld [tilespmem:s31+$0xFFFFFF80]  }
0x239: {  	v24 =	vmov s0;
	v14 =	vadd.s32 v1, v11;
	v15 =	vld [tilespmem:s31+$0xFFFFFFC0];
	[tilespmem:v23+s28+$0x0] =	vst.idx.msk $0xffff, v13;
	v63 =	vadd.f32 v26, v4  }
0x23a: {  	s17 =	simm.s32 $0xB;
	v19 =	vadd.s32 v3, v19;
	v13 =	vand.u32 $0x7C, v24;
	v24 =	vadd.f32 v27, v6;
	[tilespmem:v25+s28+$0x0] =	vst.idx.msk $0xffff, v18;
	v18 =	vld [tilespmem:s31+$0xFFFFFF40];
	s31 =	simm.s32 $0xD8F0  }
0x23b: {  	v20 =	vadd.s32 v3, v20;
	s1 =	simm.s32 $0xC;
	v26 =	vmov s17;
	v25 =	vadd.f32 v61, v6;
	v23 =	vld [tilespmem:s31+$0xFFFFFFD0];
	[tilespmem:v62+s28+$0x0] =	vst.idx.msk $0xffff, v63  }
.LBB2_7:
0x23c: {  	p1 =	slt.u32 s1, $0x7C;
	s17 =	sadd.s32 $0x1, s0;
	v26 =	vand.u32 $0x7F, v26;
	[tilespmem:v22+s28+$0x0] =	vst.idx.msk $0xffff, v24;
	v17 =	vadd.f32 v17, v6;
	v22 =	vld [tilespmem:s30+$0xFFFFFFF0];
	v24 =	vadd.s32 v3, v12  }
0x23d: {  	v30 =	vmovc v11;
	v27 =	vld [tilespmem:s31+$0xFFFFFF10];
	v28 =	vmov s17;
	s17 =	sadd.s32 $0x2, s0;
	v29 =	vadd.s32 v0, v26;
	[tilespmem:v21+s28+$0x0] =	vst.idx.msk $0xffff, v25;
	v16 =	vadd.f32 v16, v4;
	s0 =	smov.u32 s1  }
0x23e: {  	v12 =	vmovc v8;
	v21 =	vld [tilespmem:s31+$0xFFFFFF50];
	v11 =	vmov s17;
	[tilespmem:v14+s28+$0x0] =	vst.idx.msk $0xffff, v17;
	v14 =	vadd.s32 v2, v7;
	v15 =	vadd.f32 v15, v4  }
0x23f: {  	v17 =	vadd.s32 v0, v13;
	v28 =	vand.u32 $0x7D, v28;
	v25 =	vld [tilespmem:s31+$0xFFFFFF90];
	v31 =	vadd.f32 v18, v4;
	[tilespmem:v19+s28+$0x0] =	vst.idx.msk $0xffff, v16  }
0x240: {  	v16 =	vadd.s32 v0, v28;
	v11 =	vand.u32 $0x7E, v11;
	v18 =	vadd.f32 v23, v9;
	v19 =	vld [tilespmem:s30+$0xFFFFFF70];
	[tilespmem:v20+s28+$0x0] =	vst.idx.msk $0xffff, v15  }
0x241: {  	v8 =	vmov v13;
	v15 =	vadd.s32 v0, v11;
	v20 =	vld [tilespmem:s30+$0xFFFFFFB0];
	v22 =	vadd.f32 v22, v5;
	[tilespmem:v24+s28+$0x0] =	vst.idx.msk $0xffff, v31  }
0x242: {  	v23 =	vadd.s32 v2, v10;
	v13 =	vadd.f32 v27, v9;
	[tilespmem:v29+s28+$0x0] =	vst.idx.msk $0xffff, v18;
	v18 =	vld [tilespmem:s30+$0xFFFFFF30]  }
0x243: {  	v27 =	vadd.s32 v2, v30;
	v21 =	vadd.f32 v21, v9;
	v24 =	vld [tilespmem:s31+$0xFFFFFFE0];
	[tilespmem:v14+s28+$0x0] =	vst.idx.msk $0xffff, v22  }
0x244: {  	[tilespmem:v17+s28+$0x0] =	vst.idx.msk $0xffff, v13;
	v13 =	vadd.f32 v25, v9;
	v25 =	vadd.s32 v2, v12;
	v29 =	vld [tilespmem:s30+$0x0]  }
0x245: {  	v32 =	vadd.s32 v1, v26;
	v31 =	vld [tilespmem:s31+$0xFFFFFF20];
	[tilespmem:v16+s28+$0x0] =	vst.idx.msk $0xffff, v21;
	v14 =	vadd.f32 v19, v5  }
0x246: {  	v34 =	vadd.s32 v3, v7;
	v7 =	vmov v26;
	v33 =	vld [tilespmem:s31+$0xFFFFFF60];
	[tilespmem:v15+s28+$0x0] =	vst.idx.msk $0xffff, v13;
	v13 =	vadd.f32 v20, v5  }
.Ltmp2:
0x247: {  	v22 =	vadd.s32 v1, v8;
	v17 =	vld [tilespmem:s31+$0xFFFFFFA0];
	v15 =	vadd.f32 v18, v5;
	[tilespmem:v23+s28+$0x0] =	vst.idx.msk $0xffff, v14;
	(pc) =	sbr.rel @p1 .LBB2_7-.Ltmp2, $4  }
0x248: {  	v21 =	vadd.s32 v1, v28;
	v18 =	vadd.f32 v24, v6;
	v16 =	vld [tilespmem:s30+$0xFFFFFF80];
	[tilespmem:v27+s28+$0x0] =	vst.idx.msk $0xffff, v13  }
0x249: {  	v14 =	vadd.s32 v1, v11;
	v13 =	vmov s1;
	[tilespmem:v25+s28+$0x0] =	vst.idx.msk $0xffff, v15;
	v15 =	vld [tilespmem:s30+$0xFFFFFFC0];
	v27 =	vadd.f32 v29, v4  }
0x24a: {  	s17 =	sadd.s32 $0x3, s1;
	v19 =	vadd.s32 v3, v10;
	v13 =	vand.u32 $0x7C, v13;
	v24 =	vadd.f32 v31, v6;
	[tilespmem:v32+s28+$0x0] =	vst.idx.msk $0xffff, v18;
	v18 =	vld [tilespmem:s30+$0xFFFFFF40];
	s30 =	smov.u32 s31;
	s31 =	sadd.s32 $0x100, s31  }
0x24b: {  	v26 =	vmov s17;
	v10 =	vmovc v28;
	v20 =	vadd.s32 v3, v30;
	s1 =	sadd.s32 $0x4, s1;
	v23 =	vld [tilespmem:s31+$0xFFFFFFD0];
	v25 =	vadd.f32 v33, v6;
	[tilespmem:v34+s28+$0x0] =	vst.idx.msk $0xffff, v27  }
0x24c: {  	s1 =	sadd.s32 $0x1, s0  }
0x24d: {  	v26 =	vand.u32 $0x7F, v26;
	s17 =	sadd.s32 $0x2, s0;
	v28 =	vld [tilespmem:s31+$0xFFFFFF50];
	v27 =	vmov s1  }
0x24e: {  	v31 =	vld [tilespmem:s31+$0xFFFFFF90];
	v29 =	vmov s17;
	v30 =	vadd.s32 v0, v26;
	v27 =	vand.u32 $0x7D, v27  }
0x24f: {  	v32 =	vld [tilespmem:s31+$0xFFFFFF10];
	v29 =	vand.u32 $0x7E, v29;
	v33 =	vadd.s32 v0, v27  }
0x250: {  	v34 =	vadd.s32 v0, v29  }
0x251: {  	[tilespmem:v22+s28+$0x0] =	vst.idx.msk $0xffff, v24;
	v22 =	vadd.s32 v0, v13;
	v23 =	vadd.f32 v23, v9  }
0x252: {  	[tilespmem:v21+s28+$0x0] =	vst.idx.msk $0xffff, v25;
	v21 =	vadd.f32 v28, v9  }
0x253: {  	[tilespmem:v30+s28+$0x0] =	vst.idx.msk $0xffff, v23;
	v23 =	vadd.f32 v31, v9  }
0x254: {  	v9 =	vadd.f32 v32, v9;
	v24 =	vld [tilespmem:s31+$0xFFFFFFE0];
	[tilespmem:v33+s28+$0x0] =	vst.idx.msk $0xffff, v21  }
0x255: {  	v17 =	vadd.f32 v17, v6;
	v12 =	vadd.s32 v3, v12;
	[tilespmem:v34+s28+$0x0] =	vst.idx.msk $0xffff, v23;
	v21 =	vld [tilespmem:s31+$0xFFFFFF60]  }
0x256: {  	v16 =	vadd.f32 v16, v4;
	[tilespmem:v22+s28+$0x0] =	vst.idx.msk $0xffff, v9;
	v9 =	vadd.s32 v1, v26;
	v22 =	vld [tilespmem:s31+$0xFFFFFFA0]  }
0x257: {  	[tilespmem:v14+s28+$0x0] =	vst.idx.msk $0xffff, v17;
	v14 =	vadd.f32 v15, v4;
	v17 =	vadd.s32 v1, v27;
	v15 =	vld [tilespmem:s31+$0xFFFFFF20]  }
0x258: {  	v18 =	vadd.f32 v18, v4;
	[tilespmem:v19+s28+$0x0] =	vst.idx.msk $0xffff, v16;
	v16 =	vadd.s32 v1, v29;
	v23 =	vld [tilespmem:s30+$0xFFFFFFF0]  }
0x259: {  	v19 =	vld [tilespmem:s30+$0xFFFFFF70];
	[tilespmem:v20+s28+$0x0] =	vst.idx.msk $0xffff, v14;
	v14 =	vadd.s32 v1, v13;
	v20 =	vadd.f32 v24, v6  }
0x25a: {  	v25 =	vld [tilespmem:s30+$0xFFFFFFB0];
	[tilespmem:v12+s28+$0x0] =	vst.idx.msk $0xffff, v18;
	v24 =	vadd.s32 v2, v7;
	v12 =	vadd.f32 v21, v6  }
0x25b: {  	v18 =	vld [tilespmem:s30+$0xFFFFFF30];
	v21 =	vadd.s32 v2, v10;
	[tilespmem:v9+s28+$0x0] =	vst.idx.msk $0xffff, v20;
	v9 =	vadd.f32 v22, v6  }
0x25c: {  	v20 =	vadd.s32 v2, v11;
	v6 =	vadd.f32 v15, v6;
	v15 =	vld [tilespmem:s31+$0xFFFFFFF0];
	[tilespmem:v17+s28+$0x0] =	vst.idx.msk $0xffff, v12  }
0x25d: {  	v12 =	vadd.f32 v23, v5;
	v17 =	vadd.s32 v2, v8;
	[tilespmem:v16+s28+$0x0] =	vst.idx.msk $0xffff, v9;
	v9 =	vld [tilespmem:s31+$0xFFFFFF70]  }
0x25e: {  	v16 =	vadd.f32 v19, v5;
	[tilespmem:v14+s28+$0x0] =	vst.idx.msk $0xffff, v6;
	v6 =	vadd.s32 v2, v26;
	v14 =	vld [tilespmem:s31+$0xFFFFFFB0]  }
0x25f: {  	v22 =	vadd.s32 v2, v27;
	v19 =	vld [tilespmem:s31+$0xFFFFFF30];
	[tilespmem:v24+s28+$0x0] =	vst.idx.msk $0xffff, v12;
	v12 =	vadd.f32 v25, v5  }
0x260: {  	v18 =	vadd.f32 v18, v5;
	v23 =	vld [tilespmem:s30+$0x0];
	[tilespmem:v21+s28+$0x0] =	vst.idx.msk $0xffff, v16;
	v16 =	vadd.s32 v2, v29  }
0x261: {  	v21 =	vld [tilespmem:s30+$0xFFFFFF80];
	[tilespmem:v20+s28+$0x0] =	vst.idx.msk $0xffff, v12;
	v12 =	vadd.f32 v15, v5;
	v15 =	vadd.s32 v2, v13  }
0x262: {  	v7 =	vadd.s32 v3, v7;
	[tilespmem:v17+s28+$0x0] =	vst.idx.msk $0xffff, v18;
	v17 =	vld [tilespmem:s30+$0xFFFFFFC0];
	v9 =	vadd.f32 v9, v5  }
0x263: {  	v10 =	vadd.s32 v3, v10;
	v18 =	vld [tilespmem:s30+$0xFFFFFF40];
	[tilespmem:v6+s28+$0x0] =	vst.idx.msk $0xffff, v12;
	v6 =	vadd.f32 v14, v5  }
0x264: {  	v11 =	vadd.s32 v3, v11;
	v5 =	vadd.f32 v19, v5;
	v12 =	vld [tilespmem:s31+$0x0];
	[tilespmem:v22+s28+$0x0] =	vst.idx.msk $0xffff, v9  }
0x265: {  	v8 =	vadd.s32 v3, v8;
	v9 =	vadd.f32 v23, v4;
	[tilespmem:v16+s28+$0x0] =	vst.idx.msk $0xffff, v6;
	v14 =	vld [tilespmem:s31+$0xFFFFFF80]  }
0x266: {  	v16 =	vadd.s32 v3, v26;
	v6 =	vadd.f32 v21, v4;
	[tilespmem:v15+s28+$0x0] =	vst.idx.msk $0xffff, v5;
	v5 =	vld [tilespmem:s31+$0xFFFFFFC0]  }
0x267: {  	v15 =	vadd.s32 v3, v27;
	[tilespmem:v7+s28+$0x0] =	vst.idx.msk $0xffff, v9;
	v7 =	vadd.f32 v17, v4;
	v9 =	vld [tilespmem:s31+$0xFFFFFF40]  }
0x268: {  	v17 =	vadd.f32 v18, v4;
	[tilespmem:v10+s28+$0x0] =	vst.idx.msk $0xffff, v6;
	v6 =	vadd.s32 v3, v29  }
0x269: {  	v10 =	vadd.s32 v3, v13;
	[tilespmem:v11+s28+$0x0] =	vst.idx.msk $0xffff, v7;
	v7 =	vadd.f32 v12, v4  }
0x26a: {  	[tilespmem:v8+s28+$0x0] =	vst.idx.msk $0xffff, v17;
	v8 =	vadd.f32 v14, v4  }
0x26b: {  	s30 =	sshll.u32 s5, $0x12;
	[tilespmem:v16+s28+$0x0] =	vst.idx.msk $0xffff, v7;
	v5 =	vadd.f32 v5, v4  }
0x26c: {  	s0 =	sor.u32 s7, s30;
	v4 =	vadd.f32 v9, v4;
	[tilespmem:v15+s28+$0x0] =	vst.idx.msk $0xffff, v8  }
0x26d: {  	s0 =	sshrl.u32 s0, $0x3;
	[tilespmem:v6+s28+$0x0] =	vst.idx.msk $0xffff, v5  }
0x26e: {  	s1 =	sadd.s32 s2, s0;
	[tilespmem:v10+s28+$0x0] =	vst.idx.msk $0xffff, v4  }
0x26f: {  	[hbm4b:s1+s3] =	stream.linear.scatter [tilespmem:s28], [sflag:$0x7], $0x80, $0x38;
	[tilespmem:$0x19E00] =	vst v63  }
0x270: {  	s17 =	simm.s32 $0x15A88;
	s31 =	sadd.s32 $0x10, s1  }
0x271: {  	[hbm4b:s31+s3] =	stream.linear.scatter [tilespmem:s17], [sflag:$0x7], $0x80, $0x38;
	[tilespmem:$0x19E00] =	vst v63  }
0x272: {  	s30 =	sadd.s32 $0x20, s1;
	s31 =	simm.s32 $0x15B10  }
0x273: {  	[hbm4b:s30+s3] =	stream.linear.scatter [tilespmem:s31], [sflag:$0x7], $0x80, $0x38;
	[tilespmem:$0x19E00] =	vst v63  }
0x274: {  	s30 =	sadd.s32 $0x30, s1;
	s31 =	simm.s32 $0x15B98  }
0x275: {  	[hbm4b:s30+s3] =	stream.linear.scatter [tilespmem:s31], [sflag:$0x7], $0x80, $0x38;
	[tilespmem:$0x19E00] =	vst v63  }
0x276: {  	s30 =	sadd.s32 $0x40, s1;
	s31 =	simm.s32 $0x15C20  }
0x277: {  	[hbm4b:s30+s3] =	stream.linear.scatter [tilespmem:s31], [sflag:$0x7], $0x80, $0x38;
	[tilespmem:$0x19E00] =	vst v63  }
0x278: {  	s30 =	sadd.s32 $0x50, s1;
	s31 =	simm.s32 $0x15CA8  }
0x279: {  	[hbm4b:s30+s3] =	stream.linear.scatter [tilespmem:s31], [sflag:$0x7], $0x80, $0x38;
	[tilespmem:$0x19E00] =	vst v63  }
0x27a: {  	s17 =	sadd.s32 $0x60, s1;
	s30 =	simm.s32 $0x15D30  }
0x27b: {  	[hbm4b:s17+s3] =	stream.linear.scatter [tilespmem:s30], [sflag:$0x7], $0x80, $0x38;
	[tilespmem:$0x19E00] =	vst v63  }
0x27c: {  	s1 =	sadd.s32 $0x70, s1;
	s31 =	simm.s32 $0x15DB8  }
0x27d: {  	[hbm4b:s1+s3] =	stream.linear.scatter [tilespmem:s31], [sflag:$0x7], $0x80, $0x38;
	[tilespmem:$0x19E00] =	vst v63  }
0x27e: {  	s17 =	simm.s32 $0x15E40;
	s1 =	sadd.s32 s0, s8  }
0x27f: {  	[hbm4b:s1+s3] =	stream.linear.scatter [tilespmem:s17], [sflag:$0x7], $0x80, $0x38;
	[tilespmem:$0x19E00] =	vst v63  }
0x280: {  	s31 =	simm.s32 $0x15EC8;
	s30 =	sadd.s32 $0x10, s1  }
0x281: {  	[hbm4b:s30+s3] =	stream.linear.scatter [tilespmem:s31], [sflag:$0x7], $0x80, $0x38;
	[tilespmem:$0x19E00] =	vst v63  }
0x282: {  	s30 =	sadd.s32 $0x20, s1;
	s31 =	simm.s32 $0x15F50  }
0x283: {  	[hbm4b:s30+s3] =	stream.linear.scatter [tilespmem:s31], [sflag:$0x7], $0x80, $0x38;
	[tilespmem:$0x19E00] =	vst v63  }
0x284: {  	s30 =	sadd.s32 $0x30, s1;
	s31 =	simm.s32 $0x15FD8  }
0x285: {  	[hbm4b:s30+s3] =	stream.linear.scatter [tilespmem:s31], [sflag:$0x7], $0x80, $0x38;
	[tilespmem:$0x19E00] =	vst v63  }
0x286: {  	s30 =	sadd.s32 $0x40, s1;
	s31 =	simm.s32 $0x16060  }
0x287: {  	[hbm4b:s30+s3] =	stream.linear.scatter [tilespmem:s31], [sflag:$0x7], $0x80, $0x38;
	[tilespmem:$0x19E00] =	vst v63  }
0x288: {  	s30 =	sadd.s32 $0x50, s1;
	s31 =	simm.s32 $0x160E8  }
0x289: {  	[hbm4b:s30+s3] =	stream.linear.scatter [tilespmem:s31], [sflag:$0x7], $0x80, $0x38;
	[tilespmem:$0x19E00] =	vst v63  }
0x28a: {  	s17 =	sadd.s32 $0x60, s1;
	s30 =	simm.s32 $0x16170  }
0x28b: {  	[hbm4b:s17+s3] =	stream.linear.scatter [tilespmem:s30], [sflag:$0x7], $0x80, $0x38;
	[tilespmem:$0x19E00] =	vst v63  }
0x28c: {  	s1 =	sadd.s32 $0x70, s1;
	s31 =	simm.s32 $0x161F8  }
0x28d: {  	[hbm4b:s1+s3] =	stream.linear.scatter [tilespmem:s31], [sflag:$0x7], $0x80, $0x38;
	[tilespmem:$0x19E00] =	vst v63  }
0x28e: {  	s17 =	simm.s32 $0x16280;
	s1 =	sadd.s32 s0, s9  }
0x28f: {  	[hbm4b:s1+s3] =	stream.linear.scatter [tilespmem:s17], [sflag:$0x7], $0x80, $0x38;
	[tilespmem:$0x19E00] =	vst v63  }
0x290: {  	s31 =	simm.s32 $0x16308;
	s30 =	sadd.s32 $0x10, s1  }
0x291: {  	[hbm4b:s30+s3] =	stream.linear.scatter [tilespmem:s31], [sflag:$0x7], $0x80, $0x38;
	[tilespmem:$0x19E00] =	vst v63  }
0x292: {  	s30 =	sadd.s32 $0x20, s1;
	s31 =	simm.s32 $0x16390  }
0x293: {  	[hbm4b:s30+s3] =	stream.linear.scatter [tilespmem:s31], [sflag:$0x7], $0x80, $0x38;
	[tilespmem:$0x19E00] =	vst v63  }
0x294: {  	s30 =	sadd.s32 $0x30, s1;
	s31 =	simm.s32 $0x16418  }
0x295: {  	[hbm4b:s30+s3] =	stream.linear.scatter [tilespmem:s31], [sflag:$0x7], $0x80, $0x38;
	[tilespmem:$0x19E00] =	vst v63  }
0x296: {  	s30 =	sadd.s32 $0x40, s1;
	s31 =	simm.s32 $0x164A0  }
0x297: {  	[hbm4b:s30+s3] =	stream.linear.scatter [tilespmem:s31], [sflag:$0x7], $0x80, $0x38;
	[tilespmem:$0x19E00] =	vst v63  }
0x298: {  	s30 =	sadd.s32 $0x50, s1;
	s31 =	simm.s32 $0x16528  }
0x299: {  	[hbm4b:s30+s3] =	stream.linear.scatter [tilespmem:s31], [sflag:$0x7], $0x80, $0x38;
	[tilespmem:$0x19E00] =	vst v63  }
0x29a: {  	s17 =	sadd.s32 $0x60, s1;
	s30 =	simm.s32 $0x165B0  }
0x29b: {  	[hbm4b:s17+s3] =	stream.linear.scatter [tilespmem:s30], [sflag:$0x7], $0x80, $0x38;
	[tilespmem:$0x19E00] =	vst v63  }
0x29c: {  	s1 =	sadd.s32 $0x70, s1;
	s31 =	simm.s32 $0x16638  }
0x29d: {  	[hbm4b:s1+s3] =	stream.linear.scatter [tilespmem:s31], [sflag:$0x7], $0x80, $0x38;
	[tilespmem:$0x19E00] =	vst v63  }
0x29e: {  	s17 =	simm.s32 $0x166C0;
	s1 =	sadd.s32 s0, s10  }
0x29f: {  	[hbm4b:s1+s3] =	stream.linear.scatter [tilespmem:s17], [sflag:$0x7], $0x80, $0x38;
	[tilespmem:$0x19E00] =	vst v63  }
0x2a0: {  	s31 =	simm.s32 $0x16748;
	s30 =	sadd.s32 $0x10, s1  }
0x2a1: {  	[hbm4b:s30+s3] =	stream.linear.scatter [tilespmem:s31], [sflag:$0x7], $0x80, $0x38;
	[tilespmem:$0x19E00] =	vst v63  }
0x2a2: {  	s30 =	sadd.s32 $0x20, s1;
	s31 =	simm.s32 $0x167D0  }
0x2a3: {  	[hbm4b:s30+s3] =	stream.linear.scatter [tilespmem:s31], [sflag:$0x7], $0x80, $0x38;
	[tilespmem:$0x19E00] =	vst v63  }
0x2a4: {  	s30 =	sadd.s32 $0x30, s1;
	s31 =	simm.s32 $0x16858  }
0x2a5: {  	[hbm4b:s30+s3] =	stream.linear.scatter [tilespmem:s31], [sflag:$0x7], $0x80, $0x38;
	[tilespmem:$0x19E00] =	vst v63  }
0x2a6: {  	s30 =	sadd.s32 $0x40, s1;
	s31 =	simm.s32 $0x168E0  }
0x2a7: {  	[hbm4b:s30+s3] =	stream.linear.scatter [tilespmem:s31], [sflag:$0x7], $0x80, $0x38;
	[tilespmem:$0x19E00] =	vst v63  }
0x2a8: {  	s30 =	sadd.s32 $0x50, s1;
	s31 =	simm.s32 $0x16968  }
0x2a9: {  	[hbm4b:s30+s3] =	stream.linear.scatter [tilespmem:s31], [sflag:$0x7], $0x80, $0x38;
	[tilespmem:$0x19E00] =	vst v63  }
0x2aa: {  	s17 =	sadd.s32 $0x60, s1;
	s30 =	simm.s32 $0x169F0  }
0x2ab: {  	[hbm4b:s17+s3] =	stream.linear.scatter [tilespmem:s30], [sflag:$0x7], $0x80, $0x38;
	[tilespmem:$0x19E00] =	vst v63  }
0x2ac: {  	s1 =	sadd.s32 $0x70, s1;
	s31 =	simm.s32 $0x16A78  }
0x2ad: {  	[hbm4b:s1+s3] =	stream.linear.scatter [tilespmem:s31], [sflag:$0x7], $0x80, $0x38;
	[tilespmem:$0x19E00] =	vst v63  }
0x2ae: {  	s17 =	simm.s32 $0x16B00;
	s1 =	sadd.s32 s0, s11  }
0x2af: {  	[hbm4b:s1+s3] =	stream.linear.scatter [tilespmem:s17], [sflag:$0x7], $0x80, $0x38;
	[tilespmem:$0x19E00] =	vst v63  }
0x2b0: {  	s31 =	simm.s32 $0x16B88;
	s30 =	sadd.s32 $0x10, s1  }
0x2b1: {  	[hbm4b:s30+s3] =	stream.linear.scatter [tilespmem:s31], [sflag:$0x7], $0x80, $0x38;
	[tilespmem:$0x19E00] =	vst v63  }
0x2b2: {  	s30 =	sadd.s32 $0x20, s1;
	s31 =	simm.s32 $0x16C10  }
0x2b3: {  	[hbm4b:s30+s3] =	stream.linear.scatter [tilespmem:s31], [sflag:$0x7], $0x80, $0x38;
	[tilespmem:$0x19E00] =	vst v63  }
0x2b4: {  	s30 =	sadd.s32 $0x30, s1;
	s31 =	simm.s32 $0x16C98  }
0x2b5: {  	[hbm4b:s30+s3] =	stream.linear.scatter [tilespmem:s31], [sflag:$0x7], $0x80, $0x38;
	[tilespmem:$0x19E00] =	vst v63  }
0x2b6: {  	s30 =	sadd.s32 $0x40, s1;
	s31 =	simm.s32 $0x16D20  }
0x2b7: {  	[hbm4b:s30+s3] =	stream.linear.scatter [tilespmem:s31], [sflag:$0x7], $0x80, $0x38;
	[tilespmem:$0x19E00] =	vst v63  }
0x2b8: {  	s30 =	sadd.s32 $0x50, s1;
	s31 =	simm.s32 $0x16DA8  }
0x2b9: {  	[hbm4b:s30+s3] =	stream.linear.scatter [tilespmem:s31], [sflag:$0x7], $0x80, $0x38;
	[tilespmem:$0x19E00] =	vst v63  }
0x2ba: {  	s17 =	sadd.s32 $0x60, s1;
	s30 =	simm.s32 $0x16E30  }
0x2bb: {  	[hbm4b:s17+s3] =	stream.linear.scatter [tilespmem:s30], [sflag:$0x7], $0x80, $0x38;
	[tilespmem:$0x19E00] =	vst v63  }
0x2bc: {  	s1 =	sadd.s32 $0x70, s1;
	s31 =	simm.s32 $0x16EB8  }
0x2bd: {  	[hbm4b:s1+s3] =	stream.linear.scatter [tilespmem:s31], [sflag:$0x7], $0x80, $0x38;
	[tilespmem:$0x19E00] =	vst v63  }
0x2be: {  	s17 =	simm.s32 $0x16F40;
	s1 =	sadd.s32 s0, s12  }
0x2bf: {  	[hbm4b:s1+s3] =	stream.linear.scatter [tilespmem:s17], [sflag:$0x7], $0x80, $0x38;
	[tilespmem:$0x19E00] =	vst v63  }
0x2c0: {  	s31 =	simm.s32 $0x16FC8;
	s30 =	sadd.s32 $0x10, s1  }
0x2c1: {  	[hbm4b:s30+s3] =	stream.linear.scatter [tilespmem:s31], [sflag:$0x7], $0x80, $0x38;
	[tilespmem:$0x19E00] =	vst v63  }
0x2c2: {  	s30 =	sadd.s32 $0x20, s1;
	s31 =	simm.s32 $0x17050  }
0x2c3: {  	[hbm4b:s30+s3] =	stream.linear.scatter [tilespmem:s31], [sflag:$0x7], $0x80, $0x38;
	[tilespmem:$0x19E00] =	vst v63  }
0x2c4: {  	s30 =	sadd.s32 $0x30, s1;
	s31 =	simm.s32 $0x170D8  }
0x2c5: {  	[hbm4b:s30+s3] =	stream.linear.scatter [tilespmem:s31], [sflag:$0x7], $0x80, $0x38;
	[tilespmem:$0x19E00] =	vst v63  }
0x2c6: {  	s30 =	sadd.s32 $0x40, s1;
	s31 =	simm.s32 $0x17160  }
0x2c7: {  	[hbm4b:s30+s3] =	stream.linear.scatter [tilespmem:s31], [sflag:$0x7], $0x80, $0x38;
	[tilespmem:$0x19E00] =	vst v63  }
0x2c8: {  	s30 =	sadd.s32 $0x50, s1;
	s31 =	simm.s32 $0x171E8  }
0x2c9: {  	[hbm4b:s30+s3] =	stream.linear.scatter [tilespmem:s31], [sflag:$0x7], $0x80, $0x38;
	[tilespmem:$0x19E00] =	vst v63  }
0x2ca: {  	s17 =	sadd.s32 $0x60, s1;
	s30 =	simm.s32 $0x17270  }
0x2cb: {  	[hbm4b:s17+s3] =	stream.linear.scatter [tilespmem:s30], [sflag:$0x7], $0x80, $0x38;
	[tilespmem:$0x19E00] =	vst v63  }
0x2cc: {  	s1 =	sadd.s32 $0x70, s1;
	s31 =	simm.s32 $0x172F8  }
0x2cd: {  	[hbm4b:s1+s3] =	stream.linear.scatter [tilespmem:s31], [sflag:$0x7], $0x80, $0x38;
	[tilespmem:$0x19E00] =	vst v63  }
0x2ce: {  	s17 =	simm.s32 $0x17380;
	s1 =	sadd.s32 s0, s13  }
0x2cf: {  	[hbm4b:s1+s3] =	stream.linear.scatter [tilespmem:s17], [sflag:$0x7], $0x80, $0x38;
	[tilespmem:$0x19E00] =	vst v63  }
0x2d0: {  	s31 =	simm.s32 $0x17408;
	s30 =	sadd.s32 $0x10, s1  }
0x2d1: {  	[hbm4b:s30+s3] =	stream.linear.scatter [tilespmem:s31], [sflag:$0x7], $0x80, $0x38;
	[tilespmem:$0x19E00] =	vst v63  }
0x2d2: {  	s30 =	sadd.s32 $0x20, s1;
	s31 =	simm.s32 $0x17490  }
0x2d3: {  	[hbm4b:s30+s3] =	stream.linear.scatter [tilespmem:s31], [sflag:$0x7], $0x80, $0x38;
	[tilespmem:$0x19E00] =	vst v63  }
0x2d4: {  	s30 =	sadd.s32 $0x30, s1;
	s31 =	simm.s32 $0x17518  }
0x2d5: {  	[hbm4b:s30+s3] =	stream.linear.scatter [tilespmem:s31], [sflag:$0x7], $0x80, $0x38;
	[tilespmem:$0x19E00] =	vst v63  }
0x2d6: {  	s30 =	sadd.s32 $0x40, s1;
	s31 =	simm.s32 $0x175A0  }
0x2d7: {  	[hbm4b:s30+s3] =	stream.linear.scatter [tilespmem:s31], [sflag:$0x7], $0x80, $0x38;
	[tilespmem:$0x19E00] =	vst v63  }
0x2d8: {  	s30 =	sadd.s32 $0x50, s1;
	s31 =	simm.s32 $0x17628  }
0x2d9: {  	[hbm4b:s30+s3] =	stream.linear.scatter [tilespmem:s31], [sflag:$0x7], $0x80, $0x38;
	[tilespmem:$0x19E00] =	vst v63  }
0x2da: {  	s30 =	sadd.s32 $0x60, s1;
	s31 =	simm.s32 $0x176B0  }
0x2db: {  	[hbm4b:s30+s3] =	stream.linear.scatter [tilespmem:s31], [sflag:$0x7], $0x80, $0x38;
	[tilespmem:$0x19E00] =	vst v63  }
0x2dc: {  	s1 =	sadd.s32 $0x70, s1;
	s30 =	simm.s32 $0x17738  }
0x2dd: {  	[hbm4b:s1+s3] =	stream.linear.scatter [tilespmem:s30], [sflag:$0x7], $0x80, $0x38;
	[tilespmem:$0x19E00] =	vst v63  }
0x2de: {  	s0 =	sadd.s32 s0, s14;
	s31 =	simm.s32 $0x177C0  }
0x2df: {  	[hbm4b:s0+s3] =	stream.linear.scatter [tilespmem:s31], [sflag:$0x7], $0x80, $0x38;
	[tilespmem:$0x19E00] =	vst v63  }
0x2e0: {  	s5 =	sadd.s32 $0x10, s0;
	s17 =	simm.s32 $0x17848  }
0x2e1: {  	[hbm4b:s5+s3] =	stream.linear.scatter [tilespmem:s17], [sflag:$0x7], $0x80, $0x38;
	[tilespmem:$0x19E00] =	vst v63  }
0x2e2: {  	s30 =	sadd.s32 $0x20, s0;
	s31 =	simm.s32 $0x178D0  }
0x2e3: {  	[hbm4b:s30+s3] =	stream.linear.scatter [tilespmem:s31], [sflag:$0x7], $0x80, $0x38;
	[tilespmem:$0x19E00] =	vst v63  }
0x2e4: {  	s5 =	sadd.s32 $0x30, s0;
	s17 =	simm.s32 $0x17958  }
0x2e5: {  	[hbm4b:s5+s3] =	stream.linear.scatter [tilespmem:s17], [sflag:$0x7], $0x80, $0x38;
	[tilespmem:$0x19E00] =	vst v63  }
0x2e6: {  	s30 =	sadd.s32 $0x40, s0;
	s31 =	simm.s32 $0x179E0  }
0x2e7: {  	[hbm4b:s30+s3] =	stream.linear.scatter [tilespmem:s31], [sflag:$0x7], $0x80, $0x38;
	[tilespmem:$0x19E00] =	vst v63  }
0x2e8: {  	s5 =	sadd.s32 $0x50, s0;
	s17 =	simm.s32 $0x17A68  }
0x2e9: {  	[hbm4b:s5+s3] =	stream.linear.scatter [tilespmem:s17], [sflag:$0x7], $0x80, $0x38;
	[tilespmem:$0x19E00] =	vst v63  }
0x2ea: {  	s30 =	sadd.s32 $0x60, s0;
	s31 =	simm.s32 $0x17AF0  }
0x2eb: {  	[hbm4b:s30+s3] =	stream.linear.scatter [tilespmem:s31], [sflag:$0x7], $0x80, $0x38;
	[tilespmem:$0x19E00] =	vst v63  }
0x2ec: {  	s0 =	sadd.s32 $0x70, s0;
	s5 =	simm.s32 $0x17B78  }
0x2ed: {  	[hbm4b:s0+s3] =	stream.linear.scatter [tilespmem:s5], [sflag:$0x7], $0x80, $0x38;
	[tilespmem:$0x19E00] =	vst v63  }
0x2ee: {  	s0 =	simm.s32 @!p0 $0x6  }
0x2ef: {  	_ =	swait.ge @!p0 [sflag:s0], $0x400  }
0x2f0: {  	[sflag:s0] =	ssyncset.done @!p0 $0x0  }
0x2f1: {  	[sflag:s0] =	ssyncadd.s32 @!p0 $0xFFFFFC00  }
0x2f2: {  	_ =	swait.ge @!p0 [sflag:s0], $0x400  }
0x2f3: {  	[sflag:s0] =	ssyncset.done @!p0 $0x0  }
0x2f4: {  	[sflag:s0] =	ssyncadd.s32 @!p0 $0xFFFFFC00  }
0x2f5: {  	_ =	swait.ge @!p0 [sflag:s0], $0x400  }
0x2f6: {  	[sflag:s0] =	ssyncset.done @!p0 $0x0  }
0x2f7: {  	[sflag:s0] =	ssyncadd.s32 @!p0 $0xFFFFFC00  }
0x2f8: {  	_ =	swait.ge @!p0 [sflag:s0], $0x400  }
0x2f9: {  	[sflag:s0] =	ssyncset.done @!p0 $0x0  }
0x2fa: {  	[sflag:s0] =	ssyncadd.s32 @!p0 $0xFFFFFC00  }
0x2fb: {  	_ =	swait.ge @!p0 [sflag:s0], $0x400  }
0x2fc: {  	[sflag:s0] =	ssyncset.done @!p0 $0x0  }
0x2fd: {  	[sflag:s0] =	ssyncadd.s32 @!p0 $0xFFFFFC00  }
0x2fe: {  	_ =	swait.ge @!p0 [sflag:s0], $0x400  }
0x2ff: {  	[sflag:s0] =	ssyncset.done @!p0 $0x0  }
0x300: {  	[sflag:s0] =	ssyncadd.s32 @!p0 $0xFFFFFC00  }
0x301: {  	_ =	swait.ge @!p0 [sflag:s0], $0x400  }
0x302: {  	[sflag:s0] =	ssyncset.done @!p0 $0x0  }
0x303: {  	[sflag:s0] =	ssyncadd.s32 @!p0 $0xFFFFFC00  }
0x304: {  	_ =	swait.ge @!p0 [sflag:s0], $0x400  }
0x305: {  	s1 =	simm.s32 @!p0 $0x80;
	[sflag:s0] =	ssyncset.done @!p0 $0x0  }
0x306: {  	s5 =	simm.s32 @!p0 $0xB600;
	[sflag:s0] =	ssyncadd.s32 @!p0 $0xFFFFFC00;
	s0 =	sadd.s32 @!p0 $0x280, s29  }
0x307: {  	[tilespmem:s5], [sflag:$0x2] =	stream.indirect.gather @!p0 [hbm4b:s4+s1], $0x40, s0, s1, $0xb8;
	[tilespmem:$0x19E00] =	vst v63  }
0x308: {  	_ =	swait.ge [sflag:s22], $0x2000  }
0x309: {  	s17 =	sshll.u32 s18, $0x6;
	[sflag:s22] =	ssyncset.done $0x0  }
0x30a: {  	s0 =	sand.u32 $0x3FFFFFC0, s17;
	[sflag:s22] =	ssyncadd.s32 $0xFFFFE000  }
0x30b: {  	s30 =	simm.s32 $0x3;
	s29 =	simm.s32 $0xF6F0;
	v9 =	vld [tilespmem:s0+$0x6400]  }
0x30c: {  	v4 =	vmov s30;
	v7 =	vld [tilespmem:s29+$0xFFFFFFD0]  }
0x30d: {  	s31 =	simm.s32 $0x0;
	v13 =	vand.u32 $0x7F, v4  }
0x30e: {  	v4 =	vmov s31;
	v8 =	vadd.s32 v0, v13;
	v6 =	vld [tilespmem:s0+$0x6410]  }
0x30f: {  	v12 =	vand.u32 $0x7C, v4;
	s5 =	simm.s32 $0x1;
	v10 =	vld [tilespmem:s29+$0xFFFFFF10]  }
0x310: {  	v15 =	vadd.s32 v0, v12;
	s17 =	simm.s32 $0x2;
	v4 =	vmov s5;
	v11 =	vld [tilespmem:s29+$0xFFFFFF50]  }
0x311: {  	v14 =	vmov s17;
	v19 =	vand.u32 $0x7D, v4;
	v16 =	vld [tilespmem:s29+$0xFFFFFF90];
	v7 =	vadd.f32 v7, v9  }
0x312: {  	v20 =	vand.u32 $0x7E, v14;
	v17 =	vadd.s32 v0, v19;
	v5 =	vld [tilespmem:s0+$0x6420]  }
0x313: {  	v14 =	vadd.s32 v0, v20;
	v4 =	vld [tilespmem:s0+$0x6430];
	[tilespmem:v8+s25+$0x0] =	vst.idx.msk $0xffff, v7  }
0x314: {  	v7 =	vadd.f32 v10, v9;
	v8 =	vld [tilespmem:s29+$0xFFFFFFE0]  }
0x315: {  	v10 =	vadd.f32 v11, v9  }
0x316: {  	v11 =	vadd.s32 v1, v13;
	[tilespmem:v15+s25+$0x0] =	vst.idx.msk $0xffff, v7;
	v7 =	vadd.f32 v16, v9  }
0x317: {  	[tilespmem:v17+s25+$0x0] =	vst.idx.msk $0xffff, v10;
	v15 =	vld [tilespmem:s29+$0xFFFFFF20]  }
0x318: {  	v10 =	vld [tilespmem:s29+$0xFFFFFF60];
	[tilespmem:v14+s25+$0x0] =	vst.idx.msk $0xffff, v7  }
0x319: {  	v14 =	vld [tilespmem:s29+$0xFFFFFFA0];
	v7 =	vadd.f32 v8, v6  }
0x31a: {  	s31 =	simm.s32 $0x7;
	s5 =	simm.s32 $0xF7F0;
	v16 =	vadd.s32 v1, v19  }
0x31b: {  	s30 =	simm.s32 $0x4;
	v26 =	vadd.s32 v2, v13;
	v18 =	vld [tilespmem:s5+$0xFFFFFFD0];
	v17 =	vadd.s32 v1, v20;
	[tilespmem:v11+s25+$0x0] =	vst.idx.msk $0xffff, v7;
	v7 =	vmov s31  }
0x31c: {  	v21 =	vadd.s32 v1, v12;
	v8 =	vmov s30;
	v7 =	vand.u32 $0x7F, v7;
	v22 =	vld [tilespmem:s29+$0xFFFFFFF0]  }
0x31d: {  	s17 =	simm.s32 $0x5;
	v23 =	vld [tilespmem:s5+$0xFFFFFF10];
	v8 =	vand.u32 $0x7C, v8;
	v10 =	vadd.f32 v10, v6;
	v24 =	vadd.s32 v0, v7  }
0x31e: {  	v25 =	vld [tilespmem:s5+$0xFFFFFF50];
	s30 =	simm.s32 $0x6;
	v15 =	vadd.f32 v15, v6;
	v11 =	vadd.f32 v14, v6;
	v14 =	vmov s17  }
0x31f: {  	v27 =	vadd.s32 v0, v8;
	[tilespmem:v16+s25+$0x0] =	vst.idx.msk $0xffff, v10;
	v16 =	vmov s30;
	v10 =	vand.u32 $0x7D, v14;
	v14 =	vld [tilespmem:s5+$0xFFFFFF90]  }
0x320: {  	[tilespmem:v17+s25+$0x0] =	vst.idx.msk $0xffff, v11;
	v17 =	vadd.s32 v0, v10;
	v11 =	vand.u32 $0x7E, v16;
	v16 =	vadd.f32 v18, v9;
	v18 =	vld [tilespmem:s29+$0xFFFFFF70]  }
0x321: {  	[tilespmem:v21+s25+$0x0] =	vst.idx.msk $0xffff, v15;
	v15 =	vadd.s32 v0, v11;
	v21 =	vld [tilespmem:s29+$0xFFFFFFB0];
	v22 =	vadd.f32 v22, v5  }
0x322: {  	v23 =	vadd.f32 v23, v9;
	[tilespmem:v24+s25+$0x0] =	vst.idx.msk $0xffff, v16;
	v16 =	vld [tilespmem:s29+$0xFFFFFF30];
	v24 =	vadd.s32 v2, v19  }
0x323: {  	v60 =	vadd.s32 v2, v20;
	v25 =	vadd.f32 v25, v9;
	v59 =	vld [tilespmem:s5+$0xFFFFFFE0];
	[tilespmem:v26+s25+$0x0] =	vst.idx.msk $0xffff, v22  }
0x324: {  	[tilespmem:v27+s25+$0x0] =	vst.idx.msk $0xffff, v23;
	v23 =	vadd.s32 v2, v12;
	v14 =	vadd.f32 v14, v9;
	v26 =	vld [tilespmem:s29+$0x0]  }
0x325: {  	v27 =	vld [tilespmem:s5+$0xFFFFFF20];
	[tilespmem:v17+s25+$0x0] =	vst.idx.msk $0xffff, v25;
	v25 =	vadd.s32 v1, v7;
	v18 =	vadd.f32 v18, v5  }
0x326: {  	v62 =	vadd.s32 v3, v13;
	v61 =	vld [tilespmem:s5+$0xFFFFFF60];
	[tilespmem:v15+s25+$0x0] =	vst.idx.msk $0xffff, v14;
	v14 =	vadd.f32 v21, v5  }
0x327: {  	v22 =	vadd.s32 v1, v8;
	v17 =	vld [tilespmem:s5+$0xFFFFFFA0];
	v13 =	vadd.f32 v16, v5;
	[tilespmem:v24+s25+$0x0] =	vst.idx.msk $0xffff, v18  }
0x328: {  	s0 =	simm.s32 $0x8;
	v21 =	vadd.s32 v1, v10;
	[tilespmem:v60+s25+$0x0] =	vst.idx.msk $0xffff, v14;
	v18 =	vadd.f32 v59, v6;
	v16 =	vld [tilespmem:s29+$0xFFFFFF80]  }
0x329: {  	v24 =	vmov s0;
	v14 =	vadd.s32 v1, v11;
	v15 =	vld [tilespmem:s29+$0xFFFFFFC0];
	[tilespmem:v23+s25+$0x0] =	vst.idx.msk $0xffff, v13;
	v63 =	vadd.f32 v26, v4  }
0x32a: {  	s31 =	simm.s32 $0xB;
	v19 =	vadd.s32 v3, v19;
	v13 =	vand.u32 $0x7C, v24;
	v24 =	vadd.f32 v27, v6;
	[tilespmem:v25+s25+$0x0] =	vst.idx.msk $0xffff, v18;
	v18 =	vld [tilespmem:s29+$0xFFFFFF40];
	s29 =	simm.s32 $0xF8F0  }
0x32b: {  	s1 =	simm.s32 $0xC;
	v20 =	vadd.s32 v3, v20;
	v26 =	vmov s31;
	v25 =	vadd.f32 v61, v6;
	v23 =	vld [tilespmem:s29+$0xFFFFFFD0];
	[tilespmem:v62+s25+$0x0] =	vst.idx.msk $0xffff, v63  }
.LBB2_9:
0x32c: {  	p0 =	slt.u32 s1, $0x7C;
	s17 =	sadd.s32 $0x1, s0;
	v26 =	vand.u32 $0x7F, v26;
	[tilespmem:v22+s25+$0x0] =	vst.idx.msk $0xffff, v24;
	v17 =	vadd.f32 v17, v6;
	v22 =	vld [tilespmem:s5+$0xFFFFFFF0];
	v24 =	vadd.s32 v3, v12  }
0x32d: {  	v30 =	vmovc v11;
	v27 =	vld [tilespmem:s29+$0xFFFFFF10];
	v28 =	vmov s17;
	s17 =	sadd.s32 $0x2, s0;
	v29 =	vadd.s32 v0, v26;
	[tilespmem:v21+s25+$0x0] =	vst.idx.msk $0xffff, v25;
	v16 =	vadd.f32 v16, v4;
	s0 =	smov.u32 s1  }
0x32e: {  	v12 =	vmovc v8;
	v21 =	vld [tilespmem:s29+$0xFFFFFF50];
	v11 =	vmov s17;
	[tilespmem:v14+s25+$0x0] =	vst.idx.msk $0xffff, v17;
	v14 =	vadd.s32 v2, v7;
	v15 =	vadd.f32 v15, v4  }
0x32f: {  	v17 =	vadd.s32 v0, v13;
	v28 =	vand.u32 $0x7D, v28;
	v25 =	vld [tilespmem:s29+$0xFFFFFF90];
	v31 =	vadd.f32 v18, v4;
	[tilespmem:v19+s25+$0x0] =	vst.idx.msk $0xffff, v16  }
0x330: {  	v16 =	vadd.s32 v0, v28;
	v11 =	vand.u32 $0x7E, v11;
	v18 =	vadd.f32 v23, v9;
	v19 =	vld [tilespmem:s5+$0xFFFFFF70];
	[tilespmem:v20+s25+$0x0] =	vst.idx.msk $0xffff, v15  }
0x331: {  	v8 =	vmov v13;
	v15 =	vadd.s32 v0, v11;
	v20 =	vld [tilespmem:s5+$0xFFFFFFB0];
	v22 =	vadd.f32 v22, v5;
	[tilespmem:v24+s25+$0x0] =	vst.idx.msk $0xffff, v31  }
0x332: {  	v23 =	vadd.s32 v2, v10;
	v13 =	vadd.f32 v27, v9;
	[tilespmem:v29+s25+$0x0] =	vst.idx.msk $0xffff, v18;
	v18 =	vld [tilespmem:s5+$0xFFFFFF30]  }
0x333: {  	v27 =	vadd.s32 v2, v30;
	v21 =	vadd.f32 v21, v9;
	v24 =	vld [tilespmem:s29+$0xFFFFFFE0];
	[tilespmem:v14+s25+$0x0] =	vst.idx.msk $0xffff, v22  }
0x334: {  	[tilespmem:v17+s25+$0x0] =	vst.idx.msk $0xffff, v13;
	v13 =	vadd.f32 v25, v9;
	v25 =	vadd.s32 v2, v12;
	v29 =	vld [tilespmem:s5+$0x0]  }
0x335: {  	v32 =	vadd.s32 v1, v26;
	v31 =	vld [tilespmem:s29+$0xFFFFFF20];
	[tilespmem:v16+s25+$0x0] =	vst.idx.msk $0xffff, v21;
	v14 =	vadd.f32 v19, v5  }
0x336: {  	v34 =	vadd.s32 v3, v7;
	v7 =	vmov v26;
	v33 =	vld [tilespmem:s29+$0xFFFFFF60];
	[tilespmem:v15+s25+$0x0] =	vst.idx.msk $0xffff, v13;
	v13 =	vadd.f32 v20, v5  }
.Ltmp3:
0x337: {  	v22 =	vadd.s32 v1, v8;
	v17 =	vld [tilespmem:s29+$0xFFFFFFA0];
	v15 =	vadd.f32 v18, v5;
	[tilespmem:v23+s25+$0x0] =	vst.idx.msk $0xffff, v14;
	(pc) =	sbr.rel @p0 .LBB2_9-.Ltmp3, $4  }
0x338: {  	v21 =	vadd.s32 v1, v28;
	v18 =	vadd.f32 v24, v6;
	v16 =	vld [tilespmem:s5+$0xFFFFFF80];
	[tilespmem:v27+s25+$0x0] =	vst.idx.msk $0xffff, v13  }
0x339: {  	v14 =	vadd.s32 v1, v11;
	v13 =	vmov s1;
	[tilespmem:v25+s25+$0x0] =	vst.idx.msk $0xffff, v15;
	v15 =	vld [tilespmem:s5+$0xFFFFFFC0];
	v27 =	vadd.f32 v29, v4  }
0x33a: {  	s17 =	sadd.s32 $0x3, s1;
	v19 =	vadd.s32 v3, v10;
	v13 =	vand.u32 $0x7C, v13;
	v24 =	vadd.f32 v31, v6;
	[tilespmem:v32+s25+$0x0] =	vst.idx.msk $0xffff, v18;
	v18 =	vld [tilespmem:s5+$0xFFFFFF40];
	s5 =	smov.u32 s29;
	s29 =	sadd.s32 $0x100, s29  }
0x33b: {  	v26 =	vmov s17;
	v10 =	vmovc v28;
	v20 =	vadd.s32 v3, v30;
	s1 =	sadd.s32 $0x4, s1;
	v23 =	vld [tilespmem:s29+$0xFFFFFFD0];
	v25 =	vadd.f32 v33, v6;
	[tilespmem:v34+s25+$0x0] =	vst.idx.msk $0xffff, v27  }
0x33c: {  	s1 =	sadd.s32 $0x1, s0  }
0x33d: {  	v26 =	vand.u32 $0x7F, v26;
	s17 =	sadd.s32 $0x2, s0;
	v28 =	vld [tilespmem:s29+$0xFFFFFF50];
	v27 =	vmov s1  }
0x33e: {  	v31 =	vld [tilespmem:s29+$0xFFFFFF90];
	v29 =	vmov s17;
	v30 =	vadd.s32 v0, v26;
	v27 =	vand.u32 $0x7D, v27  }
0x33f: {  	v32 =	vld [tilespmem:s29+$0xFFFFFF10];
	v29 =	vand.u32 $0x7E, v29;
	v33 =	vadd.s32 v0, v27  }
0x340: {  	v34 =	vadd.s32 v0, v29  }
0x341: {  	[tilespmem:v22+s25+$0x0] =	vst.idx.msk $0xffff, v24;
	v44 =	vadd.s32 v0, v13;
	v23 =	vadd.f32 v23, v9  }
0x342: {  	[tilespmem:v21+s25+$0x0] =	vst.idx.msk $0xffff, v25;
	v45 =	vadd.f32 v28, v9  }
0x343: {  	v46 =	vadd.f32 v31, v9;
	[tilespmem:v30+s25+$0x0] =	vst.idx.msk $0xffff, v23  }
0x344: {  	v47 =	vadd.f32 v32, v9;
	v48 =	vld [tilespmem:s29+$0xFFFFFFE0];
	[tilespmem:v33+s25+$0x0] =	vst.idx.msk $0xffff, v45  }
0x345: {  	v17 =	vadd.f32 v17, v6;
	v12 =	vadd.s32 v3, v12;
	[tilespmem:v34+s25+$0x0] =	vst.idx.msk $0xffff, v46;
	v21 =	vld [tilespmem:s29+$0xFFFFFF60]  }
0x346: {  	v16 =	vadd.f32 v16, v4;
	v49 =	vadd.s32 v1, v26;
	[tilespmem:v44+s25+$0x0] =	vst.idx.msk $0xffff, v47;
	v50 =	vld [tilespmem:s29+$0xFFFFFFA0]  }
0x347: {  	[tilespmem:v14+s25+$0x0] =	vst.idx.msk $0xffff, v17;
	v51 =	vadd.f32 v15, v4;
	v53 =	vadd.s32 v1, v27;
	v52 =	vld [tilespmem:s29+$0xFFFFFF20]  }
0x348: {  	v54 =	vld [tilespmem:s5+$0xFFFFFFF0];
	v18 =	vadd.f32 v18, v4;
	[tilespmem:v19+s25+$0x0] =	vst.idx.msk $0xffff, v16;
	v55 =	vadd.s32 v1, v29  }
0x349: {  	v57 =	vadd.s32 v1, v13;
	v60 =	vld [tilespmem:s5+$0xFFFFFFB0];
	[tilespmem:v20+s25+$0x0] =	vst.idx.msk $0xffff, v51;
	v58 =	vadd.f32 v48, v6  }
0x34a: {  	v59 =	vadd.s32 v2, v7;
	v56 =	vld [tilespmem:s5+$0xFFFFFF70];
	[tilespmem:v12+s25+$0x0] =	vst.idx.msk $0xffff, v18;
	v61 =	vadd.f32 v21, v6  }
0x34b: {  	v62 =	vld [tilespmem:s5+$0xFFFFFF30];
	v30 =	vadd.s32 v2, v11;
	[tilespmem:v49+s25+$0x0] =	vst.idx.msk $0xffff, v58;
	v28 =	vadd.f32 v50, v6  }
0x34c: {  	v63 =	vadd.s32 v2, v10;
	v31 =	vadd.f32 v52, v6;
	v32 =	vld [tilespmem:s29+$0xFFFFFFF0];
	[tilespmem:v53+s25+$0x0] =	vst.idx.msk $0xffff, v61  }
0x34d: {  	v33 =	vadd.f32 v54, v5;
	v34 =	vadd.s32 v2, v8;
	[tilespmem:v55+s25+$0x0] =	vst.idx.msk $0xffff, v28;
	v35 =	vld [tilespmem:s29+$0xFFFFFF70]  }
0x34e: {  	v37 =	vadd.s32 v2, v26;
	v39 =	vadd.f32 v60, v5;
	[tilespmem:v57+s25+$0x0] =	vst.idx.msk $0xffff, v31;
	v38 =	vld [tilespmem:s29+$0xFFFFFFB0]  }
0x34f: {  	v41 =	vadd.s32 v2, v27;
	v36 =	vadd.f32 v56, v5;
	[tilespmem:v59+s25+$0x0] =	vst.idx.msk $0xffff, v33;
	v40 =	vld [tilespmem:s29+$0xFFFFFF30]  }
0x350: {  	v43 =	vadd.s32 v2, v29;
	v18 =	vadd.f32 v62, v5;
	v42 =	vld [tilespmem:s5+$0x0];
	[tilespmem:v30+s25+$0x0] =	vst.idx.msk $0xffff, v39  }
0x351: {  	v45 =	vadd.s32 v2, v13;
	[tilespmem:v63+s25+$0x0] =	vst.idx.msk $0xffff, v36;
	v47 =	vld [tilespmem:s5+$0xFFFFFFC0];
	v44 =	vadd.f32 v32, v5  }
0x352: {  	v46 =	vadd.s32 v3, v7;
	[tilespmem:v34+s25+$0x0] =	vst.idx.msk $0xffff, v18;
	v21 =	vld [tilespmem:s5+$0xFFFFFF80];
	v9 =	vadd.f32 v35, v5  }
0x353: {  	v18 =	vld [tilespmem:s5+$0xFFFFFF40];
	v50 =	vadd.s32 v3, v11;
	[tilespmem:v37+s25+$0x0] =	vst.idx.msk $0xffff, v44;
	v49 =	vadd.f32 v38, v5  }
0x354: {  	v48 =	vadd.s32 v3, v10;
	v5 =	vadd.f32 v40, v5;
	v12 =	vld [tilespmem:s29+$0x0];
	[tilespmem:v41+s25+$0x0] =	vst.idx.msk $0xffff, v9  }
0x355: {  	v52 =	vadd.s32 v3, v8;
	v51 =	vadd.f32 v42, v4;
	[tilespmem:v43+s25+$0x0] =	vst.idx.msk $0xffff, v49;
	v53 =	vld [tilespmem:s29+$0xFFFFFF80]  }
0x356: {  	v55 =	vadd.s32 v3, v26;
	v56 =	vadd.f32 v47, v4;
	[tilespmem:v45+s25+$0x0] =	vst.idx.msk $0xffff, v5;
	v5 =	vld [tilespmem:s29+$0xFFFFFFC0]  }
0x357: {  	v58 =	vadd.s32 v3, v27;
	[tilespmem:v46+s25+$0x0] =	vst.idx.msk $0xffff, v51;
	v54 =	vadd.f32 v21, v4;
	v57 =	vld [tilespmem:s29+$0xFFFFFF40]  }
0x358: {  	v60 =	vadd.s32 v3, v29;
	v59 =	vadd.f32 v18, v4;
	[tilespmem:v50+s25+$0x0] =	vst.idx.msk $0xffff, v56  }
0x359: {  	v62 =	vadd.s32 v3, v13;
	[tilespmem:v48+s25+$0x0] =	vst.idx.msk $0xffff, v54;
	v61 =	vadd.f32 v12, v4  }
0x35a: {  	[tilespmem:v52+s25+$0x0] =	vst.idx.msk $0xffff, v59;
	v63 =	vadd.f32 v53, v4  }
0x35b: {  	s18 =	sshll.u32 s18, $0x12;
	[tilespmem:v55+s25+$0x0] =	vst.idx.msk $0xffff, v61;
	v5 =	vadd.f32 v5, v4  }
0x35c: {  	s0 =	sor.u32 s7, s18;
	v4 =	vadd.f32 v57, v4;
	[tilespmem:v58+s25+$0x0] =	vst.idx.msk $0xffff, v63  }
0x35d: {  	s0 =	sshrl.u32 s0, $0x3;
	[tilespmem:v60+s25+$0x0] =	vst.idx.msk $0xffff, v5  }
0x35e: {  	s1 =	sadd.s32 s2, s0;
	[tilespmem:v62+s25+$0x0] =	vst.idx.msk $0xffff, v4  }
0x35f: {  	[hbm4b:s1+s3] =	stream.linear.scatter [tilespmem:s25], [sflag:$0x8], $0x80, $0x38;
	[tilespmem:$0x19E00] =	vst v63  }
0x360: {  	s17 =	simm.s32 $0x17C88;
	s29 =	sadd.s32 $0x10, s1  }
0x361: {  	[hbm4b:s29+s3] =	stream.linear.scatter [tilespmem:s17], [sflag:$0x8], $0x80, $0x38;
	[tilespmem:$0x19E00] =	vst v63  }
0x362: {  	s31 =	simm.s32 $0x17D10;
	s30 =	sadd.s32 $0x20, s1  }
0x363: {  	[hbm4b:s30+s3] =	stream.linear.scatter [tilespmem:s31], [sflag:$0x8], $0x80, $0x38;
	[tilespmem:$0x19E00] =	vst v63  }
0x364: {  	s18 =	sadd.s32 $0x30, s1;
	s29 =	simm.s32 $0x17D98  }
0x365: {  	[hbm4b:s18+s3] =	stream.linear.scatter [tilespmem:s29], [sflag:$0x8], $0x80, $0x38;
	[tilespmem:$0x19E00] =	vst v63  }
0x366: {  	s30 =	sadd.s32 $0x40, s1;
	s31 =	simm.s32 $0x17E20  }
0x367: {  	[hbm4b:s30+s3] =	stream.linear.scatter [tilespmem:s31], [sflag:$0x8], $0x80, $0x38;
	[tilespmem:$0x19E00] =	vst v63  }
0x368: {  	s17 =	sadd.s32 $0x50, s1;
	s18 =	simm.s32 $0x17EA8  }
0x369: {  	[hbm4b:s17+s3] =	stream.linear.scatter [tilespmem:s18], [sflag:$0x8], $0x80, $0x38;
	[tilespmem:$0x19E00] =	vst v63  }
0x36a: {  	s29 =	sadd.s32 $0x60, s1;
	s30 =	simm.s32 $0x17F30  }
0x36b: {  	[hbm4b:s29+s3] =	stream.linear.scatter [tilespmem:s30], [sflag:$0x8], $0x80, $0x38;
	[tilespmem:$0x19E00] =	vst v63  }
0x36c: {  	s1 =	sadd.s32 $0x70, s1;
	s31 =	simm.s32 $0x17FB8  }
0x36d: {  	[hbm4b:s1+s3] =	stream.linear.scatter [tilespmem:s31], [sflag:$0x8], $0x80, $0x38;
	[tilespmem:$0x19E00] =	vst v63  }
0x36e: {  	s17 =	simm.s32 $0x18040;
	s1 =	sadd.s32 s0, s8  }
0x36f: {  	[hbm4b:s1+s3] =	stream.linear.scatter [tilespmem:s17], [sflag:$0x8], $0x80, $0x38;
	[tilespmem:$0x19E00] =	vst v63  }
0x370: {  	s29 =	simm.s32 $0x180C8;
	s18 =	sadd.s32 $0x10, s1  }
0x371: {  	[hbm4b:s18+s3] =	stream.linear.scatter [tilespmem:s29], [sflag:$0x8], $0x80, $0x38;
	[tilespmem:$0x19E00] =	vst v63  }
0x372: {  	s31 =	simm.s32 $0x18150;
	s30 =	sadd.s32 $0x20, s1  }
0x373: {  	[hbm4b:s30+s3] =	stream.linear.scatter [tilespmem:s31], [sflag:$0x8], $0x80, $0x38;
	[tilespmem:$0x19E00] =	vst v63  }
0x374: {  	s18 =	sadd.s32 $0x30, s1;
	s29 =	simm.s32 $0x181D8  }
0x375: {  	[hbm4b:s18+s3] =	stream.linear.scatter [tilespmem:s29], [sflag:$0x8], $0x80, $0x38;
	[tilespmem:$0x19E00] =	vst v63  }
0x376: {  	s30 =	sadd.s32 $0x40, s1;
	s31 =	simm.s32 $0x18260  }
0x377: {  	[hbm4b:s30+s3] =	stream.linear.scatter [tilespmem:s31], [sflag:$0x8], $0x80, $0x38;
	[tilespmem:$0x19E00] =	vst v63  }
0x378: {  	s17 =	sadd.s32 $0x50, s1;
	s18 =	simm.s32 $0x182E8  }
0x379: {  	[hbm4b:s17+s3] =	stream.linear.scatter [tilespmem:s18], [sflag:$0x8], $0x80, $0x38;
	[tilespmem:$0x19E00] =	vst v63  }
0x37a: {  	s29 =	sadd.s32 $0x60, s1;
	s30 =	simm.s32 $0x18370  }
0x37b: {  	[hbm4b:s29+s3] =	stream.linear.scatter [tilespmem:s30], [sflag:$0x8], $0x80, $0x38;
	[tilespmem:$0x19E00] =	vst v63  }
0x37c: {  	s1 =	sadd.s32 $0x70, s1;
	s31 =	simm.s32 $0x183F8  }
0x37d: {  	[hbm4b:s1+s3] =	stream.linear.scatter [tilespmem:s31], [sflag:$0x8], $0x80, $0x38;
	[tilespmem:$0x19E00] =	vst v63  }
0x37e: {  	s17 =	simm.s32 $0x18480;
	s1 =	sadd.s32 s0, s9  }
0x37f: {  	[hbm4b:s1+s3] =	stream.linear.scatter [tilespmem:s17], [sflag:$0x8], $0x80, $0x38;
	[tilespmem:$0x19E00] =	vst v63  }
0x380: {  	s29 =	simm.s32 $0x18508;
	s18 =	sadd.s32 $0x10, s1  }
0x381: {  	[hbm4b:s18+s3] =	stream.linear.scatter [tilespmem:s29], [sflag:$0x8], $0x80, $0x38;
	[tilespmem:$0x19E00] =	vst v63  }
0x382: {  	s31 =	simm.s32 $0x18590;
	s30 =	sadd.s32 $0x20, s1  }
0x383: {  	[hbm4b:s30+s3] =	stream.linear.scatter [tilespmem:s31], [sflag:$0x8], $0x80, $0x38;
	[tilespmem:$0x19E00] =	vst v63  }
0x384: {  	s18 =	sadd.s32 $0x30, s1;
	s29 =	simm.s32 $0x18618  }
0x385: {  	[hbm4b:s18+s3] =	stream.linear.scatter [tilespmem:s29], [sflag:$0x8], $0x80, $0x38;
	[tilespmem:$0x19E00] =	vst v63  }
0x386: {  	s30 =	sadd.s32 $0x40, s1;
	s31 =	simm.s32 $0x186A0  }
0x387: {  	[hbm4b:s30+s3] =	stream.linear.scatter [tilespmem:s31], [sflag:$0x8], $0x80, $0x38;
	[tilespmem:$0x19E00] =	vst v63  }
0x388: {  	s17 =	sadd.s32 $0x50, s1;
	s18 =	simm.s32 $0x18728  }
0x389: {  	[hbm4b:s17+s3] =	stream.linear.scatter [tilespmem:s18], [sflag:$0x8], $0x80, $0x38;
	[tilespmem:$0x19E00] =	vst v63  }
0x38a: {  	s29 =	sadd.s32 $0x60, s1;
	s30 =	simm.s32 $0x187B0  }
0x38b: {  	[hbm4b:s29+s3] =	stream.linear.scatter [tilespmem:s30], [sflag:$0x8], $0x80, $0x38;
	[tilespmem:$0x19E00] =	vst v63  }
0x38c: {  	s1 =	sadd.s32 $0x70, s1;
	s31 =	simm.s32 $0x18838  }
0x38d: {  	[hbm4b:s1+s3] =	stream.linear.scatter [tilespmem:s31], [sflag:$0x8], $0x80, $0x38;
	[tilespmem:$0x19E00] =	vst v63  }
0x38e: {  	s17 =	simm.s32 $0x188C0;
	s1 =	sadd.s32 s0, s10  }
0x38f: {  	[hbm4b:s1+s3] =	stream.linear.scatter [tilespmem:s17], [sflag:$0x8], $0x80, $0x38;
	[tilespmem:$0x19E00] =	vst v63  }
0x390: {  	s29 =	simm.s32 $0x18948;
	s18 =	sadd.s32 $0x10, s1  }
0x391: {  	[hbm4b:s18+s3] =	stream.linear.scatter [tilespmem:s29], [sflag:$0x8], $0x80, $0x38;
	[tilespmem:$0x19E00] =	vst v63  }
0x392: {  	s31 =	simm.s32 $0x189D0;
	s30 =	sadd.s32 $0x20, s1  }
0x393: {  	[hbm4b:s30+s3] =	stream.linear.scatter [tilespmem:s31], [sflag:$0x8], $0x80, $0x38;
	[tilespmem:$0x19E00] =	vst v63  }
0x394: {  	s18 =	sadd.s32 $0x30, s1;
	s29 =	simm.s32 $0x18A58  }
0x395: {  	[hbm4b:s18+s3] =	stream.linear.scatter [tilespmem:s29], [sflag:$0x8], $0x80, $0x38;
	[tilespmem:$0x19E00] =	vst v63  }
0x396: {  	s30 =	sadd.s32 $0x40, s1;
	s31 =	simm.s32 $0x18AE0  }
0x397: {  	[hbm4b:s30+s3] =	stream.linear.scatter [tilespmem:s31], [sflag:$0x8], $0x80, $0x38;
	[tilespmem:$0x19E00] =	vst v63  }
0x398: {  	s17 =	sadd.s32 $0x50, s1;
	s18 =	simm.s32 $0x18B68  }
0x399: {  	[hbm4b:s17+s3] =	stream.linear.scatter [tilespmem:s18], [sflag:$0x8], $0x80, $0x38;
	[tilespmem:$0x19E00] =	vst v63  }
0x39a: {  	s29 =	sadd.s32 $0x60, s1;
	s30 =	simm.s32 $0x18BF0  }
0x39b: {  	[hbm4b:s29+s3] =	stream.linear.scatter [tilespmem:s30], [sflag:$0x8], $0x80, $0x38;
	[tilespmem:$0x19E00] =	vst v63  }
0x39c: {  	s1 =	sadd.s32 $0x70, s1;
	s31 =	simm.s32 $0x18C78  }
0x39d: {  	[hbm4b:s1+s3] =	stream.linear.scatter [tilespmem:s31], [sflag:$0x8], $0x80, $0x38;
	[tilespmem:$0x19E00] =	vst v63  }
0x39e: {  	s17 =	simm.s32 $0x18D00;
	s1 =	sadd.s32 s0, s11  }
0x39f: {  	[hbm4b:s1+s3] =	stream.linear.scatter [tilespmem:s17], [sflag:$0x8], $0x80, $0x38;
	[tilespmem:$0x19E00] =	vst v63  }
0x3a0: {  	s29 =	simm.s32 $0x18D88;
	s18 =	sadd.s32 $0x10, s1  }
0x3a1: {  	[hbm4b:s18+s3] =	stream.linear.scatter [tilespmem:s29], [sflag:$0x8], $0x80, $0x38;
	[tilespmem:$0x19E00] =	vst v63  }
0x3a2: {  	s31 =	simm.s32 $0x18E10;
	s30 =	sadd.s32 $0x20, s1  }
0x3a3: {  	[hbm4b:s30+s3] =	stream.linear.scatter [tilespmem:s31], [sflag:$0x8], $0x80, $0x38;
	[tilespmem:$0x19E00] =	vst v63  }
0x3a4: {  	s18 =	sadd.s32 $0x30, s1;
	s29 =	simm.s32 $0x18E98  }
0x3a5: {  	[hbm4b:s18+s3] =	stream.linear.scatter [tilespmem:s29], [sflag:$0x8], $0x80, $0x38;
	[tilespmem:$0x19E00] =	vst v63  }
0x3a6: {  	s30 =	sadd.s32 $0x40, s1;
	s31 =	simm.s32 $0x18F20  }
0x3a7: {  	[hbm4b:s30+s3] =	stream.linear.scatter [tilespmem:s31], [sflag:$0x8], $0x80, $0x38;
	[tilespmem:$0x19E00] =	vst v63  }
0x3a8: {  	s17 =	sadd.s32 $0x50, s1;
	s18 =	simm.s32 $0x18FA8  }
0x3a9: {  	[hbm4b:s17+s3] =	stream.linear.scatter [tilespmem:s18], [sflag:$0x8], $0x80, $0x38;
	[tilespmem:$0x19E00] =	vst v63  }
0x3aa: {  	s29 =	sadd.s32 $0x60, s1;
	s30 =	simm.s32 $0x19030  }
0x3ab: {  	[hbm4b:s29+s3] =	stream.linear.scatter [tilespmem:s30], [sflag:$0x8], $0x80, $0x38;
	[tilespmem:$0x19E00] =	vst v63  }
0x3ac: {  	s1 =	sadd.s32 $0x70, s1;
	s31 =	simm.s32 $0x190B8  }
0x3ad: {  	[hbm4b:s1+s3] =	stream.linear.scatter [tilespmem:s31], [sflag:$0x8], $0x80, $0x38;
	[tilespmem:$0x19E00] =	vst v63  }
0x3ae: {  	s17 =	simm.s32 $0x19140;
	s1 =	sadd.s32 s0, s12  }
0x3af: {  	[hbm4b:s1+s3] =	stream.linear.scatter [tilespmem:s17], [sflag:$0x8], $0x80, $0x38;
	[tilespmem:$0x19E00] =	vst v63  }
0x3b0: {  	s29 =	simm.s32 $0x191C8;
	s18 =	sadd.s32 $0x10, s1  }
0x3b1: {  	[hbm4b:s18+s3] =	stream.linear.scatter [tilespmem:s29], [sflag:$0x8], $0x80, $0x38;
	[tilespmem:$0x19E00] =	vst v63  }
0x3b2: {  	s31 =	simm.s32 $0x19250;
	s30 =	sadd.s32 $0x20, s1  }
0x3b3: {  	[hbm4b:s30+s3] =	stream.linear.scatter [tilespmem:s31], [sflag:$0x8], $0x80, $0x38;
	[tilespmem:$0x19E00] =	vst v63  }
0x3b4: {  	s18 =	sadd.s32 $0x30, s1;
	s29 =	simm.s32 $0x192D8  }
0x3b5: {  	[hbm4b:s18+s3] =	stream.linear.scatter [tilespmem:s29], [sflag:$0x8], $0x80, $0x38;
	[tilespmem:$0x19E00] =	vst v63  }
0x3b6: {  	s30 =	sadd.s32 $0x40, s1;
	s31 =	simm.s32 $0x19360  }
0x3b7: {  	[hbm4b:s30+s3] =	stream.linear.scatter [tilespmem:s31], [sflag:$0x8], $0x80, $0x38;
	[tilespmem:$0x19E00] =	vst v63  }
0x3b8: {  	s18 =	sadd.s32 $0x50, s1;
	s29 =	simm.s32 $0x193E8  }
0x3b9: {  	[hbm4b:s18+s3] =	stream.linear.scatter [tilespmem:s29], [sflag:$0x8], $0x80, $0x38;
	[tilespmem:$0x19E00] =	vst v63  }
0x3ba: {  	s30 =	sadd.s32 $0x60, s1;
	s31 =	simm.s32 $0x19470  }
0x3bb: {  	[hbm4b:s30+s3] =	stream.linear.scatter [tilespmem:s31], [sflag:$0x8], $0x80, $0x38;
	[tilespmem:$0x19E00] =	vst v63  }
0x3bc: {  	s1 =	sadd.s32 $0x70, s1;
	s18 =	simm.s32 $0x194F8  }
0x3bd: {  	[hbm4b:s1+s3] =	stream.linear.scatter [tilespmem:s18], [sflag:$0x8], $0x80, $0x38;
	[tilespmem:$0x19E00] =	vst v63  }
0x3be: {  	s29 =	simm.s32 $0x19580;
	s1 =	sadd.s32 s0, s13  }
0x3bf: {  	[hbm4b:s1+s3] =	stream.linear.scatter [tilespmem:s29], [sflag:$0x8], $0x80, $0x38;
	[tilespmem:$0x19E00] =	vst v63  }
0x3c0: {  	s31 =	simm.s32 $0x19608;
	s30 =	sadd.s32 $0x10, s1  }
0x3c1: {  	[hbm4b:s30+s3] =	stream.linear.scatter [tilespmem:s31], [sflag:$0x8], $0x80, $0x38;
	[tilespmem:$0x19E00] =	vst v63  }
0x3c2: {  	s18 =	sadd.s32 $0x20, s1;
	s29 =	simm.s32 $0x19690  }
0x3c3: {  	[hbm4b:s18+s3] =	stream.linear.scatter [tilespmem:s29], [sflag:$0x8], $0x80, $0x38;
	[tilespmem:$0x19E00] =	vst v63  }
0x3c4: {  	s30 =	sadd.s32 $0x30, s1;
	s31 =	simm.s32 $0x19718  }
0x3c5: {  	[hbm4b:s30+s3] =	stream.linear.scatter [tilespmem:s31], [sflag:$0x8], $0x80, $0x38;
	[tilespmem:$0x19E00] =	vst v63  }
0x3c6: {  	s18 =	sadd.s32 $0x40, s1;
	s29 =	simm.s32 $0x197A0  }
0x3c7: {  	[hbm4b:s18+s3] =	stream.linear.scatter [tilespmem:s29], [sflag:$0x8], $0x80, $0x38;
	[tilespmem:$0x19E00] =	vst v63  }
0x3c8: {  	s30 =	sadd.s32 $0x50, s1;
	s31 =	simm.s32 $0x19828  }
0x3c9: {  	[hbm4b:s30+s3] =	stream.linear.scatter [tilespmem:s31], [sflag:$0x8], $0x80, $0x38;
	[tilespmem:$0x19E00] =	vst v63  }
0x3ca: {  	s18 =	sadd.s32 $0x60, s1;
	s29 =	simm.s32 $0x198B0  }
0x3cb: {  	[hbm4b:s18+s3] =	stream.linear.scatter [tilespmem:s29], [sflag:$0x8], $0x80, $0x38;
	[tilespmem:$0x19E00] =	vst v63  }
0x3cc: {  	s1 =	sadd.s32 $0x70, s1;
	s30 =	simm.s32 $0x19938  }
0x3cd: {  	[hbm4b:s1+s3] =	stream.linear.scatter [tilespmem:s30], [sflag:$0x8], $0x80, $0x38;
	[tilespmem:$0x19E00] =	vst v63  }
0x3ce: {  	s0 =	sadd.s32 s0, s14;
	s31 =	simm.s32 $0x199C0  }
0x3cf: {  	[hbm4b:s0+s3] =	stream.linear.scatter [tilespmem:s31], [sflag:$0x8], $0x80, $0x38;
	[tilespmem:$0x19E00] =	vst v63  }
0x3d0: {  	s17 =	simm.s32 $0x19A48;
	s5 =	sadd.s32 $0x10, s0  }
0x3d1: {  	[hbm4b:s5+s3] =	stream.linear.scatter [tilespmem:s17], [sflag:$0x8], $0x80, $0x38;
	[tilespmem:$0x19E00] =	vst v63  }
0x3d2: {  	s18 =	sadd.s32 $0x20, s0;
	s29 =	simm.s32 $0x19AD0  }
0x3d3: {  	[hbm4b:s18+s3] =	stream.linear.scatter [tilespmem:s29], [sflag:$0x8], $0x80, $0x38;
	[tilespmem:$0x19E00] =	vst v63  }
0x3d4: {  	s30 =	sadd.s32 $0x30, s0;
	s31 =	simm.s32 $0x19B58  }
0x3d5: {  	[hbm4b:s30+s3] =	stream.linear.scatter [tilespmem:s31], [sflag:$0x8], $0x80, $0x38;
	[tilespmem:$0x19E00] =	vst v63  }
0x3d6: {  	s21 =	sadd.s32 $0x1, s21;
	s17 =	sadd.s32 $0x40, s0;
	s18 =	simm.s32 $0x19BE0  }
0x3d7: {  	[hbm4b:s17+s3] =	stream.linear.scatter [tilespmem:s18], [sflag:$0x8], $0x80, $0x38;
	[tilespmem:$0x19E00] =	vst v63  }
0x3d8: {  	p0 =	sne.s32 s21, $0x32;
	s29 =	sadd.s32 $0x50, s0;
	s30 =	simm.s32 $0x19C68  }
0x3d9: {  	[hbm4b:s29+s3] =	stream.linear.scatter [tilespmem:s30], [sflag:$0x8], $0x80, $0x38;
	[tilespmem:$0x19E00] =	vst v63  }
.Ltmp4:
0x3da: {  	_ = 	snop;
	(pc) =	sbr.rel @p0 .LBB2_2-.Ltmp4, $4  }
0x3db: {  	s31 =	sadd.s32 $0x60, s0  }
0x3dc: {  	[hbm4b:s31+s3] =	stream.linear.scatter [tilespmem:s19], [sflag:$0x8], $0x80, $0x38;
	[tilespmem:$0x19E00] =	vst v63  }
0x3dd: {  	s0 =	sadd.s32 $0x70, s0  }
0x3de: {  	[hbm4b:s0+s3] =	stream.linear.scatter [tilespmem:s20], [sflag:$0x8], $0x80, $0x38;
	[tilespmem:$0x19E00] =	vst v63  }
0x3df: {  	s0 =	simm.s32 $0x5  }
0x3e0: {  	_ =	swait.ge [sflag:s0], $0x400  }
0x3e1: {  	[sflag:s0] =	ssyncset.done $0x0  }
0x3e2: {  	[sflag:s0] =	ssyncadd.s32 $0xFFFFFC00  }
0x3e3: {  	_ =	swait.ge [sflag:s0], $0x400  }
0x3e4: {  	[sflag:s0] =	ssyncset.done $0x0  }
0x3e5: {  	[sflag:s0] =	ssyncadd.s32 $0xFFFFFC00  }
0x3e6: {  	_ =	swait.ge [sflag:s0], $0x400  }
0x3e7: {  	[sflag:s0] =	ssyncset.done $0x0  }
0x3e8: {  	[sflag:s0] =	ssyncadd.s32 $0xFFFFFC00  }
0x3e9: {  	_ =	swait.ge [sflag:s0], $0x400  }
0x3ea: {  	[sflag:s0] =	ssyncset.done $0x0  }
0x3eb: {  	[sflag:s0] =	ssyncadd.s32 $0xFFFFFC00  }
0x3ec: {  	_ =	swait.ge [sflag:s0], $0x400  }
0x3ed: {  	[sflag:s0] =	ssyncset.done $0x0  }
0x3ee: {  	[sflag:s0] =	ssyncadd.s32 $0xFFFFFC00  }
0x3ef: {  	_ =	swait.ge [sflag:s0], $0x400  }
0x3f0: {  	[sflag:s0] =	ssyncset.done $0x0  }
0x3f1: {  	[sflag:s0] =	ssyncadd.s32 $0xFFFFFC00  }
0x3f2: {  	_ =	swait.ge [sflag:s0], $0x400  }
0x3f3: {  	[sflag:s0] =	ssyncset.done $0x0  }
0x3f4: {  	[sflag:s0] =	ssyncadd.s32 $0xFFFFFC00  }
0x3f5: {  	_ =	swait.ge [sflag:s0], $0x400  }
0x3f6: {  	[sflag:s0] =	ssyncset.done $0x0  }
0x3f7: {  	s29 =	simm.s32 $0x6;
	[sflag:s0] =	ssyncadd.s32 $0xFFFFFC00  }
0x3f8: {  	_ =	swait.ge [sflag:s29], $0x400  }
0x3f9: {  	[sflag:s29] =	ssyncset.done $0x0  }
0x3fa: {  	[sflag:s29] =	ssyncadd.s32 $0xFFFFFC00  }
0x3fb: {  	_ =	swait.ge [sflag:s29], $0x400  }
0x3fc: {  	[sflag:s29] =	ssyncset.done $0x0  }
0x3fd: {  	[sflag:s29] =	ssyncadd.s32 $0xFFFFFC00  }
0x3fe: {  	_ =	swait.ge [sflag:s29], $0x400  }
0x3ff: {  	[sflag:s29] =	ssyncset.done $0x0  }
0x400: {  	[sflag:s29] =	ssyncadd.s32 $0xFFFFFC00  }
0x401: {  	_ =	swait.ge [sflag:s29], $0x400  }
0x402: {  	[sflag:s29] =	ssyncset.done $0x0  }
0x403: {  	[sflag:s29] =	ssyncadd.s32 $0xFFFFFC00  }
0x404: {  	_ =	swait.ge [sflag:s29], $0x400  }
0x405: {  	[sflag:s29] =	ssyncset.done $0x0  }
0x406: {  	[sflag:s29] =	ssyncadd.s32 $0xFFFFFC00  }
0x407: {  	_ =	swait.ge [sflag:s29], $0x400  }
0x408: {  	[sflag:s29] =	ssyncset.done $0x0  }
0x409: {  	[sflag:s29] =	ssyncadd.s32 $0xFFFFFC00  }
0x40a: {  	_ =	swait.ge [sflag:s29], $0x400  }
0x40b: {  	[sflag:s29] =	ssyncset.done $0x0  }
0x40c: {  	[sflag:s29] =	ssyncadd.s32 $0xFFFFFC00  }
0x40d: {  	_ =	swait.ge [sflag:s29], $0x400  }
0x40e: {  	[sflag:s29] =	ssyncset.done $0x0  }
0x40f: {  	s30 =	simm.s32 $0x7;
	[sflag:s29] =	ssyncadd.s32 $0xFFFFFC00  }
0x410: {  	_ =	swait.ge [sflag:s30], $0x400  }
0x411: {  	[sflag:s30] =	ssyncset.done $0x0  }
0x412: {  	[sflag:s30] =	ssyncadd.s32 $0xFFFFFC00  }
0x413: {  	_ =	swait.ge [sflag:s30], $0x400  }
0x414: {  	[sflag:s30] =	ssyncset.done $0x0  }
0x415: {  	[sflag:s30] =	ssyncadd.s32 $0xFFFFFC00  }
0x416: {  	_ =	swait.ge [sflag:s30], $0x400  }
0x417: {  	[sflag:s30] =	ssyncset.done $0x0  }
0x418: {  	[sflag:s30] =	ssyncadd.s32 $0xFFFFFC00  }
0x419: {  	_ =	swait.ge [sflag:s30], $0x400  }
0x41a: {  	[sflag:s30] =	ssyncset.done $0x0  }
0x41b: {  	[sflag:s30] =	ssyncadd.s32 $0xFFFFFC00  }
0x41c: {  	_ =	swait.ge [sflag:s30], $0x400  }
0x41d: {  	[sflag:s30] =	ssyncset.done $0x0  }
0x41e: {  	[sflag:s30] =	ssyncadd.s32 $0xFFFFFC00  }
0x41f: {  	_ =	swait.ge [sflag:s30], $0x400  }
0x420: {  	[sflag:s30] =	ssyncset.done $0x0  }
0x421: {  	[sflag:s30] =	ssyncadd.s32 $0xFFFFFC00  }
0x422: {  	_ =	swait.ge [sflag:s30], $0x400  }
0x423: {  	[sflag:s30] =	ssyncset.done $0x0  }
0x424: {  	[sflag:s30] =	ssyncadd.s32 $0xFFFFFC00  }
0x425: {  	_ =	swait.ge [sflag:s30], $0x400  }
0x426: {  	[sflag:s30] =	ssyncset.done $0x0  }
0x427: {  	s1 =	simm.s32 $0x8;
	[sflag:s30] =	ssyncadd.s32 $0xFFFFFC00  }
0x428: {  	_ =	swait.ge [sflag:s1], $0x400  }
0x429: {  	[sflag:s1] =	ssyncset.done $0x0  }
0x42a: {  	[sflag:s1] =	ssyncadd.s32 $0xFFFFFC00  }
0x42b: {  	_ =	swait.ge [sflag:s1], $0x400  }
0x42c: {  	[sflag:s1] =	ssyncset.done $0x0  }
0x42d: {  	[sflag:s1] =	ssyncadd.s32 $0xFFFFFC00  }
0x42e: {  	_ =	swait.ge [sflag:s1], $0x400  }
0x42f: {  	[sflag:s1] =	ssyncset.done $0x0  }
0x430: {  	[sflag:s1] =	ssyncadd.s32 $0xFFFFFC00  }
0x431: {  	_ =	swait.ge [sflag:s1], $0x400  }
0x432: {  	[sflag:s1] =	ssyncset.done $0x0  }
0x433: {  	[sflag:s1] =	ssyncadd.s32 $0xFFFFFC00  }
0x434: {  	_ =	swait.ge [sflag:s1], $0x400  }
0x435: {  	[sflag:s1] =	ssyncset.done $0x0  }
0x436: {  	[sflag:s1] =	ssyncadd.s32 $0xFFFFFC00  }
0x437: {  	_ =	swait.ge [sflag:s1], $0x400  }
0x438: {  	[sflag:s1] =	ssyncset.done $0x0  }
0x439: {  	[sflag:s1] =	ssyncadd.s32 $0xFFFFFC00  }
0x43a: {  	_ =	swait.ge [sflag:s1], $0x400  }
0x43b: {  	[sflag:s1] =	ssyncset.done $0x0  }
0x43c: {  	[sflag:s1] =	ssyncadd.s32 $0xFFFFFC00  }
0x43d: {  	_ =	swait.ge [sflag:s1], $0x400  }
0x43e: {  	s5 =	rddreg [dreg:$0x6]  }
0x43f: {  	s31 =	rddreg [dreg:$0x5];
	s5 =	sadd.s32 $0x1, s5  }
0x440: {  	p0 =	sne.s32 s5, s31  }
.Ltmp5:
0x441: {  	_ = 	snop;
	(pc) =	sbr.rel @p0 .LBB2_1-.Ltmp5, $3  }
0x442: {  	_ =	sdelay $0x1  }
0x443: {  	[sflag:s1] =	ssyncset.done $0x0  }
0x444: {  	[sflag:s1] =	ssyncadd.s32 $0xFFFFFC00  }
0x445: {  	_ =	sfence.sel $0x180000  }
0x446: {  	[bflag:$0x0] =	sbarrier.arrive $0xFFFF  }
0x447: {  	_ =	strace $0x90000047  }
0x448: {  	s0 =	stileid.u32;
	[bflag:$0x2] =	sbarrier.arrive $0xFFFF  }
0x449: {  	p0 =	sne.s32 s0, $0x0;
	s0 =	rddreg [dreg:$0x2]  }
0x44a: {  	s0 =	sadd.s32 @!p0 $0x100000, s0  }
0x44b: {  	[sflag:s0] =	ssyncadd.tile.s32 @!p0 $0x1;
	_ =	shalt  }
.Lfunc_end2:
_tile_overlayer_lowered:
.L_overlay_start_2:
0x44c: {  	(tag) =	ssettag $0x2  }
0x44d: {  	s0 =	rddreg [dreg:$0x0];
	s2 =	stileid.u32  }
0x44e: {  	s1 =	rddreg [dreg:$0x1];
	p0 =	sne.s32 s2, $0x0  }
0x44f: {  	s3 =	rddreg [dreg:$0x2];
	[bflag:$0x3] =	sbarrier.arrive $0xFFFF;
	s2 =	simm.s32 @!p0 $0x1C09  }
0x450: {  	[timem:s3], [sflag:s2] =	dma.local @!p0 [hbm:s0], s1  }
0x451: {  	s0 =	simm.s32 @!p0 $0x9  }
0x452: {  	_ =	swait.ge @!p0 [sflag:s0], s1  }
0x453: {  	s1 =	ssub.s32 @!p0 $0x0, s1;
	[sflag:s0] =	ssyncset.done @!p0 $0x0  }
0x454: {  	[sflag:s0] =	ssyncadd.s32 @!p0 s1  }
0x455: {  	[bflag:$0x3] =	sbarrier.arrive $0xFFFF  }
0x456: {  	_ =	shalt  }

</sc_bundles>
